<compile_context>
chip_gen: v7x
topology: tpu7x:2x2x1
jax: 0.10.2.dev20260603
libtpu: 0.0.44.dev20260713+nightly
codegen_flags: <defaults>
</compile_context>

<pallas_src>
import functools

import jax
import jax.numpy as jnp
from jax import lax
from jax.experimental import pallas as pl
from jax.experimental.pallas import tpu as pltpu
from jax.experimental.pallas import tpu_sc as plsc

NC = 2
NS = 16
LANES = 16
GB = 80
DC = 128


def _sc_mesh():
  return plsc.VectorSubcoreMesh(
      core_axis_name="c", subcore_axis_name="s", num_cores=NC,
      num_subcores=NS)


def _make_deg(NP, E):
  EPT = E // (NC * NS)
  NB = EPT // GB
  RP = NP // NS
  IB = 128
  assert E % (NC * NS * GB) == 0 and RP % IB == 0

  @functools.partial(
      pl.kernel,
      out_type=jax.ShapeDtypeStruct((NC * NP, DC), jnp.float32),
      mesh=_sc_mesh(),
      scratch_types=[
          pltpu.VMEM_SHARED((NP, DC), jnp.float32),
          pltpu.VMEM((NB, GB), jnp.int32),
          pltpu.VMEM((GB, DC), jnp.float32),
          pltpu.VMEM((IB, DC), jnp.float32),
      ],
  )
  def deg_k(dst_hbm, out_hbm, accum, didx, ones_b, init_b):
    cid = lax.axis_index("c")
    sid = lax.axis_index("s")
    one16 = jnp.ones((LANES,), jnp.float32)

    @pl.loop(0, GB)
    def _(i):
      for k in range(DC // LANES):
        ones_b[i, pl.ds(k * LANES, LANES)] = one16

    @pl.loop(0, IB)
    def _(i):
      for k in range(DC // LANES):
        init_b[i, pl.ds(k * LANES, LANES)] = one16

    pltpu.sync_copy(dst_hbm.at[cid * NS + sid], didx)

    @pl.loop(0, RP // IB)
    def _(j):
      pltpu.sync_copy(init_b, accum.at[pl.ds(sid * RP + j * IB, IB)])

    plsc.subcore_barrier()

    @pl.loop(0, NB)
    def _(b):
      pltpu.sync_copy(ones_b, accum.at[didx.at[b]], add=True)

    plsc.subcore_barrier()
    ob = cid * NP + sid * RP
    pltpu.sync_copy(accum.at[pl.ds(sid * RP, RP)], out_hbm.at[pl.ds(ob, RP)])

  return deg_k


def _make_agg(NP, E, C):
  EPT = E // NS
  CPC = C // NC
  RP = NP // NS
  SEGS = 5
  NBS = EPT // (GB * SEGS)
  assert EPT % (GB * SEGS) == 0 and C % NC == 0 and RP % 8 == 0
  assert NBS % 2 == 0

  @functools.partial(
      pl.kernel,
      out_type=jax.ShapeDtypeStruct((C * NP, DC), jnp.float32),
      mesh=_sc_mesh(),
      scratch_types=[
          pltpu.VMEM_SHARED((NP, DC), jnp.float32),
          pltpu.VMEM((NBS, GB), jnp.int32),
          pltpu.VMEM((NBS, GB), jnp.int32),
          pltpu.VMEM((GB, DC), jnp.float32),
          pltpu.VMEM((GB, DC), jnp.float32),
          pltpu.SemaphoreType.DMA,
          pltpu.SemaphoreType.DMA,
      ],
  )
  def agg_k(xs_hbm, src_hbm, dst_hbm, out_hbm, accum, sidx, didx, gb0, gb1,
            sem0, sem1):
    cid = lax.axis_index("c")
    sid = lax.axis_index("s")

    @pl.loop(0, CPC)
    def _(j):
      c = cid * CPC + j
      base = c * NP
      pltpu.sync_copy(xs_hbm.at[pl.ds(base + sid * RP, RP)],
                      accum.at[pl.ds(sid * RP, RP)])
      plsc.subcore_barrier()

      @pl.loop(0, SEGS)
      def _(seg):
        pltpu.sync_copy(src_hbm.at[sid, seg], sidx)
        pltpu.sync_copy(dst_hbm.at[sid, seg], didx)

        @pl.loop(0, NBS)
        def _(b):
          for k in range(GB // LANES):
            v = sidx[b, pl.ds(k * LANES, LANES)]
            sidx[b, pl.ds(k * LANES, LANES)] = v + base

        pltpu.async_copy(xs_hbm.at[sidx.at[0]], gb0, sem0)

        @pl.loop(0, NBS, step=2)
        def _(b):
          pltpu.async_copy(xs_hbm.at[sidx.at[b + 1]], gb1, sem1)
          pltpu.make_async_copy(xs_hbm.at[sidx.at[b]], gb0, sem0).wait()
          pltpu.sync_copy(gb0, accum.at[didx.at[b]], add=True)

          @pl.when(b + 2 < NBS)
          def _():
            pltpu.async_copy(xs_hbm.at[sidx.at[b + 2]], gb0, sem0)

          pltpu.make_async_copy(xs_hbm.at[sidx.at[b + 1]], gb1, sem1).wait()
          pltpu.sync_copy(gb1, accum.at[didx.at[b + 1]], add=True)

      plsc.subcore_barrier()
      pltpu.sync_copy(accum.at[pl.ds(sid * RP, RP)],
                      out_hbm.at[pl.ds(base + sid * RP, RP)])
      plsc.subcore_barrier()

  return agg_k


def _make_agg_es(NP, E):
  EPT = E // (NC * NS)
  RP = NP // NS
  SEGS = 5
  NBS = EPT // (GB * SEGS)
  assert EPT % (GB * SEGS) == 0 and RP % 8 == 0

  @functools.partial(
      pl.kernel,
      out_type=jax.ShapeDtypeStruct((NC * NP, DC), jnp.float32),
      mesh=_sc_mesh(),
      scratch_types=[
          pltpu.VMEM_SHARED((NP, DC), jnp.float32),
          pltpu.VMEM((NBS, GB), jnp.int32),
          pltpu.VMEM((NBS, GB), jnp.int32),
          pltpu.VMEM((GB, DC), jnp.float32),
          pltpu.VMEM((GB, DC), jnp.float32),
          pltpu.SemaphoreType.DMA,
          pltpu.SemaphoreType.DMA,
      ],
  )
  def agg_k(xs_hbm, src_hbm, dst_hbm, out_hbm, accum, sidx, didx, gb0, gb1,
            sem0, sem1):
    cid = lax.axis_index("c")
    sid = lax.axis_index("s")
    w = cid * NS + sid

    pltpu.sync_copy(xs_hbm.at[pl.ds(sid * RP, RP)],
                    accum.at[pl.ds(sid * RP, RP)])
    plsc.subcore_barrier()

    @pl.loop(0, SEGS)
    def _(seg):
      pltpu.sync_copy(src_hbm.at[w, seg], sidx)
      pltpu.sync_copy(dst_hbm.at[w, seg], didx)
      pltpu.async_copy(xs_hbm.at[sidx.at[0]], gb0, sem0)

      @pl.loop(0, NBS, step=2)
      def _(b):
        @pl.when(b + 1 < NBS)
        def _():
          pltpu.async_copy(xs_hbm.at[sidx.at[b + 1]], gb1, sem1)

        pltpu.make_async_copy(xs_hbm.at[sidx.at[b]], gb0, sem0).wait()
        pltpu.sync_copy(gb0, accum.at[didx.at[b]], add=True)

        @pl.when(b + 2 < NBS)
        def _():
          pltpu.async_copy(xs_hbm.at[sidx.at[b + 2]], gb0, sem0)

        @pl.when(b + 1 < NBS)
        def _():
          pltpu.make_async_copy(xs_hbm.at[sidx.at[b + 1]], gb1, sem1).wait()
          pltpu.sync_copy(gb1, accum.at[didx.at[b + 1]], add=True)

    plsc.subcore_barrier()
    ob = cid * NP + sid * RP
    pltpu.sync_copy(accum.at[pl.ds(sid * RP, RP)], out_hbm.at[pl.ds(ob, RP)])

  return agg_k


def _prep_tc(deg_p, sig_p, NP, bn):
  F2 = sig_p.shape[1]
  nb = NP // bn

  def body(d0_ref, d1_ref, sig_ref, dinv_ref, s0_ref):
    deg = d0_ref[...] + d1_ref[...] - 1.0
    dinv = lax.rsqrt(deg[:, 0:1])
    dinv_ref[...] = dinv
    s0_ref[0] = dinv * sig_ref[:, pl.ds(0, DC)]
    s0_ref[1] = dinv * sig_ref[:, pl.ds(DC, DC)]

  return pl.pallas_call(
      body,
      grid=(nb,),
      in_specs=[
          pl.BlockSpec((bn, DC), lambda i: (i, 0)),
          pl.BlockSpec((bn, DC), lambda i: (nb + i, 0)),
          pl.BlockSpec((bn, F2), lambda i: (i, 0)),
      ],
      out_specs=[
          pl.BlockSpec((bn, 1), lambda i: (i, 0)),
          pl.BlockSpec((2, bn, DC), lambda i: (0, i, 0)),
      ],
      out_shape=[
          jax.ShapeDtypeStruct((NP, 1), jnp.float32),
          jax.ShapeDtypeStruct((2, NP, DC), jnp.float32),
      ],
  )(deg_p, deg_p, sig_p)


def _layer1_tc(u0, dinv, bd1, b1t, NP, C, bn):
  nb = NP // bn

  def body(u0a_ref, u0b_ref, dinv_ref, bd1_ref, b1_ref, out_ref):
    t = (jnp.dot(u0a_ref[...], bd1_ref[pl.ds(0, DC), :],
                 preferred_element_type=jnp.float32) +
         jnp.dot(u0b_ref[...], bd1_ref[pl.ds(DC, DC), :],
                 preferred_element_type=jnp.float32))
    dinv = dinv_ref[...]
    out_ref[...] = dinv * jnp.maximum(dinv * t + b1_ref[...], 0.0)

  return pl.pallas_call(
      body,
      grid=(nb, C),
      in_specs=[
          pl.BlockSpec((bn, DC), lambda i, c: (i, 0)),
          pl.BlockSpec((bn, DC), lambda i, c: (nb + i, 0)),
          pl.BlockSpec((bn, 1), lambda i, c: (i, 0)),
          pl.BlockSpec((2 * DC, DC), lambda i, c: (0, c)),
          pl.BlockSpec((1, DC), lambda i, c: (0, c)),
      ],
      out_specs=pl.BlockSpec((bn, DC), lambda i, c: (c * nb + i, 0)),
      out_shape=jax.ShapeDtypeStruct((C * NP, DC), jnp.float32),
  )(u0, u0, dinv, bd1, b1t)


def _layer23h_tc(u1h, dinv, W2, b2, W3, NP, GH, OFF, bn):
  H = W2.shape[1]
  K = H // DC
  O = W3.shape[1]
  CH = K * GH
  nb = NP // bn

  def body(u1_ref, dinv_ref, w2_ref, b2_ref, w3_ref, out_ref):
    dinv = dinv_ref[...]
    out_ref[...] = jnp.zeros((bn, DC), jnp.float32)
    for g in range(GH):
      acc = jnp.zeros((bn, H), jnp.float32)
      for k in range(K):
        acc = acc + jnp.dot(u1_ref[g * K + k], w2_ref[pl.ds(k * DC, DC), :],
                            preferred_element_type=jnp.float32)
      x2g = jnp.maximum(dinv * acc + b2_ref[...], 0.0)
      y3g = jnp.dot(x2g, w3_ref[...], preferred_element_type=jnp.float32)
      out_ref[:, pl.ds(OFF + g * O, O)] = dinv * y3g

  return pl.pallas_call(
      body,
      grid=(nb,),
      in_specs=[
          pl.BlockSpec((CH, bn, DC), lambda i: (0, i, 0)),
          pl.BlockSpec((bn, 1), lambda i: (i, 0)),
          pl.BlockSpec((H, H), lambda i: (0, 0)),
          pl.BlockSpec((1, H), lambda i: (0, 0)),
          pl.BlockSpec((H, O), lambda i: (0, 0)),
      ],
      out_specs=pl.BlockSpec((bn, DC), lambda i: (i, 0)),
      out_shape=jax.ShapeDtypeStruct((NP, DC), jnp.float32),
  )(u1h, dinv, W2, b2, W3)


def _out_tc(p, s2c, dinv, b3t, NP, bn):
  nb = NP // bn

  def body(p0_ref, p1_ref, s2_ref, dinv_ref, b3_ref, out_ref):
    u = p0_ref[...] + p1_ref[...] - s2_ref[...]
    out_ref[...] = jnp.maximum(dinv_ref[...] * u + b3_ref[...], 0.0)

  return pl.pallas_call(
      body,
      grid=(nb, 2),
      in_specs=[
          pl.BlockSpec((bn, DC), lambda i, c: (2 * c * nb + i, 0)),
          pl.BlockSpec((bn, DC), lambda i, c: ((2 * c + 1) * nb + i, 0)),
          pl.BlockSpec((bn, DC), lambda i, c: (c * nb + i, 0)),
          pl.BlockSpec((bn, 1), lambda i, c: (i, 0)),
          pl.BlockSpec((1, DC), lambda i, c: (0, c)),
      ],
      out_specs=pl.BlockSpec((bn, DC), lambda i, c: (i, c)),
      out_shape=jax.ShapeDtypeStruct((NP, 2 * DC), jnp.float32),
  )(p, p, s2c, dinv, b3t)


def kernel(signal, edge_index, W1, b1, W2, b2, W3, b3):
  NN, F = signal.shape
  E = edge_index.shape[1]
  IN = W1.shape[0]
  H = W1.shape[1]
  G = F // IN
  GH = G // 2
  CH = (GH * H) // DC
  F2 = 2 * DC
  OH = GH * IN
  NP = 10240
  assert NN <= NP and E % (NC * NS * GB) == 0 and F <= F2

  SEGS = 5
  src1 = edge_index[0].reshape(NC * NS, E // (NC * NS * GB), GB)
  dst1 = edge_index[1].reshape(NC * NS, E // (NC * NS * GB), GB)
  src3 = edge_index[0].reshape(NC * NS, SEGS, E // (NC * NS * SEGS * GB), GB)
  dst3 = edge_index[1].reshape(NC * NS, SEGS, E // (NC * NS * SEGS * GB), GB)
  src2 = edge_index[0].reshape(NS, SEGS, E // (NS * SEGS * GB), GB)
  dst2 = edge_index[1].reshape(NS, SEGS, E // (NS * SEGS * GB), GB)

  sig_p = jnp.pad(signal, ((0, NP - NN), (0, F2 - F)))

  bd1 = jnp.pad(jnp.kron(jnp.eye(G, dtype=W1.dtype), W1), ((0, F2 - F), (0, 0)))
  b1t = jnp.tile(b1, (G,))[None, :]
  b2r = b2[None, :]
  b3h = jnp.pad(jnp.tile(b3, (GH,)), (0, DC - OH))
  b3t = jnp.concatenate([b3h, b3h])[None, :]

  deg_p = _make_deg(NP, E)(dst1)
  dinv, s0 = _prep_tc(deg_p, sig_p, NP, bn=1024)

  u0 = _make_agg(NP, E, 2)(s0.reshape(2 * NP, DC), src2, dst2)
  x1a = _layer1_tc(u0, dinv, bd1[:, :CH * DC], b1t[:, :CH * DC], NP, CH,
                   bn=1024)
  u1a = _make_agg(NP, E, CH)(x1a, src2, dst2)
  x1b = _layer1_tc(u0, dinv, bd1[:, CH * DC:], b1t[:, CH * DC:], NP, CH,
                   bn=1024)
  s2a = _layer23h_tc(u1a.reshape(CH, NP, DC), dinv, W2, b2r, W3, NP, GH, 0,
                     bn=256)
  u1b = _make_agg(NP, E, CH)(x1b, src2, dst2)
  s2b = _layer23h_tc(u1b.reshape(CH, NP, DC), dinv, W2, b2r, W3, NP, GH, 0,
                     bn=256)

  pa = _make_agg_es(NP, E)(s2a, src3, dst3)
  pb = _make_agg_es(NP, E)(s2b, src3, dst3)
  p = jnp.concatenate([pa, pb], axis=0)
  s2c = jnp.concatenate([s2a, s2b], axis=0)
  out = _out_tc(p, s2c, dinv, b3t, NP, bn=1024)
  return jnp.concatenate([out[:NN, :OH], out[:NN, DC:DC + OH]], axis=1)

# --- scband reference (transcript-rebuilt; emitter-appended) ---
"""Pipeline reference for scband-graph-neural-network-77841987272887 (READ-ONLY COPY).

The authoritative reference and input builder live on the scoring server;
editing this copy changes nothing except your own understanding.
"""

import jax, jax.numpy as jnp
import numpy as np

N = 10000
E = 320000


def gcn_layer(x, src, dst, n, W, b):
    # x: [n, G, in_ch]; GCNConv: linear -> symmetric-normalized aggregation (+self loops) -> bias
    x = x @ W
    loop = jnp.arange(n, dtype=src.dtype)
    s = jnp.concatenate([src, loop])
    d = jnp.concatenate([dst, loop])
    deg = jax.ops.segment_sum(jnp.ones(s.shape[0], x.dtype), d, num_segments=n)
    dinv = jnp.where(deg > 0, jax.lax.rsqrt(deg), 0.0)
    norm = dinv[s] * dinv[d]
    msg = norm[:, None, None] * x[s]
    out = jax.ops.segment_sum(msg, d, num_segments=n)
    return out + b


def setup_inputs(seed: int = 0) -> dict:
    key = jax.random.key(seed)
    ks = jax.random.split(key, 8)
    signal = jax.random.normal(ks[0], (N, 144), dtype=jnp.float32)
    edge_index = jax.random.randint(ks[1], (2, E), 0, N, dtype=jnp.int32)
    W1 = jax.random.normal(ks[2], (9, 512), dtype=jnp.float32) * (1.0 / np.sqrt(9))
    b1 = jnp.zeros((512,), dtype=jnp.float32)
    W2 = jax.random.normal(ks[3], (512, 512), dtype=jnp.float32) * (1.0 / np.sqrt(512))
    b2 = jnp.zeros((512,), dtype=jnp.float32)
    W3 = jax.random.normal(ks[4], (512, 9), dtype=jnp.float32) * (1.0 / np.sqrt(512))
    b3 = jnp.zeros((9,), dtype=jnp.float32)
    return {"signal": signal, "edge_index": edge_index, "W1": W1, "b1": b1, "W2": W2, "b2": b2, "W3": W3, "b3": b3}


def reference(signal, edge_index, W1, b1, W2, b2, W3, b3):
    n = signal.shape[0]
    src = edge_index[0]
    dst = edge_index[1]
    # unflatten last dim into (F//9, 9)
    x = signal.reshape(n, signal.shape[-1] // 9, 9)
    x = gcn_layer(x, src, dst, n, W1, b1)
    x = jax.nn.relu(x)
    x = gcn_layer(x, src, dst, n, W2, b2)
    x = jax.nn.relu(x)
    x = gcn_layer(x, src, dst, n, W3, b3)
    x = jax.nn.relu(x)  # drop_last_activation=False keeps final activation
    return x.reshape(n, -1)

if __name__ == "__main__":
    import jax
    _d = setup_inputs()
    print(jax.jit(kernel)(*tuple(_d.values())))

</pallas_src>

<mosaic_0001>
#map = affine_map<(d0, d1) -> (0, 0, 0)>
#map1 = affine_map<(d0, d1) -> (0, 0)>
module attributes {stable_mosaic.version = 14 : i64} {
  func.func @deg_k(%arg0: i32, %arg1: i32, %arg2: memref<32x125x80xi32, #tpu.memory_space<hbm>>, %arg3: memref<20480x128xf32, #tpu.memory_space<hbm>>, %arg4: memref<10240x128xf32, #tpu.memory_space<vmem_shared>>, %arg5: memref<125x80xi32, #tpu.memory_space<vmem>>, %arg6: memref<80x128xf32, #tpu.memory_space<vmem>>, %arg7: memref<128x128xf32, #tpu.memory_space<vmem>>) attributes {dimension_semantics = [#tpu.dimension_semantics<core_parallel>, #tpu.dimension_semantics<subcore_parallel>], iteration_bounds = array<i64: 2, 16>, scalar_prefetch = 0 : i64, scratch_operands = 4 : i64, tpu.core_type = #tpu.core_type<sc_vector_subcore>, window_params = [{transform_indices = #map}, {transform_indices = #map1}]} {
    %broadcast_in_dim3A = arith.constant 1.000000e+00 : f32
    %broadcast_in_dim3A_0 = vector.broadcast %broadcast_in_dim3A : f32 to vector<16xf32>
    %scan3A = arith.constant 0 : i32
    %scan3A_1 = arith.constant 80 : i32
    %scan3A_2 = arith.addi %scan3A, %scan3A_1 : i32
    %scan3A_3 = arith.constant 1 : i32
    scf.for %scan3A_29 = %scan3A to %scan3A_2 step %scan3A_3  : i32 {
      %mul3A_30 = arith.constant 1 : i32
      %mul3A_31 = arith.muli %scan3A_29, %mul3A_30 : i32
      %add3A_32 = arith.constant 0 : i32
      %add3A_33 = arith.addi %add3A_32, %mul3A_31 : i32
      %swap3A = arith.index_cast %add3A_33 : i32 to index
      %swap3A_34 = arith.constant 0 : index
      %swap3A_35 = tpu.vector_load %arg6[%swap3A, %swap3A_34] {strides = array<i32>} : memref<80x128xf32, #tpu.memory_space<vmem>>, vector<1x16xf32>,
      %swap3A_36 = vector.shape_cast %swap3A_35 : vector<1x16xf32> to vector<16xf32>
      %swap3A_37 = vector.shape_cast %broadcast_in_dim3A_0 : vector<16xf32> to vector<1x16xf32>
      tpu.vector_store %arg6[%swap3A, %swap3A_34], %swap3A_37 {strides = array<i32>} : memref<80x128xf32, #tpu.memory_space<vmem>>, vector<1x16xf32>,
      %swap3A_38 = arith.index_cast %add3A_33 : i32 to index
      %swap3A_39 = arith.constant 16 : index
      %swap3A_40 = tpu.vector_load %arg6[%swap3A_38, %swap3A_39] {strides = array<i32>} : memref<80x128xf32, #tpu.memory_space<vmem>>, vector<1x16xf32>,
      %swap3A_41 = vector.shape_cast %swap3A_40 : vector<1x16xf32> to vector<16xf32>
      %swap3A_42 = vector.shape_cast %broadcast_in_dim3A_0 : vector<16xf32> to vector<1x16xf32>
      tpu.vector_store %arg6[%swap3A_38, %swap3A_39], %swap3A_42 {strides = array<i32>} : memref<80x128xf32, #tpu.memory_space<vmem>>, vector<1x16xf32>,
      %swap3A_43 = arith.index_cast %add3A_33 : i32 to index
      %swap3A_44 = arith.constant 32 : index
      %swap3A_45 = tpu.vector_load %arg6[%swap3A_43, %swap3A_44] {strides = array<i32>} : memref<80x128xf32, #tpu.memory_space<vmem>>, vector<1x16xf32>,
      %swap3A_46 = vector.shape_cast %swap3A_45 : vector<1x16xf32> to vector<16xf32>
      %swap3A_47 = vector.shape_cast %broadcast_in_dim3A_0 : vector<16xf32> to vector<1x16xf32>
      tpu.vector_store %arg6[%swap3A_43, %swap3A_44], %swap3A_47 {strides = array<i32>} : memref<80x128xf32, #tpu.memory_space<vmem>>, vector<1x16xf32>,
      %swap3A_48 = arith.index_cast %add3A_33 : i32 to index
      %swap3A_49 = arith.constant 48 : index
      %swap3A_50 = tpu.vector_load %arg6[%swap3A_48, %swap3A_49] {strides = array<i32>} : memref<80x128xf32, #tpu.memory_space<vmem>>, vector<1x16xf32>,
      %swap3A_51 = vector.shape_cast %swap3A_50 : vector<1x16xf32> to vector<16xf32>
      %swap3A_52 = vector.shape_cast %broadcast_in_dim3A_0 : vector<16xf32> to vector<1x16xf32>
      tpu.vector_store %arg6[%swap3A_48, %swap3A_49], %swap3A_52 {strides = array<i32>} : memref<80x128xf32, #tpu.memory_space<vmem>>, vector<1x16xf32>,
      %swap3A_53 = arith.index_cast %add3A_33 : i32 to index
      %swap3A_54 = arith.constant 64 : index
      %swap3A_55 = tpu.vector_load %arg6[%swap3A_53, %swap3A_54] {strides = array<i32>} : memref<80x128xf32, #tpu.memory_space<vmem>>, vector<1x16xf32>,
      %swap3A_56 = vector.shape_cast %swap3A_55 : vector<1x16xf32> to vector<16xf32>
      %swap3A_57 = vector.shape_cast %broadcast_in_dim3A_0 : vector<16xf32> to vector<1x16xf32>
      tpu.vector_store %arg6[%swap3A_53, %swap3A_54], %swap3A_57 {strides = array<i32>} : memref<80x128xf32, #tpu.memory_space<vmem>>, vector<1x16xf32>,
      %swap3A_58 = arith.index_cast %add3A_33 : i32 to index
      %swap3A_59 = arith.constant 80 : index
      %swap3A_60 = tpu.vector_load %arg6[%swap3A_58, %swap3A_59] {strides = array<i32>} : memref<80x128xf32, #tpu.memory_space<vmem>>, vector<1x16xf32>,
      %swap3A_61 = vector.shape_cast %swap3A_60 : vector<1x16xf32> to vector<16xf32>
      %swap3A_62 = vector.shape_cast %broadcast_in_dim3A_0 : vector<16xf32> to vector<1x16xf32>
      tpu.vector_store %arg6[%swap3A_58, %swap3A_59], %swap3A_62 {strides = array<i32>} : memref<80x128xf32, #tpu.memory_space<vmem>>, vector<1x16xf32>,
      %swap3A_63 = arith.index_cast %add3A_33 : i32 to index
      %swap3A_64 = arith.constant 96 : index
      %swap3A_65 = tpu.vector_load %arg6[%swap3A_63, %swap3A_64] {strides = array<i32>} : memref<80x128xf32, #tpu.memory_space<vmem>>, vector<1x16xf32>,
      %swap3A_66 = vector.shape_cast %swap3A_65 : vector<1x16xf32> to vector<16xf32>
      %swap3A_67 = vector.shape_cast %broadcast_in_dim3A_0 : vector<16xf32> to vector<1x16xf32>
      tpu.vector_store %arg6[%swap3A_63, %swap3A_64], %swap3A_67 {strides = array<i32>} : memref<80x128xf32, #tpu.memory_space<vmem>>, vector<1x16xf32>,
      %swap3A_68 = arith.index_cast %add3A_33 : i32 to index
      %swap3A_69 = arith.constant 112 : index
      %swap3A_70 = tpu.vector_load %arg6[%swap3A_68, %swap3A_69] {strides = array<i32>} : memref<80x128xf32, #tpu.memory_space<vmem>>, vector<1x16xf32>,
      %swap3A_71 = vector.shape_cast %swap3A_70 : vector<1x16xf32> to vector<16xf32>
      %swap3A_72 = vector.shape_cast %broadcast_in_dim3A_0 : vector<16xf32> to vector<1x16xf32>
      tpu.vector_store %arg6[%swap3A_68, %swap3A_69], %swap3A_72 {strides = array<i32>} : memref<80x128xf32, #tpu.memory_space<vmem>>, vector<1x16xf32>,
    }
    %scan3A_4 = arith.constant 80 : i32
    %scan3A_5 = arith.constant 0 : i32
    %scan3A_6 = arith.constant 128 : i32
    %scan3A_7 = arith.addi %scan3A_5, %scan3A_6 : i32
    %scan3A_8 = arith.constant 1 : i32
    scf.for %scan3A_29 = %scan3A_5 to %scan3A_7 step %scan3A_8  : i32 {
      %mul3A_30 = arith.constant 1 : i32
      %mul3A_31 = arith.muli %scan3A_29, %mul3A_30 : i32
      %add3A_32 = arith.constant 0 : i32
      %add3A_33 = arith.addi %add3A_32, %mul3A_31 : i32
      %swap3A = arith.index_cast %add3A_33 : i32 to index
      %swap3A_34 = arith.constant 0 : index
      %swap3A_35 = tpu.vector_load %arg7[%swap3A, %swap3A_34] {strides = array<i32>} : memref<128x128xf32, #tpu.memory_space<vmem>>, vector<1x16xf32>,
      %swap3A_36 = vector.shape_cast %swap3A_35 : vector<1x16xf32> to vector<16xf32>
      %swap3A_37 = vector.shape_cast %broadcast_in_dim3A_0 : vector<16xf32> to vector<1x16xf32>
      tpu.vector_store %arg7[%swap3A, %swap3A_34], %swap3A_37 {strides = array<i32>} : memref<128x128xf32, #tpu.memory_space<vmem>>, vector<1x16xf32>,
      %swap3A_38 = arith.index_cast %add3A_33 : i32 to index
      %swap3A_39 = arith.constant 16 : index
      %swap3A_40 = tpu.vector_load %arg7[%swap3A_38, %swap3A_39] {strides = array<i32>} : memref<128x128xf32, #tpu.memory_space<vmem>>, vector<1x16xf32>,
      %swap3A_41 = vector.shape_cast %swap3A_40 : vector<1x16xf32> to vector<16xf32>
      %swap3A_42 = vector.shape_cast %broadcast_in_dim3A_0 : vector<16xf32> to vector<1x16xf32>
      tpu.vector_store %arg7[%swap3A_38, %swap3A_39], %swap3A_42 {strides = array<i32>} : memref<128x128xf32, #tpu.memory_space<vmem>>, vector<1x16xf32>,
      %swap3A_43 = arith.index_cast %add3A_33 : i32 to index
      %swap3A_44 = arith.constant 32 : index
      %swap3A_45 = tpu.vector_load %arg7[%swap3A_43, %swap3A_44] {strides = array<i32>} : memref<128x128xf32, #tpu.memory_space<vmem>>, vector<1x16xf32>,
      %swap3A_46 = vector.shape_cast %swap3A_45 : vector<1x16xf32> to vector<16xf32>
      %swap3A_47 = vector.shape_cast %broadcast_in_dim3A_0 : vector<16xf32> to vector<1x16xf32>
      tpu.vector_store %arg7[%swap3A_43, %swap3A_44], %swap3A_47 {strides = array<i32>} : memref<128x128xf32, #tpu.memory_space<vmem>>, vector<1x16xf32>,
      %swap3A_48 = arith.index_cast %add3A_33 : i32 to index
      %swap3A_49 = arith.constant 48 : index
      %swap3A_50 = tpu.vector_load %arg7[%swap3A_48, %swap3A_49] {strides = array<i32>} : memref<128x128xf32, #tpu.memory_space<vmem>>, vector<1x16xf32>,
      %swap3A_51 = vector.shape_cast %swap3A_50 : vector<1x16xf32> to vector<16xf32>
      %swap3A_52 = vector.shape_cast %broadcast_in_dim3A_0 : vector<16xf32> to vector<1x16xf32>
      tpu.vector_store %arg7[%swap3A_48, %swap3A_49], %swap3A_52 {strides = array<i32>} : memref<128x128xf32, #tpu.memory_space<vmem>>, vector<1x16xf32>,
      %swap3A_53 = arith.index_cast %add3A_33 : i32 to index
      %swap3A_54 = arith.constant 64 : index
      %swap3A_55 = tpu.vector_load %arg7[%swap3A_53, %swap3A_54] {strides = array<i32>} : memref<128x128xf32, #tpu.memory_space<vmem>>, vector<1x16xf32>,
      %swap3A_56 = vector.shape_cast %swap3A_55 : vector<1x16xf32> to vector<16xf32>
      %swap3A_57 = vector.shape_cast %broadcast_in_dim3A_0 : vector<16xf32> to vector<1x16xf32>
      tpu.vector_store %arg7[%swap3A_53, %swap3A_54], %swap3A_57 {strides = array<i32>} : memref<128x128xf32, #tpu.memory_space<vmem>>, vector<1x16xf32>,
      %swap3A_58 = arith.index_cast %add3A_33 : i32 to index
      %swap3A_59 = arith.constant 80 : index
      %swap3A_60 = tpu.vector_load %arg7[%swap3A_58, %swap3A_59] {strides = array<i32>} : memref<128x128xf32, #tpu.memory_space<vmem>>, vector<1x16xf32>,
      %swap3A_61 = vector.shape_cast %swap3A_60 : vector<1x16xf32> to vector<16xf32>
      %swap3A_62 = vector.shape_cast %broadcast_in_dim3A_0 : vector<16xf32> to vector<1x16xf32>
      tpu.vector_store %arg7[%swap3A_58, %swap3A_59], %swap3A_62 {strides = array<i32>} : memref<128x128xf32, #tpu.memory_space<vmem>>, vector<1x16xf32>,
      %swap3A_63 = arith.index_cast %add3A_33 : i32 to index
      %swap3A_64 = arith.constant 96 : index
      %swap3A_65 = tpu.vector_load %arg7[%swap3A_63, %swap3A_64] {strides = array<i32>} : memref<128x128xf32, #tpu.memory_space<vmem>>, vector<1x16xf32>,
      %swap3A_66 = vector.shape_cast %swap3A_65 : vector<1x16xf32> to vector<16xf32>
      %swap3A_67 = vector.shape_cast %broadcast_in_dim3A_0 : vector<16xf32> to vector<1x16xf32>
      tpu.vector_store %arg7[%swap3A_63, %swap3A_64], %swap3A_67 {strides = array<i32>} : memref<128x128xf32, #tpu.memory_space<vmem>>, vector<1x16xf32>,
      %swap3A_68 = arith.index_cast %add3A_33 : i32 to index
      %swap3A_69 = arith.constant 112 : index
      %swap3A_70 = tpu.vector_load %arg7[%swap3A_68, %swap3A_69] {strides = array<i32>} : memref<128x128xf32, #tpu.memory_space<vmem>>, vector<1x16xf32>,
      %swap3A_71 = vector.shape_cast %swap3A_70 : vector<1x16xf32> to vector<16xf32>
      %swap3A_72 = vector.shape_cast %broadcast_in_dim3A_0 : vector<16xf32> to vector<1x16xf32>
      tpu.vector_store %arg7[%swap3A_68, %swap3A_69], %swap3A_72 {strides = array<i32>} : memref<128x128xf32, #tpu.memory_space<vmem>>, vector<1x16xf32>,
    }
    %scan3A_9 = arith.constant 128 : i32
    %mul3A = arith.constant 16 : i32
    %mul3A_10 = arith.muli %arg0, %mul3A : i32
    %add3A = arith.addi %mul3A_10, %arg1 : i32
    "tpu.region"() ({
      %run_scoped3A = tpu.sem_alloc : memref<!tpu.dma_semaphore, #tpu.memory_space<semaphore_mem>>
      %dma_start3A = arith.constant 0 : i32
      %dma_start3A_29 = arith.constant 0 : i32
      %dma_start3A_30 = tpu.memref_slice %arg2[%add3A, %dma_start3A, %dma_start3A_29] : memref<32x125x80xi32, #tpu.memory_space<hbm>> -> memref<1x125x80xi32, #tpu.memory_space<hbm>>
      %dma_start3A_31 = tpu.memref_squeeze %dma_start3A_30 : memref<1x125x80xi32, #tpu.memory_space<hbm>> -> memref<125x80xi32, #tpu.memory_space<hbm>>
      %dma_start3A_32 = arith.constant 0 : i32
      %dma_start3A_33 = arith.constant 0 : i32
      %dma_start3A_34 = tpu.memref_slice %arg2[%add3A, %dma_start3A_32, %dma_start3A_33] : memref<32x125x80xi32, #tpu.memory_space<hbm>> -> memref<1x125x80xi32, #tpu.memory_space<hbm>>
      %dma_start3A_35 = tpu.memref_squeeze %dma_start3A_34 : memref<1x125x80xi32, #tpu.memory_space<hbm>> -> memref<125x80xi32, #tpu.memory_space<hbm>>
      tpu.enqueue_dma source(%dma_start3A_35 : memref<125x80xi32, #tpu.memory_space<hbm>>) target(%arg5 : memref<125x80xi32, #tpu.memory_space<vmem>>) target_semaphore(%run_scoped3A : memref<!tpu.dma_semaphore, #tpu.memory_space<semaphore_mem>>)
      %dma_wait3A = arith.constant 0 : i32
      %dma_wait3A_36 = arith.constant 0 : i32
      %dma_wait3A_37 = tpu.memref_slice %arg2[%add3A, %dma_wait3A, %dma_wait3A_36] : memref<32x125x80xi32, #tpu.memory_space<hbm>> -> memref<1x125x80xi32, #tpu.memory_space<hbm>>
      %dma_wait3A_38 = tpu.memref_squeeze %dma_wait3A_37 : memref<1x125x80xi32, #tpu.memory_space<hbm>> -> memref<125x80xi32, #tpu.memory_space<hbm>>
      %dma_wait3A_39 = arith.constant 0 : i32
      %dma_wait3A_40 = arith.constant 0 : i32
      %dma_wait3A_41 = tpu.memref_slice %arg2[%add3A, %dma_wait3A_39, %dma_wait3A_40] : memref<32x125x80xi32, #tpu.memory_space<hbm>> -> memref<1x125x80xi32, #tpu.memory_space<hbm>>
      %dma_wait3A_42 = tpu.memref_squeeze %dma_wait3A_41 : memref<1x125x80xi32, #tpu.memory_space<hbm>> -> memref<125x80xi32, #tpu.memory_space<hbm>>
      tpu.wait_dma2 semaphore(%run_scoped3A : memref<!tpu.dma_semaphore, #tpu.memory_space<semaphore_mem>>) src(%dma_wait3A_42 : memref<125x80xi32, #tpu.memory_space<hbm>>) dst(%arg5 : memref<125x80xi32, #tpu.memory_space<vmem>>)
      tpu.yield
    }) : () -> ()
    %scan3A_11 = arith.constant 0 : i32
    %scan3A_12 = arith.constant 5 : i32
    %scan3A_13 = arith.addi %scan3A_11, %scan3A_12 : i32
    %scan3A_14 = arith.constant 1 : i32
    scf.for %scan3A_29 = %scan3A_11 to %scan3A_13 step %scan3A_14  : i32 {
      %mul3A_30 = arith.constant 1 : i32
      %mul3A_31 = arith.muli %scan3A_29, %mul3A_30 : i32
      %add3A_32 = arith.constant 0 : i32
      %add3A_33 = arith.addi %add3A_32, %mul3A_31 : i32
      %mul3A_34 = arith.constant 640 : i32
      %mul3A_35 = arith.muli %arg1, %mul3A_34 : i32
      %mul3A_36 = arith.constant 128 : i32
      %mul3A_37 = arith.muli %add3A_33, %mul3A_36 : i32
      %add3A_38 = arith.addi %mul3A_35, %mul3A_37 : i32
      "tpu.region"() ({
        %run_scoped3A = tpu.sem_alloc : memref<!tpu.dma_semaphore, #tpu.memory_space<semaphore_mem>>
        %dma_start3A = arith.constant 0 : i32
        %dma_start3A_39 = tpu.memref_slice %arg4[%add3A_38, %dma_start3A] : memref<10240x128xf32, #tpu.memory_space<vmem_shared>> -> memref<128x128xf32, #tpu.memory_space<vmem_shared>>
        %dma_start3A_40 = arith.constant 0 : i32
        %dma_start3A_41 = tpu.memref_slice %arg4[%add3A_38, %dma_start3A_40] : memref<10240x128xf32, #tpu.memory_space<vmem_shared>> -> memref<128x128xf32, #tpu.memory_space<vmem_shared>>
        tpu.enqueue_dma source(%arg7 : memref<128x128xf32, #tpu.memory_space<vmem>>) target(%dma_start3A_41 : memref<128x128xf32, #tpu.memory_space<vmem_shared>>) target_semaphore(%run_scoped3A : memref<!tpu.dma_semaphore, #tpu.memory_space<semaphore_mem>>)
        %dma_wait3A = arith.constant 0 : i32
        %dma_wait3A_42 = tpu.memref_slice %arg4[%add3A_38, %dma_wait3A] : memref<10240x128xf32, #tpu.memory_space<vmem_shared>> -> memref<128x128xf32, #tpu.memory_space<vmem_shared>>
        %dma_wait3A_43 = arith.constant 0 : i32
        %dma_wait3A_44 = tpu.memref_slice %arg4[%add3A_38, %dma_wait3A_43] : memref<10240x128xf32, #tpu.memory_space<vmem_shared>> -> memref<128x128xf32, #tpu.memory_space<vmem_shared>>
        tpu.wait_dma2 semaphore(%run_scoped3A : memref<!tpu.dma_semaphore, #tpu.memory_space<semaphore_mem>>) src(%arg7 : memref<128x128xf32, #tpu.memory_space<vmem>>) dst(%dma_wait3A_44 : memref<128x128xf32, #tpu.memory_space<vmem_shared>>)
        tpu.yield
      }) : () -> ()
    }
    %scan3A_15 = arith.constant 5 : i32
    %barrier3A = arith.constant 0 : index
    tpu.barrier barrier_id(%barrier3A)
    %scan3A_16 = arith.constant 0 : i32
    %scan3A_17 = arith.constant 125 : i32
    %scan3A_18 = arith.addi %scan3A_16, %scan3A_17 : i32
    %scan3A_19 = arith.constant 1 : i32
    scf.for %scan3A_29 = %scan3A_16 to %scan3A_18 step %scan3A_19  : i32 {
      %mul3A_30 = arith.constant 1 : i32
      %mul3A_31 = arith.muli %scan3A_29, %mul3A_30 : i32
      %add3A_32 = arith.constant 0 : i32
      %add3A_33 = arith.addi %add3A_32, %mul3A_31 : i32
      "tpu.region"() ({
        %run_scoped3A = tpu.sem_alloc : memref<!tpu.dma_semaphore, #tpu.memory_space<semaphore_mem>>
        %dma_start3A = arith.constant 0 : i32
        %dma_start3A_34 = tpu.memref_slice %arg5[%add3A_33, %dma_start3A] : memref<125x80xi32, #tpu.memory_space<vmem>> -> memref<1x80xi32, #tpu.memory_space<vmem>>
        %dma_start3A_35 = tpu.memref_squeeze %dma_start3A_34 : memref<1x80xi32, #tpu.memory_space<vmem>> -> memref<80xi32, #tpu.memory_space<vmem>>
        %dma_start3A_36 = arith.constant 0 : i32
        %dma_start3A_37 = arith.constant 0 : i32
        %dma_start3A_38 = tpu.memref_slice %arg4[%dma_start3A_36, %dma_start3A_37] : memref<10240x128xf32, #tpu.memory_space<vmem_shared>> -> memref<10240x128xf32, #tpu.memory_space<vmem_shared>>
        tpu.enqueue_indirect_dma source(%arg6 : memref<80x128xf32, #tpu.memory_space<vmem>>) target(%dma_start3A_38 : memref<10240x128xf32, #tpu.memory_space<vmem_shared>>) offsets(%dma_start3A_35 : memref<80xi32, #tpu.memory_space<vmem>>) semaphore(%run_scoped3A : memref<!tpu.dma_semaphore, #tpu.memory_space<semaphore_mem>>) {add = true}
        %dma_wait3A = arith.constant 0 : i32
        %dma_wait3A_39 = tpu.memref_slice %arg5[%add3A_33, %dma_wait3A] : memref<125x80xi32, #tpu.memory_space<vmem>> -> memref<1x80xi32, #tpu.memory_space<vmem>>
        %dma_wait3A_40 = tpu.memref_squeeze %dma_wait3A_39 : memref<1x80xi32, #tpu.memory_space<vmem>> -> memref<80xi32, #tpu.memory_space<vmem>>
        %dma_wait3A_41 = arith.constant 0 : i32
        %dma_wait3A_42 = arith.constant 0 : i32
        %dma_wait3A_43 = tpu.memref_slice %arg4[%dma_wait3A_41, %dma_wait3A_42] : memref<10240x128xf32, #tpu.memory_space<vmem_shared>> -> memref<10240x128xf32, #tpu.memory_space<vmem_shared>>
        tpu.wait_indirect_dma semaphore(%run_scoped3A : memref<!tpu.dma_semaphore, #tpu.memory_space<semaphore_mem>>) src(%arg6 : memref<80x128xf32, #tpu.memory_space<vmem>>) dst(%dma_wait3A_43 : memref<10240x128xf32, #tpu.memory_space<vmem_shared>>)
        tpu.yield
      }) : () -> ()
    }
    %scan3A_20 = arith.constant 125 : i32
    %barrier3A_21 = arith.constant 0 : index
    tpu.barrier barrier_id(%barrier3A_21)
    %mul3A_22 = arith.constant 10240 : i32
    %mul3A_23 = arith.muli %arg0, %mul3A_22 : i32
    %mul3A_24 = arith.constant 640 : i32
    %mul3A_25 = arith.muli %arg1, %mul3A_24 : i32
    %add3A_26 = arith.addi %mul3A_23, %mul3A_25 : i32
    %mul3A_27 = arith.constant 640 : i32
    %mul3A_28 = arith.muli %arg1, %mul3A_27 : i32
    "tpu.region"() ({
      %run_scoped3A = tpu.sem_alloc : memref<!tpu.dma_semaphore, #tpu.memory_space<semaphore_mem>>
      %dma_start3A = arith.constant 0 : i32
      %dma_start3A_29 = tpu.memref_slice %arg3[%add3A_26, %dma_start3A] : memref<20480x128xf32, #tpu.memory_space<hbm>> -> memref<640x128xf32, #tpu.memory_space<hbm>>
      %dma_start3A_30 = arith.constant 0 : i32
      %dma_start3A_31 = tpu.memref_slice %arg4[%mul3A_28, %dma_start3A_30] : memref<10240x128xf32, #tpu.memory_space<vmem_shared>> -> memref<640x128xf32, #tpu.memory_space<vmem_shared>>
      tpu.enqueue_dma source(%dma_start3A_31 : memref<640x128xf32, #tpu.memory_space<vmem_shared>>) target(%dma_start3A_29 : memref<640x128xf32, #tpu.memory_space<hbm>>) target_semaphore(%run_scoped3A : memref<!tpu.dma_semaphore, #tpu.memory_space<semaphore_mem>>)
      %dma_wait3A = arith.constant 0 : i32
      %dma_wait3A_32 = tpu.memref_slice %arg3[%add3A_26, %dma_wait3A] : memref<20480x128xf32, #tpu.memory_space<hbm>> -> memref<640x128xf32, #tpu.memory_space<hbm>>
      %dma_wait3A_33 = arith.constant 0 : i32
      %dma_wait3A_34 = tpu.memref_slice %arg4[%mul3A_28, %dma_wait3A_33] : memref<10240x128xf32, #tpu.memory_space<vmem_shared>> -> memref<640x128xf32, #tpu.memory_space<vmem_shared>>
      tpu.wait_dma2 semaphore(%run_scoped3A : memref<!tpu.dma_semaphore, #tpu.memory_space<semaphore_mem>>) src(%dma_wait3A_34 : memref<640x128xf32, #tpu.memory_space<vmem_shared>>) dst(%dma_wait3A_32 : memref<640x128xf32, #tpu.memory_space<hbm>>)
      tpu.yield
    }) : () -> ()
    return
  }
}

#map = affine_map<(d0, d1) -> (0, 0)>
#map1 = affine_map<(d0, d1) -> (0, 0, 0, 0)>
module attributes {stable_mosaic.version = 14 : i64} {
  func.func @agg_k(%arg0: i32, %arg1: i32, %arg2: memref<327680x128xf32, #tpu.memory_space<hbm>>, %arg3: memref<16x5x50x80xi32, #tpu.memory_space<hbm>>, %arg4: memref<16x5x50x80xi32, #tpu.memory_space<hbm>>, %arg5: memref<327680x128xf32, #tpu.memory_space<hbm>>, %arg6: memref<10240x128xf32, #tpu.memory_space<vmem_shared>>, %arg7: memref<50x80xi32, #tpu.memory_space<vmem>>, %arg8: memref<50x80xi32, #tpu.memory_space<vmem>>, %arg9: memref<80x128xf32, #tpu.memory_space<vmem>>, %arg10: memref<80x128xf32, #tpu.memory_space<vmem>>, %arg11: memref<!tpu.dma_semaphore, #tpu.memory_space<semaphore_mem>>, %arg12: memref<!tpu.dma_semaphore, #tpu.memory_space<semaphore_mem>>) attributes {dimension_semantics = [#tpu.dimension_semantics<core_parallel>, #tpu.dimension_semantics<subcore_parallel>], iteration_bounds = array<i64: 2, 16>, scalar_prefetch = 0 : i64, scratch_operands = 7 : i64, tpu.core_type = #tpu.core_type<sc_vector_subcore>, window_params = [{transform_indices = #map}, {transform_indices = #map1}, {transform_indices = #map1}, {transform_indices = #map}]} {
    %scan3A = arith.constant 0 : i32
    %scan3A_0 = arith.constant 16 : i32
    %scan3A_1 = arith.addi %scan3A, %scan3A_0 : i32
    %scan3A_2 = arith.constant 1 : i32
    scf.for %scan3A_4 = %scan3A to %scan3A_1 step %scan3A_2  : i32 {
      %mul3A = arith.constant 1 : i32
      %mul3A_5 = arith.muli %scan3A_4, %mul3A : i32
      %add3A = arith.constant 0 : i32
      %add3A_6 = arith.addi %add3A, %mul3A_5 : i32
      %mul3A_7 = arith.constant 16 : i32
      %mul3A_8 = arith.muli %arg0, %mul3A_7 : i32
      %add3A_9 = arith.addi %mul3A_8, %add3A_6 : i32
      %mul3A_10 = arith.constant 10240 : i32
      %mul3A_11 = arith.muli %add3A_9, %mul3A_10 : i32
      %mul3A_12 = arith.constant 640 : i32
      %mul3A_13 = arith.muli %arg1, %mul3A_12 : i32
      %add3A_14 = arith.addi %mul3A_11, %mul3A_13 : i32
      %mul3A_15 = arith.constant 640 : i32
      %mul3A_16 = arith.muli %arg1, %mul3A_15 : i32
      "tpu.region"() ({
        %run_scoped3A = tpu.sem_alloc : memref<!tpu.dma_semaphore, #tpu.memory_space<semaphore_mem>>
        %dma_start3A = arith.constant 0 : i32
        %dma_start3A_29 = tpu.memref_slice %arg6[%mul3A_16, %dma_start3A] : memref<10240x128xf32, #tpu.memory_space<vmem_shared>> -> memref<640x128xf32, #tpu.memory_space<vmem_shared>>
        %dma_start3A_30 = arith.constant 0 : i32
        %dma_start3A_31 = tpu.memref_slice %arg2[%add3A_14, %dma_start3A_30] : memref<327680x128xf32, #tpu.memory_space<hbm>> -> memref<640x128xf32, #tpu.memory_space<hbm>>
        tpu.enqueue_dma source(%dma_start3A_31 : memref<640x128xf32, #tpu.memory_space<hbm>>) target(%dma_start3A_29 : memref<640x128xf32, #tpu.memory_space<vmem_shared>>) target_semaphore(%run_scoped3A : memref<!tpu.dma_semaphore, #tpu.memory_space<semaphore_mem>>)
        %dma_wait3A = arith.constant 0 : i32
        %dma_wait3A_32 = tpu.memref_slice %arg6[%mul3A_16, %dma_wait3A] : memref<10240x128xf32, #tpu.memory_space<vmem_shared>> -> memref<640x128xf32, #tpu.memory_space<vmem_shared>>
        %dma_wait3A_33 = arith.constant 0 : i32
        %dma_wait3A_34 = tpu.memref_slice %arg2[%add3A_14, %dma_wait3A_33] : memref<327680x128xf32, #tpu.memory_space<hbm>> -> memref<640x128xf32, #tpu.memory_space<hbm>>
        tpu.wait_dma2 semaphore(%run_scoped3A : memref<!tpu.dma_semaphore, #tpu.memory_space<semaphore_mem>>) src(%dma_wait3A_34 : memref<640x128xf32, #tpu.memory_space<hbm>>) dst(%dma_wait3A_32 : memref<640x128xf32, #tpu.memory_space<vmem_shared>>)
        tpu.yield
      }) : () -> ()
      %barrier3A = arith.constant 0 : index
      tpu.barrier barrier_id(%barrier3A)
      %scan3A_17 = arith.constant 0 : i32
      %scan3A_18 = arith.constant 5 : i32
      %scan3A_19 = arith.addi %scan3A_17, %scan3A_18 : i32
      %scan3A_20 = arith.constant 1 : i32
      scf.for %scan3A_29 = %scan3A_17 to %scan3A_19 step %scan3A_20  : i32 {
        %mul3A_30 = arith.constant 1 : i32
        %mul3A_31 = arith.muli %scan3A_29, %mul3A_30 : i32
        %add3A_32 = arith.constant 0 : i32
        %add3A_33 = arith.addi %add3A_32, %mul3A_31 : i32
        "tpu.region"() ({
          %run_scoped3A = tpu.sem_alloc : memref<!tpu.dma_semaphore, #tpu.memory_space<semaphore_mem>>
          %dma_start3A_50 = arith.constant 0 : i32
          %dma_start3A_51 = arith.constant 0 : i32
          %dma_start3A_52 = tpu.memref_slice %arg3[%arg1, %add3A_33, %dma_start3A_50, %dma_start3A_51] : memref<16x5x50x80xi32, #tpu.memory_space<hbm>> -> memref<1x1x50x80xi32, #tpu.memory_space<hbm>>
          %dma_start3A_53 = tpu.memref_squeeze %dma_start3A_52 : memref<1x1x50x80xi32, #tpu.memory_space<hbm>> -> memref<50x80xi32, #tpu.memory_space<hbm>>
          %dma_start3A_54 = arith.constant 0 : i32
          %dma_start3A_55 = arith.constant 0 : i32
          %dma_start3A_56 = tpu.memref_slice %arg3[%arg1, %add3A_33, %dma_start3A_54, %dma_start3A_55] : memref<16x5x50x80xi32, #tpu.memory_space<hbm>> -> memref<1x1x50x80xi32, #tpu.memory_space<hbm>>
          %dma_start3A_57 = tpu.memref_squeeze %dma_start3A_56 : memref<1x1x50x80xi32, #tpu.memory_space<hbm>> -> memref<50x80xi32, #tpu.memory_space<hbm>>
          tpu.enqueue_dma source(%dma_start3A_57 : memref<50x80xi32, #tpu.memory_space<hbm>>) target(%arg7 : memref<50x80xi32, #tpu.memory_space<vmem>>) target_semaphore(%run_scoped3A : memref<!tpu.dma_semaphore, #tpu.memory_space<semaphore_mem>>)
          %dma_wait3A = arith.constant 0 : i32
          %dma_wait3A_58 = arith.constant 0 : i32
          %dma_wait3A_59 = tpu.memref_slice %arg3[%arg1, %add3A_33, %dma_wait3A, %dma_wait3A_58] : memref<16x5x50x80xi32, #tpu.memory_space<hbm>> -> memref<1x1x50x80xi32, #tpu.memory_space<hbm>>
          %dma_wait3A_60 = tpu.memref_squeeze %dma_wait3A_59 : memref<1x1x50x80xi32, #tpu.memory_space<hbm>> -> memref<50x80xi32, #tpu.memory_space<hbm>>
          %dma_wait3A_61 = arith.constant 0 : i32
          %dma_wait3A_62 = arith.constant 0 : i32
          %dma_wait3A_63 = tpu.memref_slice %arg3[%arg1, %add3A_33, %dma_wait3A_61, %dma_wait3A_62] : memref<16x5x50x80xi32, #tpu.memory_space<hbm>> -> memref<1x1x50x80xi32, #tpu.memory_space<hbm>>
          %dma_wait3A_64 = tpu.memref_squeeze %dma_wait3A_63 : memref<1x1x50x80xi32, #tpu.memory_space<hbm>> -> memref<50x80xi32, #tpu.memory_space<hbm>>
          tpu.wait_dma2 semaphore(%run_scoped3A : memref<!tpu.dma_semaphore, #tpu.memory_space<semaphore_mem>>) src(%dma_wait3A_64 : memref<50x80xi32, #tpu.memory_space<hbm>>) dst(%arg7 : memref<50x80xi32, #tpu.memory_space<vmem>>)
          tpu.yield
        }) : () -> ()
        "tpu.region"() ({
          %run_scoped3A = tpu.sem_alloc : memref<!tpu.dma_semaphore, #tpu.memory_space<semaphore_mem>>
          %dma_start3A_50 = arith.constant 0 : i32
          %dma_start3A_51 = arith.constant 0 : i32
          %dma_start3A_52 = tpu.memref_slice %arg4[%arg1, %add3A_33, %dma_start3A_50, %dma_start3A_51] : memref<16x5x50x80xi32, #tpu.memory_space<hbm>> -> memref<1x1x50x80xi32, #tpu.memory_space<hbm>>
          %dma_start3A_53 = tpu.memref_squeeze %dma_start3A_52 : memref<1x1x50x80xi32, #tpu.memory_space<hbm>> -> memref<50x80xi32, #tpu.memory_space<hbm>>
          %dma_start3A_54 = arith.constant 0 : i32
          %dma_start3A_55 = arith.constant 0 : i32
          %dma_start3A_56 = tpu.memref_slice %arg4[%arg1, %add3A_33, %dma_start3A_54, %dma_start3A_55] : memref<16x5x50x80xi32, #tpu.memory_space<hbm>> -> memref<1x1x50x80xi32, #tpu.memory_space<hbm>>
          %dma_start3A_57 = tpu.memref_squeeze %dma_start3A_56 : memref<1x1x50x80xi32, #tpu.memory_space<hbm>> -> memref<50x80xi32, #tpu.memory_space<hbm>>
          tpu.enqueue_dma source(%dma_start3A_57 : memref<50x80xi32, #tpu.memory_space<hbm>>) target(%arg8 : memref<50x80xi32, #tpu.memory_space<vmem>>) target_semaphore(%run_scoped3A : memref<!tpu.dma_semaphore, #tpu.memory_space<semaphore_mem>>)
          %dma_wait3A = arith.constant 0 : i32
          %dma_wait3A_58 = arith.constant 0 : i32
          %dma_wait3A_59 = tpu.memref_slice %arg4[%arg1, %add3A_33, %dma_wait3A, %dma_wait3A_58] : memref<16x5x50x80xi32, #tpu.memory_space<hbm>> -> memref<1x1x50x80xi32, #tpu.memory_space<hbm>>
          %dma_wait3A_60 = tpu.memref_squeeze %dma_wait3A_59 : memref<1x1x50x80xi32, #tpu.memory_space<hbm>> -> memref<50x80xi32, #tpu.memory_space<hbm>>
          %dma_wait3A_61 = arith.constant 0 : i32
          %dma_wait3A_62 = arith.constant 0 : i32
          %dma_wait3A_63 = tpu.memref_slice %arg4[%arg1, %add3A_33, %dma_wait3A_61, %dma_wait3A_62] : memref<16x5x50x80xi32, #tpu.memory_space<hbm>> -> memref<1x1x50x80xi32, #tpu.memory_space<hbm>>
          %dma_wait3A_64 = tpu.memref_squeeze %dma_wait3A_63 : memref<1x1x50x80xi32, #tpu.memory_space<hbm>> -> memref<50x80xi32, #tpu.memory_space<hbm>>
          tpu.wait_dma2 semaphore(%run_scoped3A : memref<!tpu.dma_semaphore, #tpu.memory_space<semaphore_mem>>) src(%dma_wait3A_64 : memref<50x80xi32, #tpu.memory_space<hbm>>) dst(%arg8 : memref<50x80xi32, #tpu.memory_space<vmem>>)
          tpu.yield
        }) : () -> ()
        %scan3A_34 = arith.constant 0 : i32
        %scan3A_35 = arith.constant 50 : i32
        %scan3A_36 = arith.addi %scan3A_34, %scan3A_35 : i32
        %scan3A_37 = arith.constant 1 : i32
        scf.for %scan3A_50 = %scan3A_34 to %scan3A_36 step %scan3A_37  : i32 {
          %mul3A_51 = arith.constant 1 : i32
          %mul3A_52 = arith.muli %scan3A_50, %mul3A_51 : i32
          %add3A_53 = arith.constant 0 : i32
          %add3A_54 = arith.addi %add3A_53, %mul3A_52 : i32
          %get3A = arith.index_cast %add3A_54 : i32 to index
          %get3A_55 = arith.constant 0 : index
          %get3A_56 = tpu.vector_load %arg7[%get3A, %get3A_55] {strides = array<i32>} : memref<50x80xi32, #tpu.memory_space<vmem>>, vector<1x16xi32>,
          %get3A_57 = vector.shape_cast %get3A_56 : vector<1x16xi32> to vector<16xi32>
          %add3A_58 = vector.broadcast %mul3A_11 : i32 to vector<16xi32>
          %add3A_59 = arith.addi %get3A_57, %add3A_58 : vector<16xi32>
          %swap3A = arith.index_cast %add3A_54 : i32 to index
          %swap3A_60 = arith.constant 0 : index
          %swap3A_61 = tpu.vector_load %arg7[%swap3A, %swap3A_60] {strides = array<i32>} : memref<50x80xi32, #tpu.memory_space<vmem>>, vector<1x16xi32>,
          %swap3A_62 = vector.shape_cast %swap3A_61 : vector<1x16xi32> to vector<16xi32>
          %swap3A_63 = vector.shape_cast %add3A_59 : vector<16xi32> to vector<1x16xi32>
          tpu.vector_store %arg7[%swap3A, %swap3A_60], %swap3A_63 {strides = array<i32>} : memref<50x80xi32, #tpu.memory_space<vmem>>, vector<1x16xi32>,
          %get3A_64 = arith.index_cast %add3A_54 : i32 to index
          %get3A_65 = arith.constant 16 : index
          %get3A_66 = tpu.vector_load %arg7[%get3A_64, %get3A_65] {strides = array<i32>} : memref<50x80xi32, #tpu.memory_space<vmem>>, vector<1x16xi32>,
          %get3A_67 = vector.shape_cast %get3A_66 : vector<1x16xi32> to vector<16xi32>
          %add3A_68 = vector.broadcast %mul3A_11 : i32 to vector<16xi32>
          %add3A_69 = arith.addi %get3A_67, %add3A_68 : vector<16xi32>
          %swap3A_70 = arith.index_cast %add3A_54 : i32 to index
          %swap3A_71 = arith.constant 16 : index
          %swap3A_72 = tpu.vector_load %arg7[%swap3A_70, %swap3A_71] {strides = array<i32>} : memref<50x80xi32, #tpu.memory_space<vmem>>, vector<1x16xi32>,
          %swap3A_73 = vector.shape_cast %swap3A_72 : vector<1x16xi32> to vector<16xi32>
          %swap3A_74 = vector.shape_cast %add3A_69 : vector<16xi32> to vector<1x16xi32>
          tpu.vector_store %arg7[%swap3A_70, %swap3A_71], %swap3A_74 {strides = array<i32>} : memref<50x80xi32, #tpu.memory_space<vmem>>, vector<1x16xi32>,
          %get3A_75 = arith.index_cast %add3A_54 : i32 to index
          %get3A_76 = arith.constant 32 : index
          %get3A_77 = tpu.vector_load %arg7[%get3A_75, %get3A_76] {strides = array<i32>} : memref<50x80xi32, #tpu.memory_space<vmem>>, vector<1x16xi32>,
          %get3A_78 = vector.shape_cast %get3A_77 : vector<1x16xi32> to vector<16xi32>
          %add3A_79 = vector.broadcast %mul3A_11 : i32 to vector<16xi32>
          %add3A_80 = arith.addi %get3A_78, %add3A_79 : vector<16xi32>
          %swap3A_81 = arith.index_cast %add3A_54 : i32 to index
          %swap3A_82 = arith.constant 32 : index
          %swap3A_83 = tpu.vector_load %arg7[%swap3A_81, %swap3A_82] {strides = array<i32>} : memref<50x80xi32, #tpu.memory_space<vmem>>, vector<1x16xi32>,
          %swap3A_84 = vector.shape_cast %swap3A_83 : vector<1x16xi32> to vector<16xi32>
          %swap3A_85 = vector.shape_cast %add3A_80 : vector<16xi32> to vector<1x16xi32>
          tpu.vector_store %arg7[%swap3A_81, %swap3A_82], %swap3A_85 {strides = array<i32>} : memref<50x80xi32, #tpu.memory_space<vmem>>, vector<1x16xi32>,
          %get3A_86 = arith.index_cast %add3A_54 : i32 to index
          %get3A_87 = arith.constant 48 : index
          %get3A_88 = tpu.vector_load %arg7[%get3A_86, %get3A_87] {strides = array<i32>} : memref<50x80xi32, #tpu.memory_space<vmem>>, vector<1x16xi32>,
          %get3A_89 = vector.shape_cast %get3A_88 : vector<1x16xi32> to vector<16xi32>
          %add3A_90 = vector.broadcast %mul3A_11 : i32 to vector<16xi32>
          %add3A_91 = arith.addi %get3A_89, %add3A_90 : vector<16xi32>
          %swap3A_92 = arith.index_cast %add3A_54 : i32 to index
          %swap3A_93 = arith.constant 48 : index
          %swap3A_94 = tpu.vector_load %arg7[%swap3A_92, %swap3A_93] {strides = array<i32>} : memref<50x80xi32, #tpu.memory_space<vmem>>, vector<1x16xi32>,
          %swap3A_95 = vector.shape_cast %swap3A_94 : vector<1x16xi32> to vector<16xi32>
          %swap3A_96 = vector.shape_cast %add3A_91 : vector<16xi32> to vector<1x16xi32>
          tpu.vector_store %arg7[%swap3A_92, %swap3A_93], %swap3A_96 {strides = array<i32>} : memref<50x80xi32, #tpu.memory_space<vmem>>, vector<1x16xi32>,
          %get3A_97 = arith.index_cast %add3A_54 : i32 to index
          %get3A_98 = arith.constant 64 : index
          %get3A_99 = tpu.vector_load %arg7[%get3A_97, %get3A_98] {strides = array<i32>} : memref<50x80xi32, #tpu.memory_space<vmem>>, vector<1x16xi32>,
          %get3A_100 = vector.shape_cast %get3A_99 : vector<1x16xi32> to vector<16xi32>
          %add3A_101 = vector.broadcast %mul3A_11 : i32 to vector<16xi32>
          %add3A_102 = arith.addi %get3A_100, %add3A_101 : vector<16xi32>
          %swap3A_103 = arith.index_cast %add3A_54 : i32 to index
          %swap3A_104 = arith.constant 64 : index
          %swap3A_105 = tpu.vector_load %arg7[%swap3A_103, %swap3A_104] {strides = array<i32>} : memref<50x80xi32, #tpu.memory_space<vmem>>, vector<1x16xi32>,
          %swap3A_106 = vector.shape_cast %swap3A_105 : vector<1x16xi32> to vector<16xi32>
          %swap3A_107 = vector.shape_cast %add3A_102 : vector<16xi32> to vector<1x16xi32>
          tpu.vector_store %arg7[%swap3A_103, %swap3A_104], %swap3A_107 {strides = array<i32>} : memref<50x80xi32, #tpu.memory_space<vmem>>, vector<1x16xi32>,
        }
        %scan3A_38 = arith.constant 50 : i32
        %dma_start3A = arith.constant 0 : i32
        %dma_start3A_39 = arith.constant 0 : i32
        %dma_start3A_40 = tpu.memref_slice %arg7[%dma_start3A, %dma_start3A_39] : memref<50x80xi32, #tpu.memory_space<vmem>> -> memref<1x80xi32, #tpu.memory_space<vmem>>
        %dma_start3A_41 = tpu.memref_squeeze %dma_start3A_40 : memref<1x80xi32, #tpu.memory_space<vmem>> -> memref<80xi32, #tpu.memory_space<vmem>>
        %dma_start3A_42 = arith.constant 0 : i32
        %dma_start3A_43 = arith.constant 0 : i32
        %dma_start3A_44 = tpu.memref_slice %arg2[%dma_start3A_42, %dma_start3A_43] : memref<327680x128xf32, #tpu.memory_space<hbm>> -> memref<327680x128xf32, #tpu.memory_space<hbm>>
        tpu.enqueue_indirect_dma source(%dma_start3A_44 : memref<327680x128xf32, #tpu.memory_space<hbm>>) target(%arg9 : memref<80x128xf32, #tpu.memory_space<vmem>>) offsets(%dma_start3A_41 : memref<80xi32, #tpu.memory_space<vmem>>) semaphore(%arg11 : memref<!tpu.dma_semaphore, #tpu.memory_space<semaphore_mem>>)
        %scan3A_45 = arith.constant 0 : i32
        %scan3A_46 = arith.constant 25 : i32
        %scan3A_47 = arith.addi %scan3A_45, %scan3A_46 : i32
        %scan3A_48 = arith.constant 1 : i32
        scf.for %scan3A_50 = %scan3A_45 to %scan3A_47 step %scan3A_48  : i32 {
          %mul3A_51 = arith.constant 2 : i32
          %mul3A_52 = arith.muli %scan3A_50, %mul3A_51 : i32
          %add3A_53 = arith.constant 0 : i32
          %add3A_54 = arith.addi %add3A_53, %mul3A_52 : i32
          %add3A_55 = arith.constant 1 : i32
          %add3A_56 = arith.addi %add3A_54, %add3A_55 : i32
          %dma_start3A_57 = arith.constant 0 : i32
          %dma_start3A_58 = tpu.memref_slice %arg7[%add3A_56, %dma_start3A_57] : memref<50x80xi32, #tpu.memory_space<vmem>> -> memref<1x80xi32, #tpu.memory_space<vmem>>
          %dma_start3A_59 = tpu.memref_squeeze %dma_start3A_58 : memref<1x80xi32, #tpu.memory_space<vmem>> -> memref<80xi32, #tpu.memory_space<vmem>>
          %dma_start3A_60 = arith.constant 0 : i32
          %dma_start3A_61 = arith.constant 0 : i32
          %dma_start3A_62 = tpu.memref_slice %arg2[%dma_start3A_60, %dma_start3A_61] : memref<327680x128xf32, #tpu.memory_space<hbm>> -> memref<327680x128xf32, #tpu.memory_space<hbm>>
          tpu.enqueue_indirect_dma source(%dma_start3A_62 : memref<327680x128xf32, #tpu.memory_space<hbm>>) target(%arg10 : memref<80x128xf32, #tpu.memory_space<vmem>>) offsets(%dma_start3A_59 : memref<80xi32, #tpu.memory_space<vmem>>) semaphore(%arg12 : memref<!tpu.dma_semaphore, #tpu.memory_space<semaphore_mem>>)
          %dma_wait3A = arith.constant 0 : i32
          %dma_wait3A_63 = tpu.memref_slice %arg7[%add3A_54, %dma_wait3A] : memref<50x80xi32, #tpu.memory_space<vmem>> -> memref<1x80xi32, #tpu.memory_space<vmem>>
          %dma_wait3A_64 = tpu.memref_squeeze %dma_wait3A_63 : memref<1x80xi32, #tpu.memory_space<vmem>> -> memref<80xi32, #tpu.memory_space<vmem>>
          %dma_wait3A_65 = arith.constant 0 : i32
          %dma_wait3A_66 = arith.constant 0 : i32
          %dma_wait3A_67 = tpu.memref_slice %arg2[%dma_wait3A_65, %dma_wait3A_66] : memref<327680x128xf32, #tpu.memory_space<hbm>> -> memref<327680x128xf32, #tpu.memory_space<hbm>>
          tpu.wait_indirect_dma semaphore(%arg11 : memref<!tpu.dma_semaphore, #tpu.memory_space<semaphore_mem>>) src(%dma_wait3A_67 : memref<327680x128xf32, #tpu.memory_space<hbm>>) dst(%arg9 : memref<80x128xf32, #tpu.memory_space<vmem>>)
          "tpu.region"() ({
            %run_scoped3A = tpu.sem_alloc : memref<!tpu.dma_semaphore, #tpu.memory_space<semaphore_mem>>
            %dma_start3A_82 = arith.constant 0 : i32
            %dma_start3A_83 = tpu.memref_slice %arg8[%add3A_54, %dma_start3A_82] : memref<50x80xi32, #tpu.memory_space<vmem>> -> memref<1x80xi32, #tpu.memory_space<vmem>>
            %dma_start3A_84 = tpu.memref_squeeze %dma_start3A_83 : memref<1x80xi32, #tpu.memory_space<vmem>> -> memref<80xi32, #tpu.memory_space<vmem>>
            %dma_start3A_85 = arith.constant 0 : i32
            %dma_start3A_86 = arith.constant 0 : i32
            %dma_start3A_87 = tpu.memref_slice %arg6[%dma_start3A_85, %dma_start3A_86] : memref<10240x128xf32, #tpu.memory_space<vmem_shared>> -> memref<10240x128xf32, #tpu.memory_space<vmem_shared>>
            tpu.enqueue_indirect_dma source(%arg9 : memref<80x128xf32, #tpu.memory_space<vmem>>) target(%dma_start3A_87 : memref<10240x128xf32, #tpu.memory_space<vmem_shared>>) offsets(%dma_start3A_84 : memref<80xi32, #tpu.memory_space<vmem>>) semaphore(%run_scoped3A : memref<!tpu.dma_semaphore, #tpu.memory_space<semaphore_mem>>) {add = true}
            %dma_wait3A_88 = arith.constant 0 : i32
            %dma_wait3A_89 = tpu.memref_slice %arg8[%add3A_54, %dma_wait3A_88] : memref<50x80xi32, #tpu.memory_space<vmem>> -> memref<1x80xi32, #tpu.memory_space<vmem>>
            %dma_wait3A_90 = tpu.memref_squeeze %dma_wait3A_89 : memref<1x80xi32, #tpu.memory_space<vmem>> -> memref<80xi32, #tpu.memory_space<vmem>>
            %dma_wait3A_91 = arith.constant 0 : i32
            %dma_wait3A_92 = arith.constant 0 : i32
            %dma_wait3A_93 = tpu.memref_slice %arg6[%dma_wait3A_91, %dma_wait3A_92] : memref<10240x128xf32, #tpu.memory_space<vmem_shared>> -> memref<10240x128xf32, #tpu.memory_space<vmem_shared>>
            tpu.wait_indirect_dma semaphore(%run_scoped3A : memref<!tpu.dma_semaphore, #tpu.memory_space<semaphore_mem>>) src(%arg9 : memref<80x128xf32, #tpu.memory_space<vmem>>) dst(%dma_wait3A_93 : memref<10240x128xf32, #tpu.memory_space<vmem_shared>>)
            tpu.yield
          }) : () -> ()
          %add3A_68 = arith.constant 2 : i32
          %add3A_69 = arith.addi %add3A_54, %add3A_68 : i32
          %lt3A = arith.constant 50 : i32
          %lt3A_70 = arith.cmpi slt, %add3A_69, %lt3A : i32
          %convert_element_type3A = arith.extui %lt3A_70 : i1 to i32
          %cond3A = arith.constant 0 : i32
          %cond3A_71 = arith.cmpi ne, %convert_element_type3A, %cond3A : i32
          scf.if %cond3A_71 {
            %add3A_82 = arith.constant 2 : i32
            %add3A_83 = arith.addi %add3A_54, %add3A_82 : i32
            %dma_start3A_84 = arith.constant 0 : i32
            %dma_start3A_85 = tpu.memref_slice %arg7[%add3A_83, %dma_start3A_84] : memref<50x80xi32, #tpu.memory_space<vmem>> -> memref<1x80xi32, #tpu.memory_space<vmem>>
            %dma_start3A_86 = tpu.memref_squeeze %dma_start3A_85 : memref<1x80xi32, #tpu.memory_space<vmem>> -> memref<80xi32, #tpu.memory_space<vmem>>
            %dma_start3A_87 = arith.constant 0 : i32
            %dma_start3A_88 = arith.constant 0 : i32
            %dma_start3A_89 = tpu.memref_slice %arg2[%dma_start3A_87, %dma_start3A_88] : memref<327680x128xf32, #tpu.memory_space<hbm>> -> memref<327680x128xf32, #tpu.memory_space<hbm>>
            tpu.enqueue_indirect_dma source(%dma_start3A_89 : memref<327680x128xf32, #tpu.memory_space<hbm>>) target(%arg9 : memref<80x128xf32, #tpu.memory_space<vmem>>) offsets(%dma_start3A_86 : memref<80xi32, #tpu.memory_space<vmem>>) semaphore(%arg11 : memref<!tpu.dma_semaphore, #tpu.memory_space<semaphore_mem>>)
          } else {
          }
          %add3A_72 = arith.constant 1 : i32
          %add3A_73 = arith.addi %add3A_54, %add3A_72 : i32
          %dma_wait3A_74 = arith.constant 0 : i32
          %dma_wait3A_75 = tpu.memref_slice %arg7[%add3A_73, %dma_wait3A_74] : memref<50x80xi32, #tpu.memory_space<vmem>> -> memref<1x80xi32, #tpu.memory_space<vmem>>
          %dma_wait3A_76 = tpu.memref_squeeze %dma_wait3A_75 : memref<1x80xi32, #tpu.memory_space<vmem>> -> memref<80xi32, #tpu.memory_space<vmem>>
          %dma_wait3A_77 = arith.constant 0 : i32
          %dma_wait3A_78 = arith.constant 0 : i32
          %dma_wait3A_79 = tpu.memref_slice %arg2[%dma_wait3A_77, %dma_wait3A_78] : memref<327680x128xf32, #tpu.memory_space<hbm>> -> memref<327680x128xf32, #tpu.memory_space<hbm>>
          tpu.wait_indirect_dma semaphore(%arg12 : memref<!tpu.dma_semaphore, #tpu.memory_space<semaphore_mem>>) src(%dma_wait3A_79 : memref<327680x128xf32, #tpu.memory_space<hbm>>) dst(%arg10 : memref<80x128xf32, #tpu.memory_space<vmem>>)
          %add3A_80 = arith.constant 1 : i32
          %add3A_81 = arith.addi %add3A_54, %add3A_80 : i32
          "tpu.region"() ({
            %run_scoped3A = tpu.sem_alloc : memref<!tpu.dma_semaphore, #tpu.memory_space<semaphore_mem>>
            %dma_start3A_82 = arith.constant 0 : i32
            %dma_start3A_83 = tpu.memref_slice %arg8[%add3A_81, %dma_start3A_82] : memref<50x80xi32, #tpu.memory_space<vmem>> -> memref<1x80xi32, #tpu.memory_space<vmem>>
            %dma_start3A_84 = tpu.memref_squeeze %dma_start3A_83 : memref<1x80xi32, #tpu.memory_space<vmem>> -> memref<80xi32, #tpu.memory_space<vmem>>
            %dma_start3A_85 = arith.constant 0 : i32
            %dma_start3A_86 = arith.constant 0 : i32
            %dma_start3A_87 = tpu.memref_slice %arg6[%dma_start3A_85, %dma_start3A_86] : memref<10240x128xf32, #tpu.memory_space<vmem_shared>> -> memref<10240x128xf32, #tpu.memory_space<vmem_shared>>
            tpu.enqueue_indirect_dma source(%arg10 : memref<80x128xf32, #tpu.memory_space<vmem>>) target(%dma_start3A_87 : memref<10240x128xf32, #tpu.memory_space<vmem_shared>>) offsets(%dma_start3A_84 : memref<80xi32, #tpu.memory_space<vmem>>) semaphore(%run_scoped3A : memref<!tpu.dma_semaphore, #tpu.memory_space<semaphore_mem>>) {add = true}
            %dma_wait3A_88 = arith.constant 0 : i32
            %dma_wait3A_89 = tpu.memref_slice %arg8[%add3A_81, %dma_wait3A_88] : memref<50x80xi32, #tpu.memory_space<vmem>> -> memref<1x80xi32, #tpu.memory_space<vmem>>
            %dma_wait3A_90 = tpu.memref_squeeze %dma_wait3A_89 : memref<1x80xi32, #tpu.memory_space<vmem>> -> memref<80xi32, #tpu.memory_space<vmem>>
            %dma_wait3A_91 = arith.constant 0 : i32
            %dma_wait3A_92 = arith.constant 0 : i32
            %dma_wait3A_93 = tpu.memref_slice %arg6[%dma_wait3A_91, %dma_wait3A_92] : memref<10240x128xf32, #tpu.memory_space<vmem_shared>> -> memref<10240x128xf32, #tpu.memory_space<vmem_shared>>
            tpu.wait_indirect_dma semaphore(%run_scoped3A : memref<!tpu.dma_semaphore, #tpu.memory_space<semaphore_mem>>) src(%arg10 : memref<80x128xf32, #tpu.memory_space<vmem>>) dst(%dma_wait3A_93 : memref<10240x128xf32, #tpu.memory_space<vmem_shared>>)
            tpu.yield
          }) : () -> ()
        }
        %scan3A_49 = arith.constant 25 : i32
      }
      %scan3A_21 = arith.constant 5 : i32
      %barrier3A_22 = arith.constant 0 : index
      tpu.barrier barrier_id(%barrier3A_22)
      %mul3A_23 = arith.constant 640 : i32
      %mul3A_24 = arith.muli %arg1, %mul3A_23 : i32
      %mul3A_25 = arith.constant 640 : i32
      %mul3A_26 = arith.muli %arg1, %mul3A_25 : i32
      %add3A_27 = arith.addi %mul3A_11, %mul3A_26 : i32
      "tpu.region"() ({
        %run_scoped3A = tpu.sem_alloc : memref<!tpu.dma_semaphore, #tpu.memory_space<semaphore_mem>>
        %dma_start3A = arith.constant 0 : i32
        %dma_start3A_29 = tpu.memref_slice %arg5[%add3A_27, %dma_start3A] : memref<327680x128xf32, #tpu.memory_space<hbm>> -> memref<640x128xf32, #tpu.memory_space<hbm>>
        %dma_start3A_30 = arith.constant 0 : i32
        %dma_start3A_31 = tpu.memref_slice %arg6[%mul3A_24, %dma_start3A_30] : memref<10240x128xf32, #tpu.memory_space<vmem_shared>> -> memref<640x128xf32, #tpu.memory_space<vmem_shared>>
        tpu.enqueue_dma source(%dma_start3A_31 : memref<640x128xf32, #tpu.memory_space<vmem_shared>>) target(%dma_start3A_29 : memref<640x128xf32, #tpu.memory_space<hbm>>) target_semaphore(%run_scoped3A : memref<!tpu.dma_semaphore, #tpu.memory_space<semaphore_mem>>)
        %dma_wait3A = arith.constant 0 : i32
        %dma_wait3A_32 = tpu.memref_slice %arg5[%add3A_27, %dma_wait3A] : memref<327680x128xf32, #tpu.memory_space<hbm>> -> memref<640x128xf32, #tpu.memory_space<hbm>>
        %dma_wait3A_33 = arith.constant 0 : i32
        %dma_wait3A_34 = tpu.memref_slice %arg6[%mul3A_24, %dma_wait3A_33] : memref<10240x128xf32, #tpu.memory_space<vmem_shared>> -> memref<640x128xf32, #tpu.memory_space<vmem_shared>>
        tpu.wait_dma2 semaphore(%run_scoped3A : memref<!tpu.dma_semaphore, #tpu.memory_space<semaphore_mem>>) src(%dma_wait3A_34 : memref<640x128xf32, #tpu.memory_space<vmem_shared>>) dst(%dma_wait3A_32 : memref<640x128xf32, #tpu.memory_space<hbm>>)
        tpu.yield
      }) : () -> ()
      %barrier3A_28 = arith.constant 0 : index
      tpu.barrier barrier_id(%barrier3A_28)
    }
    %scan3A_3 = arith.constant 16 : i32
    return
  }
}

#map = affine_map<(d0, d1) -> (0, 0)>
#map1 = affine_map<(d0, d1) -> (0, 0, 0, 0)>
module attributes {stable_mosaic.version = 14 : i64} {
  func.func @agg_k(%arg0: i32, %arg1: i32, %arg2: memref<327680x128xf32, #tpu.memory_space<hbm>>, %arg3: memref<16x5x50x80xi32, #tpu.memory_space<hbm>>, %arg4: memref<16x5x50x80xi32, #tpu.memory_space<hbm>>, %arg5: memref<327680x128xf32, #tpu.memory_space<hbm>>, %arg6: memref<10240x128xf32, #tpu.memory_space<vmem_shared>>, %arg7: memref<50x80xi32, #tpu.memory_space<vmem>>, %arg8: memref<50x80xi32, #tpu.memory_space<vmem>>, %arg9: memref<80x128xf32, #tpu.memory_space<vmem>>, %arg10: memref<80x128xf32, #tpu.memory_space<vmem>>, %arg11: memref<!tpu.dma_semaphore, #tpu.memory_space<semaphore_mem>>, %arg12: memref<!tpu.dma_semaphore, #tpu.memory_space<semaphore_mem>>) attributes {dimension_semantics = [#tpu.dimension_semantics<core_parallel>, #tpu.dimension_semantics<subcore_parallel>], iteration_bounds = array<i64: 2, 16>, scalar_prefetch = 0 : i64, scratch_operands = 7 : i64, tpu.core_type = #tpu.core_type<sc_vector_subcore>, window_params = [{transform_indices = #map}, {transform_indices = #map1}, {transform_indices = #map1}, {transform_indices = #map}]} {
    %scan3A = arith.constant 0 : i32
    %scan3A_0 = arith.constant 16 : i32
    %scan3A_1 = arith.addi %scan3A, %scan3A_0 : i32
    %scan3A_2 = arith.constant 1 : i32
    scf.for %scan3A_4 = %scan3A to %scan3A_1 step %scan3A_2  : i32 {
      %mul3A = arith.constant 1 : i32
      %mul3A_5 = arith.muli %scan3A_4, %mul3A : i32
      %add3A = arith.constant 0 : i32
      %add3A_6 = arith.addi %add3A, %mul3A_5 : i32
      %mul3A_7 = arith.constant 16 : i32
      %mul3A_8 = arith.muli %arg0, %mul3A_7 : i32
      %add3A_9 = arith.addi %mul3A_8, %add3A_6 : i32
      %mul3A_10 = arith.constant 10240 : i32
      %mul3A_11 = arith.muli %add3A_9, %mul3A_10 : i32
      %mul3A_12 = arith.constant 640 : i32
      %mul3A_13 = arith.muli %arg1, %mul3A_12 : i32
      %add3A_14 = arith.addi %mul3A_11, %mul3A_13 : i32
      %mul3A_15 = arith.constant 640 : i32
      %mul3A_16 = arith.muli %arg1, %mul3A_15 : i32
      "tpu.region"() ({
        %run_scoped3A = tpu.sem_alloc : memref<!tpu.dma_semaphore, #tpu.memory_space<semaphore_mem>>
        %dma_start3A = arith.constant 0 : i32
        %dma_start3A_29 = tpu.memref_slice %arg6[%mul3A_16, %dma_start3A] : memref<10240x128xf32, #tpu.memory_space<vmem_shared>> -> memref<640x128xf32, #tpu.memory_space<vmem_shared>>
        %dma_start3A_30 = arith.constant 0 : i32
        %dma_start3A_31 = tpu.memref_slice %arg2[%add3A_14, %dma_start3A_30] : memref<327680x128xf32, #tpu.memory_space<hbm>> -> memref<640x128xf32, #tpu.memory_space<hbm>>
        tpu.enqueue_dma source(%dma_start3A_31 : memref<640x128xf32, #tpu.memory_space<hbm>>) target(%dma_start3A_29 : memref<640x128xf32, #tpu.memory_space<vmem_shared>>) target_semaphore(%run_scoped3A : memref<!tpu.dma_semaphore, #tpu.memory_space<semaphore_mem>>)
        %dma_wait3A = arith.constant 0 : i32
        %dma_wait3A_32 = tpu.memref_slice %arg6[%mul3A_16, %dma_wait3A] : memref<10240x128xf32, #tpu.memory_space<vmem_shared>> -> memref<640x128xf32, #tpu.memory_space<vmem_shared>>
        %dma_wait3A_33 = arith.constant 0 : i32
        %dma_wait3A_34 = tpu.memref_slice %arg2[%add3A_14, %dma_wait3A_33] : memref<327680x128xf32, #tpu.memory_space<hbm>> -> memref<640x128xf32, #tpu.memory_space<hbm>>
        tpu.wait_dma2 semaphore(%run_scoped3A : memref<!tpu.dma_semaphore, #tpu.memory_space<semaphore_mem>>) src(%dma_wait3A_34 : memref<640x128xf32, #tpu.memory_space<hbm>>) dst(%dma_wait3A_32 : memref<640x128xf32, #tpu.memory_space<vmem_shared>>)
        tpu.yield
      }) : () -> ()
      %barrier3A = arith.constant 0 : index
      tpu.barrier barrier_id(%barrier3A)
      %scan3A_17 = arith.constant 0 : i32
      %scan3A_18 = arith.constant 5 : i32
      %scan3A_19 = arith.addi %scan3A_17, %scan3A_18 : i32
      %scan3A_20 = arith.constant 1 : i32
      scf.for %scan3A_29 = %scan3A_17 to %scan3A_19 step %scan3A_20  : i32 {
        %mul3A_30 = arith.constant 1 : i32
        %mul3A_31 = arith.muli %scan3A_29, %mul3A_30 : i32
        %add3A_32 = arith.constant 0 : i32
        %add3A_33 = arith.addi %add3A_32, %mul3A_31 : i32
        "tpu.region"() ({
          %run_scoped3A = tpu.sem_alloc : memref<!tpu.dma_semaphore, #tpu.memory_space<semaphore_mem>>
          %dma_start3A_50 = arith.constant 0 : i32
          %dma_start3A_51 = arith.constant 0 : i32
          %dma_start3A_52 = tpu.memref_slice %arg3[%arg1, %add3A_33, %dma_start3A_50, %dma_start3A_51] : memref<16x5x50x80xi32, #tpu.memory_space<hbm>> -> memref<1x1x50x80xi32, #tpu.memory_space<hbm>>
          %dma_start3A_53 = tpu.memref_squeeze %dma_start3A_52 : memref<1x1x50x80xi32, #tpu.memory_space<hbm>> -> memref<50x80xi32, #tpu.memory_space<hbm>>
          %dma_start3A_54 = arith.constant 0 : i32
          %dma_start3A_55 = arith.constant 0 : i32
          %dma_start3A_56 = tpu.memref_slice %arg3[%arg1, %add3A_33, %dma_start3A_54, %dma_start3A_55] : memref<16x5x50x80xi32, #tpu.memory_space<hbm>> -> memref<1x1x50x80xi32, #tpu.memory_space<hbm>>
          %dma_start3A_57 = tpu.memref_squeeze %dma_start3A_56 : memref<1x1x50x80xi32, #tpu.memory_space<hbm>> -> memref<50x80xi32, #tpu.memory_space<hbm>>
          tpu.enqueue_dma source(%dma_start3A_57 : memref<50x80xi32, #tpu.memory_space<hbm>>) target(%arg7 : memref<50x80xi32, #tpu.memory_space<vmem>>) target_semaphore(%run_scoped3A : memref<!tpu.dma_semaphore, #tpu.memory_space<semaphore_mem>>)
          %dma_wait3A = arith.constant 0 : i32
          %dma_wait3A_58 = arith.constant 0 : i32
          %dma_wait3A_59 = tpu.memref_slice %arg3[%arg1, %add3A_33, %dma_wait3A, %dma_wait3A_58] : memref<16x5x50x80xi32, #tpu.memory_space<hbm>> -> memref<1x1x50x80xi32, #tpu.memory_space<hbm>>
          %dma_wait3A_60 = tpu.memref_squeeze %dma_wait3A_59 : memref<1x1x50x80xi32, #tpu.memory_space<hbm>> -> memref<50x80xi32, #tpu.memory_space<hbm>>
          %dma_wait3A_61 = arith.constant 0 : i32
          %dma_wait3A_62 = arith.constant 0 : i32
          %dma_wait3A_63 = tpu.memref_slice %arg3[%arg1, %add3A_33, %dma_wait3A_61, %dma_wait3A_62] : memref<16x5x50x80xi32, #tpu.memory_space<hbm>> -> memref<1x1x50x80xi32, #tpu.memory_space<hbm>>
          %dma_wait3A_64 = tpu.memref_squeeze %dma_wait3A_63 : memref<1x1x50x80xi32, #tpu.memory_space<hbm>> -> memref<50x80xi32, #tpu.memory_space<hbm>>
          tpu.wait_dma2 semaphore(%run_scoped3A : memref<!tpu.dma_semaphore, #tpu.memory_space<semaphore_mem>>) src(%dma_wait3A_64 : memref<50x80xi32, #tpu.memory_space<hbm>>) dst(%arg7 : memref<50x80xi32, #tpu.memory_space<vmem>>)
          tpu.yield
        }) : () -> ()
        "tpu.region"() ({
          %run_scoped3A = tpu.sem_alloc : memref<!tpu.dma_semaphore, #tpu.memory_space<semaphore_mem>>
          %dma_start3A_50 = arith.constant 0 : i32
          %dma_start3A_51 = arith.constant 0 : i32
          %dma_start3A_52 = tpu.memref_slice %arg4[%arg1, %add3A_33, %dma_start3A_50, %dma_start3A_51] : memref<16x5x50x80xi32, #tpu.memory_space<hbm>> -> memref<1x1x50x80xi32, #tpu.memory_space<hbm>>
          %dma_start3A_53 = tpu.memref_squeeze %dma_start3A_52 : memref<1x1x50x80xi32, #tpu.memory_space<hbm>> -> memref<50x80xi32, #tpu.memory_space<hbm>>
          %dma_start3A_54 = arith.constant 0 : i32
          %dma_start3A_55 = arith.constant 0 : i32
          %dma_start3A_56 = tpu.memref_slice %arg4[%arg1, %add3A_33, %dma_start3A_54, %dma_start3A_55] : memref<16x5x50x80xi32, #tpu.memory_space<hbm>> -> memref<1x1x50x80xi32, #tpu.memory_space<hbm>>
          %dma_start3A_57 = tpu.memref_squeeze %dma_start3A_56 : memref<1x1x50x80xi32, #tpu.memory_space<hbm>> -> memref<50x80xi32, #tpu.memory_space<hbm>>
          tpu.enqueue_dma source(%dma_start3A_57 : memref<50x80xi32, #tpu.memory_space<hbm>>) target(%arg8 : memref<50x80xi32, #tpu.memory_space<vmem>>) target_semaphore(%run_scoped3A : memref<!tpu.dma_semaphore, #tpu.memory_space<semaphore_mem>>)
          %dma_wait3A = arith.constant 0 : i32
          %dma_wait3A_58 = arith.constant 0 : i32
          %dma_wait3A_59 = tpu.memref_slice %arg4[%arg1, %add3A_33, %dma_wait3A, %dma_wait3A_58] : memref<16x5x50x80xi32, #tpu.memory_space<hbm>> -> memref<1x1x50x80xi32, #tpu.memory_space<hbm>>
          %dma_wait3A_60 = tpu.memref_squeeze %dma_wait3A_59 : memref<1x1x50x80xi32, #tpu.memory_space<hbm>> -> memref<50x80xi32, #tpu.memory_space<hbm>>
          %dma_wait3A_61 = arith.constant 0 : i32
          %dma_wait3A_62 = arith.constant 0 : i32
          %dma_wait3A_63 = tpu.memref_slice %arg4[%arg1, %add3A_33, %dma_wait3A_61, %dma_wait3A_62] : memref<16x5x50x80xi32, #tpu.memory_space<hbm>> -> memref<1x1x50x80xi32, #tpu.memory_space<hbm>>
          %dma_wait3A_64 = tpu.memref_squeeze %dma_wait3A_63 : memref<1x1x50x80xi32, #tpu.memory_space<hbm>> -> memref<50x80xi32, #tpu.memory_space<hbm>>
          tpu.wait_dma2 semaphore(%run_scoped3A : memref<!tpu.dma_semaphore, #tpu.memory_space<semaphore_mem>>) src(%dma_wait3A_64 : memref<50x80xi32, #tpu.memory_space<hbm>>) dst(%arg8 : memref<50x80xi32, #tpu.memory_space<vmem>>)
          tpu.yield
        }) : () -> ()
        %scan3A_34 = arith.constant 0 : i32
        %scan3A_35 = arith.constant 50 : i32
        %scan3A_36 = arith.addi %scan3A_34, %scan3A_35 : i32
        %scan3A_37 = arith.constant 1 : i32
        scf.for %scan3A_50 = %scan3A_34 to %scan3A_36 step %scan3A_37  : i32 {
          %mul3A_51 = arith.constant 1 : i32
          %mul3A_52 = arith.muli %scan3A_50, %mul3A_51 : i32
          %add3A_53 = arith.constant 0 : i32
          %add3A_54 = arith.addi %add3A_53, %mul3A_52 : i32
          %get3A = arith.index_cast %add3A_54 : i32 to index
          %get3A_55 = arith.constant 0 : index
          %get3A_56 = tpu.vector_load %arg7[%get3A, %get3A_55] {strides = array<i32>} : memref<50x80xi32, #tpu.memory_space<vmem>>, vector<1x16xi32>,
          %get3A_57 = vector.shape_cast %get3A_56 : vector<1x16xi32> to vector<16xi32>
          %add3A_58 = vector.broadcast %mul3A_11 : i32 to vector<16xi32>
          %add3A_59 = arith.addi %get3A_57, %add3A_58 : vector<16xi32>
          %swap3A = arith.index_cast %add3A_54 : i32 to index
          %swap3A_60 = arith.constant 0 : index
          %swap3A_61 = tpu.vector_load %arg7[%swap3A, %swap3A_60] {strides = array<i32>} : memref<50x80xi32, #tpu.memory_space<vmem>>, vector<1x16xi32>,
          %swap3A_62 = vector.shape_cast %swap3A_61 : vector<1x16xi32> to vector<16xi32>
          %swap3A_63 = vector.shape_cast %add3A_59 : vector<16xi32> to vector<1x16xi32>
          tpu.vector_store %arg7[%swap3A, %swap3A_60], %swap3A_63 {strides = array<i32>} : memref<50x80xi32, #tpu.memory_space<vmem>>, vector<1x16xi32>,
          %get3A_64 = arith.index_cast %add3A_54 : i32 to index
          %get3A_65 = arith.constant 16 : index
          %get3A_66 = tpu.vector_load %arg7[%get3A_64, %get3A_65] {strides = array<i32>} : memref<50x80xi32, #tpu.memory_space<vmem>>, vector<1x16xi32>,
          %get3A_67 = vector.shape_cast %get3A_66 : vector<1x16xi32> to vector<16xi32>
          %add3A_68 = vector.broadcast %mul3A_11 : i32 to vector<16xi32>
          %add3A_69 = arith.addi %get3A_67, %add3A_68 : vector<16xi32>
          %swap3A_70 = arith.index_cast %add3A_54 : i32 to index
          %swap3A_71 = arith.constant 16 : index
          %swap3A_72 = tpu.vector_load %arg7[%swap3A_70, %swap3A_71] {strides = array<i32>} : memref<50x80xi32, #tpu.memory_space<vmem>>, vector<1x16xi32>,
          %swap3A_73 = vector.shape_cast %swap3A_72 : vector<1x16xi32> to vector<16xi32>
          %swap3A_74 = vector.shape_cast %add3A_69 : vector<16xi32> to vector<1x16xi32>
          tpu.vector_store %arg7[%swap3A_70, %swap3A_71], %swap3A_74 {strides = array<i32>} : memref<50x80xi32, #tpu.memory_space<vmem>>, vector<1x16xi32>,
          %get3A_75 = arith.index_cast %add3A_54 : i32 to index
          %get3A_76 = arith.constant 32 : index
          %get3A_77 = tpu.vector_load %arg7[%get3A_75, %get3A_76] {strides = array<i32>} : memref<50x80xi32, #tpu.memory_space<vmem>>, vector<1x16xi32>,
          %get3A_78 = vector.shape_cast %get3A_77 : vector<1x16xi32> to vector<16xi32>
          %add3A_79 = vector.broadcast %mul3A_11 : i32 to vector<16xi32>
          %add3A_80 = arith.addi %get3A_78, %add3A_79 : vector<16xi32>
          %swap3A_81 = arith.index_cast %add3A_54 : i32 to index
          %swap3A_82 = arith.constant 32 : index
          %swap3A_83 = tpu.vector_load %arg7[%swap3A_81, %swap3A_82] {strides = array<i32>} : memref<50x80xi32, #tpu.memory_space<vmem>>, vector<1x16xi32>,
          %swap3A_84 = vector.shape_cast %swap3A_83 : vector<1x16xi32> to vector<16xi32>
          %swap3A_85 = vector.shape_cast %add3A_80 : vector<16xi32> to vector<1x16xi32>
          tpu.vector_store %arg7[%swap3A_81, %swap3A_82], %swap3A_85 {strides = array<i32>} : memref<50x80xi32, #tpu.memory_space<vmem>>, vector<1x16xi32>,
          %get3A_86 = arith.index_cast %add3A_54 : i32 to index
          %get3A_87 = arith.constant 48 : index
          %get3A_88 = tpu.vector_load %arg7[%get3A_86, %get3A_87] {strides = array<i32>} : memref<50x80xi32, #tpu.memory_space<vmem>>, vector<1x16xi32>,
          %get3A_89 = vector.shape_cast %get3A_88 : vector<1x16xi32> to vector<16xi32>
          %add3A_90 = vector.broadcast %mul3A_11 : i32 to vector<16xi32>
          %add3A_91 = arith.addi %get3A_89, %add3A_90 : vector<16xi32>
          %swap3A_92 = arith.index_cast %add3A_54 : i32 to index
          %swap3A_93 = arith.constant 48 : index
          %swap3A_94 = tpu.vector_load %arg7[%swap3A_92, %swap3A_93] {strides = array<i32>} : memref<50x80xi32, #tpu.memory_space<vmem>>, vector<1x16xi32>,
          %swap3A_95 = vector.shape_cast %swap3A_94 : vector<1x16xi32> to vector<16xi32>
          %swap3A_96 = vector.shape_cast %add3A_91 : vector<16xi32> to vector<1x16xi32>
          tpu.vector_store %arg7[%swap3A_92, %swap3A_93], %swap3A_96 {strides = array<i32>} : memref<50x80xi32, #tpu.memory_space<vmem>>, vector<1x16xi32>,
          %get3A_97 = arith.index_cast %add3A_54 : i32 to index
          %get3A_98 = arith.constant 64 : index
          %get3A_99 = tpu.vector_load %arg7[%get3A_97, %get3A_98] {strides = array<i32>} : memref<50x80xi32, #tpu.memory_space<vmem>>, vector<1x16xi32>,
          %get3A_100 = vector.shape_cast %get3A_99 : vector<1x16xi32> to vector<16xi32>
          %add3A_101 = vector.broadcast %mul3A_11 : i32 to vector<16xi32>
          %add3A_102 = arith.addi %get3A_100, %add3A_101 : vector<16xi32>
          %swap3A_103 = arith.index_cast %add3A_54 : i32 to index
          %swap3A_104 = arith.constant 64 : index
          %swap3A_105 = tpu.vector_load %arg7[%swap3A_103, %swap3A_104] {strides = array<i32>} : memref<50x80xi32, #tpu.memory_space<vmem>>, vector<1x16xi32>,
          %swap3A_106 = vector.shape_cast %swap3A_105 : vector<1x16xi32> to vector<16xi32>
          %swap3A_107 = vector.shape_cast %add3A_102 : vector<16xi32> to vector<1x16xi32>
          tpu.vector_store %arg7[%swap3A_103, %swap3A_104], %swap3A_107 {strides = array<i32>} : memref<50x80xi32, #tpu.memory_space<vmem>>, vector<1x16xi32>,
        }
        %scan3A_38 = arith.constant 50 : i32
        %dma_start3A = arith.constant 0 : i32
        %dma_start3A_39 = arith.constant 0 : i32
        %dma_start3A_40 = tpu.memref_slice %arg7[%dma_start3A, %dma_start3A_39] : memref<50x80xi32, #tpu.memory_space<vmem>> -> memref<1x80xi32, #tpu.memory_space<vmem>>
        %dma_start3A_41 = tpu.memref_squeeze %dma_start3A_40 : memref<1x80xi32, #tpu.memory_space<vmem>> -> memref<80xi32, #tpu.memory_space<vmem>>
        %dma_start3A_42 = arith.constant 0 : i32
        %dma_start3A_43 = arith.constant 0 : i32
        %dma_start3A_44 = tpu.memref_slice %arg2[%dma_start3A_42, %dma_start3A_43] : memref<327680x128xf32, #tpu.memory_space<hbm>> -> memref<327680x128xf32, #tpu.memory_space<hbm>>
        tpu.enqueue_indirect_dma source(%dma_start3A_44 : memref<327680x128xf32, #tpu.memory_space<hbm>>) target(%arg9 : memref<80x128xf32, #tpu.memory_space<vmem>>) offsets(%dma_start3A_41 : memref<80xi32, #tpu.memory_space<vmem>>) semaphore(%arg11 : memref<!tpu.dma_semaphore, #tpu.memory_space<semaphore_mem>>)
        %scan3A_45 = arith.constant 0 : i32
        %scan3A_46 = arith.constant 25 : i32
        %scan3A_47 = arith.addi %scan3A_45, %scan3A_46 : i32
        %scan3A_48 = arith.constant 1 : i32
        scf.for %scan3A_50 = %scan3A_45 to %scan3A_47 step %scan3A_48  : i32 {
          %mul3A_51 = arith.constant 2 : i32
          %mul3A_52 = arith.muli %scan3A_50, %mul3A_51 : i32
          %add3A_53 = arith.constant 0 : i32
          %add3A_54 = arith.addi %add3A_53, %mul3A_52 : i32
          %add3A_55 = arith.constant 1 : i32
          %add3A_56 = arith.addi %add3A_54, %add3A_55 : i32
          %dma_start3A_57 = arith.constant 0 : i32
          %dma_start3A_58 = tpu.memref_slice %arg7[%add3A_56, %dma_start3A_57] : memref<50x80xi32, #tpu.memory_space<vmem>> -> memref<1x80xi32, #tpu.memory_space<vmem>>
          %dma_start3A_59 = tpu.memref_squeeze %dma_start3A_58 : memref<1x80xi32, #tpu.memory_space<vmem>> -> memref<80xi32, #tpu.memory_space<vmem>>
          %dma_start3A_60 = arith.constant 0 : i32
          %dma_start3A_61 = arith.constant 0 : i32
          %dma_start3A_62 = tpu.memref_slice %arg2[%dma_start3A_60, %dma_start3A_61] : memref<327680x128xf32, #tpu.memory_space<hbm>> -> memref<327680x128xf32, #tpu.memory_space<hbm>>
          tpu.enqueue_indirect_dma source(%dma_start3A_62 : memref<327680x128xf32, #tpu.memory_space<hbm>>) target(%arg10 : memref<80x128xf32, #tpu.memory_space<vmem>>) offsets(%dma_start3A_59 : memref<80xi32, #tpu.memory_space<vmem>>) semaphore(%arg12 : memref<!tpu.dma_semaphore, #tpu.memory_space<semaphore_mem>>)
          %dma_wait3A = arith.constant 0 : i32
          %dma_wait3A_63 = tpu.memref_slice %arg7[%add3A_54, %dma_wait3A] : memref<50x80xi32, #tpu.memory_space<vmem>> -> memref<1x80xi32, #tpu.memory_space<vmem>>
          %dma_wait3A_64 = tpu.memref_squeeze %dma_wait3A_63 : memref<1x80xi32, #tpu.memory_space<vmem>> -> memref<80xi32, #tpu.memory_space<vmem>>
          %dma_wait3A_65 = arith.constant 0 : i32
          %dma_wait3A_66 = arith.constant 0 : i32
          %dma_wait3A_67 = tpu.memref_slice %arg2[%dma_wait3A_65, %dma_wait3A_66] : memref<327680x128xf32, #tpu.memory_space<hbm>> -> memref<327680x128xf32, #tpu.memory_space<hbm>>
          tpu.wait_indirect_dma semaphore(%arg11 : memref<!tpu.dma_semaphore, #tpu.memory_space<semaphore_mem>>) src(%dma_wait3A_67 : memref<327680x128xf32, #tpu.memory_space<hbm>>) dst(%arg9 : memref<80x128xf32, #tpu.memory_space<vmem>>)
          "tpu.region"() ({
            %run_scoped3A = tpu.sem_alloc : memref<!tpu.dma_semaphore, #tpu.memory_space<semaphore_mem>>
            %dma_start3A_82 = arith.constant 0 : i32
            %dma_start3A_83 = tpu.memref_slice %arg8[%add3A_54, %dma_start3A_82] : memref<50x80xi32, #tpu.memory_space<vmem>> -> memref<1x80xi32, #tpu.memory_space<vmem>>
            %dma_start3A_84 = tpu.memref_squeeze %dma_start3A_83 : memref<1x80xi32, #tpu.memory_space<vmem>> -> memref<80xi32, #tpu.memory_space<vmem>>
            %dma_start3A_85 = arith.constant 0 : i32
            %dma_start3A_86 = arith.constant 0 : i32
            %dma_start3A_87 = tpu.memref_slice %arg6[%dma_start3A_85, %dma_start3A_86] : memref<10240x128xf32, #tpu.memory_space<vmem_shared>> -> memref<10240x128xf32, #tpu.memory_space<vmem_shared>>
            tpu.enqueue_indirect_dma source(%arg9 : memref<80x128xf32, #tpu.memory_space<vmem>>) target(%dma_start3A_87 : memref<10240x128xf32, #tpu.memory_space<vmem_shared>>) offsets(%dma_start3A_84 : memref<80xi32, #tpu.memory_space<vmem>>) semaphore(%run_scoped3A : memref<!tpu.dma_semaphore, #tpu.memory_space<semaphore_mem>>) {add = true}
            %dma_wait3A_88 = arith.constant 0 : i32
            %dma_wait3A_89 = tpu.memref_slice %arg8[%add3A_54, %dma_wait3A_88] : memref<50x80xi32, #tpu.memory_space<vmem>> -> memref<1x80xi32, #tpu.memory_space<vmem>>
            %dma_wait3A_90 = tpu.memref_squeeze %dma_wait3A_89 : memref<1x80xi32, #tpu.memory_space<vmem>> -> memref<80xi32, #tpu.memory_space<vmem>>
            %dma_wait3A_91 = arith.constant 0 : i32
            %dma_wait3A_92 = arith.constant 0 : i32
            %dma_wait3A_93 = tpu.memref_slice %arg6[%dma_wait3A_91, %dma_wait3A_92] : memref<10240x128xf32, #tpu.memory_space<vmem_shared>> -> memref<10240x128xf32, #tpu.memory_space<vmem_shared>>
            tpu.wait_indirect_dma semaphore(%run_scoped3A : memref<!tpu.dma_semaphore, #tpu.memory_space<semaphore_mem>>) src(%arg9 : memref<80x128xf32, #tpu.memory_space<vmem>>) dst(%dma_wait3A_93 : memref<10240x128xf32, #tpu.memory_space<vmem_shared>>)
            tpu.yield
          }) : () -> ()
          %add3A_68 = arith.constant 2 : i32
          %add3A_69 = arith.addi %add3A_54, %add3A_68 : i32
          %lt3A = arith.constant 50 : i32
          %lt3A_70 = arith.cmpi slt, %add3A_69, %lt3A : i32
          %convert_element_type3A = arith.extui %lt3A_70 : i1 to i32
          %cond3A = arith.constant 0 : i32
          %cond3A_71 = arith.cmpi ne, %convert_element_type3A, %cond3A : i32
          scf.if %cond3A_71 {
            %add3A_82 = arith.constant 2 : i32
            %add3A_83 = arith.addi %add3A_54, %add3A_82 : i32
            %dma_start3A_84 = arith.constant 0 : i32
            %dma_start3A_85 = tpu.memref_slice %arg7[%add3A_83, %dma_start3A_84] : memref<50x80xi32, #tpu.memory_space<vmem>> -> memref<1x80xi32, #tpu.memory_space<vmem>>
            %dma_start3A_86 = tpu.memref_squeeze %dma_start3A_85 : memref<1x80xi32, #tpu.memory_space<vmem>> -> memref<80xi32, #tpu.memory_space<vmem>>
            %dma_start3A_87 = arith.constant 0 : i32
            %dma_start3A_88 = arith.constant 0 : i32
            %dma_start3A_89 = tpu.memref_slice %arg2[%dma_start3A_87, %dma_start3A_88] : memref<327680x128xf32, #tpu.memory_space<hbm>> -> memref<327680x128xf32, #tpu.memory_space<hbm>>
            tpu.enqueue_indirect_dma source(%dma_start3A_89 : memref<327680x128xf32, #tpu.memory_space<hbm>>) target(%arg9 : memref<80x128xf32, #tpu.memory_space<vmem>>) offsets(%dma_start3A_86 : memref<80xi32, #tpu.memory_space<vmem>>) semaphore(%arg11 : memref<!tpu.dma_semaphore, #tpu.memory_space<semaphore_mem>>)
          } else {
          }
          %add3A_72 = arith.constant 1 : i32
          %add3A_73 = arith.addi %add3A_54, %add3A_72 : i32
          %dma_wait3A_74 = arith.constant 0 : i32
          %dma_wait3A_75 = tpu.memref_slice %arg7[%add3A_73, %dma_wait3A_74] : memref<50x80xi32, #tpu.memory_space<vmem>> -> memref<1x80xi32, #tpu.memory_space<vmem>>
          %dma_wait3A_76 = tpu.memref_squeeze %dma_wait3A_75 : memref<1x80xi32, #tpu.memory_space<vmem>> -> memref<80xi32, #tpu.memory_space<vmem>>
          %dma_wait3A_77 = arith.constant 0 : i32
          %dma_wait3A_78 = arith.constant 0 : i32
          %dma_wait3A_79 = tpu.memref_slice %arg2[%dma_wait3A_77, %dma_wait3A_78] : memref<327680x128xf32, #tpu.memory_space<hbm>> -> memref<327680x128xf32, #tpu.memory_space<hbm>>
          tpu.wait_indirect_dma semaphore(%arg12 : memref<!tpu.dma_semaphore, #tpu.memory_space<semaphore_mem>>) src(%dma_wait3A_79 : memref<327680x128xf32, #tpu.memory_space<hbm>>) dst(%arg10 : memref<80x128xf32, #tpu.memory_space<vmem>>)
          %add3A_80 = arith.constant 1 : i32
          %add3A_81 = arith.addi %add3A_54, %add3A_80 : i32
          "tpu.region"() ({
            %run_scoped3A = tpu.sem_alloc : memref<!tpu.dma_semaphore, #tpu.memory_space<semaphore_mem>>
            %dma_start3A_82 = arith.constant 0 : i32
            %dma_start3A_83 = tpu.memref_slice %arg8[%add3A_81, %dma_start3A_82] : memref<50x80xi32, #tpu.memory_space<vmem>> -> memref<1x80xi32, #tpu.memory_space<vmem>>
            %dma_start3A_84 = tpu.memref_squeeze %dma_start3A_83 : memref<1x80xi32, #tpu.memory_space<vmem>> -> memref<80xi32, #tpu.memory_space<vmem>>
            %dma_start3A_85 = arith.constant 0 : i32
            %dma_start3A_86 = arith.constant 0 : i32
            %dma_start3A_87 = tpu.memref_slice %arg6[%dma_start3A_85, %dma_start3A_86] : memref<10240x128xf32, #tpu.memory_space<vmem_shared>> -> memref<10240x128xf32, #tpu.memory_space<vmem_shared>>
            tpu.enqueue_indirect_dma source(%arg10 : memref<80x128xf32, #tpu.memory_space<vmem>>) target(%dma_start3A_87 : memref<10240x128xf32, #tpu.memory_space<vmem_shared>>) offsets(%dma_start3A_84 : memref<80xi32, #tpu.memory_space<vmem>>) semaphore(%run_scoped3A : memref<!tpu.dma_semaphore, #tpu.memory_space<semaphore_mem>>) {add = true}
            %dma_wait3A_88 = arith.constant 0 : i32
            %dma_wait3A_89 = tpu.memref_slice %arg8[%add3A_81, %dma_wait3A_88] : memref<50x80xi32, #tpu.memory_space<vmem>> -> memref<1x80xi32, #tpu.memory_space<vmem>>
            %dma_wait3A_90 = tpu.memref_squeeze %dma_wait3A_89 : memref<1x80xi32, #tpu.memory_space<vmem>> -> memref<80xi32, #tpu.memory_space<vmem>>
            %dma_wait3A_91 = arith.constant 0 : i32
            %dma_wait3A_92 = arith.constant 0 : i32
            %dma_wait3A_93 = tpu.memref_slice %arg6[%dma_wait3A_91, %dma_wait3A_92] : memref<10240x128xf32, #tpu.memory_space<vmem_shared>> -> memref<10240x128xf32, #tpu.memory_space<vmem_shared>>
            tpu.wait_indirect_dma semaphore(%run_scoped3A : memref<!tpu.dma_semaphore, #tpu.memory_space<semaphore_mem>>) src(%arg10 : memref<80x128xf32, #tpu.memory_space<vmem>>) dst(%dma_wait3A_93 : memref<10240x128xf32, #tpu.memory_space<vmem_shared>>)
            tpu.yield
          }) : () -> ()
        }
        %scan3A_49 = arith.constant 25 : i32
      }
      %scan3A_21 = arith.constant 5 : i32
      %barrier3A_22 = arith.constant 0 : index
      tpu.barrier barrier_id(%barrier3A_22)
      %mul3A_23 = arith.constant 640 : i32
      %mul3A_24 = arith.muli %arg1, %mul3A_23 : i32
      %mul3A_25 = arith.constant 640 : i32
      %mul3A_26 = arith.muli %arg1, %mul3A_25 : i32
      %add3A_27 = arith.addi %mul3A_11, %mul3A_26 : i32
      "tpu.region"() ({
        %run_scoped3A = tpu.sem_alloc : memref<!tpu.dma_semaphore, #tpu.memory_space<semaphore_mem>>
        %dma_start3A = arith.constant 0 : i32
        %dma_start3A_29 = tpu.memref_slice %arg5[%add3A_27, %dma_start3A] : memref<327680x128xf32, #tpu.memory_space<hbm>> -> memref<640x128xf32, #tpu.memory_space<hbm>>
        %dma_start3A_30 = arith.constant 0 : i32
        %dma_start3A_31 = tpu.memref_slice %arg6[%mul3A_24, %dma_start3A_30] : memref<10240x128xf32, #tpu.memory_space<vmem_shared>> -> memref<640x128xf32, #tpu.memory_space<vmem_shared>>
        tpu.enqueue_dma source(%dma_start3A_31 : memref<640x128xf32, #tpu.memory_space<vmem_shared>>) target(%dma_start3A_29 : memref<640x128xf32, #tpu.memory_space<hbm>>) target_semaphore(%run_scoped3A : memref<!tpu.dma_semaphore, #tpu.memory_space<semaphore_mem>>)
        %dma_wait3A = arith.constant 0 : i32
        %dma_wait3A_32 = tpu.memref_slice %arg5[%add3A_27, %dma_wait3A] : memref<327680x128xf32, #tpu.memory_space<hbm>> -> memref<640x128xf32, #tpu.memory_space<hbm>>
        %dma_wait3A_33 = arith.constant 0 : i32
        %dma_wait3A_34 = tpu.memref_slice %arg6[%mul3A_24, %dma_wait3A_33] : memref<10240x128xf32, #tpu.memory_space<vmem_shared>> -> memref<640x128xf32, #tpu.memory_space<vmem_shared>>
        tpu.wait_dma2 semaphore(%run_scoped3A : memref<!tpu.dma_semaphore, #tpu.memory_space<semaphore_mem>>) src(%dma_wait3A_34 : memref<640x128xf32, #tpu.memory_space<vmem_shared>>) dst(%dma_wait3A_32 : memref<640x128xf32, #tpu.memory_space<hbm>>)
        tpu.yield
      }) : () -> ()
      %barrier3A_28 = arith.constant 0 : index
      tpu.barrier barrier_id(%barrier3A_28)
    }
    %scan3A_3 = arith.constant 16 : i32
    return
  }
}

#map = affine_map<(d0, d1) -> (0, 0)>
#map1 = affine_map<(d0, d1) -> (0, 0, 0, 0)>
module attributes {stable_mosaic.version = 14 : i64} {
  func.func @agg_k(%arg0: i32, %arg1: i32, %arg2: memref<20480x128xf32, #tpu.memory_space<hbm>>, %arg3: memref<16x5x50x80xi32, #tpu.memory_space<hbm>>, %arg4: memref<16x5x50x80xi32, #tpu.memory_space<hbm>>, %arg5: memref<20480x128xf32, #tpu.memory_space<hbm>>, %arg6: memref<10240x128xf32, #tpu.memory_space<vmem_shared>>, %arg7: memref<50x80xi32, #tpu.memory_space<vmem>>, %arg8: memref<50x80xi32, #tpu.memory_space<vmem>>, %arg9: memref<80x128xf32, #tpu.memory_space<vmem>>, %arg10: memref<80x128xf32, #tpu.memory_space<vmem>>, %arg11: memref<!tpu.dma_semaphore, #tpu.memory_space<semaphore_mem>>, %arg12: memref<!tpu.dma_semaphore, #tpu.memory_space<semaphore_mem>>) attributes {dimension_semantics = [#tpu.dimension_semantics<core_parallel>, #tpu.dimension_semantics<subcore_parallel>], iteration_bounds = array<i64: 2, 16>, scalar_prefetch = 0 : i64, scratch_operands = 7 : i64, tpu.core_type = #tpu.core_type<sc_vector_subcore>, window_params = [{transform_indices = #map}, {transform_indices = #map1}, {transform_indices = #map1}, {transform_indices = #map}]} {
    %scan3A = arith.constant 0 : i32
    %mul3A = arith.constant 1 : i32
    %mul3A_0 = arith.muli %scan3A, %mul3A : i32
    %add3A = arith.constant 0 : i32
    %add3A_1 = arith.addi %add3A, %mul3A_0 : i32
    %mul3A_2 = arith.constant 1 : i32
    %mul3A_3 = arith.muli %arg0, %mul3A_2 : i32
    %add3A_4 = arith.addi %mul3A_3, %add3A_1 : i32
    %mul3A_5 = arith.constant 10240 : i32
    %mul3A_6 = arith.muli %add3A_4, %mul3A_5 : i32
    %mul3A_7 = arith.constant 640 : i32
    %mul3A_8 = arith.muli %arg1, %mul3A_7 : i32
    %add3A_9 = arith.addi %mul3A_6, %mul3A_8 : i32
    %mul3A_10 = arith.constant 640 : i32
    %mul3A_11 = arith.muli %arg1, %mul3A_10 : i32
    "tpu.region"() ({
      %run_scoped3A = tpu.sem_alloc : memref<!tpu.dma_semaphore, #tpu.memory_space<semaphore_mem>>
      %dma_start3A = arith.constant 0 : i32
      %dma_start3A_25 = tpu.memref_slice %arg6[%mul3A_11, %dma_start3A] : memref<10240x128xf32, #tpu.memory_space<vmem_shared>> -> memref<640x128xf32, #tpu.memory_space<vmem_shared>>
      %dma_start3A_26 = arith.constant 0 : i32
      %dma_start3A_27 = tpu.memref_slice %arg2[%add3A_9, %dma_start3A_26] : memref<20480x128xf32, #tpu.memory_space<hbm>> -> memref<640x128xf32, #tpu.memory_space<hbm>>
      tpu.enqueue_dma source(%dma_start3A_27 : memref<640x128xf32, #tpu.memory_space<hbm>>) target(%dma_start3A_25 : memref<640x128xf32, #tpu.memory_space<vmem_shared>>) target_semaphore(%run_scoped3A : memref<!tpu.dma_semaphore, #tpu.memory_space<semaphore_mem>>)
      %dma_wait3A = arith.constant 0 : i32
      %dma_wait3A_28 = tpu.memref_slice %arg6[%mul3A_11, %dma_wait3A] : memref<10240x128xf32, #tpu.memory_space<vmem_shared>> -> memref<640x128xf32, #tpu.memory_space<vmem_shared>>
      %dma_wait3A_29 = arith.constant 0 : i32
      %dma_wait3A_30 = tpu.memref_slice %arg2[%add3A_9, %dma_wait3A_29] : memref<20480x128xf32, #tpu.memory_space<hbm>> -> memref<640x128xf32, #tpu.memory_space<hbm>>
      tpu.wait_dma2 semaphore(%run_scoped3A : memref<!tpu.dma_semaphore, #tpu.memory_space<semaphore_mem>>) src(%dma_wait3A_30 : memref<640x128xf32, #tpu.memory_space<hbm>>) dst(%dma_wait3A_28 : memref<640x128xf32, #tpu.memory_space<vmem_shared>>)
      tpu.yield
    }) : () -> ()
    %barrier3A = arith.constant 0 : index
    tpu.barrier barrier_id(%barrier3A)
    %scan3A_12 = arith.constant 0 : i32
    %scan3A_13 = arith.constant 5 : i32
    %scan3A_14 = arith.addi %scan3A_12, %scan3A_13 : i32
    %scan3A_15 = arith.constant 1 : i32
    scf.for %scan3A_25 = %scan3A_12 to %scan3A_14 step %scan3A_15  : i32 {
      %mul3A_26 = arith.constant 1 : i32
      %mul3A_27 = arith.muli %scan3A_25, %mul3A_26 : i32
      %add3A_28 = arith.constant 0 : i32
      %add3A_29 = arith.addi %add3A_28, %mul3A_27 : i32
      "tpu.region"() ({
        %run_scoped3A = tpu.sem_alloc : memref<!tpu.dma_semaphore, #tpu.memory_space<semaphore_mem>>
        %dma_start3A_46 = arith.constant 0 : i32
        %dma_start3A_47 = arith.constant 0 : i32
        %dma_start3A_48 = tpu.memref_slice %arg3[%arg1, %add3A_29, %dma_start3A_46, %dma_start3A_47] : memref<16x5x50x80xi32, #tpu.memory_space<hbm>> -> memref<1x1x50x80xi32, #tpu.memory_space<hbm>>
        %dma_start3A_49 = tpu.memref_squeeze %dma_start3A_48 : memref<1x1x50x80xi32, #tpu.memory_space<hbm>> -> memref<50x80xi32, #tpu.memory_space<hbm>>
        %dma_start3A_50 = arith.constant 0 : i32
        %dma_start3A_51 = arith.constant 0 : i32
        %dma_start3A_52 = tpu.memref_slice %arg3[%arg1, %add3A_29, %dma_start3A_50, %dma_start3A_51] : memref<16x5x50x80xi32, #tpu.memory_space<hbm>> -> memref<1x1x50x80xi32, #tpu.memory_space<hbm>>
        %dma_start3A_53 = tpu.memref_squeeze %dma_start3A_52 : memref<1x1x50x80xi32, #tpu.memory_space<hbm>> -> memref<50x80xi32, #tpu.memory_space<hbm>>
        tpu.enqueue_dma source(%dma_start3A_53 : memref<50x80xi32, #tpu.memory_space<hbm>>) target(%arg7 : memref<50x80xi32, #tpu.memory_space<vmem>>) target_semaphore(%run_scoped3A : memref<!tpu.dma_semaphore, #tpu.memory_space<semaphore_mem>>)
        %dma_wait3A = arith.constant 0 : i32
        %dma_wait3A_54 = arith.constant 0 : i32
        %dma_wait3A_55 = tpu.memref_slice %arg3[%arg1, %add3A_29, %dma_wait3A, %dma_wait3A_54] : memref<16x5x50x80xi32, #tpu.memory_space<hbm>> -> memref<1x1x50x80xi32, #tpu.memory_space<hbm>>
        %dma_wait3A_56 = tpu.memref_squeeze %dma_wait3A_55 : memref<1x1x50x80xi32, #tpu.memory_space<hbm>> -> memref<50x80xi32, #tpu.memory_space<hbm>>
        %dma_wait3A_57 = arith.constant 0 : i32
        %dma_wait3A_58 = arith.constant 0 : i32
        %dma_wait3A_59 = tpu.memref_slice %arg3[%arg1, %add3A_29, %dma_wait3A_57, %dma_wait3A_58] : memref<16x5x50x80xi32, #tpu.memory_space<hbm>> -> memref<1x1x50x80xi32, #tpu.memory_space<hbm>>
        %dma_wait3A_60 = tpu.memref_squeeze %dma_wait3A_59 : memref<1x1x50x80xi32, #tpu.memory_space<hbm>> -> memref<50x80xi32, #tpu.memory_space<hbm>>
        tpu.wait_dma2 semaphore(%run_scoped3A : memref<!tpu.dma_semaphore, #tpu.memory_space<semaphore_mem>>) src(%dma_wait3A_60 : memref<50x80xi32, #tpu.memory_space<hbm>>) dst(%arg7 : memref<50x80xi32, #tpu.memory_space<vmem>>)
        tpu.yield
      }) : () -> ()
      "tpu.region"() ({
        %run_scoped3A = tpu.sem_alloc : memref<!tpu.dma_semaphore, #tpu.memory_space<semaphore_mem>>
        %dma_start3A_46 = arith.constant 0 : i32
        %dma_start3A_47 = arith.constant 0 : i32
        %dma_start3A_48 = tpu.memref_slice %arg4[%arg1, %add3A_29, %dma_start3A_46, %dma_start3A_47] : memref<16x5x50x80xi32, #tpu.memory_space<hbm>> -> memref<1x1x50x80xi32, #tpu.memory_space<hbm>>
        %dma_start3A_49 = tpu.memref_squeeze %dma_start3A_48 : memref<1x1x50x80xi32, #tpu.memory_space<hbm>> -> memref<50x80xi32, #tpu.memory_space<hbm>>
        %dma_start3A_50 = arith.constant 0 : i32
        %dma_start3A_51 = arith.constant 0 : i32
        %dma_start3A_52 = tpu.memref_slice %arg4[%arg1, %add3A_29, %dma_start3A_50, %dma_start3A_51] : memref<16x5x50x80xi32, #tpu.memory_space<hbm>> -> memref<1x1x50x80xi32, #tpu.memory_space<hbm>>
        %dma_start3A_53 = tpu.memref_squeeze %dma_start3A_52 : memref<1x1x50x80xi32, #tpu.memory_space<hbm>> -> memref<50x80xi32, #tpu.memory_space<hbm>>
        tpu.enqueue_dma source(%dma_start3A_53 : memref<50x80xi32, #tpu.memory_space<hbm>>) target(%arg8 : memref<50x80xi32, #tpu.memory_space<vmem>>) target_semaphore(%run_scoped3A : memref<!tpu.dma_semaphore, #tpu.memory_space<semaphore_mem>>)
        %dma_wait3A = arith.constant 0 : i32
        %dma_wait3A_54 = arith.constant 0 : i32
        %dma_wait3A_55 = tpu.memref_slice %arg4[%arg1, %add3A_29, %dma_wait3A, %dma_wait3A_54] : memref<16x5x50x80xi32, #tpu.memory_space<hbm>> -> memref<1x1x50x80xi32, #tpu.memory_space<hbm>>
        %dma_wait3A_56 = tpu.memref_squeeze %dma_wait3A_55 : memref<1x1x50x80xi32, #tpu.memory_space<hbm>> -> memref<50x80xi32, #tpu.memory_space<hbm>>
        %dma_wait3A_57 = arith.constant 0 : i32
        %dma_wait3A_58 = arith.constant 0 : i32
        %dma_wait3A_59 = tpu.memref_slice %arg4[%arg1, %add3A_29, %dma_wait3A_57, %dma_wait3A_58] : memref<16x5x50x80xi32, #tpu.memory_space<hbm>> -> memref<1x1x50x80xi32, #tpu.memory_space<hbm>>
        %dma_wait3A_60 = tpu.memref_squeeze %dma_wait3A_59 : memref<1x1x50x80xi32, #tpu.memory_space<hbm>> -> memref<50x80xi32, #tpu.memory_space<hbm>>
        tpu.wait_dma2 semaphore(%run_scoped3A : memref<!tpu.dma_semaphore, #tpu.memory_space<semaphore_mem>>) src(%dma_wait3A_60 : memref<50x80xi32, #tpu.memory_space<hbm>>) dst(%arg8 : memref<50x80xi32, #tpu.memory_space<vmem>>)
        tpu.yield
      }) : () -> ()
      %scan3A_30 = arith.constant 0 : i32
      %scan3A_31 = arith.constant 50 : i32
      %scan3A_32 = arith.addi %scan3A_30, %scan3A_31 : i32
      %scan3A_33 = arith.constant 1 : i32
      scf.for %scan3A_46 = %scan3A_30 to %scan3A_32 step %scan3A_33  : i32 {
        %mul3A_47 = arith.constant 1 : i32
        %mul3A_48 = arith.muli %scan3A_46, %mul3A_47 : i32
        %add3A_49 = arith.constant 0 : i32
        %add3A_50 = arith.addi %add3A_49, %mul3A_48 : i32
        %get3A = arith.index_cast %add3A_50 : i32 to index
        %get3A_51 = arith.constant 0 : index
        %get3A_52 = tpu.vector_load %arg7[%get3A, %get3A_51] {strides = array<i32>} : memref<50x80xi32, #tpu.memory_space<vmem>>, vector<1x16xi32>,
        %get3A_53 = vector.shape_cast %get3A_52 : vector<1x16xi32> to vector<16xi32>
        %add3A_54 = vector.broadcast %mul3A_6 : i32 to vector<16xi32>
        %add3A_55 = arith.addi %get3A_53, %add3A_54 : vector<16xi32>
        %swap3A = arith.index_cast %add3A_50 : i32 to index
        %swap3A_56 = arith.constant 0 : index
        %swap3A_57 = tpu.vector_load %arg7[%swap3A, %swap3A_56] {strides = array<i32>} : memref<50x80xi32, #tpu.memory_space<vmem>>, vector<1x16xi32>,
        %swap3A_58 = vector.shape_cast %swap3A_57 : vector<1x16xi32> to vector<16xi32>
        %swap3A_59 = vector.shape_cast %add3A_55 : vector<16xi32> to vector<1x16xi32>
        tpu.vector_store %arg7[%swap3A, %swap3A_56], %swap3A_59 {strides = array<i32>} : memref<50x80xi32, #tpu.memory_space<vmem>>, vector<1x16xi32>,
        %get3A_60 = arith.index_cast %add3A_50 : i32 to index
        %get3A_61 = arith.constant 16 : index
        %get3A_62 = tpu.vector_load %arg7[%get3A_60, %get3A_61] {strides = array<i32>} : memref<50x80xi32, #tpu.memory_space<vmem>>, vector<1x16xi32>,
        %get3A_63 = vector.shape_cast %get3A_62 : vector<1x16xi32> to vector<16xi32>
        %add3A_64 = vector.broadcast %mul3A_6 : i32 to vector<16xi32>
        %add3A_65 = arith.addi %get3A_63, %add3A_64 : vector<16xi32>
        %swap3A_66 = arith.index_cast %add3A_50 : i32 to index
        %swap3A_67 = arith.constant 16 : index
        %swap3A_68 = tpu.vector_load %arg7[%swap3A_66, %swap3A_67] {strides = array<i32>} : memref<50x80xi32, #tpu.memory_space<vmem>>, vector<1x16xi32>,
        %swap3A_69 = vector.shape_cast %swap3A_68 : vector<1x16xi32> to vector<16xi32>
        %swap3A_70 = vector.shape_cast %add3A_65 : vector<16xi32> to vector<1x16xi32>
        tpu.vector_store %arg7[%swap3A_66, %swap3A_67], %swap3A_70 {strides = array<i32>} : memref<50x80xi32, #tpu.memory_space<vmem>>, vector<1x16xi32>,
        %get3A_71 = arith.index_cast %add3A_50 : i32 to index
        %get3A_72 = arith.constant 32 : index
        %get3A_73 = tpu.vector_load %arg7[%get3A_71, %get3A_72] {strides = array<i32>} : memref<50x80xi32, #tpu.memory_space<vmem>>, vector<1x16xi32>,
        %get3A_74 = vector.shape_cast %get3A_73 : vector<1x16xi32> to vector<16xi32>
        %add3A_75 = vector.broadcast %mul3A_6 : i32 to vector<16xi32>
        %add3A_76 = arith.addi %get3A_74, %add3A_75 : vector<16xi32>
        %swap3A_77 = arith.index_cast %add3A_50 : i32 to index
        %swap3A_78 = arith.constant 32 : index
        %swap3A_79 = tpu.vector_load %arg7[%swap3A_77, %swap3A_78] {strides = array<i32>} : memref<50x80xi32, #tpu.memory_space<vmem>>, vector<1x16xi32>,
        %swap3A_80 = vector.shape_cast %swap3A_79 : vector<1x16xi32> to vector<16xi32>
        %swap3A_81 = vector.shape_cast %add3A_76 : vector<16xi32> to vector<1x16xi32>
        tpu.vector_store %arg7[%swap3A_77, %swap3A_78], %swap3A_81 {strides = array<i32>} : memref<50x80xi32, #tpu.memory_space<vmem>>, vector<1x16xi32>,
        %get3A_82 = arith.index_cast %add3A_50 : i32 to index
        %get3A_83 = arith.constant 48 : index
        %get3A_84 = tpu.vector_load %arg7[%get3A_82, %get3A_83] {strides = array<i32>} : memref<50x80xi32, #tpu.memory_space<vmem>>, vector<1x16xi32>,
        %get3A_85 = vector.shape_cast %get3A_84 : vector<1x16xi32> to vector<16xi32>
        %add3A_86 = vector.broadcast %mul3A_6 : i32 to vector<16xi32>
        %add3A_87 = arith.addi %get3A_85, %add3A_86 : vector<16xi32>
        %swap3A_88 = arith.index_cast %add3A_50 : i32 to index
        %swap3A_89 = arith.constant 48 : index
        %swap3A_90 = tpu.vector_load %arg7[%swap3A_88, %swap3A_89] {strides = array<i32>} : memref<50x80xi32, #tpu.memory_space<vmem>>, vector<1x16xi32>,
        %swap3A_91 = vector.shape_cast %swap3A_90 : vector<1x16xi32> to vector<16xi32>
        %swap3A_92 = vector.shape_cast %add3A_87 : vector<16xi32> to vector<1x16xi32>
        tpu.vector_store %arg7[%swap3A_88, %swap3A_89], %swap3A_92 {strides = array<i32>} : memref<50x80xi32, #tpu.memory_space<vmem>>, vector<1x16xi32>,
        %get3A_93 = arith.index_cast %add3A_50 : i32 to index
        %get3A_94 = arith.constant 64 : index
        %get3A_95 = tpu.vector_load %arg7[%get3A_93, %get3A_94] {strides = array<i32>} : memref<50x80xi32, #tpu.memory_space<vmem>>, vector<1x16xi32>,
        %get3A_96 = vector.shape_cast %get3A_95 : vector<1x16xi32> to vector<16xi32>
        %add3A_97 = vector.broadcast %mul3A_6 : i32 to vector<16xi32>
        %add3A_98 = arith.addi %get3A_96, %add3A_97 : vector<16xi32>
        %swap3A_99 = arith.index_cast %add3A_50 : i32 to index
        %swap3A_100 = arith.constant 64 : index
        %swap3A_101 = tpu.vector_load %arg7[%swap3A_99, %swap3A_100] {strides = array<i32>} : memref<50x80xi32, #tpu.memory_space<vmem>>, vector<1x16xi32>,
        %swap3A_102 = vector.shape_cast %swap3A_101 : vector<1x16xi32> to vector<16xi32>
        %swap3A_103 = vector.shape_cast %add3A_98 : vector<16xi32> to vector<1x16xi32>
        tpu.vector_store %arg7[%swap3A_99, %swap3A_100], %swap3A_103 {strides = array<i32>} : memref<50x80xi32, #tpu.memory_space<vmem>>, vector<1x16xi32>,
      }
      %scan3A_34 = arith.constant 50 : i32
      %dma_start3A = arith.constant 0 : i32
      %dma_start3A_35 = arith.constant 0 : i32
      %dma_start3A_36 = tpu.memref_slice %arg7[%dma_start3A, %dma_start3A_35] : memref<50x80xi32, #tpu.memory_space<vmem>> -> memref<1x80xi32, #tpu.memory_space<vmem>>
      %dma_start3A_37 = tpu.memref_squeeze %dma_start3A_36 : memref<1x80xi32, #tpu.memory_space<vmem>> -> memref<80xi32, #tpu.memory_space<vmem>>
      %dma_start3A_38 = arith.constant 0 : i32
      %dma_start3A_39 = arith.constant 0 : i32
      %dma_start3A_40 = tpu.memref_slice %arg2[%dma_start3A_38, %dma_start3A_39] : memref<20480x128xf32, #tpu.memory_space<hbm>> -> memref<20480x128xf32, #tpu.memory_space<hbm>>
      tpu.enqueue_indirect_dma source(%dma_start3A_40 : memref<20480x128xf32, #tpu.memory_space<hbm>>) target(%arg9 : memref<80x128xf32, #tpu.memory_space<vmem>>) offsets(%dma_start3A_37 : memref<80xi32, #tpu.memory_space<vmem>>) semaphore(%arg11 : memref<!tpu.dma_semaphore, #tpu.memory_space<semaphore_mem>>)
      %scan3A_41 = arith.constant 0 : i32
      %scan3A_42 = arith.constant 25 : i32
      %scan3A_43 = arith.addi %scan3A_41, %scan3A_42 : i32
      %scan3A_44 = arith.constant 1 : i32
      scf.for %scan3A_46 = %scan3A_41 to %scan3A_43 step %scan3A_44  : i32 {
        %mul3A_47 = arith.constant 2 : i32
        %mul3A_48 = arith.muli %scan3A_46, %mul3A_47 : i32
        %add3A_49 = arith.constant 0 : i32
        %add3A_50 = arith.addi %add3A_49, %mul3A_48 : i32
        %add3A_51 = arith.constant 1 : i32
        %add3A_52 = arith.addi %add3A_50, %add3A_51 : i32
        %dma_start3A_53 = arith.constant 0 : i32
        %dma_start3A_54 = tpu.memref_slice %arg7[%add3A_52, %dma_start3A_53] : memref<50x80xi32, #tpu.memory_space<vmem>> -> memref<1x80xi32, #tpu.memory_space<vmem>>
        %dma_start3A_55 = tpu.memref_squeeze %dma_start3A_54 : memref<1x80xi32, #tpu.memory_space<vmem>> -> memref<80xi32, #tpu.memory_space<vmem>>
        %dma_start3A_56 = arith.constant 0 : i32
        %dma_start3A_57 = arith.constant 0 : i32
        %dma_start3A_58 = tpu.memref_slice %arg2[%dma_start3A_56, %dma_start3A_57] : memref<20480x128xf32, #tpu.memory_space<hbm>> -> memref<20480x128xf32, #tpu.memory_space<hbm>>
        tpu.enqueue_indirect_dma source(%dma_start3A_58 : memref<20480x128xf32, #tpu.memory_space<hbm>>) target(%arg10 : memref<80x128xf32, #tpu.memory_space<vmem>>) offsets(%dma_start3A_55 : memref<80xi32, #tpu.memory_space<vmem>>) semaphore(%arg12 : memref<!tpu.dma_semaphore, #tpu.memory_space<semaphore_mem>>)
        %dma_wait3A = arith.constant 0 : i32
        %dma_wait3A_59 = tpu.memref_slice %arg7[%add3A_50, %dma_wait3A] : memref<50x80xi32, #tpu.memory_space<vmem>> -> memref<1x80xi32, #tpu.memory_space<vmem>>
        %dma_wait3A_60 = tpu.memref_squeeze %dma_wait3A_59 : memref<1x80xi32, #tpu.memory_space<vmem>> -> memref<80xi32, #tpu.memory_space<vmem>>
        %dma_wait3A_61 = arith.constant 0 : i32
        %dma_wait3A_62 = arith.constant 0 : i32
        %dma_wait3A_63 = tpu.memref_slice %arg2[%dma_wait3A_61, %dma_wait3A_62] : memref<20480x128xf32, #tpu.memory_space<hbm>> -> memref<20480x128xf32, #tpu.memory_space<hbm>>
        tpu.wait_indirect_dma semaphore(%arg11 : memref<!tpu.dma_semaphore, #tpu.memory_space<semaphore_mem>>) src(%dma_wait3A_63 : memref<20480x128xf32, #tpu.memory_space<hbm>>) dst(%arg9 : memref<80x128xf32, #tpu.memory_space<vmem>>)
        "tpu.region"() ({
          %run_scoped3A = tpu.sem_alloc : memref<!tpu.dma_semaphore, #tpu.memory_space<semaphore_mem>>
          %dma_start3A_78 = arith.constant 0 : i32
          %dma_start3A_79 = tpu.memref_slice %arg8[%add3A_50, %dma_start3A_78] : memref<50x80xi32, #tpu.memory_space<vmem>> -> memref<1x80xi32, #tpu.memory_space<vmem>>
          %dma_start3A_80 = tpu.memref_squeeze %dma_start3A_79 : memref<1x80xi32, #tpu.memory_space<vmem>> -> memref<80xi32, #tpu.memory_space<vmem>>
          %dma_start3A_81 = arith.constant 0 : i32
          %dma_start3A_82 = arith.constant 0 : i32
          %dma_start3A_83 = tpu.memref_slice %arg6[%dma_start3A_81, %dma_start3A_82] : memref<10240x128xf32, #tpu.memory_space<vmem_shared>> -> memref<10240x128xf32, #tpu.memory_space<vmem_shared>>
          tpu.enqueue_indirect_dma source(%arg9 : memref<80x128xf32, #tpu.memory_space<vmem>>) target(%dma_start3A_83 : memref<10240x128xf32, #tpu.memory_space<vmem_shared>>) offsets(%dma_start3A_80 : memref<80xi32, #tpu.memory_space<vmem>>) semaphore(%run_scoped3A : memref<!tpu.dma_semaphore, #tpu.memory_space<semaphore_mem>>) {add = true}
          %dma_wait3A_84 = arith.constant 0 : i32
          %dma_wait3A_85 = tpu.memref_slice %arg8[%add3A_50, %dma_wait3A_84] : memref<50x80xi32, #tpu.memory_space<vmem>> -> memref<1x80xi32, #tpu.memory_space<vmem>>
          %dma_wait3A_86 = tpu.memref_squeeze %dma_wait3A_85 : memref<1x80xi32, #tpu.memory_space<vmem>> -> memref<80xi32, #tpu.memory_space<vmem>>
          %dma_wait3A_87 = arith.constant 0 : i32
          %dma_wait3A_88 = arith.constant 0 : i32
          %dma_wait3A_89 = tpu.memref_slice %arg6[%dma_wait3A_87, %dma_wait3A_88] : memref<10240x128xf32, #tpu.memory_space<vmem_shared>> -> memref<10240x128xf32, #tpu.memory_space<vmem_shared>>
          tpu.wait_indirect_dma semaphore(%run_scoped3A : memref<!tpu.dma_semaphore, #tpu.memory_space<semaphore_mem>>) src(%arg9 : memref<80x128xf32, #tpu.memory_space<vmem>>) dst(%dma_wait3A_89 : memref<10240x128xf32, #tpu.memory_space<vmem_shared>>)
          tpu.yield
        }) : () -> ()
        %add3A_64 = arith.constant 2 : i32
        %add3A_65 = arith.addi %add3A_50, %add3A_64 : i32
        %lt3A = arith.constant 50 : i32
        %lt3A_66 = arith.cmpi slt, %add3A_65, %lt3A : i32
        %convert_element_type3A = arith.extui %lt3A_66 : i1 to i32
        %cond3A = arith.constant 0 : i32
        %cond3A_67 = arith.cmpi ne, %convert_element_type3A, %cond3A : i32
        scf.if %cond3A_67 {
          %add3A_78 = arith.constant 2 : i32
          %add3A_79 = arith.addi %add3A_50, %add3A_78 : i32
          %dma_start3A_80 = arith.constant 0 : i32
          %dma_start3A_81 = tpu.memref_slice %arg7[%add3A_79, %dma_start3A_80] : memref<50x80xi32, #tpu.memory_space<vmem>> -> memref<1x80xi32, #tpu.memory_space<vmem>>
          %dma_start3A_82 = tpu.memref_squeeze %dma_start3A_81 : memref<1x80xi32, #tpu.memory_space<vmem>> -> memref<80xi32, #tpu.memory_space<vmem>>
          %dma_start3A_83 = arith.constant 0 : i32
          %dma_start3A_84 = arith.constant 0 : i32
          %dma_start3A_85 = tpu.memref_slice %arg2[%dma_start3A_83, %dma_start3A_84] : memref<20480x128xf32, #tpu.memory_space<hbm>> -> memref<20480x128xf32, #tpu.memory_space<hbm>>
          tpu.enqueue_indirect_dma source(%dma_start3A_85 : memref<20480x128xf32, #tpu.memory_space<hbm>>) target(%arg9 : memref<80x128xf32, #tpu.memory_space<vmem>>) offsets(%dma_start3A_82 : memref<80xi32, #tpu.memory_space<vmem>>) semaphore(%arg11 : memref<!tpu.dma_semaphore, #tpu.memory_space<semaphore_mem>>)
        } else {
        }
        %add3A_68 = arith.constant 1 : i32
        %add3A_69 = arith.addi %add3A_50, %add3A_68 : i32
        %dma_wait3A_70 = arith.constant 0 : i32
        %dma_wait3A_71 = tpu.memref_slice %arg7[%add3A_69, %dma_wait3A_70] : memref<50x80xi32, #tpu.memory_space<vmem>> -> memref<1x80xi32, #tpu.memory_space<vmem>>
        %dma_wait3A_72 = tpu.memref_squeeze %dma_wait3A_71 : memref<1x80xi32, #tpu.memory_space<vmem>> -> memref<80xi32, #tpu.memory_space<vmem>>
        %dma_wait3A_73 = arith.constant 0 : i32
        %dma_wait3A_74 = arith.constant 0 : i32
        %dma_wait3A_75 = tpu.memref_slice %arg2[%dma_wait3A_73, %dma_wait3A_74] : memref<20480x128xf32, #tpu.memory_space<hbm>> -> memref<20480x128xf32, #tpu.memory_space<hbm>>
        tpu.wait_indirect_dma semaphore(%arg12 : memref<!tpu.dma_semaphore, #tpu.memory_space<semaphore_mem>>) src(%dma_wait3A_75 : memref<20480x128xf32, #tpu.memory_space<hbm>>) dst(%arg10 : memref<80x128xf32, #tpu.memory_space<vmem>>)
        %add3A_76 = arith.constant 1 : i32
        %add3A_77 = arith.addi %add3A_50, %add3A_76 : i32
        "tpu.region"() ({
          %run_scoped3A = tpu.sem_alloc : memref<!tpu.dma_semaphore, #tpu.memory_space<semaphore_mem>>
          %dma_start3A_78 = arith.constant 0 : i32
          %dma_start3A_79 = tpu.memref_slice %arg8[%add3A_77, %dma_start3A_78] : memref<50x80xi32, #tpu.memory_space<vmem>> -> memref<1x80xi32, #tpu.memory_space<vmem>>
          %dma_start3A_80 = tpu.memref_squeeze %dma_start3A_79 : memref<1x80xi32, #tpu.memory_space<vmem>> -> memref<80xi32, #tpu.memory_space<vmem>>
          %dma_start3A_81 = arith.constant 0 : i32
          %dma_start3A_82 = arith.constant 0 : i32
          %dma_start3A_83 = tpu.memref_slice %arg6[%dma_start3A_81, %dma_start3A_82] : memref<10240x128xf32, #tpu.memory_space<vmem_shared>> -> memref<10240x128xf32, #tpu.memory_space<vmem_shared>>
          tpu.enqueue_indirect_dma source(%arg10 : memref<80x128xf32, #tpu.memory_space<vmem>>) target(%dma_start3A_83 : memref<10240x128xf32, #tpu.memory_space<vmem_shared>>) offsets(%dma_start3A_80 : memref<80xi32, #tpu.memory_space<vmem>>) semaphore(%run_scoped3A : memref<!tpu.dma_semaphore, #tpu.memory_space<semaphore_mem>>) {add = true}
          %dma_wait3A_84 = arith.constant 0 : i32
          %dma_wait3A_85 = tpu.memref_slice %arg8[%add3A_77, %dma_wait3A_84] : memref<50x80xi32, #tpu.memory_space<vmem>> -> memref<1x80xi32, #tpu.memory_space<vmem>>
          %dma_wait3A_86 = tpu.memref_squeeze %dma_wait3A_85 : memref<1x80xi32, #tpu.memory_space<vmem>> -> memref<80xi32, #tpu.memory_space<vmem>>
          %dma_wait3A_87 = arith.constant 0 : i32
          %dma_wait3A_88 = arith.constant 0 : i32
          %dma_wait3A_89 = tpu.memref_slice %arg6[%dma_wait3A_87, %dma_wait3A_88] : memref<10240x128xf32, #tpu.memory_space<vmem_shared>> -> memref<10240x128xf32, #tpu.memory_space<vmem_shared>>
          tpu.wait_indirect_dma semaphore(%run_scoped3A : memref<!tpu.dma_semaphore, #tpu.memory_space<semaphore_mem>>) src(%arg10 : memref<80x128xf32, #tpu.memory_space<vmem>>) dst(%dma_wait3A_89 : memref<10240x128xf32, #tpu.memory_space<vmem_shared>>)
          tpu.yield
        }) : () -> ()
      }
      %scan3A_45 = arith.constant 25 : i32
    }
    %scan3A_16 = arith.constant 5 : i32
    %barrier3A_17 = arith.constant 0 : index
    tpu.barrier barrier_id(%barrier3A_17)
    %mul3A_18 = arith.constant 640 : i32
    %mul3A_19 = arith.muli %arg1, %mul3A_18 : i32
    %mul3A_20 = arith.constant 640 : i32
    %mul3A_21 = arith.muli %arg1, %mul3A_20 : i32
    %add3A_22 = arith.addi %mul3A_6, %mul3A_21 : i32
    "tpu.region"() ({
      %run_scoped3A = tpu.sem_alloc : memref<!tpu.dma_semaphore, #tpu.memory_space<semaphore_mem>>
      %dma_start3A = arith.constant 0 : i32
      %dma_start3A_25 = tpu.memref_slice %arg5[%add3A_22, %dma_start3A] : memref<20480x128xf32, #tpu.memory_space<hbm>> -> memref<640x128xf32, #tpu.memory_space<hbm>>
      %dma_start3A_26 = arith.constant 0 : i32
      %dma_start3A_27 = tpu.memref_slice %arg6[%mul3A_19, %dma_start3A_26] : memref<10240x128xf32, #tpu.memory_space<vmem_shared>> -> memref<640x128xf32, #tpu.memory_space<vmem_shared>>
      tpu.enqueue_dma source(%dma_start3A_27 : memref<640x128xf32, #tpu.memory_space<vmem_shared>>) target(%dma_start3A_25 : memref<640x128xf32, #tpu.memory_space<hbm>>) target_semaphore(%run_scoped3A : memref<!tpu.dma_semaphore, #tpu.memory_space<semaphore_mem>>)
      %dma_wait3A = arith.constant 0 : i32
      %dma_wait3A_28 = tpu.memref_slice %arg5[%add3A_22, %dma_wait3A] : memref<20480x128xf32, #tpu.memory_space<hbm>> -> memref<640x128xf32, #tpu.memory_space<hbm>>
      %dma_wait3A_29 = arith.constant 0 : i32
      %dma_wait3A_30 = tpu.memref_slice %arg6[%mul3A_19, %dma_wait3A_29] : memref<10240x128xf32, #tpu.memory_space<vmem_shared>> -> memref<640x128xf32, #tpu.memory_space<vmem_shared>>
      tpu.wait_dma2 semaphore(%run_scoped3A : memref<!tpu.dma_semaphore, #tpu.memory_space<semaphore_mem>>) src(%dma_wait3A_30 : memref<640x128xf32, #tpu.memory_space<vmem_shared>>) dst(%dma_wait3A_28 : memref<640x128xf32, #tpu.memory_space<hbm>>)
      tpu.yield
    }) : () -> ()
    %barrier3A_23 = arith.constant 0 : index
    tpu.barrier barrier_id(%barrier3A_23)
    %scan3A_24 = arith.constant 1 : i32
    return
  }
}

#map = affine_map<(d0, d1) -> (0, 0)>
#map1 = affine_map<(d0, d1) -> (0, 0, 0, 0)>
module attributes {stable_mosaic.version = 14 : i64} {
  func.func @agg_k(%arg0: i32, %arg1: i32, %arg2: memref<10240x128xf32, #tpu.memory_space<hbm>>, %arg3: memref<32x5x25x80xi32, #tpu.memory_space<hbm>>, %arg4: memref<32x5x25x80xi32, #tpu.memory_space<hbm>>, %arg5: memref<20480x128xf32, #tpu.memory_space<hbm>>, %arg6: memref<10240x128xf32, #tpu.memory_space<vmem_shared>>, %arg7: memref<25x80xi32, #tpu.memory_space<vmem>>, %arg8: memref<25x80xi32, #tpu.memory_space<vmem>>, %arg9: memref<80x128xf32, #tpu.memory_space<vmem>>, %arg10: memref<80x128xf32, #tpu.memory_space<vmem>>, %arg11: memref<!tpu.dma_semaphore, #tpu.memory_space<semaphore_mem>>, %arg12: memref<!tpu.dma_semaphore, #tpu.memory_space<semaphore_mem>>) attributes {dimension_semantics = [#tpu.dimension_semantics<core_parallel>, #tpu.dimension_semantics<subcore_parallel>], iteration_bounds = array<i64: 2, 16>, scalar_prefetch = 0 : i64, scratch_operands = 7 : i64, tpu.core_type = #tpu.core_type<sc_vector_subcore>, window_params = [{transform_indices = #map}, {transform_indices = #map1}, {transform_indices = #map1}, {transform_indices = #map}]} {
    %mul3A = arith.constant 16 : i32
    %mul3A_0 = arith.muli %arg0, %mul3A : i32
    %add3A = arith.addi %mul3A_0, %arg1 : i32
    %mul3A_1 = arith.constant 640 : i32
    %mul3A_2 = arith.muli %arg1, %mul3A_1 : i32
    %mul3A_3 = arith.constant 640 : i32
    %mul3A_4 = arith.muli %arg1, %mul3A_3 : i32
    "tpu.region"() ({
      %run_scoped3A = tpu.sem_alloc : memref<!tpu.dma_semaphore, #tpu.memory_space<semaphore_mem>>
      %dma_start3A = arith.constant 0 : i32
      %dma_start3A_17 = tpu.memref_slice %arg6[%mul3A_4, %dma_start3A] : memref<10240x128xf32, #tpu.memory_space<vmem_shared>> -> memref<640x128xf32, #tpu.memory_space<vmem_shared>>
      %dma_start3A_18 = arith.constant 0 : i32
      %dma_start3A_19 = tpu.memref_slice %arg2[%mul3A_2, %dma_start3A_18] : memref<10240x128xf32, #tpu.memory_space<hbm>> -> memref<640x128xf32, #tpu.memory_space<hbm>>
      tpu.enqueue_dma source(%dma_start3A_19 : memref<640x128xf32, #tpu.memory_space<hbm>>) target(%dma_start3A_17 : memref<640x128xf32, #tpu.memory_space<vmem_shared>>) target_semaphore(%run_scoped3A : memref<!tpu.dma_semaphore, #tpu.memory_space<semaphore_mem>>)
      %dma_wait3A = arith.constant 0 : i32
      %dma_wait3A_20 = tpu.memref_slice %arg6[%mul3A_4, %dma_wait3A] : memref<10240x128xf32, #tpu.memory_space<vmem_shared>> -> memref<640x128xf32, #tpu.memory_space<vmem_shared>>
      %dma_wait3A_21 = arith.constant 0 : i32
      %dma_wait3A_22 = tpu.memref_slice %arg2[%mul3A_2, %dma_wait3A_21] : memref<10240x128xf32, #tpu.memory_space<hbm>> -> memref<640x128xf32, #tpu.memory_space<hbm>>
      tpu.wait_dma2 semaphore(%run_scoped3A : memref<!tpu.dma_semaphore, #tpu.memory_space<semaphore_mem>>) src(%dma_wait3A_22 : memref<640x128xf32, #tpu.memory_space<hbm>>) dst(%dma_wait3A_20 : memref<640x128xf32, #tpu.memory_space<vmem_shared>>)
      tpu.yield
    }) : () -> ()
    %barrier3A = arith.constant 0 : index
    tpu.barrier barrier_id(%barrier3A)
    %scan3A = arith.constant 0 : i32
    %scan3A_5 = arith.constant 5 : i32
    %scan3A_6 = arith.addi %scan3A, %scan3A_5 : i32
    %scan3A_7 = arith.constant 1 : i32
    scf.for %scan3A_17 = %scan3A to %scan3A_6 step %scan3A_7  : i32 {
      %mul3A_18 = arith.constant 1 : i32
      %mul3A_19 = arith.muli %scan3A_17, %mul3A_18 : i32
      %add3A_20 = arith.constant 0 : i32
      %add3A_21 = arith.addi %add3A_20, %mul3A_19 : i32
      "tpu.region"() ({
        %run_scoped3A = tpu.sem_alloc : memref<!tpu.dma_semaphore, #tpu.memory_space<semaphore_mem>>
        %dma_start3A_33 = arith.constant 0 : i32
        %dma_start3A_34 = arith.constant 0 : i32
        %dma_start3A_35 = tpu.memref_slice %arg3[%add3A, %add3A_21, %dma_start3A_33, %dma_start3A_34] : memref<32x5x25x80xi32, #tpu.memory_space<hbm>> -> memref<1x1x25x80xi32, #tpu.memory_space<hbm>>
        %dma_start3A_36 = tpu.memref_squeeze %dma_start3A_35 : memref<1x1x25x80xi32, #tpu.memory_space<hbm>> -> memref<25x80xi32, #tpu.memory_space<hbm>>
        %dma_start3A_37 = arith.constant 0 : i32
        %dma_start3A_38 = arith.constant 0 : i32
        %dma_start3A_39 = tpu.memref_slice %arg3[%add3A, %add3A_21, %dma_start3A_37, %dma_start3A_38] : memref<32x5x25x80xi32, #tpu.memory_space<hbm>> -> memref<1x1x25x80xi32, #tpu.memory_space<hbm>>
        %dma_start3A_40 = tpu.memref_squeeze %dma_start3A_39 : memref<1x1x25x80xi32, #tpu.memory_space<hbm>> -> memref<25x80xi32, #tpu.memory_space<hbm>>
        tpu.enqueue_dma source(%dma_start3A_40 : memref<25x80xi32, #tpu.memory_space<hbm>>) target(%arg7 : memref<25x80xi32, #tpu.memory_space<vmem>>) target_semaphore(%run_scoped3A : memref<!tpu.dma_semaphore, #tpu.memory_space<semaphore_mem>>)
        %dma_wait3A = arith.constant 0 : i32
        %dma_wait3A_41 = arith.constant 0 : i32
        %dma_wait3A_42 = tpu.memref_slice %arg3[%add3A, %add3A_21, %dma_wait3A, %dma_wait3A_41] : memref<32x5x25x80xi32, #tpu.memory_space<hbm>> -> memref<1x1x25x80xi32, #tpu.memory_space<hbm>>
        %dma_wait3A_43 = tpu.memref_squeeze %dma_wait3A_42 : memref<1x1x25x80xi32, #tpu.memory_space<hbm>> -> memref<25x80xi32, #tpu.memory_space<hbm>>
        %dma_wait3A_44 = arith.constant 0 : i32
        %dma_wait3A_45 = arith.constant 0 : i32
        %dma_wait3A_46 = tpu.memref_slice %arg3[%add3A, %add3A_21, %dma_wait3A_44, %dma_wait3A_45] : memref<32x5x25x80xi32, #tpu.memory_space<hbm>> -> memref<1x1x25x80xi32, #tpu.memory_space<hbm>>
        %dma_wait3A_47 = tpu.memref_squeeze %dma_wait3A_46 : memref<1x1x25x80xi32, #tpu.memory_space<hbm>> -> memref<25x80xi32, #tpu.memory_space<hbm>>
        tpu.wait_dma2 semaphore(%run_scoped3A : memref<!tpu.dma_semaphore, #tpu.memory_space<semaphore_mem>>) src(%dma_wait3A_47 : memref<25x80xi32, #tpu.memory_space<hbm>>) dst(%arg7 : memref<25x80xi32, #tpu.memory_space<vmem>>)
        tpu.yield
      }) : () -> ()
      "tpu.region"() ({
        %run_scoped3A = tpu.sem_alloc : memref<!tpu.dma_semaphore, #tpu.memory_space<semaphore_mem>>
        %dma_start3A_33 = arith.constant 0 : i32
        %dma_start3A_34 = arith.constant 0 : i32
        %dma_start3A_35 = tpu.memref_slice %arg4[%add3A, %add3A_21, %dma_start3A_33, %dma_start3A_34] : memref<32x5x25x80xi32, #tpu.memory_space<hbm>> -> memref<1x1x25x80xi32, #tpu.memory_space<hbm>>
        %dma_start3A_36 = tpu.memref_squeeze %dma_start3A_35 : memref<1x1x25x80xi32, #tpu.memory_space<hbm>> -> memref<25x80xi32, #tpu.memory_space<hbm>>
        %dma_start3A_37 = arith.constant 0 : i32
        %dma_start3A_38 = arith.constant 0 : i32
        %dma_start3A_39 = tpu.memref_slice %arg4[%add3A, %add3A_21, %dma_start3A_37, %dma_start3A_38] : memref<32x5x25x80xi32, #tpu.memory_space<hbm>> -> memref<1x1x25x80xi32, #tpu.memory_space<hbm>>
        %dma_start3A_40 = tpu.memref_squeeze %dma_start3A_39 : memref<1x1x25x80xi32, #tpu.memory_space<hbm>> -> memref<25x80xi32, #tpu.memory_space<hbm>>
        tpu.enqueue_dma source(%dma_start3A_40 : memref<25x80xi32, #tpu.memory_space<hbm>>) target(%arg8 : memref<25x80xi32, #tpu.memory_space<vmem>>) target_semaphore(%run_scoped3A : memref<!tpu.dma_semaphore, #tpu.memory_space<semaphore_mem>>)
        %dma_wait3A = arith.constant 0 : i32
        %dma_wait3A_41 = arith.constant 0 : i32
        %dma_wait3A_42 = tpu.memref_slice %arg4[%add3A, %add3A_21, %dma_wait3A, %dma_wait3A_41] : memref<32x5x25x80xi32, #tpu.memory_space<hbm>> -> memref<1x1x25x80xi32, #tpu.memory_space<hbm>>
        %dma_wait3A_43 = tpu.memref_squeeze %dma_wait3A_42 : memref<1x1x25x80xi32, #tpu.memory_space<hbm>> -> memref<25x80xi32, #tpu.memory_space<hbm>>
        %dma_wait3A_44 = arith.constant 0 : i32
        %dma_wait3A_45 = arith.constant 0 : i32
        %dma_wait3A_46 = tpu.memref_slice %arg4[%add3A, %add3A_21, %dma_wait3A_44, %dma_wait3A_45] : memref<32x5x25x80xi32, #tpu.memory_space<hbm>> -> memref<1x1x25x80xi32, #tpu.memory_space<hbm>>
        %dma_wait3A_47 = tpu.memref_squeeze %dma_wait3A_46 : memref<1x1x25x80xi32, #tpu.memory_space<hbm>> -> memref<25x80xi32, #tpu.memory_space<hbm>>
        tpu.wait_dma2 semaphore(%run_scoped3A : memref<!tpu.dma_semaphore, #tpu.memory_space<semaphore_mem>>) src(%dma_wait3A_47 : memref<25x80xi32, #tpu.memory_space<hbm>>) dst(%arg8 : memref<25x80xi32, #tpu.memory_space<vmem>>)
        tpu.yield
      }) : () -> ()
      %dma_start3A = arith.constant 0 : i32
      %dma_start3A_22 = arith.constant 0 : i32
      %dma_start3A_23 = tpu.memref_slice %arg7[%dma_start3A, %dma_start3A_22] : memref<25x80xi32, #tpu.memory_space<vmem>> -> memref<1x80xi32, #tpu.memory_space<vmem>>
      %dma_start3A_24 = tpu.memref_squeeze %dma_start3A_23 : memref<1x80xi32, #tpu.memory_space<vmem>> -> memref<80xi32, #tpu.memory_space<vmem>>
      %dma_start3A_25 = arith.constant 0 : i32
      %dma_start3A_26 = arith.constant 0 : i32
      %dma_start3A_27 = tpu.memref_slice %arg2[%dma_start3A_25, %dma_start3A_26] : memref<10240x128xf32, #tpu.memory_space<hbm>> -> memref<10240x128xf32, #tpu.memory_space<hbm>>
      tpu.enqueue_indirect_dma source(%dma_start3A_27 : memref<10240x128xf32, #tpu.memory_space<hbm>>) target(%arg9 : memref<80x128xf32, #tpu.memory_space<vmem>>) offsets(%dma_start3A_24 : memref<80xi32, #tpu.memory_space<vmem>>) semaphore(%arg11 : memref<!tpu.dma_semaphore, #tpu.memory_space<semaphore_mem>>)
      %scan3A_28 = arith.constant 0 : i32
      %scan3A_29 = arith.constant 13 : i32
      %scan3A_30 = arith.addi %scan3A_28, %scan3A_29 : i32
      %scan3A_31 = arith.constant 1 : i32
      scf.for %scan3A_33 = %scan3A_28 to %scan3A_30 step %scan3A_31  : i32 {
        %mul3A_34 = arith.constant 2 : i32
        %mul3A_35 = arith.muli %scan3A_33, %mul3A_34 : i32
        %add3A_36 = arith.constant 0 : i32
        %add3A_37 = arith.addi %add3A_36, %mul3A_35 : i32
        %add3A_38 = arith.constant 1 : i32
        %add3A_39 = arith.addi %add3A_37, %add3A_38 : i32
        %lt3A = arith.constant 25 : i32
        %lt3A_40 = arith.cmpi slt, %add3A_39, %lt3A : i32
        %convert_element_type3A = arith.extui %lt3A_40 : i1 to i32
        %cond3A = arith.constant 0 : i32
        %cond3A_41 = arith.cmpi ne, %convert_element_type3A, %cond3A : i32
        scf.if %cond3A_41 {
          %add3A_61 = arith.constant 1 : i32
          %add3A_62 = arith.addi %add3A_37, %add3A_61 : i32
          %dma_start3A_63 = arith.constant 0 : i32
          %dma_start3A_64 = tpu.memref_slice %arg7[%add3A_62, %dma_start3A_63] : memref<25x80xi32, #tpu.memory_space<vmem>> -> memref<1x80xi32, #tpu.memory_space<vmem>>
          %dma_start3A_65 = tpu.memref_squeeze %dma_start3A_64 : memref<1x80xi32, #tpu.memory_space<vmem>> -> memref<80xi32, #tpu.memory_space<vmem>>
          %dma_start3A_66 = arith.constant 0 : i32
          %dma_start3A_67 = arith.constant 0 : i32
          %dma_start3A_68 = tpu.memref_slice %arg2[%dma_start3A_66, %dma_start3A_67] : memref<10240x128xf32, #tpu.memory_space<hbm>> -> memref<10240x128xf32, #tpu.memory_space<hbm>>
          tpu.enqueue_indirect_dma source(%dma_start3A_68 : memref<10240x128xf32, #tpu.memory_space<hbm>>) target(%arg10 : memref<80x128xf32, #tpu.memory_space<vmem>>) offsets(%dma_start3A_65 : memref<80xi32, #tpu.memory_space<vmem>>) semaphore(%arg12 : memref<!tpu.dma_semaphore, #tpu.memory_space<semaphore_mem>>)
        } else {
        }
        %dma_wait3A = arith.constant 0 : i32
        %dma_wait3A_42 = tpu.memref_slice %arg7[%add3A_37, %dma_wait3A] : memref<25x80xi32, #tpu.memory_space<vmem>> -> memref<1x80xi32, #tpu.memory_space<vmem>>
        %dma_wait3A_43 = tpu.memref_squeeze %dma_wait3A_42 : memref<1x80xi32, #tpu.memory_space<vmem>> -> memref<80xi32, #tpu.memory_space<vmem>>
        %dma_wait3A_44 = arith.constant 0 : i32
        %dma_wait3A_45 = arith.constant 0 : i32
        %dma_wait3A_46 = tpu.memref_slice %arg2[%dma_wait3A_44, %dma_wait3A_45] : memref<10240x128xf32, #tpu.memory_space<hbm>> -> memref<10240x128xf32, #tpu.memory_space<hbm>>
        tpu.wait_indirect_dma semaphore(%arg11 : memref<!tpu.dma_semaphore, #tpu.memory_space<semaphore_mem>>) src(%dma_wait3A_46 : memref<10240x128xf32, #tpu.memory_space<hbm>>) dst(%arg9 : memref<80x128xf32, #tpu.memory_space<vmem>>)
        "tpu.region"() ({
          %run_scoped3A = tpu.sem_alloc : memref<!tpu.dma_semaphore, #tpu.memory_space<semaphore_mem>>
          %dma_start3A_61 = arith.constant 0 : i32
          %dma_start3A_62 = tpu.memref_slice %arg8[%add3A_37, %dma_start3A_61] : memref<25x80xi32, #tpu.memory_space<vmem>> -> memref<1x80xi32, #tpu.memory_space<vmem>>
          %dma_start3A_63 = tpu.memref_squeeze %dma_start3A_62 : memref<1x80xi32, #tpu.memory_space<vmem>> -> memref<80xi32, #tpu.memory_space<vmem>>
          %dma_start3A_64 = arith.constant 0 : i32
          %dma_start3A_65 = arith.constant 0 : i32
          %dma_start3A_66 = tpu.memref_slice %arg6[%dma_start3A_64, %dma_start3A_65] : memref<10240x128xf32, #tpu.memory_space<vmem_shared>> -> memref<10240x128xf32, #tpu.memory_space<vmem_shared>>
          tpu.enqueue_indirect_dma source(%arg9 : memref<80x128xf32, #tpu.memory_space<vmem>>) target(%dma_start3A_66 : memref<10240x128xf32, #tpu.memory_space<vmem_shared>>) offsets(%dma_start3A_63 : memref<80xi32, #tpu.memory_space<vmem>>) semaphore(%run_scoped3A : memref<!tpu.dma_semaphore, #tpu.memory_space<semaphore_mem>>) {add = true}
          %dma_wait3A_67 = arith.constant 0 : i32
          %dma_wait3A_68 = tpu.memref_slice %arg8[%add3A_37, %dma_wait3A_67] : memref<25x80xi32, #tpu.memory_space<vmem>> -> memref<1x80xi32, #tpu.memory_space<vmem>>
          %dma_wait3A_69 = tpu.memref_squeeze %dma_wait3A_68 : memref<1x80xi32, #tpu.memory_space<vmem>> -> memref<80xi32, #tpu.memory_space<vmem>>
          %dma_wait3A_70 = arith.constant 0 : i32
          %dma_wait3A_71 = arith.constant 0 : i32
          %dma_wait3A_72 = tpu.memref_slice %arg6[%dma_wait3A_70, %dma_wait3A_71] : memref<10240x128xf32, #tpu.memory_space<vmem_shared>> -> memref<10240x128xf32, #tpu.memory_space<vmem_shared>>
          tpu.wait_indirect_dma semaphore(%run_scoped3A : memref<!tpu.dma_semaphore, #tpu.memory_space<semaphore_mem>>) src(%arg9 : memref<80x128xf32, #tpu.memory_space<vmem>>) dst(%dma_wait3A_72 : memref<10240x128xf32, #tpu.memory_space<vmem_shared>>)
          tpu.yield
        }) : () -> ()
        %add3A_47 = arith.constant 2 : i32
        %add3A_48 = arith.addi %add3A_37, %add3A_47 : i32
        %lt3A_49 = arith.constant 25 : i32
        %lt3A_50 = arith.cmpi slt, %add3A_48, %lt3A_49 : i32
        %convert_element_type3A_51 = arith.extui %lt3A_50 : i1 to i32
        %cond3A_52 = arith.constant 0 : i32
        %cond3A_53 = arith.cmpi ne, %convert_element_type3A_51, %cond3A_52 : i32
        scf.if %cond3A_53 {
          %add3A_61 = arith.constant 2 : i32
          %add3A_62 = arith.addi %add3A_37, %add3A_61 : i32
          %dma_start3A_63 = arith.constant 0 : i32
          %dma_start3A_64 = tpu.memref_slice %arg7[%add3A_62, %dma_start3A_63] : memref<25x80xi32, #tpu.memory_space<vmem>> -> memref<1x80xi32, #tpu.memory_space<vmem>>
          %dma_start3A_65 = tpu.memref_squeeze %dma_start3A_64 : memref<1x80xi32, #tpu.memory_space<vmem>> -> memref<80xi32, #tpu.memory_space<vmem>>
          %dma_start3A_66 = arith.constant 0 : i32
          %dma_start3A_67 = arith.constant 0 : i32
          %dma_start3A_68 = tpu.memref_slice %arg2[%dma_start3A_66, %dma_start3A_67] : memref<10240x128xf32, #tpu.memory_space<hbm>> -> memref<10240x128xf32, #tpu.memory_space<hbm>>
          tpu.enqueue_indirect_dma source(%dma_start3A_68 : memref<10240x128xf32, #tpu.memory_space<hbm>>) target(%arg9 : memref<80x128xf32, #tpu.memory_space<vmem>>) offsets(%dma_start3A_65 : memref<80xi32, #tpu.memory_space<vmem>>) semaphore(%arg11 : memref<!tpu.dma_semaphore, #tpu.memory_space<semaphore_mem>>)
        } else {
        }
        %add3A_54 = arith.constant 1 : i32
        %add3A_55 = arith.addi %add3A_37, %add3A_54 : i32
        %lt3A_56 = arith.constant 25 : i32
        %lt3A_57 = arith.cmpi slt, %add3A_55, %lt3A_56 : i32
        %convert_element_type3A_58 = arith.extui %lt3A_57 : i1 to i32
        %cond3A_59 = arith.constant 0 : i32
        %cond3A_60 = arith.cmpi ne, %convert_element_type3A_58, %cond3A_59 : i32
        scf.if %cond3A_60 {
          %add3A_61 = arith.constant 1 : i32
          %add3A_62 = arith.addi %add3A_37, %add3A_61 : i32
          %dma_wait3A_63 = arith.constant 0 : i32
          %dma_wait3A_64 = tpu.memref_slice %arg7[%add3A_62, %dma_wait3A_63] : memref<25x80xi32, #tpu.memory_space<vmem>> -> memref<1x80xi32, #tpu.memory_space<vmem>>
          %dma_wait3A_65 = tpu.memref_squeeze %dma_wait3A_64 : memref<1x80xi32, #tpu.memory_space<vmem>> -> memref<80xi32, #tpu.memory_space<vmem>>
          %dma_wait3A_66 = arith.constant 0 : i32
          %dma_wait3A_67 = arith.constant 0 : i32
          %dma_wait3A_68 = tpu.memref_slice %arg2[%dma_wait3A_66, %dma_wait3A_67] : memref<10240x128xf32, #tpu.memory_space<hbm>> -> memref<10240x128xf32, #tpu.memory_space<hbm>>
          tpu.wait_indirect_dma semaphore(%arg12 : memref<!tpu.dma_semaphore, #tpu.memory_space<semaphore_mem>>) src(%dma_wait3A_68 : memref<10240x128xf32, #tpu.memory_space<hbm>>) dst(%arg10 : memref<80x128xf32, #tpu.memory_space<vmem>>)
          %add3A_69 = arith.constant 1 : i32
          %add3A_70 = arith.addi %add3A_37, %add3A_69 : i32
          "tpu.region"() ({
            %run_scoped3A = tpu.sem_alloc : memref<!tpu.dma_semaphore, #tpu.memory_space<semaphore_mem>>
            %dma_start3A_71 = arith.constant 0 : i32
            %dma_start3A_72 = tpu.memref_slice %arg8[%add3A_70, %dma_start3A_71] : memref<25x80xi32, #tpu.memory_space<vmem>> -> memref<1x80xi32, #tpu.memory_space<vmem>>
            %dma_start3A_73 = tpu.memref_squeeze %dma_start3A_72 : memref<1x80xi32, #tpu.memory_space<vmem>> -> memref<80xi32, #tpu.memory_space<vmem>>
            %dma_start3A_74 = arith.constant 0 : i32
            %dma_start3A_75 = arith.constant 0 : i32
            %dma_start3A_76 = tpu.memref_slice %arg6[%dma_start3A_74, %dma_start3A_75] : memref<10240x128xf32, #tpu.memory_space<vmem_shared>> -> memref<10240x128xf32, #tpu.memory_space<vmem_shared>>
            tpu.enqueue_indirect_dma source(%arg10 : memref<80x128xf32, #tpu.memory_space<vmem>>) target(%dma_start3A_76 : memref<10240x128xf32, #tpu.memory_space<vmem_shared>>) offsets(%dma_start3A_73 : memref<80xi32, #tpu.memory_space<vmem>>) semaphore(%run_scoped3A : memref<!tpu.dma_semaphore, #tpu.memory_space<semaphore_mem>>) {add = true}
            %dma_wait3A_77 = arith.constant 0 : i32
            %dma_wait3A_78 = tpu.memref_slice %arg8[%add3A_70, %dma_wait3A_77] : memref<25x80xi32, #tpu.memory_space<vmem>> -> memref<1x80xi32, #tpu.memory_space<vmem>>
            %dma_wait3A_79 = tpu.memref_squeeze %dma_wait3A_78 : memref<1x80xi32, #tpu.memory_space<vmem>> -> memref<80xi32, #tpu.memory_space<vmem>>
            %dma_wait3A_80 = arith.constant 0 : i32
            %dma_wait3A_81 = arith.constant 0 : i32
            %dma_wait3A_82 = tpu.memref_slice %arg6[%dma_wait3A_80, %dma_wait3A_81] : memref<10240x128xf32, #tpu.memory_space<vmem_shared>> -> memref<10240x128xf32, #tpu.memory_space<vmem_shared>>
            tpu.wait_indirect_dma semaphore(%run_scoped3A : memref<!tpu.dma_semaphore, #tpu.memory_space<semaphore_mem>>) src(%arg10 : memref<80x128xf32, #tpu.memory_space<vmem>>) dst(%dma_wait3A_82 : memref<10240x128xf32, #tpu.memory_space<vmem_shared>>)
            tpu.yield
          }) : () -> ()
        } else {
        }
      }
      %scan3A_32 = arith.constant 13 : i32
    }
    %scan3A_8 = arith.constant 5 : i32
    %barrier3A_9 = arith.constant 0 : index
    tpu.barrier barrier_id(%barrier3A_9)
    %mul3A_10 = arith.constant 10240 : i32
    %mul3A_11 = arith.muli %arg0, %mul3A_10 : i32
    %mul3A_12 = arith.constant 640 : i32
    %mul3A_13 = arith.muli %arg1, %mul3A_12 : i32
    %add3A_14 = arith.addi %mul3A_11, %mul3A_13 : i32
    %mul3A_15 = arith.constant 640 : i32
    %mul3A_16 = arith.muli %arg1, %mul3A_15 : i32
    "tpu.region"() ({
      %run_scoped3A = tpu.sem_alloc : memref<!tpu.dma_semaphore, #tpu.memory_space<semaphore_mem>>
      %dma_start3A = arith.constant 0 : i32
      %dma_start3A_17 = tpu.memref_slice %arg5[%add3A_14, %dma_start3A] : memref<20480x128xf32, #tpu.memory_space<hbm>> -> memref<640x128xf32, #tpu.memory_space<hbm>>
      %dma_start3A_18 = arith.constant 0 : i32
      %dma_start3A_19 = tpu.memref_slice %arg6[%mul3A_16, %dma_start3A_18] : memref<10240x128xf32, #tpu.memory_space<vmem_shared>> -> memref<640x128xf32, #tpu.memory_space<vmem_shared>>
      tpu.enqueue_dma source(%dma_start3A_19 : memref<640x128xf32, #tpu.memory_space<vmem_shared>>) target(%dma_start3A_17 : memref<640x128xf32, #tpu.memory_space<hbm>>) target_semaphore(%run_scoped3A : memref<!tpu.dma_semaphore, #tpu.memory_space<semaphore_mem>>)
      %dma_wait3A = arith.constant 0 : i32
      %dma_wait3A_20 = tpu.memref_slice %arg5[%add3A_14, %dma_wait3A] : memref<20480x128xf32, #tpu.memory_space<hbm>> -> memref<640x128xf32, #tpu.memory_space<hbm>>
      %dma_wait3A_21 = arith.constant 0 : i32
      %dma_wait3A_22 = tpu.memref_slice %arg6[%mul3A_16, %dma_wait3A_21] : memref<10240x128xf32, #tpu.memory_space<vmem_shared>> -> memref<640x128xf32, #tpu.memory_space<vmem_shared>>
      tpu.wait_dma2 semaphore(%run_scoped3A : memref<!tpu.dma_semaphore, #tpu.memory_space<semaphore_mem>>) src(%dma_wait3A_22 : memref<640x128xf32, #tpu.memory_space<vmem_shared>>) dst(%dma_wait3A_20 : memref<640x128xf32, #tpu.memory_space<hbm>>)
      tpu.yield
    }) : () -> ()
    return
  }
}

#map = affine_map<(d0, d1) -> (0, 0)>
#map1 = affine_map<(d0, d1) -> (0, 0, 0, 0)>
module attributes {stable_mosaic.version = 14 : i64} {
  func.func @agg_k(%arg0: i32, %arg1: i32, %arg2: memref<10240x128xf32, #tpu.memory_space<hbm>>, %arg3: memref<32x5x25x80xi32, #tpu.memory_space<hbm>>, %arg4: memref<32x5x25x80xi32, #tpu.memory_space<hbm>>, %arg5: memref<20480x128xf32, #tpu.memory_space<hbm>>, %arg6: memref<10240x128xf32, #tpu.memory_space<vmem_shared>>, %arg7: memref<25x80xi32, #tpu.memory_space<vmem>>, %arg8: memref<25x80xi32, #tpu.memory_space<vmem>>, %arg9: memref<80x128xf32, #tpu.memory_space<vmem>>, %arg10: memref<80x128xf32, #tpu.memory_space<vmem>>, %arg11: memref<!tpu.dma_semaphore, #tpu.memory_space<semaphore_mem>>, %arg12: memref<!tpu.dma_semaphore, #tpu.memory_space<semaphore_mem>>) attributes {dimension_semantics = [#tpu.dimension_semantics<core_parallel>, #tpu.dimension_semantics<subcore_parallel>], iteration_bounds = array<i64: 2, 16>, scalar_prefetch = 0 : i64, scratch_operands = 7 : i64, tpu.core_type = #tpu.core_type<sc_vector_subcore>, window_params = [{transform_indices = #map}, {transform_indices = #map1}, {transform_indices = #map1}, {transform_indices = #map}]} {
    %mul3A = arith.constant 16 : i32
    %mul3A_0 = arith.muli %arg0, %mul3A : i32
    %add3A = arith.addi %mul3A_0, %arg1 : i32
    %mul3A_1 = arith.constant 640 : i32
    %mul3A_2 = arith.muli %arg1, %mul3A_1 : i32
    %mul3A_3 = arith.constant 640 : i32
    %mul3A_4 = arith.muli %arg1, %mul3A_3 : i32
    "tpu.region"() ({
      %run_scoped3A = tpu.sem_alloc : memref<!tpu.dma_semaphore, #tpu.memory_space<semaphore_mem>>
      %dma_start3A = arith.constant 0 : i32
      %dma_start3A_17 = tpu.memref_slice %arg6[%mul3A_4, %dma_start3A] : memref<10240x128xf32, #tpu.memory_space<vmem_shared>> -> memref<640x128xf32, #tpu.memory_space<vmem_shared>>
      %dma_start3A_18 = arith.constant 0 : i32
      %dma_start3A_19 = tpu.memref_slice %arg2[%mul3A_2, %dma_start3A_18] : memref<10240x128xf32, #tpu.memory_space<hbm>> -> memref<640x128xf32, #tpu.memory_space<hbm>>
      tpu.enqueue_dma source(%dma_start3A_19 : memref<640x128xf32, #tpu.memory_space<hbm>>) target(%dma_start3A_17 : memref<640x128xf32, #tpu.memory_space<vmem_shared>>) target_semaphore(%run_scoped3A : memref<!tpu.dma_semaphore, #tpu.memory_space<semaphore_mem>>)
      %dma_wait3A = arith.constant 0 : i32
      %dma_wait3A_20 = tpu.memref_slice %arg6[%mul3A_4, %dma_wait3A] : memref<10240x128xf32, #tpu.memory_space<vmem_shared>> -> memref<640x128xf32, #tpu.memory_space<vmem_shared>>
      %dma_wait3A_21 = arith.constant 0 : i32
      %dma_wait3A_22 = tpu.memref_slice %arg2[%mul3A_2, %dma_wait3A_21] : memref<10240x128xf32, #tpu.memory_space<hbm>> -> memref<640x128xf32, #tpu.memory_space<hbm>>
      tpu.wait_dma2 semaphore(%run_scoped3A : memref<!tpu.dma_semaphore, #tpu.memory_space<semaphore_mem>>) src(%dma_wait3A_22 : memref<640x128xf32, #tpu.memory_space<hbm>>) dst(%dma_wait3A_20 : memref<640x128xf32, #tpu.memory_space<vmem_shared>>)
      tpu.yield
    }) : () -> ()
    %barrier3A = arith.constant 0 : index
    tpu.barrier barrier_id(%barrier3A)
    %scan3A = arith.constant 0 : i32
    %scan3A_5 = arith.constant 5 : i32
    %scan3A_6 = arith.addi %scan3A, %scan3A_5 : i32
    %scan3A_7 = arith.constant 1 : i32
    scf.for %scan3A_17 = %scan3A to %scan3A_6 step %scan3A_7  : i32 {
      %mul3A_18 = arith.constant 1 : i32
      %mul3A_19 = arith.muli %scan3A_17, %mul3A_18 : i32
      %add3A_20 = arith.constant 0 : i32
      %add3A_21 = arith.addi %add3A_20, %mul3A_19 : i32
      "tpu.region"() ({
        %run_scoped3A = tpu.sem_alloc : memref<!tpu.dma_semaphore, #tpu.memory_space<semaphore_mem>>
        %dma_start3A_33 = arith.constant 0 : i32
        %dma_start3A_34 = arith.constant 0 : i32
        %dma_start3A_35 = tpu.memref_slice %arg3[%add3A, %add3A_21, %dma_start3A_33, %dma_start3A_34] : memref<32x5x25x80xi32, #tpu.memory_space<hbm>> -> memref<1x1x25x80xi32, #tpu.memory_space<hbm>>
        %dma_start3A_36 = tpu.memref_squeeze %dma_start3A_35 : memref<1x1x25x80xi32, #tpu.memory_space<hbm>> -> memref<25x80xi32, #tpu.memory_space<hbm>>
        %dma_start3A_37 = arith.constant 0 : i32
        %dma_start3A_38 = arith.constant 0 : i32
        %dma_start3A_39 = tpu.memref_slice %arg3[%add3A, %add3A_21, %dma_start3A_37, %dma_start3A_38] : memref<32x5x25x80xi32, #tpu.memory_space<hbm>> -> memref<1x1x25x80xi32, #tpu.memory_space<hbm>>
        %dma_start3A_40 = tpu.memref_squeeze %dma_start3A_39 : memref<1x1x25x80xi32, #tpu.memory_space<hbm>> -> memref<25x80xi32, #tpu.memory_space<hbm>>
        tpu.enqueue_dma source(%dma_start3A_40 : memref<25x80xi32, #tpu.memory_space<hbm>>) target(%arg7 : memref<25x80xi32, #tpu.memory_space<vmem>>) target_semaphore(%run_scoped3A : memref<!tpu.dma_semaphore, #tpu.memory_space<semaphore_mem>>)
        %dma_wait3A = arith.constant 0 : i32
        %dma_wait3A_41 = arith.constant 0 : i32
        %dma_wait3A_42 = tpu.memref_slice %arg3[%add3A, %add3A_21, %dma_wait3A, %dma_wait3A_41] : memref<32x5x25x80xi32, #tpu.memory_space<hbm>> -> memref<1x1x25x80xi32, #tpu.memory_space<hbm>>
        %dma_wait3A_43 = tpu.memref_squeeze %dma_wait3A_42 : memref<1x1x25x80xi32, #tpu.memory_space<hbm>> -> memref<25x80xi32, #tpu.memory_space<hbm>>
        %dma_wait3A_44 = arith.constant 0 : i32
        %dma_wait3A_45 = arith.constant 0 : i32
        %dma_wait3A_46 = tpu.memref_slice %arg3[%add3A, %add3A_21, %dma_wait3A_44, %dma_wait3A_45] : memref<32x5x25x80xi32, #tpu.memory_space<hbm>> -> memref<1x1x25x80xi32, #tpu.memory_space<hbm>>
        %dma_wait3A_47 = tpu.memref_squeeze %dma_wait3A_46 : memref<1x1x25x80xi32, #tpu.memory_space<hbm>> -> memref<25x80xi32, #tpu.memory_space<hbm>>
        tpu.wait_dma2 semaphore(%run_scoped3A : memref<!tpu.dma_semaphore, #tpu.memory_space<semaphore_mem>>) src(%dma_wait3A_47 : memref<25x80xi32, #tpu.memory_space<hbm>>) dst(%arg7 : memref<25x80xi32, #tpu.memory_space<vmem>>)
        tpu.yield
      }) : () -> ()
      "tpu.region"() ({
        %run_scoped3A = tpu.sem_alloc : memref<!tpu.dma_semaphore, #tpu.memory_space<semaphore_mem>>
        %dma_start3A_33 = arith.constant 0 : i32
        %dma_start3A_34 = arith.constant 0 : i32
        %dma_start3A_35 = tpu.memref_slice %arg4[%add3A, %add3A_21, %dma_start3A_33, %dma_start3A_34] : memref<32x5x25x80xi32, #tpu.memory_space<hbm>> -> memref<1x1x25x80xi32, #tpu.memory_space<hbm>>
        %dma_start3A_36 = tpu.memref_squeeze %dma_start3A_35 : memref<1x1x25x80xi32, #tpu.memory_space<hbm>> -> memref<25x80xi32, #tpu.memory_space<hbm>>
        %dma_start3A_37 = arith.constant 0 : i32
        %dma_start3A_38 = arith.constant 0 : i32
        %dma_start3A_39 = tpu.memref_slice %arg4[%add3A, %add3A_21, %dma_start3A_37, %dma_start3A_38] : memref<32x5x25x80xi32, #tpu.memory_space<hbm>> -> memref<1x1x25x80xi32, #tpu.memory_space<hbm>>
        %dma_start3A_40 = tpu.memref_squeeze %dma_start3A_39 : memref<1x1x25x80xi32, #tpu.memory_space<hbm>> -> memref<25x80xi32, #tpu.memory_space<hbm>>
        tpu.enqueue_dma source(%dma_start3A_40 : memref<25x80xi32, #tpu.memory_space<hbm>>) target(%arg8 : memref<25x80xi32, #tpu.memory_space<vmem>>) target_semaphore(%run_scoped3A : memref<!tpu.dma_semaphore, #tpu.memory_space<semaphore_mem>>)
        %dma_wait3A = arith.constant 0 : i32
        %dma_wait3A_41 = arith.constant 0 : i32
        %dma_wait3A_42 = tpu.memref_slice %arg4[%add3A, %add3A_21, %dma_wait3A, %dma_wait3A_41] : memref<32x5x25x80xi32, #tpu.memory_space<hbm>> -> memref<1x1x25x80xi32, #tpu.memory_space<hbm>>
        %dma_wait3A_43 = tpu.memref_squeeze %dma_wait3A_42 : memref<1x1x25x80xi32, #tpu.memory_space<hbm>> -> memref<25x80xi32, #tpu.memory_space<hbm>>
        %dma_wait3A_44 = arith.constant 0 : i32
        %dma_wait3A_45 = arith.constant 0 : i32
        %dma_wait3A_46 = tpu.memref_slice %arg4[%add3A, %add3A_21, %dma_wait3A_44, %dma_wait3A_45] : memref<32x5x25x80xi32, #tpu.memory_space<hbm>> -> memref<1x1x25x80xi32, #tpu.memory_space<hbm>>
        %dma_wait3A_47 = tpu.memref_squeeze %dma_wait3A_46 : memref<1x1x25x80xi32, #tpu.memory_space<hbm>> -> memref<25x80xi32, #tpu.memory_space<hbm>>
        tpu.wait_dma2 semaphore(%run_scoped3A : memref<!tpu.dma_semaphore, #tpu.memory_space<semaphore_mem>>) src(%dma_wait3A_47 : memref<25x80xi32, #tpu.memory_space<hbm>>) dst(%arg8 : memref<25x80xi32, #tpu.memory_space<vmem>>)
        tpu.yield
      }) : () -> ()
      %dma_start3A = arith.constant 0 : i32
      %dma_start3A_22 = arith.constant 0 : i32
      %dma_start3A_23 = tpu.memref_slice %arg7[%dma_start3A, %dma_start3A_22] : memref<25x80xi32, #tpu.memory_space<vmem>> -> memref<1x80xi32, #tpu.memory_space<vmem>>
      %dma_start3A_24 = tpu.memref_squeeze %dma_start3A_23 : memref<1x80xi32, #tpu.memory_space<vmem>> -> memref<80xi32, #tpu.memory_space<vmem>>
      %dma_start3A_25 = arith.constant 0 : i32
      %dma_start3A_26 = arith.constant 0 : i32
      %dma_start3A_27 = tpu.memref_slice %arg2[%dma_start3A_25, %dma_start3A_26] : memref<10240x128xf32, #tpu.memory_space<hbm>> -> memref<10240x128xf32, #tpu.memory_space<hbm>>
      tpu.enqueue_indirect_dma source(%dma_start3A_27 : memref<10240x128xf32, #tpu.memory_space<hbm>>) target(%arg9 : memref<80x128xf32, #tpu.memory_space<vmem>>) offsets(%dma_start3A_24 : memref<80xi32, #tpu.memory_space<vmem>>) semaphore(%arg11 : memref<!tpu.dma_semaphore, #tpu.memory_space<semaphore_mem>>)
      %scan3A_28 = arith.constant 0 : i32
      %scan3A_29 = arith.constant 13 : i32
      %scan3A_30 = arith.addi %scan3A_28, %scan3A_29 : i32
      %scan3A_31 = arith.constant 1 : i32
      scf.for %scan3A_33 = %scan3A_28 to %scan3A_30 step %scan3A_31  : i32 {
        %mul3A_34 = arith.constant 2 : i32
        %mul3A_35 = arith.muli %scan3A_33, %mul3A_34 : i32
        %add3A_36 = arith.constant 0 : i32
        %add3A_37 = arith.addi %add3A_36, %mul3A_35 : i32
        %add3A_38 = arith.constant 1 : i32
        %add3A_39 = arith.addi %add3A_37, %add3A_38 : i32
        %lt3A = arith.constant 25 : i32
        %lt3A_40 = arith.cmpi slt, %add3A_39, %lt3A : i32
        %convert_element_type3A = arith.extui %lt3A_40 : i1 to i32
        %cond3A = arith.constant 0 : i32
        %cond3A_41 = arith.cmpi ne, %convert_element_type3A, %cond3A : i32
        scf.if %cond3A_41 {
          %add3A_61 = arith.constant 1 : i32
          %add3A_62 = arith.addi %add3A_37, %add3A_61 : i32
          %dma_start3A_63 = arith.constant 0 : i32
          %dma_start3A_64 = tpu.memref_slice %arg7[%add3A_62, %dma_start3A_63] : memref<25x80xi32, #tpu.memory_space<vmem>> -> memref<1x80xi32, #tpu.memory_space<vmem>>
          %dma_start3A_65 = tpu.memref_squeeze %dma_start3A_64 : memref<1x80xi32, #tpu.memory_space<vmem>> -> memref<80xi32, #tpu.memory_space<vmem>>
          %dma_start3A_66 = arith.constant 0 : i32
          %dma_start3A_67 = arith.constant 0 : i32
          %dma_start3A_68 = tpu.memref_slice %arg2[%dma_start3A_66, %dma_start3A_67] : memref<10240x128xf32, #tpu.memory_space<hbm>> -> memref<10240x128xf32, #tpu.memory_space<hbm>>
          tpu.enqueue_indirect_dma source(%dma_start3A_68 : memref<10240x128xf32, #tpu.memory_space<hbm>>) target(%arg10 : memref<80x128xf32, #tpu.memory_space<vmem>>) offsets(%dma_start3A_65 : memref<80xi32, #tpu.memory_space<vmem>>) semaphore(%arg12 : memref<!tpu.dma_semaphore, #tpu.memory_space<semaphore_mem>>)
        } else {
        }
        %dma_wait3A = arith.constant 0 : i32
        %dma_wait3A_42 = tpu.memref_slice %arg7[%add3A_37, %dma_wait3A] : memref<25x80xi32, #tpu.memory_space<vmem>> -> memref<1x80xi32, #tpu.memory_space<vmem>>
        %dma_wait3A_43 = tpu.memref_squeeze %dma_wait3A_42 : memref<1x80xi32, #tpu.memory_space<vmem>> -> memref<80xi32, #tpu.memory_space<vmem>>
        %dma_wait3A_44 = arith.constant 0 : i32
        %dma_wait3A_45 = arith.constant 0 : i32
        %dma_wait3A_46 = tpu.memref_slice %arg2[%dma_wait3A_44, %dma_wait3A_45] : memref<10240x128xf32, #tpu.memory_space<hbm>> -> memref<10240x128xf32, #tpu.memory_space<hbm>>
        tpu.wait_indirect_dma semaphore(%arg11 : memref<!tpu.dma_semaphore, #tpu.memory_space<semaphore_mem>>) src(%dma_wait3A_46 : memref<10240x128xf32, #tpu.memory_space<hbm>>) dst(%arg9 : memref<80x128xf32, #tpu.memory_space<vmem>>)
        "tpu.region"() ({
          %run_scoped3A = tpu.sem_alloc : memref<!tpu.dma_semaphore, #tpu.memory_space<semaphore_mem>>
          %dma_start3A_61 = arith.constant 0 : i32
          %dma_start3A_62 = tpu.memref_slice %arg8[%add3A_37, %dma_start3A_61] : memref<25x80xi32, #tpu.memory_space<vmem>> -> memref<1x80xi32, #tpu.memory_space<vmem>>
          %dma_start3A_63 = tpu.memref_squeeze %dma_start3A_62 : memref<1x80xi32, #tpu.memory_space<vmem>> -> memref<80xi32, #tpu.memory_space<vmem>>
          %dma_start3A_64 = arith.constant 0 : i32
          %dma_start3A_65 = arith.constant 0 : i32
          %dma_start3A_66 = tpu.memref_slice %arg6[%dma_start3A_64, %dma_start3A_65] : memref<10240x128xf32, #tpu.memory_space<vmem_shared>> -> memref<10240x128xf32, #tpu.memory_space<vmem_shared>>
          tpu.enqueue_indirect_dma source(%arg9 : memref<80x128xf32, #tpu.memory_space<vmem>>) target(%dma_start3A_66 : memref<10240x128xf32, #tpu.memory_space<vmem_shared>>) offsets(%dma_start3A_63 : memref<80xi32, #tpu.memory_space<vmem>>) semaphore(%run_scoped3A : memref<!tpu.dma_semaphore, #tpu.memory_space<semaphore_mem>>) {add = true}
          %dma_wait3A_67 = arith.constant 0 : i32
          %dma_wait3A_68 = tpu.memref_slice %arg8[%add3A_37, %dma_wait3A_67] : memref<25x80xi32, #tpu.memory_space<vmem>> -> memref<1x80xi32, #tpu.memory_space<vmem>>
          %dma_wait3A_69 = tpu.memref_squeeze %dma_wait3A_68 : memref<1x80xi32, #tpu.memory_space<vmem>> -> memref<80xi32, #tpu.memory_space<vmem>>
          %dma_wait3A_70 = arith.constant 0 : i32
          %dma_wait3A_71 = arith.constant 0 : i32
          %dma_wait3A_72 = tpu.memref_slice %arg6[%dma_wait3A_70, %dma_wait3A_71] : memref<10240x128xf32, #tpu.memory_space<vmem_shared>> -> memref<10240x128xf32, #tpu.memory_space<vmem_shared>>
          tpu.wait_indirect_dma semaphore(%run_scoped3A : memref<!tpu.dma_semaphore, #tpu.memory_space<semaphore_mem>>) src(%arg9 : memref<80x128xf32, #tpu.memory_space<vmem>>) dst(%dma_wait3A_72 : memref<10240x128xf32, #tpu.memory_space<vmem_shared>>)
          tpu.yield
        }) : () -> ()
        %add3A_47 = arith.constant 2 : i32
        %add3A_48 = arith.addi %add3A_37, %add3A_47 : i32
        %lt3A_49 = arith.constant 25 : i32
        %lt3A_50 = arith.cmpi slt, %add3A_48, %lt3A_49 : i32
        %convert_element_type3A_51 = arith.extui %lt3A_50 : i1 to i32
        %cond3A_52 = arith.constant 0 : i32
        %cond3A_53 = arith.cmpi ne, %convert_element_type3A_51, %cond3A_52 : i32
        scf.if %cond3A_53 {
          %add3A_61 = arith.constant 2 : i32
          %add3A_62 = arith.addi %add3A_37, %add3A_61 : i32
          %dma_start3A_63 = arith.constant 0 : i32
          %dma_start3A_64 = tpu.memref_slice %arg7[%add3A_62, %dma_start3A_63] : memref<25x80xi32, #tpu.memory_space<vmem>> -> memref<1x80xi32, #tpu.memory_space<vmem>>
          %dma_start3A_65 = tpu.memref_squeeze %dma_start3A_64 : memref<1x80xi32, #tpu.memory_space<vmem>> -> memref<80xi32, #tpu.memory_space<vmem>>
          %dma_start3A_66 = arith.constant 0 : i32
          %dma_start3A_67 = arith.constant 0 : i32
          %dma_start3A_68 = tpu.memref_slice %arg2[%dma_start3A_66, %dma_start3A_67] : memref<10240x128xf32, #tpu.memory_space<hbm>> -> memref<10240x128xf32, #tpu.memory_space<hbm>>
          tpu.enqueue_indirect_dma source(%dma_start3A_68 : memref<10240x128xf32, #tpu.memory_space<hbm>>) target(%arg9 : memref<80x128xf32, #tpu.memory_space<vmem>>) offsets(%dma_start3A_65 : memref<80xi32, #tpu.memory_space<vmem>>) semaphore(%arg11 : memref<!tpu.dma_semaphore, #tpu.memory_space<semaphore_mem>>)
        } else {
        }
        %add3A_54 = arith.constant 1 : i32
        %add3A_55 = arith.addi %add3A_37, %add3A_54 : i32
        %lt3A_56 = arith.constant 25 : i32
        %lt3A_57 = arith.cmpi slt, %add3A_55, %lt3A_56 : i32
        %convert_element_type3A_58 = arith.extui %lt3A_57 : i1 to i32
        %cond3A_59 = arith.constant 0 : i32
        %cond3A_60 = arith.cmpi ne, %convert_element_type3A_58, %cond3A_59 : i32
        scf.if %cond3A_60 {
          %add3A_61 = arith.constant 1 : i32
          %add3A_62 = arith.addi %add3A_37, %add3A_61 : i32
          %dma_wait3A_63 = arith.constant 0 : i32
          %dma_wait3A_64 = tpu.memref_slice %arg7[%add3A_62, %dma_wait3A_63] : memref<25x80xi32, #tpu.memory_space<vmem>> -> memref<1x80xi32, #tpu.memory_space<vmem>>
          %dma_wait3A_65 = tpu.memref_squeeze %dma_wait3A_64 : memref<1x80xi32, #tpu.memory_space<vmem>> -> memref<80xi32, #tpu.memory_space<vmem>>
          %dma_wait3A_66 = arith.constant 0 : i32
          %dma_wait3A_67 = arith.constant 0 : i32
          %dma_wait3A_68 = tpu.memref_slice %arg2[%dma_wait3A_66, %dma_wait3A_67] : memref<10240x128xf32, #tpu.memory_space<hbm>> -> memref<10240x128xf32, #tpu.memory_space<hbm>>
          tpu.wait_indirect_dma semaphore(%arg12 : memref<!tpu.dma_semaphore, #tpu.memory_space<semaphore_mem>>) src(%dma_wait3A_68 : memref<10240x128xf32, #tpu.memory_space<hbm>>) dst(%arg10 : memref<80x128xf32, #tpu.memory_space<vmem>>)
          %add3A_69 = arith.constant 1 : i32
          %add3A_70 = arith.addi %add3A_37, %add3A_69 : i32
          "tpu.region"() ({
            %run_scoped3A = tpu.sem_alloc : memref<!tpu.dma_semaphore, #tpu.memory_space<semaphore_mem>>
            %dma_start3A_71 = arith.constant 0 : i32
            %dma_start3A_72 = tpu.memref_slice %arg8[%add3A_70, %dma_start3A_71] : memref<25x80xi32, #tpu.memory_space<vmem>> -> memref<1x80xi32, #tpu.memory_space<vmem>>
            %dma_start3A_73 = tpu.memref_squeeze %dma_start3A_72 : memref<1x80xi32, #tpu.memory_space<vmem>> -> memref<80xi32, #tpu.memory_space<vmem>>
            %dma_start3A_74 = arith.constant 0 : i32
            %dma_start3A_75 = arith.constant 0 : i32
            %dma_start3A_76 = tpu.memref_slice %arg6[%dma_start3A_74, %dma_start3A_75] : memref<10240x128xf32, #tpu.memory_space<vmem_shared>> -> memref<10240x128xf32, #tpu.memory_space<vmem_shared>>
            tpu.enqueue_indirect_dma source(%arg10 : memref<80x128xf32, #tpu.memory_space<vmem>>) target(%dma_start3A_76 : memref<10240x128xf32, #tpu.memory_space<vmem_shared>>) offsets(%dma_start3A_73 : memref<80xi32, #tpu.memory_space<vmem>>) semaphore(%run_scoped3A : memref<!tpu.dma_semaphore, #tpu.memory_space<semaphore_mem>>) {add = true}
            %dma_wait3A_77 = arith.constant 0 : i32
            %dma_wait3A_78 = tpu.memref_slice %arg8[%add3A_70, %dma_wait3A_77] : memref<25x80xi32, #tpu.memory_space<vmem>> -> memref<1x80xi32, #tpu.memory_space<vmem>>
            %dma_wait3A_79 = tpu.memref_squeeze %dma_wait3A_78 : memref<1x80xi32, #tpu.memory_space<vmem>> -> memref<80xi32, #tpu.memory_space<vmem>>
            %dma_wait3A_80 = arith.constant 0 : i32
            %dma_wait3A_81 = arith.constant 0 : i32
            %dma_wait3A_82 = tpu.memref_slice %arg6[%dma_wait3A_80, %dma_wait3A_81] : memref<10240x128xf32, #tpu.memory_space<vmem_shared>> -> memref<10240x128xf32, #tpu.memory_space<vmem_shared>>
            tpu.wait_indirect_dma semaphore(%run_scoped3A : memref<!tpu.dma_semaphore, #tpu.memory_space<semaphore_mem>>) src(%arg10 : memref<80x128xf32, #tpu.memory_space<vmem>>) dst(%dma_wait3A_82 : memref<10240x128xf32, #tpu.memory_space<vmem_shared>>)
            tpu.yield
          }) : () -> ()
        } else {
        }
      }
      %scan3A_32 = arith.constant 13 : i32
    }
    %scan3A_8 = arith.constant 5 : i32
    %barrier3A_9 = arith.constant 0 : index
    tpu.barrier barrier_id(%barrier3A_9)
    %mul3A_10 = arith.constant 10240 : i32
    %mul3A_11 = arith.muli %arg0, %mul3A_10 : i32
    %mul3A_12 = arith.constant 640 : i32
    %mul3A_13 = arith.muli %arg1, %mul3A_12 : i32
    %add3A_14 = arith.addi %mul3A_11, %mul3A_13 : i32
    %mul3A_15 = arith.constant 640 : i32
    %mul3A_16 = arith.muli %arg1, %mul3A_15 : i32
    "tpu.region"() ({
      %run_scoped3A = tpu.sem_alloc : memref<!tpu.dma_semaphore, #tpu.memory_space<semaphore_mem>>
      %dma_start3A = arith.constant 0 : i32
      %dma_start3A_17 = tpu.memref_slice %arg5[%add3A_14, %dma_start3A] : memref<20480x128xf32, #tpu.memory_space<hbm>> -> memref<640x128xf32, #tpu.memory_space<hbm>>
      %dma_start3A_18 = arith.constant 0 : i32
      %dma_start3A_19 = tpu.memref_slice %arg6[%mul3A_16, %dma_start3A_18] : memref<10240x128xf32, #tpu.memory_space<vmem_shared>> -> memref<640x128xf32, #tpu.memory_space<vmem_shared>>
      tpu.enqueue_dma source(%dma_start3A_19 : memref<640x128xf32, #tpu.memory_space<vmem_shared>>) target(%dma_start3A_17 : memref<640x128xf32, #tpu.memory_space<hbm>>) target_semaphore(%run_scoped3A : memref<!tpu.dma_semaphore, #tpu.memory_space<semaphore_mem>>)
      %dma_wait3A = arith.constant 0 : i32
      %dma_wait3A_20 = tpu.memref_slice %arg5[%add3A_14, %dma_wait3A] : memref<20480x128xf32, #tpu.memory_space<hbm>> -> memref<640x128xf32, #tpu.memory_space<hbm>>
      %dma_wait3A_21 = arith.constant 0 : i32
      %dma_wait3A_22 = tpu.memref_slice %arg6[%mul3A_16, %dma_wait3A_21] : memref<10240x128xf32, #tpu.memory_space<vmem_shared>> -> memref<640x128xf32, #tpu.memory_space<vmem_shared>>
      tpu.wait_dma2 semaphore(%run_scoped3A : memref<!tpu.dma_semaphore, #tpu.memory_space<semaphore_mem>>) src(%dma_wait3A_22 : memref<640x128xf32, #tpu.memory_space<vmem_shared>>) dst(%dma_wait3A_20 : memref<640x128xf32, #tpu.memory_space<hbm>>)
      tpu.yield
    }) : () -> ()
    return
  }
}

module attributes {stable_mosaic.version = 14 : i64} {
  func.func @body(%arg0: i32, %arg1: memref<1024x128xf32, #tpu.memory_space<vmem>>, %arg2: memref<1024x128xf32, #tpu.memory_space<vmem>>, %arg3: memref<1024x256xf32, #tpu.memory_space<vmem>>, %arg4: memref<1024x1xf32, #tpu.memory_space<vmem>>, %arg5: memref<2x1024x128xf32, #tpu.memory_space<vmem>>) attributes {dimension_semantics = [#tpu.dimension_semantics<arbitrary>], iteration_bounds = array<i64: 10>, scalar_prefetch = 0 : i64, scratch_operands = 0 : i64, tpu.core_type = #tpu.core_type<tc>, window_params = [{transform_indices = @transform_0, window_bounds = array<i64: 1024, 128>}, {transform_indices = @transform_1, window_bounds = array<i64: 1024, 128>}, {transform_indices = @transform_2, window_bounds = array<i64: 1024, 256>}, {transform_indices = @transform_3, window_bounds = array<i64: 1024, 1>}, {transform_indices = @transform_4, window_bounds = array<i64: 2, 1024, 128>}]} {
    %get3A = arith.constant 0 : index
    %get3A_0 = arith.constant 0 : index
    %get3A_1 = vector.load %arg1[%get3A, %get3A_0] : memref<1024x128xf32, #tpu.memory_space<vmem>>, vector<1024x128xf32>
    %get3A_2 = arith.constant 0 : index
    %get3A_3 = arith.constant 0 : index
    %get3A_4 = vector.load %arg2[%get3A_2, %get3A_3] : memref<1024x128xf32, #tpu.memory_space<vmem>>, vector<1024x128xf32>
    %add3A = arith.addf %get3A_1, %get3A_4 : vector<1024x128xf32>
    %sub3A = arith.constant 1.000000e+00 : f32
    %sub3A_5 = vector.broadcast %sub3A : f32 to vector<1024x128xf32>
    %sub3A_6 = arith.subf %add3A, %sub3A_5 : vector<1024x128xf32>
    %slice3A = vector.extract_strided_slice %sub3A_6 {offsets = [0, 0], sizes = [1024, 1], strides = [1, 1]} : vector<1024x128xf32> to vector<1024x1xf32>
    %rsqrt3A = math.rsqrt %slice3A : vector<1024x1xf32>
    %swap3A = arith.constant 0 : index
    %swap3A_7 = arith.constant 0 : index
    %swap3A_8 = vector.load %arg4[%swap3A, %swap3A_7] : memref<1024x1xf32, #tpu.memory_space<vmem>>, vector<1024x1xf32>
    tpu.vector_store %arg4[%swap3A, %swap3A_7], %rsqrt3A {strides = array<i32>} : memref<1024x1xf32, #tpu.memory_space<vmem>>, vector<1024x1xf32>,
    %get3A_9 = arith.constant 0 : index
    %get3A_10 = arith.constant 0 : index
    %get3A_11 = vector.load %arg3[%get3A_9, %get3A_10] : memref<1024x256xf32, #tpu.memory_space<vmem>>, vector<1024x128xf32>
    %mul3A = vector.broadcast %rsqrt3A : vector<1024x1xf32> to vector<1024x128xf32>
    %mul3A_12 = arith.mulf %mul3A, %get3A_11 : vector<1024x128xf32>
    %swap3A_13 = arith.constant 0 : index
    %swap3A_14 = arith.constant 0 : index
    %swap3A_15 = arith.constant 0 : index
    %swap3A_16 = vector.load %arg5[%swap3A_13, %swap3A_14, %swap3A_15] : memref<2x1024x128xf32, #tpu.memory_space<vmem>>, vector<1x1024x128xf32>
    %swap3A_17 = vector.shape_cast %swap3A_16 : vector<1x1024x128xf32> to vector<1024x128xf32>
    %swap3A_18 = vector.shape_cast %mul3A_12 : vector<1024x128xf32> to vector<1x1024x128xf32>
    tpu.vector_store %arg5[%swap3A_13, %swap3A_14, %swap3A_15], %swap3A_18 {strides = array<i32>} : memref<2x1024x128xf32, #tpu.memory_space<vmem>>, vector<1x1024x128xf32>,
    %get3A_19 = arith.constant 0 : index
    %get3A_20 = arith.constant 128 : index
    %get3A_21 = vector.load %arg3[%get3A_19, %get3A_20] : memref<1024x256xf32, #tpu.memory_space<vmem>>, vector<1024x128xf32>
    %mul3A_22 = vector.broadcast %rsqrt3A : vector<1024x1xf32> to vector<1024x128xf32>
    %mul3A_23 = arith.mulf %mul3A_22, %get3A_21 : vector<1024x128xf32>
    %swap3A_24 = arith.constant 1 : index
    %swap3A_25 = arith.constant 0 : index
    %swap3A_26 = arith.constant 0 : index
    %swap3A_27 = vector.load %arg5[%swap3A_24, %swap3A_25, %swap3A_26] : memref<2x1024x128xf32, #tpu.memory_space<vmem>>, vector<1x1024x128xf32>
    %swap3A_28 = vector.shape_cast %swap3A_27 : vector<1x1024x128xf32> to vector<1024x128xf32>
    %swap3A_29 = vector.shape_cast %mul3A_23 : vector<1024x128xf32> to vector<1x1024x128xf32>
    tpu.vector_store %arg5[%swap3A_24, %swap3A_25, %swap3A_26], %swap3A_29 {strides = array<i32>} : memref<2x1024x128xf32, #tpu.memory_space<vmem>>, vector<1x1024x128xf32>,
    return
  }
  func.func @transform_0(%arg0: i32) -> (i32, i32) {
    %c0_i32 = arith.constant 0 : i32
    %c0_i32_0 = arith.constant 0 : i32
    return %arg0, %c0_i32 : i32, i32
  }
  func.func @transform_1(%arg0: i32) -> (i32, i32) {
    %add3A = arith.constant 10 : i32
    %add3A_0 = arith.addi %add3A, %arg0 : i32
    %c0_i32 = arith.constant 0 : i32
    %c0_i32_1 = arith.constant 0 : i32
    return %add3A_0, %c0_i32 : i32, i32
  }
  func.func @transform_2(%arg0: i32) -> (i32, i32) {
    %c0_i32 = arith.constant 0 : i32
    %c0_i32_0 = arith.constant 0 : i32
    return %arg0, %c0_i32 : i32, i32
  }
  func.func @transform_3(%arg0: i32) -> (i32, i32) {
    %c0_i32 = arith.constant 0 : i32
    %c0_i32_0 = arith.constant 0 : i32
    return %arg0, %c0_i32 : i32, i32
  }
  func.func @transform_4(%arg0: i32) -> (i32, i32, i32) {
    %c0_i32 = arith.constant 0 : i32
    %c0_i32_0 = arith.constant 0 : i32
    %c0_i32_1 = arith.constant 0 : i32
    return %c0_i32, %arg0, %c0_i32_0 : i32, i32, i32
  }
}

module attributes {stable_mosaic.version = 14 : i64} {
  func.func @body(%arg0: i32, %arg1: i32, %arg2: memref<1024x128xf32, #tpu.memory_space<vmem>>, %arg3: memref<1024x128xf32, #tpu.memory_space<vmem>>, %arg4: memref<1024x1xf32, #tpu.memory_space<vmem>>, %arg5: memref<256x128xf32, #tpu.memory_space<vmem>>, %arg6: memref<1x128xf32, #tpu.memory_space<vmem>>, %arg7: memref<1024x128xf32, #tpu.memory_space<vmem>>) attributes {dimension_semantics = [#tpu.dimension_semantics<arbitrary>, #tpu.dimension_semantics<arbitrary>], iteration_bounds = array<i64: 10, 32>, scalar_prefetch = 0 : i64, scratch_operands = 0 : i64, tpu.core_type = #tpu.core_type<tc>, window_params = [{transform_indices = @transform_0, window_bounds = array<i64: 1024, 128>}, {transform_indices = @transform_1, window_bounds = array<i64: 1024, 128>}, {transform_indices = @transform_2, window_bounds = array<i64: 1024, 1>}, {transform_indices = @transform_3, window_bounds = array<i64: 256, 128>}, {transform_indices = @transform_4, window_bounds = array<i64: 1, 128>}, {transform_indices = @transform_5, window_bounds = array<i64: 1024, 128>}]} {
    %get3A = arith.constant 0 : index
    %get3A_0 = arith.constant 0 : index
    %get3A_1 = vector.load %arg2[%get3A, %get3A_0] : memref<1024x128xf32, #tpu.memory_space<vmem>>, vector<1024x128xf32>
    %get3A_2 = arith.constant 0 : index
    %get3A_3 = arith.constant 0 : index
    %get3A_4 = vector.load %arg5[%get3A_2, %get3A_3] : memref<256x128xf32, #tpu.memory_space<vmem>>, vector<128x128xf32>
    %dot_general3A = arith.constant dense<0.000000e+00> : vector<1024x128xf32>
    %dot_general3A_5 = tpu.matmul %get3A_1, %get3A_4, %dot_general3A {dimension_numbers = #tpu.dot_dimension_numbers<[1], [0], [0], [1], [0, 0, 1, 1], [], []>, transpose_lhs_hint = false} : vector<1024x128xf32>, vector<128x128xf32>, vector<1024x128xf32> -> vector<1024x128xf32>
    %get3A_6 = arith.constant 0 : index
    %get3A_7 = arith.constant 0 : index
    %get3A_8 = vector.load %arg3[%get3A_6, %get3A_7] : memref<1024x128xf32, #tpu.memory_space<vmem>>, vector<1024x128xf32>
    %get3A_9 = arith.constant 128 : index
    %get3A_10 = arith.constant 0 : index
    %get3A_11 = vector.load %arg5[%get3A_9, %get3A_10] : memref<256x128xf32, #tpu.memory_space<vmem>>, vector<128x128xf32>
    %dot_general3A_12 = arith.constant dense<0.000000e+00> : vector<1024x128xf32>
    %dot_general3A_13 = tpu.matmul %get3A_8, %get3A_11, %dot_general3A_12 {dimension_numbers = #tpu.dot_dimension_numbers<[1], [0], [0], [1], [0, 0, 1, 1], [], []>, transpose_lhs_hint = false} : vector<1024x128xf32>, vector<128x128xf32>, vector<1024x128xf32> -> vector<1024x128xf32>
    %add3A = arith.addf %dot_general3A_5, %dot_general3A_13 : vector<1024x128xf32>
    %get3A_14 = arith.constant 0 : index
    %get3A_15 = arith.constant 0 : index
    %get3A_16 = vector.load %arg4[%get3A_14, %get3A_15] : memref<1024x1xf32, #tpu.memory_space<vmem>>, vector<1024x1xf32>
    %mul3A = vector.broadcast %get3A_16 : vector<1024x1xf32> to vector<1024x128xf32>
    %mul3A_17 = arith.mulf %mul3A, %add3A : vector<1024x128xf32>
    %get3A_18 = arith.constant 0 : index
    %get3A_19 = arith.constant 0 : index
    %get3A_20 = vector.load %arg6[%get3A_18, %get3A_19] : memref<1x128xf32, #tpu.memory_space<vmem>>, vector<1x128xf32>
    %add3A_21 = vector.broadcast %get3A_20 : vector<1x128xf32> to vector<1024x128xf32>
    %add3A_22 = arith.addf %mul3A_17, %add3A_21 : vector<1024x128xf32>
    %max3A = arith.constant 0.000000e+00 : f32
    %max3A_23 = vector.broadcast %max3A : f32 to vector<1024x128xf32>
    %max3A_24 = arith.maximumf %add3A_22, %max3A_23 : vector<1024x128xf32>
    %mul3A_25 = vector.broadcast %get3A_16 : vector<1024x1xf32> to vector<1024x128xf32>
    %mul3A_26 = arith.mulf %mul3A_25, %max3A_24 : vector<1024x128xf32>
    %swap3A = arith.constant 0 : index
    %swap3A_27 = arith.constant 0 : index
    %swap3A_28 = vector.load %arg7[%swap3A, %swap3A_27] : memref<1024x128xf32, #tpu.memory_space<vmem>>, vector<1024x128xf32>
    tpu.vector_store %arg7[%swap3A, %swap3A_27], %mul3A_26 {strides = array<i32>} : memref<1024x128xf32, #tpu.memory_space<vmem>>, vector<1024x128xf32>,
    return
  }
  func.func @transform_0(%arg0: i32, %arg1: i32) -> (i32, i32) {
    %c0_i32 = arith.constant 0 : i32
    %c0_i32_0 = arith.constant 0 : i32
    return %arg0, %c0_i32 : i32, i32
  }
  func.func @transform_1(%arg0: i32, %arg1: i32) -> (i32, i32) {
    %add3A = arith.constant 10 : i32
    %add3A_0 = arith.addi %add3A, %arg0 : i32
    %c0_i32 = arith.constant 0 : i32
    %c0_i32_1 = arith.constant 0 : i32
    return %add3A_0, %c0_i32 : i32, i32
  }
  func.func @transform_2(%arg0: i32, %arg1: i32) -> (i32, i32) {
    %c0_i32 = arith.constant 0 : i32
    %c0_i32_0 = arith.constant 0 : i32
    return %arg0, %c0_i32 : i32, i32
  }
  func.func @transform_3(%arg0: i32, %arg1: i32) -> (i32, i32) {
    %c0_i32 = arith.constant 0 : i32
    %c0_i32_0 = arith.constant 0 : i32
    return %c0_i32, %arg1 : i32, i32
  }
  func.func @transform_4(%arg0: i32, %arg1: i32) -> (i32, i32) {
    %c0_i32 = arith.constant 0 : i32
    %c0_i32_0 = arith.constant 0 : i32
    return %c0_i32, %arg1 : i32, i32
  }
  func.func @transform_5(%arg0: i32, %arg1: i32) -> (i32, i32) {
    %mul3A = arith.constant 10 : i32
    %mul3A_0 = arith.muli %arg1, %mul3A : i32
    %add3A = arith.addi %mul3A_0, %arg0 : i32
    %c0_i32 = arith.constant 0 : i32
    %c0_i32_1 = arith.constant 0 : i32
    return %add3A, %c0_i32 : i32, i32
  }
}

module attributes {stable_mosaic.version = 14 : i64} {
  func.func @body(%arg0: i32, %arg1: memref<32x256x128xf32, #tpu.memory_space<vmem>>, %arg2: memref<256x1xf32, #tpu.memory_space<vmem>>, %arg3: memref<512x512xf32, #tpu.memory_space<vmem>>, %arg4: memref<1x512xf32, #tpu.memory_space<vmem>>, %arg5: memref<512x9xf32, #tpu.memory_space<vmem>>, %arg6: memref<256x128xf32, #tpu.memory_space<vmem>>) attributes {dimension_semantics = [#tpu.dimension_semantics<arbitrary>], iteration_bounds = array<i64: 40>, scalar_prefetch = 0 : i64, scratch_operands = 0 : i64, tpu.core_type = #tpu.core_type<tc>, window_params = [{transform_indices = @transform_0, window_bounds = array<i64: 32, 256, 128>}, {transform_indices = @transform_1, window_bounds = array<i64: 256, 1>}, {pipeline_mode = #tpu.pipeline_mode<synchronous>, transform_indices = @transform_2, window_bounds = array<i64: 512, 512>}, {pipeline_mode = #tpu.pipeline_mode<synchronous>, transform_indices = @transform_3, window_bounds = array<i64: 1, 512>}, {pipeline_mode = #tpu.pipeline_mode<synchronous>, transform_indices = @transform_4, window_bounds = array<i64: 512, 9>}, {transform_indices = @transform_5, window_bounds = array<i64: 256, 128>}]} {
    %get3A = arith.constant 0 : index
    %get3A_0 = arith.constant 0 : index
    %get3A_1 = vector.load %arg2[%get3A, %get3A_0] : memref<256x1xf32, #tpu.memory_space<vmem>>, vector<256x1xf32>
    %broadcast_in_dim3A = arith.constant 0.000000e+00 : f32
    %broadcast_in_dim3A_2 = vector.broadcast %broadcast_in_dim3A : f32 to vector<256x128xf32>
    %swap3A = arith.constant 0 : index
    %swap3A_3 = arith.constant 0 : index
    %swap3A_4 = vector.load %arg6[%swap3A, %swap3A_3] : memref<256x128xf32, #tpu.memory_space<vmem>>, vector<256x128xf32>
    tpu.vector_store %arg6[%swap3A, %swap3A_3], %broadcast_in_dim3A_2 {strides = array<i32>} : memref<256x128xf32, #tpu.memory_space<vmem>>, vector<256x128xf32>,
    %broadcast_in_dim3A_5 = arith.constant 0.000000e+00 : f32
    %broadcast_in_dim3A_6 = vector.broadcast %broadcast_in_dim3A_5 : f32 to vector<256x512xf32>
    %get3A_7 = arith.constant 0 : index
    %get3A_8 = arith.constant 0 : index
    %get3A_9 = arith.constant 0 : index
    %get3A_10 = vector.load %arg1[%get3A_7, %get3A_8, %get3A_9] : memref<32x256x128xf32, #tpu.memory_space<vmem>>, vector<1x256x128xf32>
    %get3A_11 = vector.shape_cast %get3A_10 : vector<1x256x128xf32> to vector<256x128xf32>
    %get3A_12 = arith.constant 0 : index
    %get3A_13 = arith.constant 0 : index
    %get3A_14 = vector.load %arg3[%get3A_12, %get3A_13] : memref<512x512xf32, #tpu.memory_space<vmem>>, vector<128x512xf32>
    %dot_general3A = arith.constant dense<0.000000e+00> : vector<256x512xf32>
    %dot_general3A_15 = tpu.matmul %get3A_11, %get3A_14, %dot_general3A {dimension_numbers = #tpu.dot_dimension_numbers<[1], [0], [0], [1], [0, 0, 1, 1], [], []>, transpose_lhs_hint = false} : vector<256x128xf32>, vector<128x512xf32>, vector<256x512xf32> -> vector<256x512xf32>
    %add3A = arith.addf %broadcast_in_dim3A_6, %dot_general3A_15 : vector<256x512xf32>
    %get3A_16 = arith.constant 1 : index
    %get3A_17 = arith.constant 0 : index
    %get3A_18 = arith.constant 0 : index
    %get3A_19 = vector.load %arg1[%get3A_16, %get3A_17, %get3A_18] : memref<32x256x128xf32, #tpu.memory_space<vmem>>, vector<1x256x128xf32>
    %get3A_20 = vector.shape_cast %get3A_19 : vector<1x256x128xf32> to vector<256x128xf32>
    %get3A_21 = arith.constant 128 : index
    %get3A_22 = arith.constant 0 : index
    %get3A_23 = vector.load %arg3[%get3A_21, %get3A_22] : memref<512x512xf32, #tpu.memory_space<vmem>>, vector<128x512xf32>
    %dot_general3A_24 = arith.constant dense<0.000000e+00> : vector<256x512xf32>
    %dot_general3A_25 = tpu.matmul %get3A_20, %get3A_23, %dot_general3A_24 {dimension_numbers = #tpu.dot_dimension_numbers<[1], [0], [0], [1], [0, 0, 1, 1], [], []>, transpose_lhs_hint = false} : vector<256x128xf32>, vector<128x512xf32>, vector<256x512xf32> -> vector<256x512xf32>
    %add3A_26 = arith.addf %add3A, %dot_general3A_25 : vector<256x512xf32>
    %get3A_27 = arith.constant 2 : index
    %get3A_28 = arith.constant 0 : index
    %get3A_29 = arith.constant 0 : index
    %get3A_30 = vector.load %arg1[%get3A_27, %get3A_28, %get3A_29] : memref<32x256x128xf32, #tpu.memory_space<vmem>>, vector<1x256x128xf32>
    %get3A_31 = vector.shape_cast %get3A_30 : vector<1x256x128xf32> to vector<256x128xf32>
    %get3A_32 = arith.constant 256 : index
    %get3A_33 = arith.constant 0 : index
    %get3A_34 = vector.load %arg3[%get3A_32, %get3A_33] : memref<512x512xf32, #tpu.memory_space<vmem>>, vector<128x512xf32>
    %dot_general3A_35 = arith.constant dense<0.000000e+00> : vector<256x512xf32>
    %dot_general3A_36 = tpu.matmul %get3A_31, %get3A_34, %dot_general3A_35 {dimension_numbers = #tpu.dot_dimension_numbers<[1], [0], [0], [1], [0, 0, 1, 1], [], []>, transpose_lhs_hint = false} : vector<256x128xf32>, vector<128x512xf32>, vector<256x512xf32> -> vector<256x512xf32>
    %add3A_37 = arith.addf %add3A_26, %dot_general3A_36 : vector<256x512xf32>
    %get3A_38 = arith.constant 3 : index
    %get3A_39 = arith.constant 0 : index
    %get3A_40 = arith.constant 0 : index
    %get3A_41 = vector.load %arg1[%get3A_38, %get3A_39, %get3A_40] : memref<32x256x128xf32, #tpu.memory_space<vmem>>, vector<1x256x128xf32>
    %get3A_42 = vector.shape_cast %get3A_41 : vector<1x256x128xf32> to vector<256x128xf32>
    %get3A_43 = arith.constant 384 : index
    %get3A_44 = arith.constant 0 : index
    %get3A_45 = vector.load %arg3[%get3A_43, %get3A_44] : memref<512x512xf32, #tpu.memory_space<vmem>>, vector<128x512xf32>
    %dot_general3A_46 = arith.constant dense<0.000000e+00> : vector<256x512xf32>
    %dot_general3A_47 = tpu.matmul %get3A_42, %get3A_45, %dot_general3A_46 {dimension_numbers = #tpu.dot_dimension_numbers<[1], [0], [0], [1], [0, 0, 1, 1], [], []>, transpose_lhs_hint = false} : vector<256x128xf32>, vector<128x512xf32>, vector<256x512xf32> -> vector<256x512xf32>
    %add3A_48 = arith.addf %add3A_37, %dot_general3A_47 : vector<256x512xf32>
    %mul3A = vector.broadcast %get3A_1 : vector<256x1xf32> to vector<256x512xf32>
    %mul3A_49 = arith.mulf %mul3A, %add3A_48 : vector<256x512xf32>
    %get3A_50 = arith.constant 0 : index
    %get3A_51 = arith.constant 0 : index
    %get3A_52 = vector.load %arg4[%get3A_50, %get3A_51] : memref<1x512xf32, #tpu.memory_space<vmem>>, vector<1x512xf32>
    %add3A_53 = vector.broadcast %get3A_52 : vector<1x512xf32> to vector<256x512xf32>
    %add3A_54 = arith.addf %mul3A_49, %add3A_53 : vector<256x512xf32>
    %max3A = arith.constant 0.000000e+00 : f32
    %max3A_55 = vector.broadcast %max3A : f32 to vector<256x512xf32>
    %max3A_56 = arith.maximumf %add3A_54, %max3A_55 : vector<256x512xf32>
    %get3A_57 = arith.constant 0 : index
    %get3A_58 = arith.constant 0 : index
    %get3A_59 = vector.load %arg5[%get3A_57, %get3A_58] : memref<512x9xf32, #tpu.memory_space<vmem>>, vector<512x9xf32>
    %dot_general3A_60 = arith.constant dense<0.000000e+00> : vector<256x9xf32>
    %dot_general3A_61 = tpu.matmul %max3A_56, %get3A_59, %dot_general3A_60 {dimension_numbers = #tpu.dot_dimension_numbers<[1], [0], [0], [1], [0, 0, 1, 1], [], []>, transpose_lhs_hint = false} : vector<256x512xf32>, vector<512x9xf32>, vector<256x9xf32> -> vector<256x9xf32>
    %mul3A_62 = vector.broadcast %get3A_1 : vector<256x1xf32> to vector<256x9xf32>
    %mul3A_63 = arith.mulf %mul3A_62, %dot_general3A_61 : vector<256x9xf32>
    %swap3A_64 = arith.constant 0 : index
    %swap3A_65 = arith.constant 0 : index
    %swap3A_66 = vector.load %arg6[%swap3A_64, %swap3A_65] : memref<256x128xf32, #tpu.memory_space<vmem>>, vector<256x9xf32>
    tpu.vector_store %arg6[%swap3A_64, %swap3A_65], %mul3A_63 {strides = array<i32>} : memref<256x128xf32, #tpu.memory_space<vmem>>, vector<256x9xf32>,
    %broadcast_in_dim3A_67 = arith.constant 0.000000e+00 : f32
    %broadcast_in_dim3A_68 = vector.broadcast %broadcast_in_dim3A_67 : f32 to vector<256x512xf32>
    %get3A_69 = arith.constant 4 : index
    %get3A_70 = arith.constant 0 : index
    %get3A_71 = arith.constant 0 : index
    %get3A_72 = vector.load %arg1[%get3A_69, %get3A_70, %get3A_71] : memref<32x256x128xf32, #tpu.memory_space<vmem>>, vector<1x256x128xf32>
    %get3A_73 = vector.shape_cast %get3A_72 : vector<1x256x128xf32> to vector<256x128xf32>
    %get3A_74 = arith.constant 0 : index
    %get3A_75 = arith.constant 0 : index
    %get3A_76 = vector.load %arg3[%get3A_74, %get3A_75] : memref<512x512xf32, #tpu.memory_space<vmem>>, vector<128x512xf32>
    %dot_general3A_77 = arith.constant dense<0.000000e+00> : vector<256x512xf32>
    %dot_general3A_78 = tpu.matmul %get3A_73, %get3A_76, %dot_general3A_77 {dimension_numbers = #tpu.dot_dimension_numbers<[1], [0], [0], [1], [0, 0, 1, 1], [], []>, transpose_lhs_hint = false} : vector<256x128xf32>, vector<128x512xf32>, vector<256x512xf32> -> vector<256x512xf32>
    %add3A_79 = arith.addf %broadcast_in_dim3A_68, %dot_general3A_78 : vector<256x512xf32>
    %get3A_80 = arith.constant 5 : index
    %get3A_81 = arith.constant 0 : index
    %get3A_82 = arith.constant 0 : index
    %get3A_83 = vector.load %arg1[%get3A_80, %get3A_81, %get3A_82] : memref<32x256x128xf32, #tpu.memory_space<vmem>>, vector<1x256x128xf32>
    %get3A_84 = vector.shape_cast %get3A_83 : vector<1x256x128xf32> to vector<256x128xf32>
    %get3A_85 = arith.constant 128 : index
    %get3A_86 = arith.constant 0 : index
    %get3A_87 = vector.load %arg3[%get3A_85, %get3A_86] : memref<512x512xf32, #tpu.memory_space<vmem>>, vector<128x512xf32>
    %dot_general3A_88 = arith.constant dense<0.000000e+00> : vector<256x512xf32>
    %dot_general3A_89 = tpu.matmul %get3A_84, %get3A_87, %dot_general3A_88 {dimension_numbers = #tpu.dot_dimension_numbers<[1], [0], [0], [1], [0, 0, 1, 1], [], []>, transpose_lhs_hint = false} : vector<256x128xf32>, vector<128x512xf32>, vector<256x512xf32> -> vector<256x512xf32>
    %add3A_90 = arith.addf %add3A_79, %dot_general3A_89 : vector<256x512xf32>
    %get3A_91 = arith.constant 6 : index
    %get3A_92 = arith.constant 0 : index
    %get3A_93 = arith.constant 0 : index
    %get3A_94 = vector.load %arg1[%get3A_91, %get3A_92, %get3A_93] : memref<32x256x128xf32, #tpu.memory_space<vmem>>, vector<1x256x128xf32>
    %get3A_95 = vector.shape_cast %get3A_94 : vector<1x256x128xf32> to vector<256x128xf32>
    %get3A_96 = arith.constant 256 : index
    %get3A_97 = arith.constant 0 : index
    %get3A_98 = vector.load %arg3[%get3A_96, %get3A_97] : memref<512x512xf32, #tpu.memory_space<vmem>>, vector<128x512xf32>
    %dot_general3A_99 = arith.constant dense<0.000000e+00> : vector<256x512xf32>
    %dot_general3A_100 = tpu.matmul %get3A_95, %get3A_98, %dot_general3A_99 {dimension_numbers = #tpu.dot_dimension_numbers<[1], [0], [0], [1], [0, 0, 1, 1], [], []>, transpose_lhs_hint = false} : vector<256x128xf32>, vector<128x512xf32>, vector<256x512xf32> -> vector<256x512xf32>
    %add3A_101 = arith.addf %add3A_90, %dot_general3A_100 : vector<256x512xf32>
    %get3A_102 = arith.constant 7 : index
    %get3A_103 = arith.constant 0 : index
    %get3A_104 = arith.constant 0 : index
    %get3A_105 = vector.load %arg1[%get3A_102, %get3A_103, %get3A_104] : memref<32x256x128xf32, #tpu.memory_space<vmem>>, vector<1x256x128xf32>
    %get3A_106 = vector.shape_cast %get3A_105 : vector<1x256x128xf32> to vector<256x128xf32>
    %get3A_107 = arith.constant 384 : index
    %get3A_108 = arith.constant 0 : index
    %get3A_109 = vector.load %arg3[%get3A_107, %get3A_108] : memref<512x512xf32, #tpu.memory_space<vmem>>, vector<128x512xf32>
    %dot_general3A_110 = arith.constant dense<0.000000e+00> : vector<256x512xf32>
    %dot_general3A_111 = tpu.matmul %get3A_106, %get3A_109, %dot_general3A_110 {dimension_numbers = #tpu.dot_dimension_numbers<[1], [0], [0], [1], [0, 0, 1, 1], [], []>, transpose_lhs_hint = false} : vector<256x128xf32>, vector<128x512xf32>, vector<256x512xf32> -> vector<256x512xf32>
    %add3A_112 = arith.addf %add3A_101, %dot_general3A_111 : vector<256x512xf32>
    %mul3A_113 = vector.broadcast %get3A_1 : vector<256x1xf32> to vector<256x512xf32>
    %mul3A_114 = arith.mulf %mul3A_113, %add3A_112 : vector<256x512xf32>
    %get3A_115 = arith.constant 0 : index
    %get3A_116 = arith.constant 0 : index
    %get3A_117 = vector.load %arg4[%get3A_115, %get3A_116] : memref<1x512xf32, #tpu.memory_space<vmem>>, vector<1x512xf32>
    %add3A_118 = vector.broadcast %get3A_117 : vector<1x512xf32> to vector<256x512xf32>
    %add3A_119 = arith.addf %mul3A_114, %add3A_118 : vector<256x512xf32>
    %max3A_120 = arith.constant 0.000000e+00 : f32
    %max3A_121 = vector.broadcast %max3A_120 : f32 to vector<256x512xf32>
    %max3A_122 = arith.maximumf %add3A_119, %max3A_121 : vector<256x512xf32>
    %get3A_123 = arith.constant 0 : index
    %get3A_124 = arith.constant 0 : index
    %get3A_125 = vector.load %arg5[%get3A_123, %get3A_124] : memref<512x9xf32, #tpu.memory_space<vmem>>, vector<512x9xf32>
    %dot_general3A_126 = arith.constant dense<0.000000e+00> : vector<256x9xf32>
    %dot_general3A_127 = tpu.matmul %max3A_122, %get3A_125, %dot_general3A_126 {dimension_numbers = #tpu.dot_dimension_numbers<[1], [0], [0], [1], [0, 0, 1, 1], [], []>, transpose_lhs_hint = false} : vector<256x512xf32>, vector<512x9xf32>, vector<256x9xf32> -> vector<256x9xf32>
    %mul3A_128 = vector.broadcast %get3A_1 : vector<256x1xf32> to vector<256x9xf32>
    %mul3A_129 = arith.mulf %mul3A_128, %dot_general3A_127 : vector<256x9xf32>
    %swap3A_130 = arith.constant 0 : index
    %swap3A_131 = arith.constant 9 : index
    %swap3A_132 = vector.load %arg6[%swap3A_130, %swap3A_131] : memref<256x128xf32, #tpu.memory_space<vmem>>, vector<256x9xf32>
    tpu.vector_store %arg6[%swap3A_130, %swap3A_131], %mul3A_129 {strides = array<i32>} : memref<256x128xf32, #tpu.memory_space<vmem>>, vector<256x9xf32>,
    %broadcast_in_dim3A_133 = arith.constant 0.000000e+00 : f32
    %broadcast_in_dim3A_134 = vector.broadcast %broadcast_in_dim3A_133 : f32 to vector<256x512xf32>
    %get3A_135 = arith.constant 8 : index
    %get3A_136 = arith.constant 0 : index
    %get3A_137 = arith.constant 0 : index
    %get3A_138 = vector.load %arg1[%get3A_135, %get3A_136, %get3A_137] : memref<32x256x128xf32, #tpu.memory_space<vmem>>, vector<1x256x128xf32>
    %get3A_139 = vector.shape_cast %get3A_138 : vector<1x256x128xf32> to vector<256x128xf32>
    %get3A_140 = arith.constant 0 : index
    %get3A_141 = arith.constant 0 : index
    %get3A_142 = vector.load %arg3[%get3A_140, %get3A_141] : memref<512x512xf32, #tpu.memory_space<vmem>>, vector<128x512xf32>
    %dot_general3A_143 = arith.constant dense<0.000000e+00> : vector<256x512xf32>
    %dot_general3A_144 = tpu.matmul %get3A_139, %get3A_142, %dot_general3A_143 {dimension_numbers = #tpu.dot_dimension_numbers<[1], [0], [0], [1], [0, 0, 1, 1], [], []>, transpose_lhs_hint = false} : vector<256x128xf32>, vector<128x512xf32>, vector<256x512xf32> -> vector<256x512xf32>
    %add3A_145 = arith.addf %broadcast_in_dim3A_134, %dot_general3A_144 : vector<256x512xf32>
    %get3A_146 = arith.constant 9 : index
    %get3A_147 = arith.constant 0 : index
    %get3A_148 = arith.constant 0 : index
    %get3A_149 = vector.load %arg1[%get3A_146, %get3A_147, %get3A_148] : memref<32x256x128xf32, #tpu.memory_space<vmem>>, vector<1x256x128xf32>
    %get3A_150 = vector.shape_cast %get3A_149 : vector<1x256x128xf32> to vector<256x128xf32>
    %get3A_151 = arith.constant 128 : index
    %get3A_152 = arith.constant 0 : index
    %get3A_153 = vector.load %arg3[%get3A_151, %get3A_152] : memref<512x512xf32, #tpu.memory_space<vmem>>, vector<128x512xf32>
    %dot_general3A_154 = arith.constant dense<0.000000e+00> : vector<256x512xf32>
    %dot_general3A_155 = tpu.matmul %get3A_150, %get3A_153, %dot_general3A_154 {dimension_numbers = #tpu.dot_dimension_numbers<[1], [0], [0], [1], [0, 0, 1, 1], [], []>, transpose_lhs_hint = false} : vector<256x128xf32>, vector<128x512xf32>, vector<256x512xf32> -> vector<256x512xf32>
    %add3A_156 = arith.addf %add3A_145, %dot_general3A_155 : vector<256x512xf32>
    %get3A_157 = arith.constant 10 : index
    %get3A_158 = arith.constant 0 : index
    %get3A_159 = arith.constant 0 : index
    %get3A_160 = vector.load %arg1[%get3A_157, %get3A_158, %get3A_159] : memref<32x256x128xf32, #tpu.memory_space<vmem>>, vector<1x256x128xf32>
    %get3A_161 = vector.shape_cast %get3A_160 : vector<1x256x128xf32> to vector<256x128xf32>
    %get3A_162 = arith.constant 256 : index
    %get3A_163 = arith.constant 0 : index
    %get3A_164 = vector.load %arg3[%get3A_162, %get3A_163] : memref<512x512xf32, #tpu.memory_space<vmem>>, vector<128x512xf32>
    %dot_general3A_165 = arith.constant dense<0.000000e+00> : vector<256x512xf32>
    %dot_general3A_166 = tpu.matmul %get3A_161, %get3A_164, %dot_general3A_165 {dimension_numbers = #tpu.dot_dimension_numbers<[1], [0], [0], [1], [0, 0, 1, 1], [], []>, transpose_lhs_hint = false} : vector<256x128xf32>, vector<128x512xf32>, vector<256x512xf32> -> vector<256x512xf32>
    %add3A_167 = arith.addf %add3A_156, %dot_general3A_166 : vector<256x512xf32>
    %get3A_168 = arith.constant 11 : index
    %get3A_169 = arith.constant 0 : index
    %get3A_170 = arith.constant 0 : index
    %get3A_171 = vector.load %arg1[%get3A_168, %get3A_169, %get3A_170] : memref<32x256x128xf32, #tpu.memory_space<vmem>>, vector<1x256x128xf32>
    %get3A_172 = vector.shape_cast %get3A_171 : vector<1x256x128xf32> to vector<256x128xf32>
    %get3A_173 = arith.constant 384 : index
    %get3A_174 = arith.constant 0 : index
    %get3A_175 = vector.load %arg3[%get3A_173, %get3A_174] : memref<512x512xf32, #tpu.memory_space<vmem>>, vector<128x512xf32>
    %dot_general3A_176 = arith.constant dense<0.000000e+00> : vector<256x512xf32>
    %dot_general3A_177 = tpu.matmul %get3A_172, %get3A_175, %dot_general3A_176 {dimension_numbers = #tpu.dot_dimension_numbers<[1], [0], [0], [1], [0, 0, 1, 1], [], []>, transpose_lhs_hint = false} : vector<256x128xf32>, vector<128x512xf32>, vector<256x512xf32> -> vector<256x512xf32>
    %add3A_178 = arith.addf %add3A_167, %dot_general3A_177 : vector<256x512xf32>
    %mul3A_179 = vector.broadcast %get3A_1 : vector<256x1xf32> to vector<256x512xf32>
    %mul3A_180 = arith.mulf %mul3A_179, %add3A_178 : vector<256x512xf32>
    %get3A_181 = arith.constant 0 : index
    %get3A_182 = arith.constant 0 : index
    %get3A_183 = vector.load %arg4[%get3A_181, %get3A_182] : memref<1x512xf32, #tpu.memory_space<vmem>>, vector<1x512xf32>
    %add3A_184 = vector.broadcast %get3A_183 : vector<1x512xf32> to vector<256x512xf32>
    %add3A_185 = arith.addf %mul3A_180, %add3A_184 : vector<256x512xf32>
    %max3A_186 = arith.constant 0.000000e+00 : f32
    %max3A_187 = vector.broadcast %max3A_186 : f32 to vector<256x512xf32>
    %max3A_188 = arith.maximumf %add3A_185, %max3A_187 : vector<256x512xf32>
    %get3A_189 = arith.constant 0 : index
    %get3A_190 = arith.constant 0 : index
    %get3A_191 = vector.load %arg5[%get3A_189, %get3A_190] : memref<512x9xf32, #tpu.memory_space<vmem>>, vector<512x9xf32>
    %dot_general3A_192 = arith.constant dense<0.000000e+00> : vector<256x9xf32>
    %dot_general3A_193 = tpu.matmul %max3A_188, %get3A_191, %dot_general3A_192 {dimension_numbers = #tpu.dot_dimension_numbers<[1], [0], [0], [1], [0, 0, 1, 1], [], []>, transpose_lhs_hint = false} : vector<256x512xf32>, vector<512x9xf32>, vector<256x9xf32> -> vector<256x9xf32>
    %mul3A_194 = vector.broadcast %get3A_1 : vector<256x1xf32> to vector<256x9xf32>
    %mul3A_195 = arith.mulf %mul3A_194, %dot_general3A_193 : vector<256x9xf32>
    %swap3A_196 = arith.constant 0 : index
    %swap3A_197 = arith.constant 18 : index
    %swap3A_198 = vector.load %arg6[%swap3A_196, %swap3A_197] : memref<256x128xf32, #tpu.memory_space<vmem>>, vector<256x9xf32>
    tpu.vector_store %arg6[%swap3A_196, %swap3A_197], %mul3A_195 {strides = array<i32>} : memref<256x128xf32, #tpu.memory_space<vmem>>, vector<256x9xf32>,
    %broadcast_in_dim3A_199 = arith.constant 0.000000e+00 : f32
    %broadcast_in_dim3A_200 = vector.broadcast %broadcast_in_dim3A_199 : f32 to vector<256x512xf32>
    %get3A_201 = arith.constant 12 : index
    %get3A_202 = arith.constant 0 : index
    %get3A_203 = arith.constant 0 : index
    %get3A_204 = vector.load %arg1[%get3A_201, %get3A_202, %get3A_203] : memref<32x256x128xf32, #tpu.memory_space<vmem>>, vector<1x256x128xf32>
    %get3A_205 = vector.shape_cast %get3A_204 : vector<1x256x128xf32> to vector<256x128xf32>
    %get3A_206 = arith.constant 0 : index
    %get3A_207 = arith.constant 0 : index
    %get3A_208 = vector.load %arg3[%get3A_206, %get3A_207] : memref<512x512xf32, #tpu.memory_space<vmem>>, vector<128x512xf32>
    %dot_general3A_209 = arith.constant dense<0.000000e+00> : vector<256x512xf32>
    %dot_general3A_210 = tpu.matmul %get3A_205, %get3A_208, %dot_general3A_209 {dimension_numbers = #tpu.dot_dimension_numbers<[1], [0], [0], [1], [0, 0, 1, 1], [], []>, transpose_lhs_hint = false} : vector<256x128xf32>, vector<128x512xf32>, vector<256x512xf32> -> vector<256x512xf32>
    %add3A_211 = arith.addf %broadcast_in_dim3A_200, %dot_general3A_210 : vector<256x512xf32>
    %get3A_212 = arith.constant 13 : index
    %get3A_213 = arith.constant 0 : index
    %get3A_214 = arith.constant 0 : index
    %get3A_215 = vector.load %arg1[%get3A_212, %get3A_213, %get3A_214] : memref<32x256x128xf32, #tpu.memory_space<vmem>>, vector<1x256x128xf32>
    %get3A_216 = vector.shape_cast %get3A_215 : vector<1x256x128xf32> to vector<256x128xf32>
    %get3A_217 = arith.constant 128 : index
    %get3A_218 = arith.constant 0 : index
    %get3A_219 = vector.load %arg3[%get3A_217, %get3A_218] : memref<512x512xf32, #tpu.memory_space<vmem>>, vector<128x512xf32>
    %dot_general3A_220 = arith.constant dense<0.000000e+00> : vector<256x512xf32>
    %dot_general3A_221 = tpu.matmul %get3A_216, %get3A_219, %dot_general3A_220 {dimension_numbers = #tpu.dot_dimension_numbers<[1], [0], [0], [1], [0, 0, 1, 1], [], []>, transpose_lhs_hint = false} : vector<256x128xf32>, vector<128x512xf32>, vector<256x512xf32> -> vector<256x512xf32>
    %add3A_222 = arith.addf %add3A_211, %dot_general3A_221 : vector<256x512xf32>
    %get3A_223 = arith.constant 14 : index
    %get3A_224 = arith.constant 0 : index
    %get3A_225 = arith.constant 0 : index
    %get3A_226 = vector.load %arg1[%get3A_223, %get3A_224, %get3A_225] : memref<32x256x128xf32, #tpu.memory_space<vmem>>, vector<1x256x128xf32>
    %get3A_227 = vector.shape_cast %get3A_226 : vector<1x256x128xf32> to vector<256x128xf32>
    %get3A_228 = arith.constant 256 : index
    %get3A_229 = arith.constant 0 : index
    %get3A_230 = vector.load %arg3[%get3A_228, %get3A_229] : memref<512x512xf32, #tpu.memory_space<vmem>>, vector<128x512xf32>
    %dot_general3A_231 = arith.constant dense<0.000000e+00> : vector<256x512xf32>
    %dot_general3A_232 = tpu.matmul %get3A_227, %get3A_230, %dot_general3A_231 {dimension_numbers = #tpu.dot_dimension_numbers<[1], [0], [0], [1], [0, 0, 1, 1], [], []>, transpose_lhs_hint = false} : vector<256x128xf32>, vector<128x512xf32>, vector<256x512xf32> -> vector<256x512xf32>
    %add3A_233 = arith.addf %add3A_222, %dot_general3A_232 : vector<256x512xf32>
    %get3A_234 = arith.constant 15 : index
    %get3A_235 = arith.constant 0 : index
    %get3A_236 = arith.constant 0 : index
    %get3A_237 = vector.load %arg1[%get3A_234, %get3A_235, %get3A_236] : memref<32x256x128xf32, #tpu.memory_space<vmem>>, vector<1x256x128xf32>
    %get3A_238 = vector.shape_cast %get3A_237 : vector<1x256x128xf32> to vector<256x128xf32>
    %get3A_239 = arith.constant 384 : index
    %get3A_240 = arith.constant 0 : index
    %get3A_241 = vector.load %arg3[%get3A_239, %get3A_240] : memref<512x512xf32, #tpu.memory_space<vmem>>, vector<128x512xf32>
    %dot_general3A_242 = arith.constant dense<0.000000e+00> : vector<256x512xf32>
    %dot_general3A_243 = tpu.matmul %get3A_238, %get3A_241, %dot_general3A_242 {dimension_numbers = #tpu.dot_dimension_numbers<[1], [0], [0], [1], [0, 0, 1, 1], [], []>, transpose_lhs_hint = false} : vector<256x128xf32>, vector<128x512xf32>, vector<256x512xf32> -> vector<256x512xf32>
    %add3A_244 = arith.addf %add3A_233, %dot_general3A_243 : vector<256x512xf32>
    %mul3A_245 = vector.broadcast %get3A_1 : vector<256x1xf32> to vector<256x512xf32>
    %mul3A_246 = arith.mulf %mul3A_245, %add3A_244 : vector<256x512xf32>
    %get3A_247 = arith.constant 0 : index
    %get3A_248 = arith.constant 0 : index
    %get3A_249 = vector.load %arg4[%get3A_247, %get3A_248] : memref<1x512xf32, #tpu.memory_space<vmem>>, vector<1x512xf32>
    %add3A_250 = vector.broadcast %get3A_249 : vector<1x512xf32> to vector<256x512xf32>
    %add3A_251 = arith.addf %mul3A_246, %add3A_250 : vector<256x512xf32>
    %max3A_252 = arith.constant 0.000000e+00 : f32
    %max3A_253 = vector.broadcast %max3A_252 : f32 to vector<256x512xf32>
    %max3A_254 = arith.maximumf %add3A_251, %max3A_253 : vector<256x512xf32>
    %get3A_255 = arith.constant 0 : index
    %get3A_256 = arith.constant 0 : index
    %get3A_257 = vector.load %arg5[%get3A_255, %get3A_256] : memref<512x9xf32, #tpu.memory_space<vmem>>, vector<512x9xf32>
    %dot_general3A_258 = arith.constant dense<0.000000e+00> : vector<256x9xf32>
    %dot_general3A_259 = tpu.matmul %max3A_254, %get3A_257, %dot_general3A_258 {dimension_numbers = #tpu.dot_dimension_numbers<[1], [0], [0], [1], [0, 0, 1, 1], [], []>, transpose_lhs_hint = false} : vector<256x512xf32>, vector<512x9xf32>, vector<256x9xf32> -> vector<256x9xf32>
    %mul3A_260 = vector.broadcast %get3A_1 : vector<256x1xf32> to vector<256x9xf32>
    %mul3A_261 = arith.mulf %mul3A_260, %dot_general3A_259 : vector<256x9xf32>
    %swap3A_262 = arith.constant 0 : index
    %swap3A_263 = arith.constant 27 : index
    %swap3A_264 = vector.load %arg6[%swap3A_262, %swap3A_263] : memref<256x128xf32, #tpu.memory_space<vmem>>, vector<256x9xf32>
    tpu.vector_store %arg6[%swap3A_262, %swap3A_263], %mul3A_261 {strides = array<i32>} : memref<256x128xf32, #tpu.memory_space<vmem>>, vector<256x9xf32>,
    %broadcast_in_dim3A_265 = arith.constant 0.000000e+00 : f32
    %broadcast_in_dim3A_266 = vector.broadcast %broadcast_in_dim3A_265 : f32 to vector<256x512xf32>
    %get3A_267 = arith.constant 16 : index
    %get3A_268 = arith.constant 0 : index
    %get3A_269 = arith.constant 0 : index
    %get3A_270 = vector.load %arg1[%get3A_267, %get3A_268, %get3A_269] : memref<32x256x128xf32, #tpu.memory_space<vmem>>, vector<1x256x128xf32>
    %get3A_271 = vector.shape_cast %get3A_270 : vector<1x256x128xf32> to vector<256x128xf32>
    %get3A_272 = arith.constant 0 : index
    %get3A_273 = arith.constant 0 : index
    %get3A_274 = vector.load %arg3[%get3A_272, %get3A_273] : memref<512x512xf32, #tpu.memory_space<vmem>>, vector<128x512xf32>
    %dot_general3A_275 = arith.constant dense<0.000000e+00> : vector<256x512xf32>
    %dot_general3A_276 = tpu.matmul %get3A_271, %get3A_274, %dot_general3A_275 {dimension_numbers = #tpu.dot_dimension_numbers<[1], [0], [0], [1], [0, 0, 1, 1], [], []>, transpose_lhs_hint = false} : vector<256x128xf32>, vector<128x512xf32>, vector<256x512xf32> -> vector<256x512xf32>
    %add3A_277 = arith.addf %broadcast_in_dim3A_266, %dot_general3A_276 : vector<256x512xf32>
    %get3A_278 = arith.constant 17 : index
    %get3A_279 = arith.constant 0 : index
    %get3A_280 = arith.constant 0 : index
    %get3A_281 = vector.load %arg1[%get3A_278, %get3A_279, %get3A_280] : memref<32x256x128xf32, #tpu.memory_space<vmem>>, vector<1x256x128xf32>
    %get3A_282 = vector.shape_cast %get3A_281 : vector<1x256x128xf32> to vector<256x128xf32>
    %get3A_283 = arith.constant 128 : index
    %get3A_284 = arith.constant 0 : index
    %get3A_285 = vector.load %arg3[%get3A_283, %get3A_284] : memref<512x512xf32, #tpu.memory_space<vmem>>, vector<128x512xf32>
    %dot_general3A_286 = arith.constant dense<0.000000e+00> : vector<256x512xf32>
    %dot_general3A_287 = tpu.matmul %get3A_282, %get3A_285, %dot_general3A_286 {dimension_numbers = #tpu.dot_dimension_numbers<[1], [0], [0], [1], [0, 0, 1, 1], [], []>, transpose_lhs_hint = false} : vector<256x128xf32>, vector<128x512xf32>, vector<256x512xf32> -> vector<256x512xf32>
    %add3A_288 = arith.addf %add3A_277, %dot_general3A_287 : vector<256x512xf32>
    %get3A_289 = arith.constant 18 : index
    %get3A_290 = arith.constant 0 : index
    %get3A_291 = arith.constant 0 : index
    %get3A_292 = vector.load %arg1[%get3A_289, %get3A_290, %get3A_291] : memref<32x256x128xf32, #tpu.memory_space<vmem>>, vector<1x256x128xf32>
    %get3A_293 = vector.shape_cast %get3A_292 : vector<1x256x128xf32> to vector<256x128xf32>
    %get3A_294 = arith.constant 256 : index
    %get3A_295 = arith.constant 0 : index
    %get3A_296 = vector.load %arg3[%get3A_294, %get3A_295] : memref<512x512xf32, #tpu.memory_space<vmem>>, vector<128x512xf32>
    %dot_general3A_297 = arith.constant dense<0.000000e+00> : vector<256x512xf32>
    %dot_general3A_298 = tpu.matmul %get3A_293, %get3A_296, %dot_general3A_297 {dimension_numbers = #tpu.dot_dimension_numbers<[1], [0], [0], [1], [0, 0, 1, 1], [], []>, transpose_lhs_hint = false} : vector<256x128xf32>, vector<128x512xf32>, vector<256x512xf32> -> vector<256x512xf32>
    %add3A_299 = arith.addf %add3A_288, %dot_general3A_298 : vector<256x512xf32>
    %get3A_300 = arith.constant 19 : index
    %get3A_301 = arith.constant 0 : index
    %get3A_302 = arith.constant 0 : index
    %get3A_303 = vector.load %arg1[%get3A_300, %get3A_301, %get3A_302] : memref<32x256x128xf32, #tpu.memory_space<vmem>>, vector<1x256x128xf32>
    %get3A_304 = vector.shape_cast %get3A_303 : vector<1x256x128xf32> to vector<256x128xf32>
    %get3A_305 = arith.constant 384 : index
    %get3A_306 = arith.constant 0 : index
    %get3A_307 = vector.load %arg3[%get3A_305, %get3A_306] : memref<512x512xf32, #tpu.memory_space<vmem>>, vector<128x512xf32>
    %dot_general3A_308 = arith.constant dense<0.000000e+00> : vector<256x512xf32>
    %dot_general3A_309 = tpu.matmul %get3A_304, %get3A_307, %dot_general3A_308 {dimension_numbers = #tpu.dot_dimension_numbers<[1], [0], [0], [1], [0, 0, 1, 1], [], []>, transpose_lhs_hint = false} : vector<256x128xf32>, vector<128x512xf32>, vector<256x512xf32> -> vector<256x512xf32>
    %add3A_310 = arith.addf %add3A_299, %dot_general3A_309 : vector<256x512xf32>
    %mul3A_311 = vector.broadcast %get3A_1 : vector<256x1xf32> to vector<256x512xf32>
    %mul3A_312 = arith.mulf %mul3A_311, %add3A_310 : vector<256x512xf32>
    %get3A_313 = arith.constant 0 : index
    %get3A_314 = arith.constant 0 : index
    %get3A_315 = vector.load %arg4[%get3A_313, %get3A_314] : memref<1x512xf32, #tpu.memory_space<vmem>>, vector<1x512xf32>
    %add3A_316 = vector.broadcast %get3A_315 : vector<1x512xf32> to vector<256x512xf32>
    %add3A_317 = arith.addf %mul3A_312, %add3A_316 : vector<256x512xf32>
    %max3A_318 = arith.constant 0.000000e+00 : f32
    %max3A_319 = vector.broadcast %max3A_318 : f32 to vector<256x512xf32>
    %max3A_320 = arith.maximumf %add3A_317, %max3A_319 : vector<256x512xf32>
    %get3A_321 = arith.constant 0 : index
    %get3A_322 = arith.constant 0 : index
    %get3A_323 = vector.load %arg5[%get3A_321, %get3A_322] : memref<512x9xf32, #tpu.memory_space<vmem>>, vector<512x9xf32>
    %dot_general3A_324 = arith.constant dense<0.000000e+00> : vector<256x9xf32>
    %dot_general3A_325 = tpu.matmul %max3A_320, %get3A_323, %dot_general3A_324 {dimension_numbers = #tpu.dot_dimension_numbers<[1], [0], [0], [1], [0, 0, 1, 1], [], []>, transpose_lhs_hint = false} : vector<256x512xf32>, vector<512x9xf32>, vector<256x9xf32> -> vector<256x9xf32>
    %mul3A_326 = vector.broadcast %get3A_1 : vector<256x1xf32> to vector<256x9xf32>
    %mul3A_327 = arith.mulf %mul3A_326, %dot_general3A_325 : vector<256x9xf32>
    %swap3A_328 = arith.constant 0 : index
    %swap3A_329 = arith.constant 36 : index
    %swap3A_330 = vector.load %arg6[%swap3A_328, %swap3A_329] : memref<256x128xf32, #tpu.memory_space<vmem>>, vector<256x9xf32>
    tpu.vector_store %arg6[%swap3A_328, %swap3A_329], %mul3A_327 {strides = array<i32>} : memref<256x128xf32, #tpu.memory_space<vmem>>, vector<256x9xf32>,
    %broadcast_in_dim3A_331 = arith.constant 0.000000e+00 : f32
    %broadcast_in_dim3A_332 = vector.broadcast %broadcast_in_dim3A_331 : f32 to vector<256x512xf32>
    %get3A_333 = arith.constant 20 : index
    %get3A_334 = arith.constant 0 : index
    %get3A_335 = arith.constant 0 : index
    %get3A_336 = vector.load %arg1[%get3A_333, %get3A_334, %get3A_335] : memref<32x256x128xf32, #tpu.memory_space<vmem>>, vector<1x256x128xf32>
    %get3A_337 = vector.shape_cast %get3A_336 : vector<1x256x128xf32> to vector<256x128xf32>
    %get3A_338 = arith.constant 0 : index
    %get3A_339 = arith.constant 0 : index
    %get3A_340 = vector.load %arg3[%get3A_338, %get3A_339] : memref<512x512xf32, #tpu.memory_space<vmem>>, vector<128x512xf32>
    %dot_general3A_341 = arith.constant dense<0.000000e+00> : vector<256x512xf32>
    %dot_general3A_342 = tpu.matmul %get3A_337, %get3A_340, %dot_general3A_341 {dimension_numbers = #tpu.dot_dimension_numbers<[1], [0], [0], [1], [0, 0, 1, 1], [], []>, transpose_lhs_hint = false} : vector<256x128xf32>, vector<128x512xf32>, vector<256x512xf32> -> vector<256x512xf32>
    %add3A_343 = arith.addf %broadcast_in_dim3A_332, %dot_general3A_342 : vector<256x512xf32>
    %get3A_344 = arith.constant 21 : index
    %get3A_345 = arith.constant 0 : index
    %get3A_346 = arith.constant 0 : index
    %get3A_347 = vector.load %arg1[%get3A_344, %get3A_345, %get3A_346] : memref<32x256x128xf32, #tpu.memory_space<vmem>>, vector<1x256x128xf32>
    %get3A_348 = vector.shape_cast %get3A_347 : vector<1x256x128xf32> to vector<256x128xf32>
    %get3A_349 = arith.constant 128 : index
    %get3A_350 = arith.constant 0 : index
    %get3A_351 = vector.load %arg3[%get3A_349, %get3A_350] : memref<512x512xf32, #tpu.memory_space<vmem>>, vector<128x512xf32>
    %dot_general3A_352 = arith.constant dense<0.000000e+00> : vector<256x512xf32>
    %dot_general3A_353 = tpu.matmul %get3A_348, %get3A_351, %dot_general3A_352 {dimension_numbers = #tpu.dot_dimension_numbers<[1], [0], [0], [1], [0, 0, 1, 1], [], []>, transpose_lhs_hint = false} : vector<256x128xf32>, vector<128x512xf32>, vector<256x512xf32> -> vector<256x512xf32>
    %add3A_354 = arith.addf %add3A_343, %dot_general3A_353 : vector<256x512xf32>
    %get3A_355 = arith.constant 22 : index
    %get3A_356 = arith.constant 0 : index
    %get3A_357 = arith.constant 0 : index
    %get3A_358 = vector.load %arg1[%get3A_355, %get3A_356, %get3A_357] : memref<32x256x128xf32, #tpu.memory_space<vmem>>, vector<1x256x128xf32>
    %get3A_359 = vector.shape_cast %get3A_358 : vector<1x256x128xf32> to vector<256x128xf32>
    %get3A_360 = arith.constant 256 : index
    %get3A_361 = arith.constant 0 : index
    %get3A_362 = vector.load %arg3[%get3A_360, %get3A_361] : memref<512x512xf32, #tpu.memory_space<vmem>>, vector<128x512xf32>
    %dot_general3A_363 = arith.constant dense<0.000000e+00> : vector<256x512xf32>
    %dot_general3A_364 = tpu.matmul %get3A_359, %get3A_362, %dot_general3A_363 {dimension_numbers = #tpu.dot_dimension_numbers<[1], [0], [0], [1], [0, 0, 1, 1], [], []>, transpose_lhs_hint = false} : vector<256x128xf32>, vector<128x512xf32>, vector<256x512xf32> -> vector<256x512xf32>
    %add3A_365 = arith.addf %add3A_354, %dot_general3A_364 : vector<256x512xf32>
    %get3A_366 = arith.constant 23 : index
    %get3A_367 = arith.constant 0 : index
    %get3A_368 = arith.constant 0 : index
    %get3A_369 = vector.load %arg1[%get3A_366, %get3A_367, %get3A_368] : memref<32x256x128xf32, #tpu.memory_space<vmem>>, vector<1x256x128xf32>
    %get3A_370 = vector.shape_cast %get3A_369 : vector<1x256x128xf32> to vector<256x128xf32>
    %get3A_371 = arith.constant 384 : index
    %get3A_372 = arith.constant 0 : index
    %get3A_373 = vector.load %arg3[%get3A_371, %get3A_372] : memref<512x512xf32, #tpu.memory_space<vmem>>, vector<128x512xf32>
    %dot_general3A_374 = arith.constant dense<0.000000e+00> : vector<256x512xf32>
    %dot_general3A_375 = tpu.matmul %get3A_370, %get3A_373, %dot_general3A_374 {dimension_numbers = #tpu.dot_dimension_numbers<[1], [0], [0], [1], [0, 0, 1, 1], [], []>, transpose_lhs_hint = false} : vector<256x128xf32>, vector<128x512xf32>, vector<256x512xf32> -> vector<256x512xf32>
    %add3A_376 = arith.addf %add3A_365, %dot_general3A_375 : vector<256x512xf32>
    %mul3A_377 = vector.broadcast %get3A_1 : vector<256x1xf32> to vector<256x512xf32>
    %mul3A_378 = arith.mulf %mul3A_377, %add3A_376 : vector<256x512xf32>
    %get3A_379 = arith.constant 0 : index
    %get3A_380 = arith.constant 0 : index
    %get3A_381 = vector.load %arg4[%get3A_379, %get3A_380] : memref<1x512xf32, #tpu.memory_space<vmem>>, vector<1x512xf32>
    %add3A_382 = vector.broadcast %get3A_381 : vector<1x512xf32> to vector<256x512xf32>
    %add3A_383 = arith.addf %mul3A_378, %add3A_382 : vector<256x512xf32>
    %max3A_384 = arith.constant 0.000000e+00 : f32
    %max3A_385 = vector.broadcast %max3A_384 : f32 to vector<256x512xf32>
    %max3A_386 = arith.maximumf %add3A_383, %max3A_385 : vector<256x512xf32>
    %get3A_387 = arith.constant 0 : index
    %get3A_388 = arith.constant 0 : index
    %get3A_389 = vector.load %arg5[%get3A_387, %get3A_388] : memref<512x9xf32, #tpu.memory_space<vmem>>, vector<512x9xf32>
    %dot_general3A_390 = arith.constant dense<0.000000e+00> : vector<256x9xf32>
    %dot_general3A_391 = tpu.matmul %max3A_386, %get3A_389, %dot_general3A_390 {dimension_numbers = #tpu.dot_dimension_numbers<[1], [0], [0], [1], [0, 0, 1, 1], [], []>, transpose_lhs_hint = false} : vector<256x512xf32>, vector<512x9xf32>, vector<256x9xf32> -> vector<256x9xf32>
    %mul3A_392 = vector.broadcast %get3A_1 : vector<256x1xf32> to vector<256x9xf32>
    %mul3A_393 = arith.mulf %mul3A_392, %dot_general3A_391 : vector<256x9xf32>
    %swap3A_394 = arith.constant 0 : index
    %swap3A_395 = arith.constant 45 : index
    %swap3A_396 = vector.load %arg6[%swap3A_394, %swap3A_395] : memref<256x128xf32, #tpu.memory_space<vmem>>, vector<256x9xf32>
    tpu.vector_store %arg6[%swap3A_394, %swap3A_395], %mul3A_393 {strides = array<i32>} : memref<256x128xf32, #tpu.memory_space<vmem>>, vector<256x9xf32>,
    %broadcast_in_dim3A_397 = arith.constant 0.000000e+00 : f32
    %broadcast_in_dim3A_398 = vector.broadcast %broadcast_in_dim3A_397 : f32 to vector<256x512xf32>
    %get3A_399 = arith.constant 24 : index
    %get3A_400 = arith.constant 0 : index
    %get3A_401 = arith.constant 0 : index
    %get3A_402 = vector.load %arg1[%get3A_399, %get3A_400, %get3A_401] : memref<32x256x128xf32, #tpu.memory_space<vmem>>, vector<1x256x128xf32>
    %get3A_403 = vector.shape_cast %get3A_402 : vector<1x256x128xf32> to vector<256x128xf32>
    %get3A_404 = arith.constant 0 : index
    %get3A_405 = arith.constant 0 : index
    %get3A_406 = vector.load %arg3[%get3A_404, %get3A_405] : memref<512x512xf32, #tpu.memory_space<vmem>>, vector<128x512xf32>
    %dot_general3A_407 = arith.constant dense<0.000000e+00> : vector<256x512xf32>
    %dot_general3A_408 = tpu.matmul %get3A_403, %get3A_406, %dot_general3A_407 {dimension_numbers = #tpu.dot_dimension_numbers<[1], [0], [0], [1], [0, 0, 1, 1], [], []>, transpose_lhs_hint = false} : vector<256x128xf32>, vector<128x512xf32>, vector<256x512xf32> -> vector<256x512xf32>
    %add3A_409 = arith.addf %broadcast_in_dim3A_398, %dot_general3A_408 : vector<256x512xf32>
    %get3A_410 = arith.constant 25 : index
    %get3A_411 = arith.constant 0 : index
    %get3A_412 = arith.constant 0 : index
    %get3A_413 = vector.load %arg1[%get3A_410, %get3A_411, %get3A_412] : memref<32x256x128xf32, #tpu.memory_space<vmem>>, vector<1x256x128xf32>
    %get3A_414 = vector.shape_cast %get3A_413 : vector<1x256x128xf32> to vector<256x128xf32>
    %get3A_415 = arith.constant 128 : index
    %get3A_416 = arith.constant 0 : index
    %get3A_417 = vector.load %arg3[%get3A_415, %get3A_416] : memref<512x512xf32, #tpu.memory_space<vmem>>, vector<128x512xf32>
    %dot_general3A_418 = arith.constant dense<0.000000e+00> : vector<256x512xf32>
    %dot_general3A_419 = tpu.matmul %get3A_414, %get3A_417, %dot_general3A_418 {dimension_numbers = #tpu.dot_dimension_numbers<[1], [0], [0], [1], [0, 0, 1, 1], [], []>, transpose_lhs_hint = false} : vector<256x128xf32>, vector<128x512xf32>, vector<256x512xf32> -> vector<256x512xf32>
    %add3A_420 = arith.addf %add3A_409, %dot_general3A_419 : vector<256x512xf32>
    %get3A_421 = arith.constant 26 : index
    %get3A_422 = arith.constant 0 : index
    %get3A_423 = arith.constant 0 : index
    %get3A_424 = vector.load %arg1[%get3A_421, %get3A_422, %get3A_423] : memref<32x256x128xf32, #tpu.memory_space<vmem>>, vector<1x256x128xf32>
    %get3A_425 = vector.shape_cast %get3A_424 : vector<1x256x128xf32> to vector<256x128xf32>
    %get3A_426 = arith.constant 256 : index
    %get3A_427 = arith.constant 0 : index
    %get3A_428 = vector.load %arg3[%get3A_426, %get3A_427] : memref<512x512xf32, #tpu.memory_space<vmem>>, vector<128x512xf32>
    %dot_general3A_429 = arith.constant dense<0.000000e+00> : vector<256x512xf32>
    %dot_general3A_430 = tpu.matmul %get3A_425, %get3A_428, %dot_general3A_429 {dimension_numbers = #tpu.dot_dimension_numbers<[1], [0], [0], [1], [0, 0, 1, 1], [], []>, transpose_lhs_hint = false} : vector<256x128xf32>, vector<128x512xf32>, vector<256x512xf32> -> vector<256x512xf32>
    %add3A_431 = arith.addf %add3A_420, %dot_general3A_430 : vector<256x512xf32>
    %get3A_432 = arith.constant 27 : index
    %get3A_433 = arith.constant 0 : index
    %get3A_434 = arith.constant 0 : index
    %get3A_435 = vector.load %arg1[%get3A_432, %get3A_433, %get3A_434] : memref<32x256x128xf32, #tpu.memory_space<vmem>>, vector<1x256x128xf32>
    %get3A_436 = vector.shape_cast %get3A_435 : vector<1x256x128xf32> to vector<256x128xf32>
    %get3A_437 = arith.constant 384 : index
    %get3A_438 = arith.constant 0 : index
    %get3A_439 = vector.load %arg3[%get3A_437, %get3A_438] : memref<512x512xf32, #tpu.memory_space<vmem>>, vector<128x512xf32>
    %dot_general3A_440 = arith.constant dense<0.000000e+00> : vector<256x512xf32>
    %dot_general3A_441 = tpu.matmul %get3A_436, %get3A_439, %dot_general3A_440 {dimension_numbers = #tpu.dot_dimension_numbers<[1], [0], [0], [1], [0, 0, 1, 1], [], []>, transpose_lhs_hint = false} : vector<256x128xf32>, vector<128x512xf32>, vector<256x512xf32> -> vector<256x512xf32>
    %add3A_442 = arith.addf %add3A_431, %dot_general3A_441 : vector<256x512xf32>
    %mul3A_443 = vector.broadcast %get3A_1 : vector<256x1xf32> to vector<256x512xf32>
    %mul3A_444 = arith.mulf %mul3A_443, %add3A_442 : vector<256x512xf32>
    %get3A_445 = arith.constant 0 : index
    %get3A_446 = arith.constant 0 : index
    %get3A_447 = vector.load %arg4[%get3A_445, %get3A_446] : memref<1x512xf32, #tpu.memory_space<vmem>>, vector<1x512xf32>
    %add3A_448 = vector.broadcast %get3A_447 : vector<1x512xf32> to vector<256x512xf32>
    %add3A_449 = arith.addf %mul3A_444, %add3A_448 : vector<256x512xf32>
    %max3A_450 = arith.constant 0.000000e+00 : f32
    %max3A_451 = vector.broadcast %max3A_450 : f32 to vector<256x512xf32>
    %max3A_452 = arith.maximumf %add3A_449, %max3A_451 : vector<256x512xf32>
    %get3A_453 = arith.constant 0 : index
    %get3A_454 = arith.constant 0 : index
    %get3A_455 = vector.load %arg5[%get3A_453, %get3A_454] : memref<512x9xf32, #tpu.memory_space<vmem>>, vector<512x9xf32>
    %dot_general3A_456 = arith.constant dense<0.000000e+00> : vector<256x9xf32>
    %dot_general3A_457 = tpu.matmul %max3A_452, %get3A_455, %dot_general3A_456 {dimension_numbers = #tpu.dot_dimension_numbers<[1], [0], [0], [1], [0, 0, 1, 1], [], []>, transpose_lhs_hint = false} : vector<256x512xf32>, vector<512x9xf32>, vector<256x9xf32> -> vector<256x9xf32>
    %mul3A_458 = vector.broadcast %get3A_1 : vector<256x1xf32> to vector<256x9xf32>
    %mul3A_459 = arith.mulf %mul3A_458, %dot_general3A_457 : vector<256x9xf32>
    %swap3A_460 = arith.constant 0 : index
    %swap3A_461 = arith.constant 54 : index
    %swap3A_462 = vector.load %arg6[%swap3A_460, %swap3A_461] : memref<256x128xf32, #tpu.memory_space<vmem>>, vector<256x9xf32>
    tpu.vector_store %arg6[%swap3A_460, %swap3A_461], %mul3A_459 {strides = array<i32>} : memref<256x128xf32, #tpu.memory_space<vmem>>, vector<256x9xf32>,
    %broadcast_in_dim3A_463 = arith.constant 0.000000e+00 : f32
    %broadcast_in_dim3A_464 = vector.broadcast %broadcast_in_dim3A_463 : f32 to vector<256x512xf32>
    %get3A_465 = arith.constant 28 : index
    %get3A_466 = arith.constant 0 : index
    %get3A_467 = arith.constant 0 : index
    %get3A_468 = vector.load %arg1[%get3A_465, %get3A_466, %get3A_467] : memref<32x256x128xf32, #tpu.memory_space<vmem>>, vector<1x256x128xf32>
    %get3A_469 = vector.shape_cast %get3A_468 : vector<1x256x128xf32> to vector<256x128xf32>
    %get3A_470 = arith.constant 0 : index
    %get3A_471 = arith.constant 0 : index
    %get3A_472 = vector.load %arg3[%get3A_470, %get3A_471] : memref<512x512xf32, #tpu.memory_space<vmem>>, vector<128x512xf32>
    %dot_general3A_473 = arith.constant dense<0.000000e+00> : vector<256x512xf32>
    %dot_general3A_474 = tpu.matmul %get3A_469, %get3A_472, %dot_general3A_473 {dimension_numbers = #tpu.dot_dimension_numbers<[1], [0], [0], [1], [0, 0, 1, 1], [], []>, transpose_lhs_hint = false} : vector<256x128xf32>, vector<128x512xf32>, vector<256x512xf32> -> vector<256x512xf32>
    %add3A_475 = arith.addf %broadcast_in_dim3A_464, %dot_general3A_474 : vector<256x512xf32>
    %get3A_476 = arith.constant 29 : index
    %get3A_477 = arith.constant 0 : index
    %get3A_478 = arith.constant 0 : index
    %get3A_479 = vector.load %arg1[%get3A_476, %get3A_477, %get3A_478] : memref<32x256x128xf32, #tpu.memory_space<vmem>>, vector<1x256x128xf32>
    %get3A_480 = vector.shape_cast %get3A_479 : vector<1x256x128xf32> to vector<256x128xf32>
    %get3A_481 = arith.constant 128 : index
    %get3A_482 = arith.constant 0 : index
    %get3A_483 = vector.load %arg3[%get3A_481, %get3A_482] : memref<512x512xf32, #tpu.memory_space<vmem>>, vector<128x512xf32>
    %dot_general3A_484 = arith.constant dense<0.000000e+00> : vector<256x512xf32>
    %dot_general3A_485 = tpu.matmul %get3A_480, %get3A_483, %dot_general3A_484 {dimension_numbers = #tpu.dot_dimension_numbers<[1], [0], [0], [1], [0, 0, 1, 1], [], []>, transpose_lhs_hint = false} : vector<256x128xf32>, vector<128x512xf32>, vector<256x512xf32> -> vector<256x512xf32>
    %add3A_486 = arith.addf %add3A_475, %dot_general3A_485 : vector<256x512xf32>
    %get3A_487 = arith.constant 30 : index
    %get3A_488 = arith.constant 0 : index
    %get3A_489 = arith.constant 0 : index
    %get3A_490 = vector.load %arg1[%get3A_487, %get3A_488, %get3A_489] : memref<32x256x128xf32, #tpu.memory_space<vmem>>, vector<1x256x128xf32>
    %get3A_491 = vector.shape_cast %get3A_490 : vector<1x256x128xf32> to vector<256x128xf32>
    %get3A_492 = arith.constant 256 : index
    %get3A_493 = arith.constant 0 : index
    %get3A_494 = vector.load %arg3[%get3A_492, %get3A_493] : memref<512x512xf32, #tpu.memory_space<vmem>>, vector<128x512xf32>
    %dot_general3A_495 = arith.constant dense<0.000000e+00> : vector<256x512xf32>
    %dot_general3A_496 = tpu.matmul %get3A_491, %get3A_494, %dot_general3A_495 {dimension_numbers = #tpu.dot_dimension_numbers<[1], [0], [0], [1], [0, 0, 1, 1], [], []>, transpose_lhs_hint = false} : vector<256x128xf32>, vector<128x512xf32>, vector<256x512xf32> -> vector<256x512xf32>
    %add3A_497 = arith.addf %add3A_486, %dot_general3A_496 : vector<256x512xf32>
    %get3A_498 = arith.constant 31 : index
    %get3A_499 = arith.constant 0 : index
    %get3A_500 = arith.constant 0 : index
    %get3A_501 = vector.load %arg1[%get3A_498, %get3A_499, %get3A_500] : memref<32x256x128xf32, #tpu.memory_space<vmem>>, vector<1x256x128xf32>
    %get3A_502 = vector.shape_cast %get3A_501 : vector<1x256x128xf32> to vector<256x128xf32>
    %get3A_503 = arith.constant 384 : index
    %get3A_504 = arith.constant 0 : index
    %get3A_505 = vector.load %arg3[%get3A_503, %get3A_504] : memref<512x512xf32, #tpu.memory_space<vmem>>, vector<128x512xf32>
    %dot_general3A_506 = arith.constant dense<0.000000e+00> : vector<256x512xf32>
    %dot_general3A_507 = tpu.matmul %get3A_502, %get3A_505, %dot_general3A_506 {dimension_numbers = #tpu.dot_dimension_numbers<[1], [0], [0], [1], [0, 0, 1, 1], [], []>, transpose_lhs_hint = false} : vector<256x128xf32>, vector<128x512xf32>, vector<256x512xf32> -> vector<256x512xf32>
    %add3A_508 = arith.addf %add3A_497, %dot_general3A_507 : vector<256x512xf32>
    %mul3A_509 = vector.broadcast %get3A_1 : vector<256x1xf32> to vector<256x512xf32>
    %mul3A_510 = arith.mulf %mul3A_509, %add3A_508 : vector<256x512xf32>
    %get3A_511 = arith.constant 0 : index
    %get3A_512 = arith.constant 0 : index
    %get3A_513 = vector.load %arg4[%get3A_511, %get3A_512] : memref<1x512xf32, #tpu.memory_space<vmem>>, vector<1x512xf32>
    %add3A_514 = vector.broadcast %get3A_513 : vector<1x512xf32> to vector<256x512xf32>
    %add3A_515 = arith.addf %mul3A_510, %add3A_514 : vector<256x512xf32>
    %max3A_516 = arith.constant 0.000000e+00 : f32
    %max3A_517 = vector.broadcast %max3A_516 : f32 to vector<256x512xf32>
    %max3A_518 = arith.maximumf %add3A_515, %max3A_517 : vector<256x512xf32>
    %get3A_519 = arith.constant 0 : index
    %get3A_520 = arith.constant 0 : index
    %get3A_521 = vector.load %arg5[%get3A_519, %get3A_520] : memref<512x9xf32, #tpu.memory_space<vmem>>, vector<512x9xf32>
    %dot_general3A_522 = arith.constant dense<0.000000e+00> : vector<256x9xf32>
    %dot_general3A_523 = tpu.matmul %max3A_518, %get3A_521, %dot_general3A_522 {dimension_numbers = #tpu.dot_dimension_numbers<[1], [0], [0], [1], [0, 0, 1, 1], [], []>, transpose_lhs_hint = false} : vector<256x512xf32>, vector<512x9xf32>, vector<256x9xf32> -> vector<256x9xf32>
    %mul3A_524 = vector.broadcast %get3A_1 : vector<256x1xf32> to vector<256x9xf32>
    %mul3A_525 = arith.mulf %mul3A_524, %dot_general3A_523 : vector<256x9xf32>
    %swap3A_526 = arith.constant 0 : index
    %swap3A_527 = arith.constant 63 : index
    %swap3A_528 = vector.load %arg6[%swap3A_526, %swap3A_527] : memref<256x128xf32, #tpu.memory_space<vmem>>, vector<256x9xf32>
    tpu.vector_store %arg6[%swap3A_526, %swap3A_527], %mul3A_525 {strides = array<i32>} : memref<256x128xf32, #tpu.memory_space<vmem>>, vector<256x9xf32>,
    return
  }
  func.func @transform_0(%arg0: i32) -> (i32, i32, i32) {
    %c0_i32 = arith.constant 0 : i32
    %c0_i32_0 = arith.constant 0 : i32
    %c0_i32_1 = arith.constant 0 : i32
    return %c0_i32, %arg0, %c0_i32_0 : i32, i32, i32
  }
  func.func @transform_1(%arg0: i32) -> (i32, i32) {
    %c0_i32 = arith.constant 0 : i32
    %c0_i32_0 = arith.constant 0 : i32
    return %arg0, %c0_i32 : i32, i32
  }
  func.func @transform_2(%arg0: i32) -> (i32, i32) {
    %c0_i32 = arith.constant 0 : i32
    %c0_i32_0 = arith.constant 0 : i32
    %c0_i32_1 = arith.constant 0 : i32
    return %c0_i32, %c0_i32_0 : i32, i32
  }
  func.func @transform_3(%arg0: i32) -> (i32, i32) {
    %c0_i32 = arith.constant 0 : i32
    %c0_i32_0 = arith.constant 0 : i32
    %c0_i32_1 = arith.constant 0 : i32
    return %c0_i32, %c0_i32_0 : i32, i32
  }
  func.func @transform_4(%arg0: i32) -> (i32, i32) {
    %c0_i32 = arith.constant 0 : i32
    %c0_i32_0 = arith.constant 0 : i32
    %c0_i32_1 = arith.constant 0 : i32
    return %c0_i32, %c0_i32_0 : i32, i32
  }
  func.func @transform_5(%arg0: i32) -> (i32, i32) {
    %c0_i32 = arith.constant 0 : i32
    %c0_i32_0 = arith.constant 0 : i32
    return %arg0, %c0_i32 : i32, i32
  }
}

module attributes {stable_mosaic.version = 14 : i64} {
  func.func @body(%arg0: i32, %arg1: i32, %arg2: memref<1024x128xf32, #tpu.memory_space<vmem>>, %arg3: memref<1024x128xf32, #tpu.memory_space<vmem>>, %arg4: memref<1024x128xf32, #tpu.memory_space<vmem>>, %arg5: memref<1024x1xf32, #tpu.memory_space<vmem>>, %arg6: memref<1x128xf32, #tpu.memory_space<vmem>>, %arg7: memref<1024x128xf32, #tpu.memory_space<vmem>>) attributes {dimension_semantics = [#tpu.dimension_semantics<arbitrary>, #tpu.dimension_semantics<arbitrary>], iteration_bounds = array<i64: 10, 2>, scalar_prefetch = 0 : i64, scratch_operands = 0 : i64, tpu.core_type = #tpu.core_type<tc>, window_params = [{transform_indices = @transform_0, window_bounds = array<i64: 1024, 128>}, {transform_indices = @transform_1, window_bounds = array<i64: 1024, 128>}, {transform_indices = @transform_2, window_bounds = array<i64: 1024, 128>}, {transform_indices = @transform_3, window_bounds = array<i64: 1024, 1>}, {transform_indices = @transform_4, window_bounds = array<i64: 1, 128>}, {transform_indices = @transform_5, window_bounds = array<i64: 1024, 128>}]} {
    %get3A = arith.constant 0 : index
    %get3A_0 = arith.constant 0 : index
    %get3A_1 = vector.load %arg2[%get3A, %get3A_0] : memref<1024x128xf32, #tpu.memory_space<vmem>>, vector<1024x128xf32>
    %get3A_2 = arith.constant 0 : index
    %get3A_3 = arith.constant 0 : index
    %get3A_4 = vector.load %arg3[%get3A_2, %get3A_3] : memref<1024x128xf32, #tpu.memory_space<vmem>>, vector<1024x128xf32>
    %add3A = arith.addf %get3A_1, %get3A_4 : vector<1024x128xf32>
    %get3A_5 = arith.constant 0 : index
    %get3A_6 = arith.constant 0 : index
    %get3A_7 = vector.load %arg4[%get3A_5, %get3A_6] : memref<1024x128xf32, #tpu.memory_space<vmem>>, vector<1024x128xf32>
    %sub3A = arith.subf %add3A, %get3A_7 : vector<1024x128xf32>
    %get3A_8 = arith.constant 0 : index
    %get3A_9 = arith.constant 0 : index
    %get3A_10 = vector.load %arg5[%get3A_8, %get3A_9] : memref<1024x1xf32, #tpu.memory_space<vmem>>, vector<1024x1xf32>
    %mul3A = vector.broadcast %get3A_10 : vector<1024x1xf32> to vector<1024x128xf32>
    %mul3A_11 = arith.mulf %mul3A, %sub3A : vector<1024x128xf32>
    %get3A_12 = arith.constant 0 : index
    %get3A_13 = arith.constant 0 : index
    %get3A_14 = vector.load %arg6[%get3A_12, %get3A_13] : memref<1x128xf32, #tpu.memory_space<vmem>>, vector<1x128xf32>
    %add3A_15 = vector.broadcast %get3A_14 : vector<1x128xf32> to vector<1024x128xf32>
    %add3A_16 = arith.addf %mul3A_11, %add3A_15 : vector<1024x128xf32>
    %max3A = arith.constant 0.000000e+00 : f32
    %max3A_17 = vector.broadcast %max3A : f32 to vector<1024x128xf32>
    %max3A_18 = arith.maximumf %add3A_16, %max3A_17 : vector<1024x128xf32>
    %swap3A = arith.constant 0 : index
    %swap3A_19 = arith.constant 0 : index
    %swap3A_20 = vector.load %arg7[%swap3A, %swap3A_19] : memref<1024x128xf32, #tpu.memory_space<vmem>>, vector<1024x128xf32>
    tpu.vector_store %arg7[%swap3A, %swap3A_19], %max3A_18 {strides = array<i32>} : memref<1024x128xf32, #tpu.memory_space<vmem>>, vector<1024x128xf32>,
    return
  }
  func.func @transform_0(%arg0: i32, %arg1: i32) -> (i32, i32) {
    %mul3A = arith.constant 2 : i32
    %mul3A_0 = arith.muli %mul3A, %arg1 : i32
    %mul3A_1 = arith.constant 10 : i32
    %mul3A_2 = arith.muli %mul3A_0, %mul3A_1 : i32
    %add3A = arith.addi %mul3A_2, %arg0 : i32
    %c0_i32 = arith.constant 0 : i32
    %c0_i32_3 = arith.constant 0 : i32
    return %add3A, %c0_i32 : i32, i32
  }
  func.func @transform_1(%arg0: i32, %arg1: i32) -> (i32, i32) {
    %mul3A = arith.constant 2 : i32
    %mul3A_0 = arith.muli %mul3A, %arg1 : i32
    %add3A = arith.constant 1 : i32
    %add3A_1 = arith.addi %mul3A_0, %add3A : i32
    %mul3A_2 = arith.constant 10 : i32
    %mul3A_3 = arith.muli %add3A_1, %mul3A_2 : i32
    %add3A_4 = arith.addi %mul3A_3, %arg0 : i32
    %c0_i32 = arith.constant 0 : i32
    %c0_i32_5 = arith.constant 0 : i32
    return %add3A_4, %c0_i32 : i32, i32
  }
  func.func @transform_2(%arg0: i32, %arg1: i32) -> (i32, i32) {
    %mul3A = arith.constant 10 : i32
    %mul3A_0 = arith.muli %arg1, %mul3A : i32
    %add3A = arith.addi %mul3A_0, %arg0 : i32
    %c0_i32 = arith.constant 0 : i32
    %c0_i32_1 = arith.constant 0 : i32
    return %add3A, %c0_i32 : i32, i32
  }
  func.func @transform_3(%arg0: i32, %arg1: i32) -> (i32, i32) {
    %c0_i32 = arith.constant 0 : i32
    %c0_i32_0 = arith.constant 0 : i32
    return %arg0, %c0_i32 : i32, i32
  }
  func.func @transform_4(%arg0: i32, %arg1: i32) -> (i32, i32) {
    %c0_i32 = arith.constant 0 : i32
    %c0_i32_0 = arith.constant 0 : i32
    return %c0_i32, %arg1 : i32, i32
  }
  func.func @transform_5(%arg0: i32, %arg1: i32) -> (i32, i32) {
    %c0_i32 = arith.constant 0 : i32
    return %arg0, %arg1 : i32, i32
  }
}

</mosaic_0001>

<sc_bundles>
// kernel: kernel.14.cloned.1.call-start
scs
__scs_entry_jumppad:
0x0: {  	(pc) =	sbr.rel $0x88, $3  }
0x1: {  	(tag) =	ssettag $0x0;
	lr =	simm.s32 $0x1  }
0x2: {  	[smem:$0x3F99] =	sst lr;
	_ =	strace $0xD0000000  }
0x3: {  	_ = 	snop  }
0x4: {  	_ = 	snop  }
0x5: {  	_ = 	snop  }
0x6: {  	_ = 	snop  }
0x7: {  	_ = 	snop  }
__scs_overlays_trampoline_lowered:
0x8: {  	[smem:$0x3FA8] =	sst s0  }
0x9: {  	[smem:$0x3FA9] =	sst s1  }
0xa: {  	[smem:$0x3FAA] =	sst s2  }
0xb: {  	[smem:$0x3FAB] =	sst s3  }
0xc: {  	[smem:$0x3FAC] =	sst s4  }
0xd: {  	[smem:$0x3FAD] =	sst s5  }
0xe: {  	[smem:$0x3FAE] =	sst s6  }
0xf: {  	[smem:$0x3FAF] =	sst s7  }
0x10: {  	[smem:$0x3FB0] =	sst s8  }
0x11: {  	[smem:$0x3FB1] =	sst s9;
	s0 =	simm.s32 @!p0 $0x0  }
0x12: {  	s1 =	sld [smem:$0x3F97];
	s0 =	simm.s32 @p0 $0x1  }
0x13: {  	[smem:$0x3FB2] =	sst s0;
	s0 =	simm.s32 @!p1 $0x0  }
0x14: {  	s2 =	sld [smem:$0x3F96];
	s0 =	simm.s32 @p1 $0x1  }
0x15: {  	[smem:$0x3FB3] =	sst s0;
	s0 =	simm.s32 @!p2 $0x0  }
0x16: {  	s3 =	sld [smem:$0x3FDB];
	s0 =	simm.s32 @p2 $0x1  }
0x17: {  	s4 =	simm.s32 $0x1BF5;
	[smem:$0x3FB5] =	sst s0  }
0x18: {  	s0 =	sld [smem:$0x3F98];
	_ =	swait.ge [sflag:s4], $0x0  }
0x19: {  	s7 =	sld [smem:$0x3F99]  }
0x1a: {  	s8 =	sadd.s32 $0xFFFFE003, lr  }
0x1b: {  	s9 =	sadd.s32 $0xFFFFFEF7, lr;
	s5 =	simm.s32 $0xFFFFFFFF;
	p2 =	slt.u32 s8, $0xFFFFF086  }
0x1c: {  	p1 =	slt.u32 s9, $0xF7A;
	s5 =	simm.s32 @!p2 $0x0  }
0x1d: {  	s5 =	simm.s32 @p1 $0x1;
	p0 =	seq.s32 s7, s2  }
0x1e: {  	s7 =	smul.u32 @!p0 $0xF7A, s2;
	p2 =	seq.s32 @!p0 s5, $0x0  }
0x1f: {  	s9 =	smul.u32 $0xF7A, s1;
	s8 =	simm.s32 @!p0 $0x1BF5;
	p2 =	por !p2, p0  }
0x20: {  	[sflag:s8] =	ssyncset.s32 @!p0 $0xFFFFF086;
	s6 =	sadd.s32 @!p0 s3, s7;
	s7 =	simm.s32 @!p0 $0x108  }
0x21: {  	s3 =	sadd.s32 s3, s9;
	s6 =	sadd.s32 @!p0 $0x88, s6;
	s7 =	simm.s32 @p2 $0x1082  }
0x22: {  	[simem:s7], [sflag:s8] =	dma.local @!p0 [hbm:s6], $0xF7A  }
0x23: {  	s9 =	sor.u32 $0xD0000000, s2;
	s6 =	simm.s32 $0x108;
	_ =	swait.ge @!p0 [sflag:s8], $0x0  }
0x24: {  	s3 =	sadd.s32 $0x88, s3;
	s6 =	simm.s32 @!p1 $0x1082;
	[sflag:s4] =	ssyncset.s32 $0xFFFFF086  }
0x25: {  	[simem:s6], [sflag:s4] =	dma.local [hbm:s3], $0xF7A  }
0x26: {  	[smem:$0x3F99] =	sst s1;
	(tag) =	ssettag s2;
	_ =	strace s9  }
0x27: {  	s1 =	sld [smem:$0x3FA9]  }
0x28: {  	s2 =	sld [smem:$0x3FAA]  }
0x29: {  	s4 =	sld [smem:$0x3FAC]  }
0x2a: {  	p0 =	seq.s32 s5, $0x0;
	s5 =	sld [smem:$0x3FAD]  }
0x2b: {  	s6 =	sld [smem:$0x3FAE]  }
0x2c: {  	s7 =	sld [smem:$0x3FAF]  }
0x2d: {  	s3 =	simm.s32 $0x108;
	s8 =	sld [smem:$0x3FB0]  }
0x2e: {  	s3 =	simm.s32 @!p0 $0x1082;
	s9 =	sld [smem:$0x3FB1]  }
0x2f: {  	lr =	sadd.s32 s0, s3;
	s0 =	sld [smem:$0x3FA8]  }
0x30: {  	s3 =	sld [smem:$0x3FAB]  }
0x31: {  	[smem:$0x3FB4] =	sst s10  }
0x32: {  	s10 =	sld [smem:$0x3FB2];
	_ =	sdelay $0x3  }
0x33: {  	p0 =	seq.s32 s10, $0x1;
	s10 =	sld [smem:$0x3FB4];
	_ =	sdelay $0x3  }
0x34: {  	[smem:$0x3FB4] =	sst s10  }
0x35: {  	s10 =	sld [smem:$0x3FB3];
	_ =	sdelay $0x3  }
0x36: {  	p1 =	seq.s32 s10, $0x1;
	s10 =	sld [smem:$0x3FB4];
	_ =	sdelay $0x3  }
0x37: {  	[smem:$0x3FB4] =	sst s10  }
0x38: {  	s10 =	sld [smem:$0x3FB5]  }
0x39: {  	_ = 	snop;
	(pc) =	sbr.ind lr, $3  }
0x3a: {  	_ = 	snop  }
0x3b: {  	_ = 	snop  }
0x3c: {  	p2 =	seq.s32 s10, $0x1;
	s10 =	sld [smem:$0x3FB4]  }
0x3d: {  	_ =	shalt  }
0x3e: {  	_ =	shalt  }
0x3f: {  	_ =	shalt  }
0x40: {  	_ =	shalt  }
0x41: {  	_ =	shalt  }
0x42: {  	_ =	shalt  }
0x43: {  	_ =	shalt  }
0x44: {  	_ =	shalt  }
0x45: {  	_ =	shalt  }
0x46: {  	_ =	shalt  }
0x47: {  	_ =	shalt  }
0x48: {  	_ =	shalt  }
0x49: {  	_ =	shalt  }
0x4a: {  	_ =	shalt  }
0x4b: {  	_ =	shalt  }
0x4c: {  	_ =	shalt  }
0x4d: {  	_ =	shalt  }
0x4e: {  	_ =	shalt  }
0x4f: {  	_ =	shalt  }
0x50: {  	_ =	shalt  }
0x51: {  	_ =	shalt  }
0x52: {  	_ =	shalt  }
0x53: {  	_ =	shalt  }
0x54: {  	_ =	shalt  }
0x55: {  	_ =	shalt  }
0x56: {  	_ =	shalt  }
0x57: {  	_ =	shalt  }
0x58: {  	_ =	shalt  }
0x59: {  	_ =	shalt  }
0x5a: {  	_ =	shalt  }
0x5b: {  	_ =	shalt  }
0x5c: {  	_ =	shalt  }
0x5d: {  	_ =	shalt  }
0x5e: {  	_ =	shalt  }
0x5f: {  	_ =	shalt  }
0x60: {  	_ =	shalt  }
0x61: {  	_ =	shalt  }
0x62: {  	_ =	shalt  }
0x63: {  	_ =	shalt  }
0x64: {  	_ =	shalt  }
0x65: {  	_ =	shalt  }
0x66: {  	_ =	shalt  }
0x67: {  	_ =	shalt  }
0x68: {  	_ =	shalt  }
0x69: {  	_ =	shalt  }
0x6a: {  	_ =	shalt  }
0x6b: {  	_ =	shalt  }
0x6c: {  	_ =	shalt  }
0x6d: {  	_ =	shalt  }
0x6e: {  	_ =	shalt  }
0x6f: {  	_ =	shalt  }
0x70: {  	_ =	shalt  }
0x71: {  	_ =	shalt  }
0x72: {  	_ =	shalt  }
0x73: {  	_ =	shalt  }
0x74: {  	_ =	shalt  }
0x75: {  	_ =	shalt  }
0x76: {  	_ =	shalt  }
0x77: {  	_ =	shalt  }
0x78: {  	_ =	shalt  }
0x79: {  	_ =	shalt  }
0x7a: {  	_ =	shalt  }
0x7b: {  	_ =	shalt  }
0x7c: {  	_ =	shalt  }
0x7d: {  	_ =	shalt  }
0x7e: {  	_ =	shalt  }
0x7f: {  	_ =	shalt  }
0x80: {  	_ =	shalt  }
0x81: {  	_ =	shalt  }
0x82: {  	_ =	shalt  }
0x83: {  	_ =	shalt  }
0x84: {  	_ =	shalt  }
0x85: {  	_ =	shalt  }
0x86: {  	_ =	shalt  }
0x87: {  	_ =	shalt  }
.Lfunc_end0:
.L_simem_size_0:
called_computation_lowered:
.L_overlay_start_0:
0x88: {  	s2 =	sld [smem:$0x3FD9]  }
0x89: {  	s3 =	sld [smem:$0x3FFE];
	_ =	sdelay $0x1  }
0x8a: {  	s1 =	srdreg.scid  }
0x8b: {  	s0 =	sand.u32 $0x1, s1  }
0x8c: {  	s17 =	sshll.u32 s0, $0xA;
	s2 =	sadd.s32 s3, s2  }
0x8d: {  	s2 =	sadd.s32 s2, s17  }
0x8e: {  	[smem:$0x3FC0] =	sst s2  }
0x8f: {  	_ = 	snop  }
0x90: {  	s2 =	sld [smem:$0x3FD0];
	(tm) =	ssettm $0x1  }
0x91: {  	s18 =	sld [smem:$0x3FFB];
	_ =	sdelay $0x3  }
0x92: {  	_ =	strace s18  }
0x93: {  	s3 =	sld [smem:$0x3FFC];
	_ =	sdelay $0x3  }
0x94: {  	_ =	strace s3  }
0x95: {  	s3 =	sld [smem:$0x3FFD];
	_ =	sdelay $0x3  }
0x96: {  	_ =	strace s3  }
0x97: {  	_ =	strace $0x8FFFFFFF  }
0x98: {  	s19 =	sld [smem:$0x3FDB];
	_ =	sdelay $0x1  }
0x99: {  	s4 =	simm.s32 $_scs_section_size  }
0x9a: {  	s5 =	simm.s32 $_size__tile_overlayer_lowered;
	s6 =	simm.s32 $_tile_overlayer_lowered  }
0x9b: {  	s22 =	simm.s32 $0x1BFF;
	s21 =	sshll.u32 s6, $0x1;
	s3 =	sadd.s32 s4, s19  }
0x9c: {  	s7 =	simm.s32 $0x0;
	s20 =	sshll.u32 s5, $0x1;
	s5 =	sadd.s32 s21, s3  }
0x9d: {  	[timem:s7], [sflag:s22] =	dma.local [hbm:s5], s20  }
0x9e: {  	_ =	swait.ge [sflag:s22], s20  }
0x9f: {  	s4 =	ssub.s32 $0x0, s20;
	[sflag:s22] =	ssyncset.done $0x0  }
0xa0: {  	[sflag:s22] =	ssyncadd.s32 s4;
	_ =	sdelay $0x1  }
0xa1: {  	s23 =	simm.s32 $0x1B8B  }
0xa2: {  	_ =	swait.ge [sflag:s23], $0x1  }
0xa3: {  	[sflag:s23] =	ssyncset.done $0x0  }
0xa4: {  	s25 =	simm.s32 $0x1B8E;
	s24 =	sld [smem:$0x3FFE];
	[sflag:s23] =	ssyncadd.s32 $0xFFFFFFFF  }
0xa5: {  	s26 =	simm.s32 $execute0_lowered;
	[smem:$0x3FD2] =	sst s25  }
0xa6: {  	s5 =	sshll.u32 s26, $0x1;
	_ =	strace $0x80000046;
	[dreg:$0x1] =	wrdreg $0xFFFFFFFF  }
0xa7: {  	s28 =	simm.s32 $_size_execute0_lowered;
	s3 =	sadd.s32 s3, s5;
	[dreg:$0x0] =	wrdreg $0x0  }
0xa8: {  	s5 =	sshll.u32 s28, $0x1;
	[dreg:$0x2] =	wrdreg s3  }
0xa9: {  	[dreg:$0x3] =	wrdreg s5  }
0xaa: {  	[dreg:$0x4] =	wrdreg $0xC0  }
0xab: {  	_ =	task [dreg:s7], $0x5FFFF  }
0xac: {  	[dreg:$0x1] =	wrdreg $0xFFFFFFFF  }
0xad: {  	[dreg:$0x0] =	wrdreg $0x60  }
0xae: {  	[dreg:$0x2] =	wrdreg s2  }
0xaf: {  	[dreg:$0x3] =	wrdreg s24  }
0xb0: {  	[dreg:$0x4] =	wrdreg $0x0  }
0xb1: {  	[dreg:$0x5] =	wrdreg $0x9  }
0xb2: {  	_ =	task.clear_ibuf [dreg:s7], $0x6FFFF;
	_ =	strace $0x90000046  }
0xb3: {  	s29 =	simm.s32 $0x9;
	_ =	strace $0x80000048  }
0xb4: {  	_ =	swait.ge [sflag:s29], $0x1  }
0xb5: {  	[sflag:s29] =	ssyncadd.s32 $0xFFFFFFFF  }
0xb6: {  	_ =	strace $0x90000048  }
0xb7: {  	_ =	sfence  }
0xb8: {  	s30 =	sld [smem:$0x0];
	_ =	sdelay $0x2  }
0xb9: {  	s31 =	sshll.u32 s1, $0xD;
	s1 =	sshrl.u32 s1, $0x2  }
0xba: {  	s3 =	sand.u32 $0x4000, s31;
	s1 =	sadd.s32 s1, s30  }
0xbb: {  	s0 =	sor.u32 s3, s0;
	s1 =	sshll.u32 s1, $0x11  }
0xbc: {  	s0 =	sor.u32 s1, s0  }
0xbd: {  	s0 =	sadd.s32 $0x8F2B, s0  }
0xbe: {  	[sflag:s0] =	ssyncadd.remote.s32 $0x1  }
0xbf: {  	_ =	sfence.sel $0xFFFF  }
0xc0: {  	[dreg:$0x0] =	wrdreg $0xFFFFFFFF;
	(pc) =	sbr.abs _section_cstart, $3  }
0xc1: {  	[dreg:$0x1] =	wrdreg $0xFFFFFFFF  }
0xc2: {  	_ =	task.clear_ibuf [dreg:s7], $0x2FFFF;
	_ =	strace $0x9FFFFFFF  }
0xc3: {  	(tm) =	ssettm $0x7FFFFFFF  }
tec
execute0_lowered:
.L_overlay_start_1:
0x0: {  	(tag) =	ssettag $0x1  }
0x1: {  	s4 =	rddreg [dreg:$0x0]  }
0x2: {  	s5 =	rddreg [dreg:$0x1]  }
0x3: {  	s2 =	rddreg [dreg:$0x2]  }
0x4: {  	s0 =	srdreg.scid;
	s1 =	rddreg [dreg:$0x3]  }
0x5: {  	s3 =	simm.s32 $0x0;
	s12 =	simm.s32 $0x14000;
	s13 =	simm.s32 $0x1  }
0x6: {  	s14 =	simm.s32 $0x1A800;
	s6 =	sand.u32 $0x1, s0;
	s0 =	stileid.u32  }
0x7: {  	s15 =	simm.s32 $0x50;
	[smem:$0x7FF] =	sst s3;
	s7 =	smul.u32 $0x28000, s6  }
0x8: {  	s16 =	simm.s32 $0x18000;
	s8 =	smul.u32 $0x2800, s0;
	_ =	strace $0x80000047  }
0x9: {  	s28 =	ssub.s32 $0x2, s6;
	s29 =	sshll.u32 s0, $0xB;
	s9 =	smul.u32 $0x50000, s0  }
0xa: {  	s6 =	sshll.u32 s6, $0xF;
	s17 =	sshll.u32 s0, $0x6;
	s10 =	sshrl.u32 s28, $0x1  }
0xb: {  	s4 =	sadd.s32 s4, s29;
	s17 =	sor.u32 $0x1C01, s17;
	s7 =	sadd.s32 s8, s7  }
0xc: {  	s30 =	ssub.s32 s28, s10;
	s31 =	sshrl.u32 s9, $0x2;
	s7 =	sadd.s32 s7, s5  }
0xd: {  	s4 =	sadd.s32 s6, s4;
	s5 =	sadd.s32 s31, s2;
	s6 =	sadd.s32 $0x19000, s7  }
0xe: {  	s7 =	smax.u32 s30, $0x1;
	s8 =	sadd.s32 $0x4000, s5;
	s9 =	sadd.s32 $0x8000, s5  }
0xf: {  	v0 =	vimm.f32 $1.000000000e+00;
	s10 =	sadd.s32 $0xC000, s5;
	s11 =	sadd.s32 $0x10000, s5;
	s18 =	sshrl.u32 s5, $0x3  }
.LBB2_1:
0x10: {  	s19 =	simm.s32 $0x0;
	s20 =	simm.s32 $0x200  }
.LBB2_2:
0x11: {  	p0 =	sne.s32 s20, $0x9E00;
	[tilespmem:s19+$0x18070] =	vst v0  }
0x12: {  	[tilespmem:s19+$0x18000] =	vst v0  }
0x13: {  	[tilespmem:s19+$0x18010] =	vst v0  }
.Ltmp0:
0x14: {  	[tilespmem:s19+$0x18020] =	vst v0;
	(pc) =	sbr.rel @p0 .LBB2_2-.Ltmp0, $4  }
0x15: {  	[tilespmem:s19+$0x18030] =	vst v0  }
0x16: {  	[tilespmem:s19+$0x18040] =	vst v0  }
0x17: {  	[tilespmem:s19+$0x18050] =	vst v0  }
0x18: {  	[tilespmem:s19+$0x18060] =	vst v0;
	s19 =	sshra.s32 s20, $0x2;
	s20 =	sadd.s32 $0x200, s20  }
0x19: {  	[tilespmem:s19+$0x18070] =	vst v0  }
0x1a: {  	[tilespmem:s19+$0x18000] =	vst v0  }
0x1b: {  	[tilespmem:s19+$0x18010] =	vst v0  }
0x1c: {  	[tilespmem:s19+$0x18020] =	vst v0  }
0x1d: {  	[tilespmem:s19+$0x18030] =	vst v0  }
0x1e: {  	[tilespmem:s19+$0x18040] =	vst v0  }
0x1f: {  	[tilespmem:s19+$0x18050] =	vst v0  }
0x20: {  	[tilespmem:s19+$0x18060] =	vst v0;
	s19 =	simm.s32 $0x0;
	s20 =	simm.s32 $0x200  }
.LBB2_4:
0x21: {  	p0 =	sne.s32 s20, $0xFE00;
	[tilespmem:s19+$0x1A870] =	vst v0  }
0x22: {  	[tilespmem:s19+$0x1A800] =	vst v0  }
0x23: {  	[tilespmem:s19+$0x1A810] =	vst v0  }
.Ltmp1:
0x24: {  	[tilespmem:s19+$0x1A820] =	vst v0;
	(pc) =	sbr.rel @p0 .LBB2_4-.Ltmp1, $4  }
0x25: {  	[tilespmem:s19+$0x1A830] =	vst v0  }
0x26: {  	[tilespmem:s19+$0x1A840] =	vst v0  }
0x27: {  	[tilespmem:s19+$0x1A850] =	vst v0  }
0x28: {  	[tilespmem:s19+$0x1A860] =	vst v0;
	s19 =	sshra.s32 s20, $0x2;
	s20 =	sadd.s32 $0x200, s20  }
0x29: {  	[tilespmem:s19+$0x1A870] =	vst v0  }
0x2a: {  	[tilespmem:s19+$0x1A800] =	vst v0  }
0x2b: {  	[tilespmem:s19+$0x1A810] =	vst v0  }
0x2c: {  	[tilespmem:s19+$0x1A820] =	vst v0  }
0x2d: {  	[tilespmem:s19+$0x1A830] =	vst v0  }
0x2e: {  	[tilespmem:s19+$0x1A840] =	vst v0  }
0x2f: {  	[tilespmem:s19+$0x1A850] =	vst v0  }
0x30: {  	[tilespmem:s19+$0x1A860] =	vst v0;
	s30 =	simm.s32 $0x0  }
0x31: {  	[tilespmem:s12], [sflag:$0x1] =	stream.linear.gather [hbm4b:s4+s30], $0x3E80, $0x38;
	[tilespmem:$0x1E800] =	vst v63  }
0x32: {  	_ =	swait.ge [sflag:s13], $0x3E80  }
0x33: {  	[sflag:s13] =	ssyncset.done $0x0  }
0x34: {  	[sflag:s13] =	ssyncadd.s32 $0xFFFFC180  }
0x35: {  	[spmem:s5] =	stream.linear.scatter [tilespmem:s14], [sflag:$0x1], $0x4000, $0x38;
	[tilespmem:$0x1E800] =	vst v63  }
0x36: {  	_ =	swait.ge [sflag:s13], $0x4000  }
0x37: {  	[sflag:s13] =	ssyncset.done $0x0  }
0x38: {  	[sflag:s13] =	ssyncadd.s32 $0xFFFFC000  }
0x39: {  	[spmem:s8] =	stream.linear.scatter [tilespmem:s14], [sflag:$0x1], $0x4000, $0x38;
	[tilespmem:$0x1E800] =	vst v63  }
0x3a: {  	_ =	swait.ge [sflag:s13], $0x4000  }
0x3b: {  	[sflag:s13] =	ssyncset.done $0x0  }
0x3c: {  	[sflag:s13] =	ssyncadd.s32 $0xFFFFC000  }
0x3d: {  	[spmem:s9] =	stream.linear.scatter [tilespmem:s14], [sflag:$0x1], $0x4000, $0x38;
	[tilespmem:$0x1E800] =	vst v63  }
0x3e: {  	_ =	swait.ge [sflag:s13], $0x4000  }
0x3f: {  	[sflag:s13] =	ssyncset.done $0x0  }
0x40: {  	[sflag:s13] =	ssyncadd.s32 $0xFFFFC000  }
0x41: {  	[spmem:s10] =	stream.linear.scatter [tilespmem:s14], [sflag:$0x1], $0x4000, $0x38;
	[tilespmem:$0x1E800] =	vst v63  }
0x42: {  	_ =	swait.ge [sflag:s13], $0x4000  }
0x43: {  	[sflag:s13] =	ssyncset.done $0x0  }
0x44: {  	[sflag:s13] =	ssyncadd.s32 $0xFFFFC000  }
0x45: {  	[spmem:s11] =	stream.linear.scatter [tilespmem:s14], [sflag:$0x1], $0x4000, $0x38;
	[tilespmem:$0x1E800] =	vst v63  }
0x46: {  	_ =	swait.ge [sflag:s13], $0x4000  }
0x47: {  	[sflag:s13] =	ssyncset.done $0x0  }
0x48: {  	[sflag:s13] =	ssyncadd.s32 $0xFFFFC000  }
0x49: {  	s31 =	simm.s32 $0x14000;
	[bflag:$0x0] =	sbarrier.arrive $0xFFFF  }
0x4a: {  	[spmem:s2] =	stream.indirect.scatter.add.f32 [tilespmem:s16], [sflag:$0x1], $0x80, s31, s15, $0xb8;
	[tilespmem:$0x1E800] =	vst v63  }
0x4b: {  	s19 =	simm.s32 $0x200;
	_ =	swait.ge [sflag:s13], $0x2800  }
.LBB2_6:
0x4c: {  	s20 =	sshra.s32 s19, $0x2;
	[sflag:s13] =	ssyncset.done $0x0;
	p0 =	sne.s32 s19, $0xF800  }
.Ltmp2:
0x4d: {  	s20 =	sadd.s32 $0x14000, s20;
	[sflag:s13] =	ssyncadd.s32 $0xFFFFD800;
	(pc) =	sbr.rel @p0 .LBB2_6-.Ltmp2, $3  }
0x4e: {  	[spmem:s2] =	stream.indirect.scatter.add.f32 [tilespmem:s16], [sflag:$0x1], $0x80, s20, s15, $0xb8;
	[tilespmem:$0x1E800] =	vst v63  }
0x4f: {  	s19 =	sadd.s32 $0x200, s19;
	_ =	sdelay $0x1  }
0x50: {  	_ =	swait.ge [sflag:s13], $0x2800  }
0x51: {  	[sflag:s13] =	ssyncset.done $0x0;
	s3 =	sadd.s32 $0x1, s3  }
0x52: {  	[sflag:s13] =	ssyncadd.s32 $0xFFFFD800;
	p0 =	sne.s32 s3, s7  }
.Ltmp3:
0x53: {  	[bflag:$0x0] =	sbarrier.arrive $0xFFFF;
	(pc) =	sbr.rel @p0 .LBB2_1-.Ltmp3, $4  }
0x54: {  	[hbm:s6], [sflag:s17] =	dma.local [spmem:s18], $0x2800  }
0x55: {  	_ =	swait.ge [sflag:s13], $0x2800  }
0x56: {  	[sflag:s13] =	ssyncset.done $0x0  }
0x57: {  	[sflag:s13] =	ssyncadd.s32 $0xFFFFD800  }
0x58: {  	_ =	sfence.sel $0x180000  }
0x59: {  	[bflag:$0x0] =	sbarrier.arrive $0xFFFF  }
0x5a: {  	p0 =	sne.s32 s0, $0x0;
	_ =	strace $0x90000047  }
0x5b: {  	s0 =	sadd.s32 @!p0 $0x100000, s1;
	[bflag:$0x2] =	sbarrier.arrive $0xFFFF  }
0x5c: {  	[sflag:s0] =	ssyncadd.tile.s32 @!p0 $0x1;
	_ =	shalt  }
.Lfunc_end2:
_tile_overlayer_lowered:
.L_overlay_start_2:
0x5d: {  	(tag) =	ssettag $0x2  }
0x5e: {  	s0 =	rddreg [dreg:$0x0];
	s2 =	stileid.u32  }
0x5f: {  	s1 =	rddreg [dreg:$0x1];
	p0 =	sne.s32 s2, $0x0  }
0x60: {  	s3 =	rddreg [dreg:$0x2];
	[bflag:$0x3] =	sbarrier.arrive $0xFFFF;
	s2 =	simm.s32 @!p0 $0x1C01  }
0x61: {  	[timem:s3], [sflag:s2] =	dma.local @!p0 [hbm:s0], s1  }
0x62: {  	s0 =	simm.s32 @!p0 $0x1  }
0x63: {  	_ =	swait.ge @!p0 [sflag:s0], s1  }
0x64: {  	s1 =	ssub.s32 @!p0 $0x0, s1;
	[sflag:s0] =	ssyncset.done @!p0 $0x0  }
0x65: {  	[sflag:s0] =	ssyncadd.s32 @!p0 s1  }
0x66: {  	[bflag:$0x3] =	sbarrier.arrive $0xFFFF  }
0x67: {  	_ =	shalt  }

// kernel: kernel.17.cloned.1.call-start
scs
__scs_entry_jumppad:
0x0: {  	(pc) =	sbr.rel $0x88, $3  }
0x1: {  	(tag) =	ssettag $0x0;
	lr =	simm.s32 $0x1  }
0x2: {  	[smem:$0x3F99] =	sst lr;
	_ =	strace $0xD0000000  }
0x3: {  	_ = 	snop  }
0x4: {  	_ = 	snop  }
0x5: {  	_ = 	snop  }
0x6: {  	_ = 	snop  }
0x7: {  	_ = 	snop  }
__scs_overlays_trampoline_lowered:
0x8: {  	[smem:$0x3FA8] =	sst s0  }
0x9: {  	[smem:$0x3FA9] =	sst s1  }
0xa: {  	[smem:$0x3FAA] =	sst s2  }
0xb: {  	[smem:$0x3FAB] =	sst s3  }
0xc: {  	[smem:$0x3FAC] =	sst s4  }
0xd: {  	[smem:$0x3FAD] =	sst s5  }
0xe: {  	[smem:$0x3FAE] =	sst s6  }
0xf: {  	[smem:$0x3FAF] =	sst s7  }
0x10: {  	[smem:$0x3FB0] =	sst s8  }
0x11: {  	[smem:$0x3FB1] =	sst s9;
	s0 =	simm.s32 @!p0 $0x0  }
0x12: {  	s1 =	sld [smem:$0x3F97];
	s0 =	simm.s32 @p0 $0x1  }
0x13: {  	[smem:$0x3FB2] =	sst s0;
	s0 =	simm.s32 @!p1 $0x0  }
0x14: {  	s2 =	sld [smem:$0x3F96];
	s0 =	simm.s32 @p1 $0x1  }
0x15: {  	[smem:$0x3FB3] =	sst s0;
	s0 =	simm.s32 @!p2 $0x0  }
0x16: {  	s3 =	sld [smem:$0x3FDB];
	s0 =	simm.s32 @p2 $0x1  }
0x17: {  	s4 =	simm.s32 $0x1BF5;
	[smem:$0x3FB5] =	sst s0  }
0x18: {  	s0 =	sld [smem:$0x3F98];
	_ =	swait.ge [sflag:s4], $0x0  }
0x19: {  	s7 =	sld [smem:$0x3F99]  }
0x1a: {  	s8 =	sadd.s32 $0xFFFFE003, lr  }
0x1b: {  	s9 =	sadd.s32 $0xFFFFFEF7, lr;
	s5 =	simm.s32 $0xFFFFFFFF;
	p2 =	slt.u32 s8, $0xFFFFF086  }
0x1c: {  	p1 =	slt.u32 s9, $0xF7A;
	s5 =	simm.s32 @!p2 $0x0  }
0x1d: {  	s5 =	simm.s32 @p1 $0x1;
	p0 =	seq.s32 s7, s2  }
0x1e: {  	s7 =	smul.u32 @!p0 $0xF7A, s2;
	p2 =	seq.s32 @!p0 s5, $0x0  }
0x1f: {  	s9 =	smul.u32 $0xF7A, s1;
	s8 =	simm.s32 @!p0 $0x1BF5;
	p2 =	por !p2, p0  }
0x20: {  	[sflag:s8] =	ssyncset.s32 @!p0 $0xFFFFF086;
	s6 =	sadd.s32 @!p0 s3, s7;
	s7 =	simm.s32 @!p0 $0x108  }
0x21: {  	s3 =	sadd.s32 s3, s9;
	s6 =	sadd.s32 @!p0 $0x88, s6;
	s7 =	simm.s32 @p2 $0x1082  }
0x22: {  	[simem:s7], [sflag:s8] =	dma.local @!p0 [hbm:s6], $0xF7A  }
0x23: {  	s9 =	sor.u32 $0xD0000000, s2;
	s6 =	simm.s32 $0x108;
	_ =	swait.ge @!p0 [sflag:s8], $0x0  }
0x24: {  	s3 =	sadd.s32 $0x88, s3;
	s6 =	simm.s32 @!p1 $0x1082;
	[sflag:s4] =	ssyncset.s32 $0xFFFFF086  }
0x25: {  	[simem:s6], [sflag:s4] =	dma.local [hbm:s3], $0xF7A  }
0x26: {  	[smem:$0x3F99] =	sst s1;
	(tag) =	ssettag s2;
	_ =	strace s9  }
0x27: {  	s1 =	sld [smem:$0x3FA9]  }
0x28: {  	s2 =	sld [smem:$0x3FAA]  }
0x29: {  	s4 =	sld [smem:$0x3FAC]  }
0x2a: {  	p0 =	seq.s32 s5, $0x0;
	s5 =	sld [smem:$0x3FAD]  }
0x2b: {  	s6 =	sld [smem:$0x3FAE]  }
0x2c: {  	s7 =	sld [smem:$0x3FAF]  }
0x2d: {  	s3 =	simm.s32 $0x108;
	s8 =	sld [smem:$0x3FB0]  }
0x2e: {  	s3 =	simm.s32 @!p0 $0x1082;
	s9 =	sld [smem:$0x3FB1]  }
0x2f: {  	lr =	sadd.s32 s0, s3;
	s0 =	sld [smem:$0x3FA8]  }
0x30: {  	s3 =	sld [smem:$0x3FAB]  }
0x31: {  	[smem:$0x3FB4] =	sst s10  }
0x32: {  	s10 =	sld [smem:$0x3FB2];
	_ =	sdelay $0x3  }
0x33: {  	p0 =	seq.s32 s10, $0x1;
	s10 =	sld [smem:$0x3FB4];
	_ =	sdelay $0x3  }
0x34: {  	[smem:$0x3FB4] =	sst s10  }
0x35: {  	s10 =	sld [smem:$0x3FB3];
	_ =	sdelay $0x3  }
0x36: {  	p1 =	seq.s32 s10, $0x1;
	s10 =	sld [smem:$0x3FB4];
	_ =	sdelay $0x3  }
0x37: {  	[smem:$0x3FB4] =	sst s10  }
0x38: {  	s10 =	sld [smem:$0x3FB5]  }
0x39: {  	_ = 	snop;
	(pc) =	sbr.ind lr, $3  }
0x3a: {  	_ = 	snop  }
0x3b: {  	_ = 	snop  }
0x3c: {  	p2 =	seq.s32 s10, $0x1;
	s10 =	sld [smem:$0x3FB4]  }
0x3d: {  	_ =	shalt  }
0x3e: {  	_ =	shalt  }
0x3f: {  	_ =	shalt  }
0x40: {  	_ =	shalt  }
0x41: {  	_ =	shalt  }
0x42: {  	_ =	shalt  }
0x43: {  	_ =	shalt  }
0x44: {  	_ =	shalt  }
0x45: {  	_ =	shalt  }
0x46: {  	_ =	shalt  }
0x47: {  	_ =	shalt  }
0x48: {  	_ =	shalt  }
0x49: {  	_ =	shalt  }
0x4a: {  	_ =	shalt  }
0x4b: {  	_ =	shalt  }
0x4c: {  	_ =	shalt  }
0x4d: {  	_ =	shalt  }
0x4e: {  	_ =	shalt  }
0x4f: {  	_ =	shalt  }
0x50: {  	_ =	shalt  }
0x51: {  	_ =	shalt  }
0x52: {  	_ =	shalt  }
0x53: {  	_ =	shalt  }
0x54: {  	_ =	shalt  }
0x55: {  	_ =	shalt  }
0x56: {  	_ =	shalt  }
0x57: {  	_ =	shalt  }
0x58: {  	_ =	shalt  }
0x59: {  	_ =	shalt  }
0x5a: {  	_ =	shalt  }
0x5b: {  	_ =	shalt  }
0x5c: {  	_ =	shalt  }
0x5d: {  	_ =	shalt  }
0x5e: {  	_ =	shalt  }
0x5f: {  	_ =	shalt  }
0x60: {  	_ =	shalt  }
0x61: {  	_ =	shalt  }
0x62: {  	_ =	shalt  }
0x63: {  	_ =	shalt  }
0x64: {  	_ =	shalt  }
0x65: {  	_ =	shalt  }
0x66: {  	_ =	shalt  }
0x67: {  	_ =	shalt  }
0x68: {  	_ =	shalt  }
0x69: {  	_ =	shalt  }
0x6a: {  	_ =	shalt  }
0x6b: {  	_ =	shalt  }
0x6c: {  	_ =	shalt  }
0x6d: {  	_ =	shalt  }
0x6e: {  	_ =	shalt  }
0x6f: {  	_ =	shalt  }
0x70: {  	_ =	shalt  }
0x71: {  	_ =	shalt  }
0x72: {  	_ =	shalt  }
0x73: {  	_ =	shalt  }
0x74: {  	_ =	shalt  }
0x75: {  	_ =	shalt  }
0x76: {  	_ =	shalt  }
0x77: {  	_ =	shalt  }
0x78: {  	_ =	shalt  }
0x79: {  	_ =	shalt  }
0x7a: {  	_ =	shalt  }
0x7b: {  	_ =	shalt  }
0x7c: {  	_ =	shalt  }
0x7d: {  	_ =	shalt  }
0x7e: {  	_ =	shalt  }
0x7f: {  	_ =	shalt  }
0x80: {  	_ =	shalt  }
0x81: {  	_ =	shalt  }
0x82: {  	_ =	shalt  }
0x83: {  	_ =	shalt  }
0x84: {  	_ =	shalt  }
0x85: {  	_ =	shalt  }
0x86: {  	_ =	shalt  }
0x87: {  	_ =	shalt  }
.Lfunc_end0:
.L_simem_size_0:
called_computation.1_lowered:
.L_overlay_start_0:
0x88: {  	s2 =	sld [smem:$0x3FD9]  }
0x89: {  	s3 =	sld [smem:$0x3FFE];
	_ =	sdelay $0x1  }
0x8a: {  	s1 =	srdreg.scid  }
0x8b: {  	s0 =	sand.u32 $0x1, s1  }
0x8c: {  	s16 =	sshll.u32 s0, $0xA;
	s2 =	sadd.s32 s3, s2  }
0x8d: {  	s2 =	sadd.s32 s2, s16  }
0x8e: {  	[smem:$0x3FC0] =	sst s2  }
0x8f: {  	_ = 	snop  }
0x90: {  	(tm) =	ssettm $0x1  }
0x91: {  	s17 =	sld [smem:$0x3FFB];
	_ =	sdelay $0x3  }
0x92: {  	_ =	strace s17  }
0x93: {  	s2 =	sld [smem:$0x3FFC];
	_ =	sdelay $0x3  }
0x94: {  	_ =	strace s2  }
0x95: {  	s2 =	sld [smem:$0x3FFD];
	_ =	sdelay $0x3  }
0x96: {  	_ =	strace s2  }
0x97: {  	_ =	strace $0x8FFFFFFF  }
0x98: {  	s18 =	sld [smem:$0x3FDB];
	_ =	sdelay $0x1  }
0x99: {  	s19 =	simm.s32 $_scs_section_size  }
0x9a: {  	s4 =	simm.s32 $_size__tile_overlayer_lowered;
	s5 =	simm.s32 $_tile_overlayer_lowered  }
0x9b: {  	s22 =	simm.s32 $0x1BFF;
	s21 =	sshll.u32 s5, $0x1;
	s2 =	sadd.s32 s19, s18  }
0x9c: {  	s6 =	simm.s32 $0x0;
	s20 =	sshll.u32 s4, $0x1;
	s4 =	sadd.s32 s21, s2  }
0x9d: {  	[timem:s6], [sflag:s22] =	dma.local [hbm:s4], s20  }
0x9e: {  	_ =	swait.ge [sflag:s22], s20  }
0x9f: {  	s3 =	ssub.s32 $0x0, s20;
	[sflag:s22] =	ssyncset.done $0x0  }
0xa0: {  	[sflag:s22] =	ssyncadd.s32 s3;
	_ =	sdelay $0x1  }
0xa1: {  	s23 =	simm.s32 $0x1B8B  }
0xa2: {  	_ =	swait.ge [sflag:s23], $0x1  }
0xa3: {  	[sflag:s23] =	ssyncset.done $0x0  }
0xa4: {  	s25 =	simm.s32 $0x1B8E;
	s24 =	sld [smem:$0x3FFE];
	[sflag:s23] =	ssyncadd.s32 $0xFFFFFFFF  }
0xa5: {  	s26 =	simm.s32 $execute0_lowered;
	[smem:$0x3FD2] =	sst s25  }
0xa6: {  	s4 =	sshll.u32 s26, $0x1;
	_ =	strace $0x80000049;
	[dreg:$0x1] =	wrdreg $0xFFFFFFFF  }
0xa7: {  	s28 =	simm.s32 $_size_execute0_lowered;
	s2 =	sadd.s32 s2, s4;
	[dreg:$0x0] =	wrdreg $0x0  }
0xa8: {  	s4 =	sshll.u32 s28, $0x1;
	[dreg:$0x2] =	wrdreg s2  }
0xa9: {  	[dreg:$0x3] =	wrdreg s4  }
0xaa: {  	[dreg:$0x4] =	wrdreg $0xC0  }
0xab: {  	_ =	task [dreg:s6], $0x5FFFF  }
0xac: {  	[dreg:$0x1] =	wrdreg $0xFFFFFFFF  }
0xad: {  	[dreg:$0x0] =	wrdreg $0x60  }
0xae: {  	[dreg:$0x2] =	wrdreg s24  }
0xaf: {  	[dreg:$0x3] =	wrdreg $0x0  }
0xb0: {  	[dreg:$0x4] =	wrdreg $0x9  }
0xb1: {  	_ =	task.clear_ibuf [dreg:s6], $0x5FFFF;
	_ =	strace $0x90000049  }
0xb2: {  	s29 =	simm.s32 $0x9;
	_ =	strace $0x8000004B  }
0xb3: {  	_ =	swait.ge [sflag:s29], $0x1  }
0xb4: {  	[sflag:s29] =	ssyncadd.s32 $0xFFFFFFFF  }
0xb5: {  	_ =	strace $0x9000004B  }
0xb6: {  	_ =	sfence  }
0xb7: {  	s30 =	sld [smem:$0x0];
	_ =	sdelay $0x2  }
0xb8: {  	s31 =	sshll.u32 s1, $0xD;
	s1 =	sshrl.u32 s1, $0x2  }
0xb9: {  	s3 =	sand.u32 $0x4000, s31;
	s1 =	sadd.s32 s1, s30  }
0xba: {  	s0 =	sor.u32 s3, s0;
	s1 =	sshll.u32 s1, $0x11  }
0xbb: {  	s0 =	sor.u32 s1, s0  }
0xbc: {  	s0 =	sadd.s32 $0x8F2B, s0  }
0xbd: {  	[sflag:s0] =	ssyncadd.remote.s32 $0x1  }
0xbe: {  	_ =	sfence.sel $0xFFFF  }
0xbf: {  	[dreg:$0x0] =	wrdreg $0xFFFFFFFF;
	(pc) =	sbr.abs _section_cstart, $3  }
0xc0: {  	[dreg:$0x1] =	wrdreg $0xFFFFFFFF  }
0xc1: {  	_ =	task.clear_ibuf [dreg:s6], $0x2FFFF;
	_ =	strace $0x9FFFFFFF  }
0xc2: {  	(tm) =	ssettm $0x7FFFFFFF  }
0xc3: {  	_ =	shalt  }
tec
execute0_lowered:
.L_overlay_start_1:
0x0: {  	(tag) =	ssettag $0x1  }
0x1: {  	s7 =	rddreg [dreg:$0x0]  }
0x2: {  	s1 =	rddreg [dreg:$0x1]  }
0x3: {  	s2 =	srdreg.scid;
	s0 =	rddreg [dreg:$0x2];
	s3 =	simm.s32 $0x0  }
0x4: {  	s14 =	simm.s32 $0x14000;
	s15 =	simm.s32 $0x15C00;
	s16 =	simm.s32 $0x50  }
0x5: {  	s17 =	simm.s32 $0x17800;
	s18 =	simm.s32 $0x1A000;
	s19 =	simm.s32 $0x1  }
0x6: {  	s20 =	simm.s32 $0x2;
	s22 =	simm.s32 $0x17400;
	s23 =	simm.s32 $0x17480  }
0x7: {  	s6 =	sand.u32 $0x1, s2;
	s2 =	stileid.u32;
	[smem:$0x7FF] =	sst s3  }
0x8: {  	s4 =	sadd.s32 $0x19000, s7;
	s5 =	sadd.s32 $0x7A800, s7;
	s21 =	smul.u32 $0x2800, s6  }
0x9: {  	s8 =	smul.u32 $0x280, s2;
	_ =	strace $0x8000004A;
	s9 =	ssub.s32 $0x2, s6  }
0xa: {  	s10 =	smul.u32 $0x50000, s2;
	s6 =	sadd.s32 $0x69000, s7;
	s29 =	sshrl.u32 s9, $0x1  }
0xb: {  	s31 =	sshll.u32 s2, $0x6;
	s8 =	sadd.s32 s8, s21;
	s12 =	ssub.s32 s9, s29  }
0xc: {  	s30 =	sshrl.u32 s10, $0x2;
	s9 =	smul.u32 $0x8C00, s2;
	s8 =	sshll.u32 s8, $0x4  }
0xd: {  	v0 =	vmov s21;
	s21 =	simm.s32 $0x15880;
	s13 =	sadd.s32 s30, s1;
	s11 =	sadd.s32 s8, s7  }
0xe: {  	s7 =	sadd.s32 s4, s8;
	s8 =	sor.u32 $0x1C03, s31;
	s10 =	sadd.s32 $0x8C000, s11  }
0xf: {  	s11 =	smax.u32 s12, $0x1;
	s12 =	sshrl.u32 s13, $0x3;
	s13 =	simm.s32 $0x3  }
.LBB2_1:
0x10: {  	[spmem:s12], [sflag:s8] =	dma.local [hbm:s7], $0x2800  }
0x11: {  	_ =	swait.ge [sflag:s13], $0x2800  }
0x12: {  	[sflag:s13] =	ssyncset.done $0x0  }
0x13: {  	[sflag:s13] =	ssyncadd.s32 $0xFFFFD800  }
0x14: {  	s24 =	simm.s32 $0x0;
	[bflag:$0x0] =	sbarrier.arrive $0xFFFF  }
.LBB2_2:
0x15: {  	s25 =	smul.u32 $0x1C00, s24;
	_ =	sdelay $0x1  }
0x16: {  	s25 =	sadd.s32 s9, s25  }
0x17: {  	s25 =	sshrl.u32 s25, $0x3  }
0x18: {  	s28 =	simm.s32 $0x0;
	s26 =	sadd.s32 s5, s25  }
0x19: {  	[tilespmem:s14], [sflag:$0x3] =	stream.linear.gather [hbm4b:s26+s28], $0x1900, $0x38;
	[tilespmem:$0x1C800] =	vst v63  }
0x1a: {  	_ =	swait.ge [sflag:s13], $0x1900  }
0x1b: {  	[sflag:s13] =	ssyncset.done $0x0  }
0x1c: {  	s25 =	sadd.s32 s6, s25;
	[sflag:s13] =	ssyncadd.s32 $0xFFFFE700  }
0x1d: {  	[tilespmem:s15], [sflag:$0x3] =	stream.linear.gather [hbm4b:s25+s28], $0x1900, $0x38;
	[tilespmem:$0x1C800] =	vst v63  }
0x1e: {  	_ =	swait.ge [sflag:s13], $0x1900  }
0x1f: {  	[sflag:s13] =	ssyncset.done $0x0  }
0x20: {  	s25 =	simm.s32 $0x0;
	[sflag:s13] =	ssyncadd.s32 $0xFFFFE700  }
0x21: {  	v4 =	vld [tilespmem:s25+$0x14000]  }
0x22: {  	v3 =	vld [tilespmem:s25+$0x14010]  }
0x23: {  	v2 =	vld [tilespmem:s25+$0x14020]  }
0x24: {  	s26 =	simm.s32 $0x200;
	v1 =	vld [tilespmem:s25+$0x14030]  }
.LBB2_3:
0x25: {  	p0 =	sne.s32 s26, $0x6200;
	v5 =	vld [tilespmem:s25+$0x14040]  }
0x26: {  	v4 =	vadd.s32 v0, v4  }
.Ltmp0:
0x27: {  	s28 =	sshra.s32 s26, $0x2;
	[tilespmem:s25+$0x14000] =	vst v4;
	v3 =	vadd.s32 v0, v3;
	(pc) =	sbr.rel @p0 .LBB2_3-.Ltmp0, $4  }
0x28: {  	v4 =	vld [tilespmem:s28+$0x14000];
	[tilespmem:s25+$0x14010] =	vst v3;
	v2 =	vadd.s32 v0, v2  }
0x29: {  	v3 =	vld [tilespmem:s28+$0x14010];
	[tilespmem:s25+$0x14020] =	vst v2;
	v1 =	vadd.s32 v0, v1  }
0x2a: {  	v2 =	vld [tilespmem:s28+$0x14020];
	[tilespmem:s25+$0x14030] =	vst v1;
	v5 =	vadd.s32 v0, v5  }
0x2b: {  	s26 =	sadd.s32 $0x200, s26;
	v1 =	vld [tilespmem:s28+$0x14030];
	[tilespmem:s25+$0x14040] =	vst v5;
	s25 =	smov.u32 s28  }
0x2c: {  	v5 =	vld [tilespmem:s25+$0x14040]  }
0x2d: {  	v4 =	vadd.s32 v0, v4  }
0x2e: {  	[tilespmem:s25+$0x14000] =	vst v4;
	v3 =	vadd.s32 v0, v3  }
0x2f: {  	[tilespmem:s25+$0x14010] =	vst v3;
	v2 =	vadd.s32 v0, v2  }
0x30: {  	[tilespmem:s25+$0x14020] =	vst v2;
	v1 =	vadd.s32 v0, v1  }
0x31: {  	[tilespmem:s25+$0x14030] =	vst v1;
	v1 =	vadd.s32 v0, v5  }
0x32: {  	[tilespmem:s25+$0x14040] =	vst v1  }
0x33: {  	[tilespmem:s17], [sflag:$0x1] =	stream.indirect.gather [hbm4b:s4+s16], $0x80, s14, s16, $0xb8;
	[tilespmem:$0x1C800] =	vst v63  }
0x34: {  	s28 =	simm.s32 $0x14080  }
0x35: {  	[tilespmem:s18], [sflag:$0x2] =	stream.indirect.gather [hbm4b:s4+s16], $0x80, s28, s16, $0xb8;
	[tilespmem:$0x1C800] =	vst v63  }
0x36: {  	_ =	swait.ge [sflag:s19], $0x2800  }
0x37: {  	[sflag:s19] =	ssyncset.done $0x0  }
0x38: {  	s29 =	simm.s32 $0x15C00;
	[sflag:s19] =	ssyncadd.s32 $0xFFFFD800  }
0x39: {  	[spmem:s1] =	stream.indirect.scatter.add.f32 [tilespmem:s17], [sflag:$0x3], $0x80, s29, s16, $0xb8;
	[tilespmem:$0x1C800] =	vst v63  }
0x3a: {  	_ =	swait.ge [sflag:s13], $0x2800  }
0x3b: {  	[sflag:s13] =	ssyncset.done $0x0  }
0x3c: {  	s30 =	simm.s32 $0x14100;
	[sflag:s13] =	ssyncadd.s32 $0xFFFFD800  }
0x3d: {  	[tilespmem:s17], [sflag:$0x1] =	stream.indirect.gather [hbm4b:s4+s16], $0x80, s30, s16, $0xb8;
	[tilespmem:$0x1C800] =	vst v63  }
0x3e: {  	_ =	swait.ge [sflag:s20], $0x2800  }
0x3f: {  	[sflag:s20] =	ssyncset.done $0x0  }
0x40: {  	s31 =	simm.s32 $0x15C80;
	[sflag:s20] =	ssyncadd.s32 $0xFFFFD800  }
0x41: {  	[spmem:s1] =	stream.indirect.scatter.add.f32 [tilespmem:s18], [sflag:$0x3], $0x80, s31, s16, $0xb8;
	[tilespmem:$0x1C800] =	vst v63  }
0x42: {  	_ =	swait.ge [sflag:s13], $0x2800  }
0x43: {  	s26 =	simm.s32 $0x800;
	s25 =	simm.s32 $0x100;
	[sflag:s13] =	ssyncset.done $0x0  }
.LBB2_5:
0x44: {  	s28 =	sadd.s32 $0x14080, s25  }
0x45: {  	[sflag:s13] =	ssyncadd.s32 $0xFFFFD800;
	s29 =	smov.u32 s26;
	s30 =	sadd.s32 $0x400, s26  }
0x46: {  	[tilespmem:s18], [sflag:$0x2] =	stream.indirect.gather [hbm4b:s4+s16], $0x80, s28, s16, $0xb8;
	[tilespmem:$0x1C800] =	vst v63  }
0x47: {  	p0 =	sne.s32 s26, $0x5C00;
	_ =	swait.ge [sflag:s19], $0x2800  }
0x48: {  	[sflag:s19] =	ssyncset.done $0x0  }
0x49: {  	s26 =	sadd.s32 $0x15C00, s25;
	[sflag:s19] =	ssyncadd.s32 $0xFFFFD800  }
0x4a: {  	[spmem:s1] =	stream.indirect.scatter.add.f32 [tilespmem:s17], [sflag:$0x3], $0x80, s26, s16, $0xb8;
	[tilespmem:$0x1C800] =	vst v63  }
0x4b: {  	_ =	swait.ge [sflag:s13], $0x2800  }
0x4c: {  	[sflag:s13] =	ssyncset.done $0x0  }
0x4d: {  	s26 =	sadd.s32 $0x14100, s25;
	[sflag:s13] =	ssyncadd.s32 $0xFFFFD800  }
0x4e: {  	[tilespmem:s17], [sflag:$0x1] =	stream.indirect.gather [hbm4b:s4+s16], $0x80, s26, s16, $0xb8;
	[tilespmem:$0x1C800] =	vst v63  }
0x4f: {  	_ =	swait.ge [sflag:s20], $0x2800  }
.Ltmp1:
0x50: {  	[sflag:s20] =	ssyncset.done $0x0;
	(pc) =	sbr.rel @p0 .LBB2_5-.Ltmp1, $4  }
0x51: {  	s25 =	sadd.s32 $0x15C80, s25;
	[sflag:s20] =	ssyncadd.s32 $0xFFFFD800  }
0x52: {  	[spmem:s1] =	stream.indirect.scatter.add.f32 [tilespmem:s18], [sflag:$0x3], $0x80, s25, s16, $0xb8;
	[tilespmem:$0x1C800] =	vst v63  }
0x53: {  	_ =	swait.ge [sflag:s13], $0x2800  }
0x54: {  	s26 =	smov.u32 s30;
	s25 =	sshra.s32 s29, $0x2;
	[sflag:s13] =	ssyncset.done $0x0  }
0x55: {  	s26 =	sadd.s32 $0x14080, s25;
	[sflag:s13] =	ssyncadd.s32 $0xFFFFD800  }
0x56: {  	[tilespmem:s18], [sflag:$0x2] =	stream.indirect.gather [hbm4b:s4+s16], $0x80, s26, s16, $0xb8;
	[tilespmem:$0x1C800] =	vst v63  }
0x57: {  	_ =	swait.ge [sflag:s19], $0x2800  }
0x58: {  	[sflag:s19] =	ssyncset.done $0x0  }
0x59: {  	s29 =	sadd.s32 $0x15C00, s25;
	[sflag:s19] =	ssyncadd.s32 $0xFFFFD800  }
0x5a: {  	[spmem:s1] =	stream.indirect.scatter.add.f32 [tilespmem:s17], [sflag:$0x3], $0x80, s29, s16, $0xb8;
	[tilespmem:$0x1C800] =	vst v63  }
0x5b: {  	_ =	swait.ge [sflag:s13], $0x2800  }
0x5c: {  	[sflag:s13] =	ssyncset.done $0x0  }
0x5d: {  	s30 =	sadd.s32 $0x14100, s25;
	[sflag:s13] =	ssyncadd.s32 $0xFFFFD800  }
0x5e: {  	[tilespmem:s17], [sflag:$0x1] =	stream.indirect.gather [hbm4b:s4+s16], $0x80, s30, s16, $0xb8;
	[tilespmem:$0x1C800] =	vst v63  }
0x5f: {  	_ =	swait.ge [sflag:s20], $0x2800  }
0x60: {  	[sflag:s20] =	ssyncset.done $0x0  }
0x61: {  	s31 =	sadd.s32 $0x15C80, s25;
	[sflag:s20] =	ssyncadd.s32 $0xFFFFD800  }
0x62: {  	[spmem:s1] =	stream.indirect.scatter.add.f32 [tilespmem:s18], [sflag:$0x3], $0x80, s31, s16, $0xb8;
	[tilespmem:$0x1C800] =	vst v63  }
0x63: {  	_ =	swait.ge [sflag:s13], $0x2800  }
0x64: {  	[sflag:s13] =	ssyncset.done $0x0  }
0x65: {  	[sflag:s13] =	ssyncadd.s32 $0xFFFFD800  }
0x66: {  	[tilespmem:s18], [sflag:$0x2] =	stream.indirect.gather [hbm4b:s4+s16], $0x80, s21, s16, $0xb8;
	[tilespmem:$0x1C800] =	vst v63  }
0x67: {  	_ =	swait.ge [sflag:s19], $0x2800  }
0x68: {  	[sflag:s19] =	ssyncset.done $0x0  }
0x69: {  	[sflag:s19] =	ssyncadd.s32 $0xFFFFD800  }
0x6a: {  	[spmem:s1] =	stream.indirect.scatter.add.f32 [tilespmem:s17], [sflag:$0x3], $0x80, s22, s16, $0xb8;
	[tilespmem:$0x1C800] =	vst v63  }
0x6b: {  	_ =	swait.ge [sflag:s13], $0x2800  }
0x6c: {  	[sflag:s13] =	ssyncset.done $0x0  }
0x6d: {  	[sflag:s13] =	ssyncadd.s32 $0xFFFFD800  }
0x6e: {  	s24 =	sadd.s32 $0x1, s24;
	_ =	swait.ge [sflag:s20], $0x2800  }
0x6f: {  	p0 =	sne.s32 s24, $0x5;
	[sflag:s20] =	ssyncset.done $0x0  }
.Ltmp2:
0x70: {  	[sflag:s20] =	ssyncadd.s32 $0xFFFFD800;
	(pc) =	sbr.rel @p0 .LBB2_2-.Ltmp2, $4  }
0x71: {  	[spmem:s1] =	stream.indirect.scatter.add.f32 [tilespmem:s18], [sflag:$0x3], $0x80, s23, s16, $0xb8;
	[tilespmem:$0x1C800] =	vst v63  }
0x72: {  	_ =	swait.ge [sflag:s13], $0x2800  }
0x73: {  	[sflag:s13] =	ssyncset.done $0x0  }
0x74: {  	[sflag:s13] =	ssyncadd.s32 $0xFFFFD800  }
0x75: {  	[bflag:$0x0] =	sbarrier.arrive $0xFFFF;
	s3 =	sadd.s32 $0x1, s3  }
0x76: {  	[hbm:s10], [sflag:s8] =	dma.local [spmem:s12], $0x2800  }
0x77: {  	p0 =	sne.s32 s3, s11  }
.Ltmp3:
0x78: {  	_ =	swait.ge [sflag:s13], $0x2800;
	(pc) =	sbr.rel @p0 .LBB2_1-.Ltmp3, $3  }
0x79: {  	[sflag:s13] =	ssyncset.done $0x0  }
0x7a: {  	[sflag:s13] =	ssyncadd.s32 $0xFFFFD800  }
0x7b: {  	[bflag:$0x0] =	sbarrier.arrive $0xFFFF;
	_ =	sdelay $0x1  }
0x7c: {  	_ =	sfence.sel $0x180000  }
0x7d: {  	[bflag:$0x0] =	sbarrier.arrive $0xFFFF  }
0x7e: {  	p0 =	sne.s32 s2, $0x0;
	_ =	strace $0x9000004A  }
0x7f: {  	s0 =	sadd.s32 @!p0 $0x100000, s0;
	[bflag:$0x2] =	sbarrier.arrive $0xFFFF  }
0x80: {  	[sflag:s0] =	ssyncadd.tile.s32 @!p0 $0x1;
	_ =	shalt  }
.Lfunc_end2:
_tile_overlayer_lowered:
.L_overlay_start_2:
0x81: {  	(tag) =	ssettag $0x2  }
0x82: {  	s0 =	rddreg [dreg:$0x0];
	s2 =	stileid.u32  }
0x83: {  	s1 =	rddreg [dreg:$0x1];
	p0 =	sne.s32 s2, $0x0  }
0x84: {  	s3 =	rddreg [dreg:$0x2];
	[bflag:$0x3] =	sbarrier.arrive $0xFFFF;
	s2 =	simm.s32 @!p0 $0x1C03  }
0x85: {  	[timem:s3], [sflag:s2] =	dma.local @!p0 [hbm:s0], s1  }
0x86: {  	s0 =	simm.s32 @!p0 $0x3  }
0x87: {  	_ =	swait.ge @!p0 [sflag:s0], s1  }
0x88: {  	s1 =	ssub.s32 @!p0 $0x0, s1;
	[sflag:s0] =	ssyncset.done @!p0 $0x0  }
0x89: {  	[sflag:s0] =	ssyncadd.s32 @!p0 s1  }
0x8a: {  	[bflag:$0x3] =	sbarrier.arrive $0xFFFF  }
0x8b: {  	_ =	shalt  }

// kernel: kernel.20.cloned.1.call-start
scs
__scs_entry_jumppad:
0x0: {  	(pc) =	sbr.rel $0x88, $3  }
0x1: {  	(tag) =	ssettag $0x0;
	lr =	simm.s32 $0x1  }
0x2: {  	[smem:$0x3F99] =	sst lr;
	_ =	strace $0xD0000000  }
0x3: {  	_ = 	snop  }
0x4: {  	_ = 	snop  }
0x5: {  	_ = 	snop  }
0x6: {  	_ = 	snop  }
0x7: {  	_ = 	snop  }
__scs_overlays_trampoline_lowered:
0x8: {  	[smem:$0x3FA8] =	sst s0  }
0x9: {  	[smem:$0x3FA9] =	sst s1  }
0xa: {  	[smem:$0x3FAA] =	sst s2  }
0xb: {  	[smem:$0x3FAB] =	sst s3  }
0xc: {  	[smem:$0x3FAC] =	sst s4  }
0xd: {  	[smem:$0x3FAD] =	sst s5  }
0xe: {  	[smem:$0x3FAE] =	sst s6  }
0xf: {  	[smem:$0x3FAF] =	sst s7  }
0x10: {  	[smem:$0x3FB0] =	sst s8  }
0x11: {  	[smem:$0x3FB1] =	sst s9;
	s0 =	simm.s32 @!p0 $0x0  }
0x12: {  	s1 =	sld [smem:$0x3F97];
	s0 =	simm.s32 @p0 $0x1  }
0x13: {  	[smem:$0x3FB2] =	sst s0;
	s0 =	simm.s32 @!p1 $0x0  }
0x14: {  	s2 =	sld [smem:$0x3F96];
	s0 =	simm.s32 @p1 $0x1  }
0x15: {  	[smem:$0x3FB3] =	sst s0;
	s0 =	simm.s32 @!p2 $0x0  }
0x16: {  	s3 =	sld [smem:$0x3FDB];
	s0 =	simm.s32 @p2 $0x1  }
0x17: {  	s4 =	simm.s32 $0x1BF5;
	[smem:$0x3FB5] =	sst s0  }
0x18: {  	s0 =	sld [smem:$0x3F98];
	_ =	swait.ge [sflag:s4], $0x0  }
0x19: {  	s7 =	sld [smem:$0x3F99]  }
0x1a: {  	s8 =	sadd.s32 $0xFFFFE003, lr  }
0x1b: {  	s9 =	sadd.s32 $0xFFFFFEF7, lr;
	s5 =	simm.s32 $0xFFFFFFFF;
	p2 =	slt.u32 s8, $0xFFFFF086  }
0x1c: {  	p1 =	slt.u32 s9, $0xF7A;
	s5 =	simm.s32 @!p2 $0x0  }
0x1d: {  	s5 =	simm.s32 @p1 $0x1;
	p0 =	seq.s32 s7, s2  }
0x1e: {  	s7 =	smul.u32 @!p0 $0xF7A, s2;
	p2 =	seq.s32 @!p0 s5, $0x0  }
0x1f: {  	s9 =	smul.u32 $0xF7A, s1;
	s8 =	simm.s32 @!p0 $0x1BF5;
	p2 =	por !p2, p0  }
0x20: {  	[sflag:s8] =	ssyncset.s32 @!p0 $0xFFFFF086;
	s6 =	sadd.s32 @!p0 s3, s7;
	s7 =	simm.s32 @!p0 $0x108  }
0x21: {  	s3 =	sadd.s32 s3, s9;
	s6 =	sadd.s32 @!p0 $0x88, s6;
	s7 =	simm.s32 @p2 $0x1082  }
0x22: {  	[simem:s7], [sflag:s8] =	dma.local @!p0 [hbm:s6], $0xF7A  }
0x23: {  	s9 =	sor.u32 $0xD0000000, s2;
	s6 =	simm.s32 $0x108;
	_ =	swait.ge @!p0 [sflag:s8], $0x0  }
0x24: {  	s3 =	sadd.s32 $0x88, s3;
	s6 =	simm.s32 @!p1 $0x1082;
	[sflag:s4] =	ssyncset.s32 $0xFFFFF086  }
0x25: {  	[simem:s6], [sflag:s4] =	dma.local [hbm:s3], $0xF7A  }
0x26: {  	[smem:$0x3F99] =	sst s1;
	(tag) =	ssettag s2;
	_ =	strace s9  }
0x27: {  	s1 =	sld [smem:$0x3FA9]  }
0x28: {  	s2 =	sld [smem:$0x3FAA]  }
0x29: {  	s4 =	sld [smem:$0x3FAC]  }
0x2a: {  	p0 =	seq.s32 s5, $0x0;
	s5 =	sld [smem:$0x3FAD]  }
0x2b: {  	s6 =	sld [smem:$0x3FAE]  }
0x2c: {  	s7 =	sld [smem:$0x3FAF]  }
0x2d: {  	s3 =	simm.s32 $0x108;
	s8 =	sld [smem:$0x3FB0]  }
0x2e: {  	s3 =	simm.s32 @!p0 $0x1082;
	s9 =	sld [smem:$0x3FB1]  }
0x2f: {  	lr =	sadd.s32 s0, s3;
	s0 =	sld [smem:$0x3FA8]  }
0x30: {  	s3 =	sld [smem:$0x3FAB]  }
0x31: {  	[smem:$0x3FB4] =	sst s10  }
0x32: {  	s10 =	sld [smem:$0x3FB2];
	_ =	sdelay $0x3  }
0x33: {  	p0 =	seq.s32 s10, $0x1;
	s10 =	sld [smem:$0x3FB4];
	_ =	sdelay $0x3  }
0x34: {  	[smem:$0x3FB4] =	sst s10  }
0x35: {  	s10 =	sld [smem:$0x3FB3];
	_ =	sdelay $0x3  }
0x36: {  	p1 =	seq.s32 s10, $0x1;
	s10 =	sld [smem:$0x3FB4];
	_ =	sdelay $0x3  }
0x37: {  	[smem:$0x3FB4] =	sst s10  }
0x38: {  	s10 =	sld [smem:$0x3FB5]  }
0x39: {  	_ = 	snop;
	(pc) =	sbr.ind lr, $3  }
0x3a: {  	_ = 	snop  }
0x3b: {  	_ = 	snop  }
0x3c: {  	p2 =	seq.s32 s10, $0x1;
	s10 =	sld [smem:$0x3FB4]  }
0x3d: {  	_ =	shalt  }
0x3e: {  	_ =	shalt  }
0x3f: {  	_ =	shalt  }
0x40: {  	_ =	shalt  }
0x41: {  	_ =	shalt  }
0x42: {  	_ =	shalt  }
0x43: {  	_ =	shalt  }
0x44: {  	_ =	shalt  }
0x45: {  	_ =	shalt  }
0x46: {  	_ =	shalt  }
0x47: {  	_ =	shalt  }
0x48: {  	_ =	shalt  }
0x49: {  	_ =	shalt  }
0x4a: {  	_ =	shalt  }
0x4b: {  	_ =	shalt  }
0x4c: {  	_ =	shalt  }
0x4d: {  	_ =	shalt  }
0x4e: {  	_ =	shalt  }
0x4f: {  	_ =	shalt  }
0x50: {  	_ =	shalt  }
0x51: {  	_ =	shalt  }
0x52: {  	_ =	shalt  }
0x53: {  	_ =	shalt  }
0x54: {  	_ =	shalt  }
0x55: {  	_ =	shalt  }
0x56: {  	_ =	shalt  }
0x57: {  	_ =	shalt  }
0x58: {  	_ =	shalt  }
0x59: {  	_ =	shalt  }
0x5a: {  	_ =	shalt  }
0x5b: {  	_ =	shalt  }
0x5c: {  	_ =	shalt  }
0x5d: {  	_ =	shalt  }
0x5e: {  	_ =	shalt  }
0x5f: {  	_ =	shalt  }
0x60: {  	_ =	shalt  }
0x61: {  	_ =	shalt  }
0x62: {  	_ =	shalt  }
0x63: {  	_ =	shalt  }
0x64: {  	_ =	shalt  }
0x65: {  	_ =	shalt  }
0x66: {  	_ =	shalt  }
0x67: {  	_ =	shalt  }
0x68: {  	_ =	shalt  }
0x69: {  	_ =	shalt  }
0x6a: {  	_ =	shalt  }
0x6b: {  	_ =	shalt  }
0x6c: {  	_ =	shalt  }
0x6d: {  	_ =	shalt  }
0x6e: {  	_ =	shalt  }
0x6f: {  	_ =	shalt  }
0x70: {  	_ =	shalt  }
0x71: {  	_ =	shalt  }
0x72: {  	_ =	shalt  }
0x73: {  	_ =	shalt  }
0x74: {  	_ =	shalt  }
0x75: {  	_ =	shalt  }
0x76: {  	_ =	shalt  }
0x77: {  	_ =	shalt  }
0x78: {  	_ =	shalt  }
0x79: {  	_ =	shalt  }
0x7a: {  	_ =	shalt  }
0x7b: {  	_ =	shalt  }
0x7c: {  	_ =	shalt  }
0x7d: {  	_ =	shalt  }
0x7e: {  	_ =	shalt  }
0x7f: {  	_ =	shalt  }
0x80: {  	_ =	shalt  }
0x81: {  	_ =	shalt  }
0x82: {  	_ =	shalt  }
0x83: {  	_ =	shalt  }
0x84: {  	_ =	shalt  }
0x85: {  	_ =	shalt  }
0x86: {  	_ =	shalt  }
0x87: {  	_ =	shalt  }
.Lfunc_end0:
.L_simem_size_0:
called_computation.2_lowered:
.L_overlay_start_0:
0x88: {  	s2 =	sld [smem:$0x3FD9]  }
0x89: {  	s3 =	sld [smem:$0x3FFE];
	_ =	sdelay $0x1  }
0x8a: {  	s1 =	srdreg.scid  }
0x8b: {  	s0 =	sand.u32 $0x1, s1  }
0x8c: {  	s16 =	sshll.u32 s0, $0xA;
	s2 =	sadd.s32 s3, s2  }
0x8d: {  	s2 =	sadd.s32 s2, s16  }
0x8e: {  	[smem:$0x3FC0] =	sst s2  }
0x8f: {  	_ = 	snop  }
0x90: {  	(tm) =	ssettm $0x1  }
0x91: {  	s17 =	sld [smem:$0x3FFB];
	_ =	sdelay $0x3  }
0x92: {  	_ =	strace s17  }
0x93: {  	s2 =	sld [smem:$0x3FFC];
	_ =	sdelay $0x3  }
0x94: {  	_ =	strace s2  }
0x95: {  	s2 =	sld [smem:$0x3FFD];
	_ =	sdelay $0x3  }
0x96: {  	_ =	strace s2  }
0x97: {  	_ =	strace $0x8FFFFFFF  }
0x98: {  	s18 =	sld [smem:$0x3FDB];
	_ =	sdelay $0x1  }
0x99: {  	s19 =	simm.s32 $_scs_section_size  }
0x9a: {  	s4 =	simm.s32 $_size__tile_overlayer_lowered;
	s5 =	simm.s32 $_tile_overlayer_lowered  }
0x9b: {  	s22 =	simm.s32 $0x1BFF;
	s21 =	sshll.u32 s5, $0x1;
	s2 =	sadd.s32 s19, s18  }
0x9c: {  	s6 =	simm.s32 $0x0;
	s20 =	sshll.u32 s4, $0x1;
	s4 =	sadd.s32 s21, s2  }
0x9d: {  	[timem:s6], [sflag:s22] =	dma.local [hbm:s4], s20  }
0x9e: {  	_ =	swait.ge [sflag:s22], s20  }
0x9f: {  	s3 =	ssub.s32 $0x0, s20;
	[sflag:s22] =	ssyncset.done $0x0  }
0xa0: {  	[sflag:s22] =	ssyncadd.s32 s3;
	_ =	sdelay $0x1  }
0xa1: {  	s23 =	simm.s32 $0x1B8B  }
0xa2: {  	_ =	swait.ge [sflag:s23], $0x1  }
0xa3: {  	[sflag:s23] =	ssyncset.done $0x0  }
0xa4: {  	s25 =	simm.s32 $0x1B8E;
	s24 =	sld [smem:$0x3FFE];
	[sflag:s23] =	ssyncadd.s32 $0xFFFFFFFF  }
0xa5: {  	s26 =	simm.s32 $execute0_lowered;
	[smem:$0x3FD2] =	sst s25  }
0xa6: {  	s4 =	sshll.u32 s26, $0x1;
	_ =	strace $0x8000004C;
	[dreg:$0x1] =	wrdreg $0xFFFFFFFF  }
0xa7: {  	s28 =	simm.s32 $_size_execute0_lowered;
	s2 =	sadd.s32 s2, s4;
	[dreg:$0x0] =	wrdreg $0x0  }
0xa8: {  	s4 =	sshll.u32 s28, $0x1;
	[dreg:$0x2] =	wrdreg s2  }
0xa9: {  	[dreg:$0x3] =	wrdreg s4  }
0xaa: {  	[dreg:$0x4] =	wrdreg $0xC0  }
0xab: {  	_ =	task [dreg:s6], $0x5FFFF  }
0xac: {  	[dreg:$0x1] =	wrdreg $0xFFFFFFFF  }
0xad: {  	[dreg:$0x0] =	wrdreg $0x60  }
0xae: {  	[dreg:$0x2] =	wrdreg s24  }
0xaf: {  	[dreg:$0x3] =	wrdreg $0x0  }
0xb0: {  	[dreg:$0x4] =	wrdreg $0xA  }
0xb1: {  	_ =	task.clear_ibuf [dreg:s6], $0x5FFFF;
	_ =	strace $0x9000004C  }
0xb2: {  	s29 =	simm.s32 $0xA;
	_ =	strace $0x8000004E  }
0xb3: {  	_ =	swait.ge [sflag:s29], $0x1  }
0xb4: {  	[sflag:s29] =	ssyncadd.s32 $0xFFFFFFFF  }
0xb5: {  	_ =	strace $0x9000004E  }
0xb6: {  	_ =	sfence  }
0xb7: {  	s30 =	sld [smem:$0x0];
	_ =	sdelay $0x2  }
0xb8: {  	s31 =	sshll.u32 s1, $0xD;
	s1 =	sshrl.u32 s1, $0x2  }
0xb9: {  	s3 =	sand.u32 $0x4000, s31;
	s1 =	sadd.s32 s1, s30  }
0xba: {  	s0 =	sor.u32 s3, s0;
	s1 =	sshll.u32 s1, $0x11  }
0xbb: {  	s0 =	sor.u32 s1, s0  }
0xbc: {  	s0 =	sadd.s32 $0x8F2B, s0  }
0xbd: {  	[sflag:s0] =	ssyncadd.remote.s32 $0x1  }
0xbe: {  	_ =	sfence.sel $0xFFFF  }
0xbf: {  	[dreg:$0x0] =	wrdreg $0xFFFFFFFF;
	(pc) =	sbr.abs _section_cstart, $3  }
0xc0: {  	[dreg:$0x1] =	wrdreg $0xFFFFFFFF  }
0xc1: {  	_ =	task.clear_ibuf [dreg:s6], $0x2FFFF;
	_ =	strace $0x9FFFFFFF  }
0xc2: {  	(tm) =	ssettm $0x7FFFFFFF  }
0xc3: {  	_ =	shalt  }
tec
execute0_lowered:
.L_overlay_start_1:
0x0: {  	(tag) =	ssettag $0x1  }
0x1: {  	s7 =	rddreg [dreg:$0x0]  }
0x2: {  	s1 =	rddreg [dreg:$0x1];
	s2 =	simm.s32 $0x0;
	s5 =	srdreg.scid  }
0x3: {  	s0 =	stileid.u32;
	s14 =	simm.s32 $0x3;
	s15 =	simm.s32 $0x14000  }
0x4: {  	s16 =	simm.s32 $0x15C00;
	s17 =	simm.s32 $0x50;
	s18 =	simm.s32 $0x17800  }
0x5: {  	s19 =	simm.s32 $0x1A000;
	s20 =	simm.s32 $0x1;
	s21 =	simm.s32 $0x2  }
0x6: {  	s22 =	simm.s32 $0x15880;
	s23 =	simm.s32 $0x17400;
	s24 =	simm.s32 $0x17480  }
0x7: {  	[smem:$0x7FF] =	sst s2;
	s4 =	sadd.s32 $0xFC200, s7;
	s8 =	sand.u32 $0x1, s5  }
0x8: {  	s5 =	sadd.s32 $0x7A800, s7;
	s10 =	smul.u32 $0x50000, s0;
	s6 =	sadd.s32 $0x69000, s7  }
0x9: {  	s7 =	sadd.s32 $0x5FC200, s7;
	s12 =	sshll.u32 s0, $0x6;
	s9 =	ssub.s32 $0x2, s8  }
0xa: {  	_ =	strace $0x8000004D;
	s8 =	sshll.u32 s8, $0x4;
	s11 =	sshrl.u32 s9, $0x1  }
0xb: {  	s12 =	sor.u32 $0x1C03, s12;
	s30 =	sshrl.u32 s10, $0x2;
	s11 =	ssub.s32 s9, s11  }
0xc: {  	s10 =	smul.u32 $0x8C00, s0;
	s13 =	sadd.s32 s30, s1;
	s31 =	smax.u32 s11, $0x1  }
0xd: {  	s9 =	smul.u32 $0x280, s0;
	s13 =	sshrl.u32 s13, $0x3;
	[dreg:$0x3] =	wrdreg s31  }
.LBB2_1:
0xe: {  	s25 =	simm.s32 $0x0  }
.LBB2_2:
0xf: {  	s26 =	sadd.s32 s8, s25  }
0x10: {  	s28 =	smul.u32 $0x2800, s26;
	_ =	sdelay $0x1  }
0x11: {  	s26 =	sadd.s32 s9, s28  }
0x12: {  	s26 =	sshll.u32 s26, $0x4  }
0x13: {  	s29 =	sadd.s32 s4, s26  }
0x14: {  	[spmem:s13], [sflag:s12] =	dma.local [hbm:s29], $0x2800  }
0x15: {  	_ =	swait.ge [sflag:s14], $0x2800  }
0x16: {  	[sflag:s14] =	ssyncset.done $0x0  }
0x17: {  	[sflag:s14] =	ssyncadd.s32 $0xFFFFD800  }
0x18: {  	v0 =	vmov s28;
	s28 =	simm.s32 $0x0;
	s29 =	simm.s32 $0x0;
	[bflag:$0x0] =	sbarrier.arrive $0xFFFF  }
.LBB2_3:
0x19: {  	s30 =	smul.u32 $0x1C00, s29;
	_ =	sdelay $0x1  }
0x1a: {  	s30 =	sadd.s32 s10, s30  }
0x1b: {  	s30 =	sshrl.u32 s30, $0x3  }
0x1c: {  	s31 =	sadd.s32 s5, s30  }
0x1d: {  	[tilespmem:s15], [sflag:$0x3] =	stream.linear.gather [hbm4b:s31+s28], $0x1900, $0x38;
	[tilespmem:$0x1C800] =	vst v63  }
0x1e: {  	_ =	swait.ge [sflag:s14], $0x1900  }
0x1f: {  	[sflag:s14] =	ssyncset.done $0x0  }
0x20: {  	s30 =	sadd.s32 s6, s30;
	[sflag:s14] =	ssyncadd.s32 $0xFFFFE700  }
0x21: {  	[tilespmem:s16], [sflag:$0x3] =	stream.linear.gather [hbm4b:s30+s28], $0x1900, $0x38;
	[tilespmem:$0x1C800] =	vst v63  }
0x22: {  	_ =	swait.ge [sflag:s14], $0x1900  }
0x23: {  	[sflag:s14] =	ssyncset.done $0x0  }
0x24: {  	s30 =	simm.s32 $0x0;
	[sflag:s14] =	ssyncadd.s32 $0xFFFFE700  }
0x25: {  	v4 =	vld [tilespmem:s30+$0x14000]  }
0x26: {  	v3 =	vld [tilespmem:s30+$0x14010]  }
0x27: {  	v2 =	vld [tilespmem:s30+$0x14020]  }
0x28: {  	s31 =	simm.s32 $0x200;
	v1 =	vld [tilespmem:s30+$0x14030]  }
.LBB2_4:
0x29: {  	p0 =	sne.s32 s31, $0x6200;
	v5 =	vld [tilespmem:s30+$0x14040]  }
0x2a: {  	v4 =	vadd.s32 v0, v4  }
.Ltmp0:
0x2b: {  	s0 =	sshra.s32 s31, $0x2;
	[tilespmem:s30+$0x14000] =	vst v4;
	v3 =	vadd.s32 v0, v3;
	(pc) =	sbr.rel @p0 .LBB2_4-.Ltmp0, $4  }
0x2c: {  	v4 =	vld [tilespmem:s0+$0x14000];
	[tilespmem:s30+$0x14010] =	vst v3;
	v2 =	vadd.s32 v0, v2  }
0x2d: {  	v3 =	vld [tilespmem:s0+$0x14010];
	[tilespmem:s30+$0x14020] =	vst v2;
	v1 =	vadd.s32 v0, v1  }
0x2e: {  	v2 =	vld [tilespmem:s0+$0x14020];
	[tilespmem:s30+$0x14030] =	vst v1;
	v5 =	vadd.s32 v0, v5  }
0x2f: {  	s31 =	sadd.s32 $0x200, s31;
	v1 =	vld [tilespmem:s0+$0x14030];
	[tilespmem:s30+$0x14040] =	vst v5;
	s30 =	smov.u32 s0  }
0x30: {  	v5 =	vld [tilespmem:s30+$0x14040]  }
0x31: {  	v4 =	vadd.s32 v0, v4  }
0x32: {  	[tilespmem:s30+$0x14000] =	vst v4;
	v3 =	vadd.s32 v0, v3  }
0x33: {  	[tilespmem:s30+$0x14010] =	vst v3;
	v2 =	vadd.s32 v0, v2  }
0x34: {  	[tilespmem:s30+$0x14020] =	vst v2;
	v1 =	vadd.s32 v0, v1  }
0x35: {  	[tilespmem:s30+$0x14030] =	vst v1;
	v1 =	vadd.s32 v0, v5  }
0x36: {  	[tilespmem:s30+$0x14040] =	vst v1  }
0x37: {  	[tilespmem:s18], [sflag:$0x1] =	stream.indirect.gather [hbm4b:s4+s17], $0x80, s15, s17, $0xb8;
	[tilespmem:$0x1C800] =	vst v63  }
0x38: {  	s0 =	simm.s32 $0x14080  }
0x39: {  	[tilespmem:s19], [sflag:$0x2] =	stream.indirect.gather [hbm4b:s4+s17], $0x80, s0, s17, $0xb8;
	[tilespmem:$0x1C800] =	vst v63  }
0x3a: {  	_ =	swait.ge [sflag:s20], $0x2800  }
0x3b: {  	[sflag:s20] =	ssyncset.done $0x0  }
0x3c: {  	s11 =	simm.s32 $0x15C00;
	[sflag:s20] =	ssyncadd.s32 $0xFFFFD800  }
0x3d: {  	[spmem:s1] =	stream.indirect.scatter.add.f32 [tilespmem:s18], [sflag:$0x3], $0x80, s11, s17, $0xb8;
	[tilespmem:$0x1C800] =	vst v63  }
0x3e: {  	_ =	swait.ge [sflag:s14], $0x2800  }
0x3f: {  	[sflag:s14] =	ssyncset.done $0x0  }
0x40: {  	s3 =	simm.s32 $0x14100;
	[sflag:s14] =	ssyncadd.s32 $0xFFFFD800  }
0x41: {  	[tilespmem:s18], [sflag:$0x1] =	stream.indirect.gather [hbm4b:s4+s17], $0x80, s3, s17, $0xb8;
	[tilespmem:$0x1C800] =	vst v63  }
0x42: {  	_ =	swait.ge [sflag:s21], $0x2800  }
0x43: {  	[sflag:s21] =	ssyncset.done $0x0  }
0x44: {  	s11 =	simm.s32 $0x15C80;
	[sflag:s21] =	ssyncadd.s32 $0xFFFFD800  }
0x45: {  	[spmem:s1] =	stream.indirect.scatter.add.f32 [tilespmem:s19], [sflag:$0x3], $0x80, s11, s17, $0xb8;
	[tilespmem:$0x1C800] =	vst v63  }
0x46: {  	_ =	swait.ge [sflag:s14], $0x2800  }
0x47: {  	s31 =	simm.s32 $0x800;
	s30 =	simm.s32 $0x100;
	[sflag:s14] =	ssyncset.done $0x0  }
.LBB2_6:
0x48: {  	s0 =	sadd.s32 $0x14080, s30  }
0x49: {  	[sflag:s14] =	ssyncadd.s32 $0xFFFFD800;
	s3 =	smov.u32 s31;
	s11 =	sadd.s32 $0x400, s31  }
0x4a: {  	[tilespmem:s19], [sflag:$0x2] =	stream.indirect.gather [hbm4b:s4+s17], $0x80, s0, s17, $0xb8;
	[tilespmem:$0x1C800] =	vst v63  }
0x4b: {  	p0 =	sne.s32 s31, $0x5C00;
	_ =	swait.ge [sflag:s20], $0x2800  }
0x4c: {  	[sflag:s20] =	ssyncset.done $0x0  }
0x4d: {  	s0 =	sadd.s32 $0x15C00, s30;
	[sflag:s20] =	ssyncadd.s32 $0xFFFFD800  }
0x4e: {  	[spmem:s1] =	stream.indirect.scatter.add.f32 [tilespmem:s18], [sflag:$0x3], $0x80, s0, s17, $0xb8;
	[tilespmem:$0x1C800] =	vst v63  }
0x4f: {  	_ =	swait.ge [sflag:s14], $0x2800  }
0x50: {  	[sflag:s14] =	ssyncset.done $0x0  }
0x51: {  	s0 =	sadd.s32 $0x14100, s30;
	[sflag:s14] =	ssyncadd.s32 $0xFFFFD800  }
0x52: {  	[tilespmem:s18], [sflag:$0x1] =	stream.indirect.gather [hbm4b:s4+s17], $0x80, s0, s17, $0xb8;
	[tilespmem:$0x1C800] =	vst v63  }
0x53: {  	_ =	swait.ge [sflag:s21], $0x2800  }
.Ltmp1:
0x54: {  	[sflag:s21] =	ssyncset.done $0x0;
	(pc) =	sbr.rel @p0 .LBB2_6-.Ltmp1, $4  }
0x55: {  	s0 =	sadd.s32 $0x15C80, s30;
	[sflag:s21] =	ssyncadd.s32 $0xFFFFD800  }
0x56: {  	[spmem:s1] =	stream.indirect.scatter.add.f32 [tilespmem:s19], [sflag:$0x3], $0x80, s0, s17, $0xb8;
	[tilespmem:$0x1C800] =	vst v63  }
0x57: {  	_ =	swait.ge [sflag:s14], $0x2800  }
0x58: {  	s31 =	smov.u32 s11;
	s30 =	sshra.s32 s3, $0x2;
	[sflag:s14] =	ssyncset.done $0x0  }
0x59: {  	s0 =	sadd.s32 $0x14080, s30;
	[sflag:s14] =	ssyncadd.s32 $0xFFFFD800  }
0x5a: {  	[tilespmem:s19], [sflag:$0x2] =	stream.indirect.gather [hbm4b:s4+s17], $0x80, s0, s17, $0xb8;
	[tilespmem:$0x1C800] =	vst v63  }
0x5b: {  	_ =	swait.ge [sflag:s20], $0x2800  }
0x5c: {  	[sflag:s20] =	ssyncset.done $0x0  }
0x5d: {  	s3 =	sadd.s32 $0x15C00, s30;
	[sflag:s20] =	ssyncadd.s32 $0xFFFFD800  }
0x5e: {  	[spmem:s1] =	stream.indirect.scatter.add.f32 [tilespmem:s18], [sflag:$0x3], $0x80, s3, s17, $0xb8;
	[tilespmem:$0x1C800] =	vst v63  }
0x5f: {  	_ =	swait.ge [sflag:s14], $0x2800  }
0x60: {  	[sflag:s14] =	ssyncset.done $0x0  }
0x61: {  	s11 =	sadd.s32 $0x14100, s30;
	[sflag:s14] =	ssyncadd.s32 $0xFFFFD800  }
0x62: {  	[tilespmem:s18], [sflag:$0x1] =	stream.indirect.gather [hbm4b:s4+s17], $0x80, s11, s17, $0xb8;
	[tilespmem:$0x1C800] =	vst v63  }
0x63: {  	_ =	swait.ge [sflag:s21], $0x2800  }
0x64: {  	[sflag:s21] =	ssyncset.done $0x0  }
0x65: {  	s31 =	sadd.s32 $0x15C80, s30;
	[sflag:s21] =	ssyncadd.s32 $0xFFFFD800  }
0x66: {  	[spmem:s1] =	stream.indirect.scatter.add.f32 [tilespmem:s19], [sflag:$0x3], $0x80, s31, s17, $0xb8;
	[tilespmem:$0x1C800] =	vst v63  }
0x67: {  	_ =	swait.ge [sflag:s14], $0x2800  }
0x68: {  	[sflag:s14] =	ssyncset.done $0x0  }
0x69: {  	[sflag:s14] =	ssyncadd.s32 $0xFFFFD800  }
0x6a: {  	[tilespmem:s19], [sflag:$0x2] =	stream.indirect.gather [hbm4b:s4+s17], $0x80, s22, s17, $0xb8;
	[tilespmem:$0x1C800] =	vst v63  }
0x6b: {  	_ =	swait.ge [sflag:s20], $0x2800  }
0x6c: {  	[sflag:s20] =	ssyncset.done $0x0  }
0x6d: {  	[sflag:s20] =	ssyncadd.s32 $0xFFFFD800  }
0x6e: {  	[spmem:s1] =	stream.indirect.scatter.add.f32 [tilespmem:s18], [sflag:$0x3], $0x80, s23, s17, $0xb8;
	[tilespmem:$0x1C800] =	vst v63  }
0x6f: {  	_ =	swait.ge [sflag:s14], $0x2800  }
0x70: {  	[sflag:s14] =	ssyncset.done $0x0  }
0x71: {  	[sflag:s14] =	ssyncadd.s32 $0xFFFFD800  }
0x72: {  	s29 =	sadd.s32 $0x1, s29;
	_ =	swait.ge [sflag:s21], $0x2800  }
0x73: {  	p0 =	sne.s32 s29, $0x5;
	[sflag:s21] =	ssyncset.done $0x0  }
.Ltmp2:
0x74: {  	[sflag:s21] =	ssyncadd.s32 $0xFFFFD800;
	(pc) =	sbr.rel @p0 .LBB2_3-.Ltmp2, $4  }
0x75: {  	[spmem:s1] =	stream.indirect.scatter.add.f32 [tilespmem:s19], [sflag:$0x3], $0x80, s24, s17, $0xb8;
	[tilespmem:$0x1C800] =	vst v63  }
0x76: {  	_ =	swait.ge [sflag:s14], $0x2800  }
0x77: {  	[sflag:s14] =	ssyncset.done $0x0  }
0x78: {  	[sflag:s14] =	ssyncadd.s32 $0xFFFFD800  }
0x79: {  	[bflag:$0x0] =	sbarrier.arrive $0xFFFF;
	s0 =	sadd.s32 s7, s26;
	s25 =	sadd.s32 $0x1, s25  }
0x7a: {  	[hbm:s0], [sflag:s12] =	dma.local [spmem:s13], $0x2800  }
0x7b: {  	p0 =	sne.s32 s25, $0x10  }
.Ltmp3:
0x7c: {  	_ =	swait.ge [sflag:s14], $0x2800;
	(pc) =	sbr.rel @p0 .LBB2_2-.Ltmp3, $3  }
0x7d: {  	[sflag:s14] =	ssyncset.done $0x0  }
0x7e: {  	[sflag:s14] =	ssyncadd.s32 $0xFFFFD800  }
0x7f: {  	[bflag:$0x0] =	sbarrier.arrive $0xFFFF;
	_ =	sdelay $0x1  }
0x80: {  	s2 =	sadd.s32 $0x1, s2;
	s0 =	rddreg [dreg:$0x3]  }
0x81: {  	p0 =	sne.s32 s2, s0  }
.Ltmp4:
0x82: {  	_ = 	snop;
	(pc) =	sbr.rel @p0 .LBB2_1-.Ltmp4, $1  }
0x83: {  	_ =	sdelay $0x3  }
0x84: {  	_ =	sfence.sel $0x180000  }
0x85: {  	[bflag:$0x0] =	sbarrier.arrive $0xFFFF  }
0x86: {  	_ =	strace $0x9000004D  }
0x87: {  	s0 =	stileid.u32;
	[bflag:$0x2] =	sbarrier.arrive $0xFFFF  }
0x88: {  	p0 =	sne.s32 s0, $0x0;
	s0 =	rddreg [dreg:$0x2]  }
0x89: {  	s0 =	sadd.s32 @!p0 $0x100000, s0  }
0x8a: {  	[sflag:s0] =	ssyncadd.tile.s32 @!p0 $0x1;
	_ =	shalt  }
.Lfunc_end2:
_tile_overlayer_lowered:
.L_overlay_start_2:
0x8b: {  	(tag) =	ssettag $0x2  }
0x8c: {  	s0 =	rddreg [dreg:$0x0];
	s2 =	stileid.u32  }
0x8d: {  	s1 =	rddreg [dreg:$0x1];
	p0 =	sne.s32 s2, $0x0  }
0x8e: {  	s3 =	rddreg [dreg:$0x2];
	[bflag:$0x3] =	sbarrier.arrive $0xFFFF;
	s2 =	simm.s32 @!p0 $0x1C03  }
0x8f: {  	[timem:s3], [sflag:s2] =	dma.local @!p0 [hbm:s0], s1  }
0x90: {  	s0 =	simm.s32 @!p0 $0x3  }
0x91: {  	_ =	swait.ge @!p0 [sflag:s0], s1  }
0x92: {  	s1 =	ssub.s32 @!p0 $0x0, s1;
	[sflag:s0] =	ssyncset.done @!p0 $0x0  }
0x93: {  	[sflag:s0] =	ssyncadd.s32 @!p0 s1  }
0x94: {  	[bflag:$0x3] =	sbarrier.arrive $0xFFFF  }
0x95: {  	_ =	shalt  }

// kernel: kernel.23.cloned.1.call-start
scs
__scs_entry_jumppad:
0x0: {  	(pc) =	sbr.rel $0x88, $3  }
0x1: {  	(tag) =	ssettag $0x0;
	lr =	simm.s32 $0x1  }
0x2: {  	[smem:$0x3F99] =	sst lr;
	_ =	strace $0xD0000000  }
0x3: {  	_ = 	snop  }
0x4: {  	_ = 	snop  }
0x5: {  	_ = 	snop  }
0x6: {  	_ = 	snop  }
0x7: {  	_ = 	snop  }
__scs_overlays_trampoline_lowered:
0x8: {  	[smem:$0x3FA8] =	sst s0  }
0x9: {  	[smem:$0x3FA9] =	sst s1  }
0xa: {  	[smem:$0x3FAA] =	sst s2  }
0xb: {  	[smem:$0x3FAB] =	sst s3  }
0xc: {  	[smem:$0x3FAC] =	sst s4  }
0xd: {  	[smem:$0x3FAD] =	sst s5  }
0xe: {  	[smem:$0x3FAE] =	sst s6  }
0xf: {  	[smem:$0x3FAF] =	sst s7  }
0x10: {  	[smem:$0x3FB0] =	sst s8  }
0x11: {  	[smem:$0x3FB1] =	sst s9;
	s0 =	simm.s32 @!p0 $0x0  }
0x12: {  	s1 =	sld [smem:$0x3F97];
	s0 =	simm.s32 @p0 $0x1  }
0x13: {  	[smem:$0x3FB2] =	sst s0;
	s0 =	simm.s32 @!p1 $0x0  }
0x14: {  	s2 =	sld [smem:$0x3F96];
	s0 =	simm.s32 @p1 $0x1  }
0x15: {  	[smem:$0x3FB3] =	sst s0;
	s0 =	simm.s32 @!p2 $0x0  }
0x16: {  	s3 =	sld [smem:$0x3FDB];
	s0 =	simm.s32 @p2 $0x1  }
0x17: {  	s4 =	simm.s32 $0x1BF5;
	[smem:$0x3FB5] =	sst s0  }
0x18: {  	s0 =	sld [smem:$0x3F98];
	_ =	swait.ge [sflag:s4], $0x0  }
0x19: {  	s7 =	sld [smem:$0x3F99]  }
0x1a: {  	s8 =	sadd.s32 $0xFFFFE003, lr  }
0x1b: {  	s9 =	sadd.s32 $0xFFFFFEF7, lr;
	s5 =	simm.s32 $0xFFFFFFFF;
	p2 =	slt.u32 s8, $0xFFFFF086  }
0x1c: {  	p1 =	slt.u32 s9, $0xF7A;
	s5 =	simm.s32 @!p2 $0x0  }
0x1d: {  	s5 =	simm.s32 @p1 $0x1;
	p0 =	seq.s32 s7, s2  }
0x1e: {  	s7 =	smul.u32 @!p0 $0xF7A, s2;
	p2 =	seq.s32 @!p0 s5, $0x0  }
0x1f: {  	s9 =	smul.u32 $0xF7A, s1;
	s8 =	simm.s32 @!p0 $0x1BF5;
	p2 =	por !p2, p0  }
0x20: {  	[sflag:s8] =	ssyncset.s32 @!p0 $0xFFFFF086;
	s6 =	sadd.s32 @!p0 s3, s7;
	s7 =	simm.s32 @!p0 $0x108  }
0x21: {  	s3 =	sadd.s32 s3, s9;
	s6 =	sadd.s32 @!p0 $0x88, s6;
	s7 =	simm.s32 @p2 $0x1082  }
0x22: {  	[simem:s7], [sflag:s8] =	dma.local @!p0 [hbm:s6], $0xF7A  }
0x23: {  	s9 =	sor.u32 $0xD0000000, s2;
	s6 =	simm.s32 $0x108;
	_ =	swait.ge @!p0 [sflag:s8], $0x0  }
0x24: {  	s3 =	sadd.s32 $0x88, s3;
	s6 =	simm.s32 @!p1 $0x1082;
	[sflag:s4] =	ssyncset.s32 $0xFFFFF086  }
0x25: {  	[simem:s6], [sflag:s4] =	dma.local [hbm:s3], $0xF7A  }
0x26: {  	[smem:$0x3F99] =	sst s1;
	(tag) =	ssettag s2;
	_ =	strace s9  }
0x27: {  	s1 =	sld [smem:$0x3FA9]  }
0x28: {  	s2 =	sld [smem:$0x3FAA]  }
0x29: {  	s4 =	sld [smem:$0x3FAC]  }
0x2a: {  	p0 =	seq.s32 s5, $0x0;
	s5 =	sld [smem:$0x3FAD]  }
0x2b: {  	s6 =	sld [smem:$0x3FAE]  }
0x2c: {  	s7 =	sld [smem:$0x3FAF]  }
0x2d: {  	s3 =	simm.s32 $0x108;
	s8 =	sld [smem:$0x3FB0]  }
0x2e: {  	s3 =	simm.s32 @!p0 $0x1082;
	s9 =	sld [smem:$0x3FB1]  }
0x2f: {  	lr =	sadd.s32 s0, s3;
	s0 =	sld [smem:$0x3FA8]  }
0x30: {  	s3 =	sld [smem:$0x3FAB]  }
0x31: {  	[smem:$0x3FB4] =	sst s10  }
0x32: {  	s10 =	sld [smem:$0x3FB2];
	_ =	sdelay $0x3  }
0x33: {  	p0 =	seq.s32 s10, $0x1;
	s10 =	sld [smem:$0x3FB4];
	_ =	sdelay $0x3  }
0x34: {  	[smem:$0x3FB4] =	sst s10  }
0x35: {  	s10 =	sld [smem:$0x3FB3];
	_ =	sdelay $0x3  }
0x36: {  	p1 =	seq.s32 s10, $0x1;
	s10 =	sld [smem:$0x3FB4];
	_ =	sdelay $0x3  }
0x37: {  	[smem:$0x3FB4] =	sst s10  }
0x38: {  	s10 =	sld [smem:$0x3FB5]  }
0x39: {  	_ = 	snop;
	(pc) =	sbr.ind lr, $3  }
0x3a: {  	_ = 	snop  }
0x3b: {  	_ = 	snop  }
0x3c: {  	p2 =	seq.s32 s10, $0x1;
	s10 =	sld [smem:$0x3FB4]  }
0x3d: {  	_ =	shalt  }
0x3e: {  	_ =	shalt  }
0x3f: {  	_ =	shalt  }
0x40: {  	_ =	shalt  }
0x41: {  	_ =	shalt  }
0x42: {  	_ =	shalt  }
0x43: {  	_ =	shalt  }
0x44: {  	_ =	shalt  }
0x45: {  	_ =	shalt  }
0x46: {  	_ =	shalt  }
0x47: {  	_ =	shalt  }
0x48: {  	_ =	shalt  }
0x49: {  	_ =	shalt  }
0x4a: {  	_ =	shalt  }
0x4b: {  	_ =	shalt  }
0x4c: {  	_ =	shalt  }
0x4d: {  	_ =	shalt  }
0x4e: {  	_ =	shalt  }
0x4f: {  	_ =	shalt  }
0x50: {  	_ =	shalt  }
0x51: {  	_ =	shalt  }
0x52: {  	_ =	shalt  }
0x53: {  	_ =	shalt  }
0x54: {  	_ =	shalt  }
0x55: {  	_ =	shalt  }
0x56: {  	_ =	shalt  }
0x57: {  	_ =	shalt  }
0x58: {  	_ =	shalt  }
0x59: {  	_ =	shalt  }
0x5a: {  	_ =	shalt  }
0x5b: {  	_ =	shalt  }
0x5c: {  	_ =	shalt  }
0x5d: {  	_ =	shalt  }
0x5e: {  	_ =	shalt  }
0x5f: {  	_ =	shalt  }
0x60: {  	_ =	shalt  }
0x61: {  	_ =	shalt  }
0x62: {  	_ =	shalt  }
0x63: {  	_ =	shalt  }
0x64: {  	_ =	shalt  }
0x65: {  	_ =	shalt  }
0x66: {  	_ =	shalt  }
0x67: {  	_ =	shalt  }
0x68: {  	_ =	shalt  }
0x69: {  	_ =	shalt  }
0x6a: {  	_ =	shalt  }
0x6b: {  	_ =	shalt  }
0x6c: {  	_ =	shalt  }
0x6d: {  	_ =	shalt  }
0x6e: {  	_ =	shalt  }
0x6f: {  	_ =	shalt  }
0x70: {  	_ =	shalt  }
0x71: {  	_ =	shalt  }
0x72: {  	_ =	shalt  }
0x73: {  	_ =	shalt  }
0x74: {  	_ =	shalt  }
0x75: {  	_ =	shalt  }
0x76: {  	_ =	shalt  }
0x77: {  	_ =	shalt  }
0x78: {  	_ =	shalt  }
0x79: {  	_ =	shalt  }
0x7a: {  	_ =	shalt  }
0x7b: {  	_ =	shalt  }
0x7c: {  	_ =	shalt  }
0x7d: {  	_ =	shalt  }
0x7e: {  	_ =	shalt  }
0x7f: {  	_ =	shalt  }
0x80: {  	_ =	shalt  }
0x81: {  	_ =	shalt  }
0x82: {  	_ =	shalt  }
0x83: {  	_ =	shalt  }
0x84: {  	_ =	shalt  }
0x85: {  	_ =	shalt  }
0x86: {  	_ =	shalt  }
0x87: {  	_ =	shalt  }
.Lfunc_end0:
.L_simem_size_0:
called_computation.3_lowered:
.L_overlay_start_0:
0x88: {  	s2 =	sld [smem:$0x3FD9]  }
0x89: {  	s3 =	sld [smem:$0x3FFE];
	_ =	sdelay $0x1  }
0x8a: {  	s1 =	srdreg.scid  }
0x8b: {  	s0 =	sand.u32 $0x1, s1  }
0x8c: {  	s17 =	sshll.u32 s0, $0xA;
	s2 =	sadd.s32 s3, s2  }
0x8d: {  	s2 =	sadd.s32 s2, s17  }
0x8e: {  	[smem:$0x3FC0] =	sst s2  }
0x8f: {  	_ = 	snop  }
0x90: {  	(tm) =	ssettm $0x1  }
0x91: {  	s18 =	sld [smem:$0x3FFB];
	_ =	sdelay $0x3  }
0x92: {  	_ =	strace s18  }
0x93: {  	s2 =	sld [smem:$0x3FFC];
	_ =	sdelay $0x3  }
0x94: {  	_ =	strace s2  }
0x95: {  	s2 =	sld [smem:$0x3FFD];
	_ =	sdelay $0x3  }
0x96: {  	_ =	strace s2  }
0x97: {  	_ =	strace $0x8FFFFFFF  }
0x98: {  	s19 =	sld [smem:$0x3FDB];
	_ =	sdelay $0x1  }
0x99: {  	s20 =	simm.s32 $_scs_section_size  }
0x9a: {  	s4 =	simm.s32 $_size__tile_overlayer_lowered;
	s5 =	simm.s32 $_tile_overlayer_lowered  }
0x9b: {  	s6 =	simm.s32 $0x1BFF;
	s21 =	sshll.u32 s5, $0x1;
	s3 =	sadd.s32 s20, s19  }
0x9c: {  	s22 =	simm.s32 $0x0;
	s4 =	sshll.u32 s4, $0x1;
	s5 =	sadd.s32 s21, s3  }
0x9d: {  	[timem:s22], [sflag:s6] =	dma.local [hbm:s5], s4  }
0x9e: {  	_ =	swait.ge [sflag:s6], s4  }
0x9f: {  	s4 =	ssub.s32 $0x0, s4;
	[sflag:s6] =	ssyncset.done $0x0  }
0xa0: {  	[sflag:s6] =	ssyncadd.s32 s4;
	_ =	sdelay $0x1  }
0xa1: {  	s23 =	simm.s32 $0x1B8B  }
0xa2: {  	_ =	swait.ge [sflag:s23], $0x1  }
0xa3: {  	[sflag:s23] =	ssyncset.done $0x0  }
0xa4: {  	[sflag:s23] =	ssyncadd.s32 $0xFFFFFFFF  }
0xa5: {  	s4 =	sld [smem:$0x0]  }
0xa6: {  	s5 =	sand.u32 $0xFFFFFFFE, s1  }
0xa7: {  	p0 =	sne.s32 s1, s5  }
0xa8: {  	s5 =	sshll.u32 @p0 s5, $0xE  }
0xa9: {  	s5 =	sadd.s32 @p0 $0x11B8D, s5;
	s6 =	sshll.u32 @p0 s4, $0x11  }
0xaa: {  	s5 =	sor.u32 @p0 s6, s5  }
0xab: {  	[sflag:s5] =	ssyncadd.remote.s32 @p0 $0x1;
	_ =	sdelay $0x1  }
0xac: {  	s5 =	simm.s32 @p0 $0x1B8D  }
0xad: {  	_ =	swait.eq @p0 [sflag:s5], $0x1  }
0xae: {  	[sflag:s5] =	ssyncadd.s32 @p0 $0xFFFFFFFF  }
0xaf: {  	s6 =	sshll.u32 @!p0 s1, $0xE  }
0xb0: {  	s6 =	sor.u32 @!p0 $0x4000, s6;
	s5 =	simm.s32 @!p0 $0x1B8D  }
0xb1: {  	s4 =	sshll.u32 @!p0 s4, $0x11;
	s6 =	sadd.s32 @!p0 $0x11B8D, s6;
	_ =	swait.eq @!p0 [sflag:s5], $0x1  }
0xb2: {  	s4 =	sor.u32 @!p0 s4, s6;
	[sflag:s5] =	ssyncadd.s32 @!p0 $0xFFFFFFFF  }
0xb3: {  	s25 =	simm.s32 $0x1B8E;
	s24 =	sld [smem:$0x3FFE];
	[sflag:s4] =	ssyncadd.remote.s32 @!p0 $0x1  }
0xb4: {  	s26 =	simm.s32 $execute0_lowered;
	[smem:$0x3FD2] =	sst s25  }
0xb5: {  	s5 =	sshll.u32 s26, $0x1;
	_ =	strace $0x8000004F;
	[dreg:$0x1] =	wrdreg $0xFFFFFFFF  }
0xb6: {  	s28 =	simm.s32 $_size_execute0_lowered;
	s3 =	sadd.s32 s3, s5;
	[dreg:$0x0] =	wrdreg $0x0  }
0xb7: {  	s5 =	sshll.u32 s28, $0x1;
	[dreg:$0x2] =	wrdreg s3  }
0xb8: {  	[dreg:$0x3] =	wrdreg s5  }
0xb9: {  	[dreg:$0x4] =	wrdreg $0xC0  }
0xba: {  	_ =	task [dreg:s22], $0x5FFFF  }
0xbb: {  	[dreg:$0x1] =	wrdreg $0xFFFFFFFF  }
0xbc: {  	[dreg:$0x0] =	wrdreg $0x60  }
0xbd: {  	[dreg:$0x2] =	wrdreg s24  }
0xbe: {  	[dreg:$0x3] =	wrdreg $0x0  }
0xbf: {  	[dreg:$0x4] =	wrdreg $0x9  }
0xc0: {  	_ =	task.clear_ibuf [dreg:s22], $0x5FFFF;
	_ =	strace $0x9000004F  }
0xc1: {  	s29 =	simm.s32 $0x9;
	_ =	strace $0x80000051  }
0xc2: {  	_ =	swait.ge [sflag:s29], $0x1  }
0xc3: {  	[sflag:s29] =	ssyncadd.s32 $0xFFFFFFFF  }
0xc4: {  	_ =	strace $0x90000051  }
0xc5: {  	_ =	sfence  }
0xc6: {  	s30 =	sld [smem:$0x0];
	_ =	sdelay $0x2  }
0xc7: {  	s31 =	sshll.u32 s1, $0xD;
	s1 =	sshrl.u32 s1, $0x2  }
0xc8: {  	s4 =	sand.u32 $0x4000, s31;
	s1 =	sadd.s32 s1, s30  }
0xc9: {  	s0 =	sor.u32 s4, s0;
	s1 =	sshll.u32 s1, $0x11  }
0xca: {  	s0 =	sor.u32 s1, s0  }
0xcb: {  	s0 =	sadd.s32 $0x8F2B, s0  }
0xcc: {  	[sflag:s0] =	ssyncadd.remote.s32 $0x1  }
0xcd: {  	_ =	sfence.sel $0xFFFF  }
0xce: {  	[dreg:$0x0] =	wrdreg $0xFFFFFFFF;
	(pc) =	sbr.abs _section_cstart, $3  }
0xcf: {  	[dreg:$0x1] =	wrdreg $0xFFFFFFFF  }
0xd0: {  	_ =	task.clear_ibuf [dreg:s22], $0x2FFFF;
	_ =	strace $0x9FFFFFFF  }
0xd1: {  	(tm) =	ssettm $0x7FFFFFFF  }
tec
execute0_lowered:
.L_overlay_start_1:
0x0: {  	(tag) =	ssettag $0x1  }
0x1: {  	s7 =	rddreg [dreg:$0x0]  }
0x2: {  	s1 =	rddreg [dreg:$0x1];
	s2 =	simm.s32 $0x0;
	s5 =	srdreg.scid  }
0x3: {  	s0 =	stileid.u32;
	s14 =	simm.s32 $0x3;
	s15 =	simm.s32 $0x14000  }
0x4: {  	s16 =	simm.s32 $0x15C00;
	s17 =	simm.s32 $0x50;
	s18 =	simm.s32 $0x17800  }
0x5: {  	s19 =	simm.s32 $0x1A000;
	s20 =	simm.s32 $0x1;
	s21 =	simm.s32 $0x2  }
0x6: {  	s22 =	simm.s32 $0x15880;
	s23 =	simm.s32 $0x17400;
	s24 =	simm.s32 $0x17480  }
0x7: {  	[smem:$0x7FF] =	sst s2;
	s4 =	sadd.s32 $0xAFC200, s7;
	s8 =	sand.u32 $0x1, s5  }
0x8: {  	s5 =	sadd.s32 $0x7A800, s7;
	s10 =	smul.u32 $0x50000, s0;
	s6 =	sadd.s32 $0x69000, s7  }
0x9: {  	s7 =	sadd.s32 $0xFFC200, s7;
	s12 =	sshll.u32 s0, $0x6;
	s9 =	ssub.s32 $0x2, s8  }
0xa: {  	_ =	strace $0x80000050;
	s8 =	sshll.u32 s8, $0x4;
	s11 =	sshrl.u32 s9, $0x1  }
0xb: {  	s12 =	sor.u32 $0x1C03, s12;
	s30 =	sshrl.u32 s10, $0x2;
	s11 =	ssub.s32 s9, s11  }
0xc: {  	s10 =	smul.u32 $0x8C00, s0;
	s13 =	sadd.s32 s30, s1;
	s31 =	smax.u32 s11, $0x1  }
0xd: {  	s9 =	smul.u32 $0x280, s0;
	s13 =	sshrl.u32 s13, $0x3;
	[dreg:$0x3] =	wrdreg s31  }
.LBB2_1:
0xe: {  	s25 =	simm.s32 $0x0  }
.LBB2_2:
0xf: {  	s26 =	sadd.s32 s8, s25  }
0x10: {  	s28 =	smul.u32 $0x2800, s26;
	_ =	sdelay $0x1  }
0x11: {  	s26 =	sadd.s32 s9, s28  }
0x12: {  	s26 =	sshll.u32 s26, $0x4  }
0x13: {  	s29 =	sadd.s32 s4, s26  }
0x14: {  	[spmem:s13], [sflag:s12] =	dma.local [hbm:s29], $0x2800  }
0x15: {  	_ =	swait.ge [sflag:s14], $0x2800  }
0x16: {  	[sflag:s14] =	ssyncset.done $0x0  }
0x17: {  	[sflag:s14] =	ssyncadd.s32 $0xFFFFD800  }
0x18: {  	v0 =	vmov s28;
	s28 =	simm.s32 $0x0;
	s29 =	simm.s32 $0x0;
	[bflag:$0x0] =	sbarrier.arrive $0xFFFF  }
.LBB2_3:
0x19: {  	s30 =	smul.u32 $0x1C00, s29;
	_ =	sdelay $0x1  }
0x1a: {  	s30 =	sadd.s32 s10, s30  }
0x1b: {  	s30 =	sshrl.u32 s30, $0x3  }
0x1c: {  	s31 =	sadd.s32 s5, s30  }
0x1d: {  	[tilespmem:s15], [sflag:$0x3] =	stream.linear.gather [hbm4b:s31+s28], $0x1900, $0x38;
	[tilespmem:$0x1C800] =	vst v63  }
0x1e: {  	_ =	swait.ge [sflag:s14], $0x1900  }
0x1f: {  	[sflag:s14] =	ssyncset.done $0x0  }
0x20: {  	s30 =	sadd.s32 s6, s30;
	[sflag:s14] =	ssyncadd.s32 $0xFFFFE700  }
0x21: {  	[tilespmem:s16], [sflag:$0x3] =	stream.linear.gather [hbm4b:s30+s28], $0x1900, $0x38;
	[tilespmem:$0x1C800] =	vst v63  }
0x22: {  	_ =	swait.ge [sflag:s14], $0x1900  }
0x23: {  	[sflag:s14] =	ssyncset.done $0x0  }
0x24: {  	s30 =	simm.s32 $0x0;
	[sflag:s14] =	ssyncadd.s32 $0xFFFFE700  }
0x25: {  	v4 =	vld [tilespmem:s30+$0x14000]  }
0x26: {  	v3 =	vld [tilespmem:s30+$0x14010]  }
0x27: {  	v2 =	vld [tilespmem:s30+$0x14020]  }
0x28: {  	s31 =	simm.s32 $0x200;
	v1 =	vld [tilespmem:s30+$0x14030]  }
.LBB2_4:
0x29: {  	p0 =	sne.s32 s31, $0x6200;
	v5 =	vld [tilespmem:s30+$0x14040]  }
0x2a: {  	v4 =	vadd.s32 v0, v4  }
.Ltmp0:
0x2b: {  	s0 =	sshra.s32 s31, $0x2;
	[tilespmem:s30+$0x14000] =	vst v4;
	v3 =	vadd.s32 v0, v3;
	(pc) =	sbr.rel @p0 .LBB2_4-.Ltmp0, $4  }
0x2c: {  	v4 =	vld [tilespmem:s0+$0x14000];
	[tilespmem:s30+$0x14010] =	vst v3;
	v2 =	vadd.s32 v0, v2  }
0x2d: {  	v3 =	vld [tilespmem:s0+$0x14010];
	[tilespmem:s30+$0x14020] =	vst v2;
	v1 =	vadd.s32 v0, v1  }
0x2e: {  	v2 =	vld [tilespmem:s0+$0x14020];
	[tilespmem:s30+$0x14030] =	vst v1;
	v5 =	vadd.s32 v0, v5  }
0x2f: {  	s31 =	sadd.s32 $0x200, s31;
	v1 =	vld [tilespmem:s0+$0x14030];
	[tilespmem:s30+$0x14040] =	vst v5;
	s30 =	smov.u32 s0  }
0x30: {  	v5 =	vld [tilespmem:s30+$0x14040]  }
0x31: {  	v4 =	vadd.s32 v0, v4  }
0x32: {  	[tilespmem:s30+$0x14000] =	vst v4;
	v3 =	vadd.s32 v0, v3  }
0x33: {  	[tilespmem:s30+$0x14010] =	vst v3;
	v2 =	vadd.s32 v0, v2  }
0x34: {  	[tilespmem:s30+$0x14020] =	vst v2;
	v1 =	vadd.s32 v0, v1  }
0x35: {  	[tilespmem:s30+$0x14030] =	vst v1;
	v1 =	vadd.s32 v0, v5  }
0x36: {  	[tilespmem:s30+$0x14040] =	vst v1  }
0x37: {  	[tilespmem:s18], [sflag:$0x1] =	stream.indirect.gather [hbm4b:s4+s17], $0x80, s15, s17, $0xb8;
	[tilespmem:$0x1C800] =	vst v63  }
0x38: {  	s0 =	simm.s32 $0x14080  }
0x39: {  	[tilespmem:s19], [sflag:$0x2] =	stream.indirect.gather [hbm4b:s4+s17], $0x80, s0, s17, $0xb8;
	[tilespmem:$0x1C800] =	vst v63  }
0x3a: {  	_ =	swait.ge [sflag:s20], $0x2800  }
0x3b: {  	[sflag:s20] =	ssyncset.done $0x0  }
0x3c: {  	s11 =	simm.s32 $0x15C00;
	[sflag:s20] =	ssyncadd.s32 $0xFFFFD800  }
0x3d: {  	[spmem:s1] =	stream.indirect.scatter.add.f32 [tilespmem:s18], [sflag:$0x3], $0x80, s11, s17, $0xb8;
	[tilespmem:$0x1C800] =	vst v63  }
0x3e: {  	_ =	swait.ge [sflag:s14], $0x2800  }
0x3f: {  	[sflag:s14] =	ssyncset.done $0x0  }
0x40: {  	s3 =	simm.s32 $0x14100;
	[sflag:s14] =	ssyncadd.s32 $0xFFFFD800  }
0x41: {  	[tilespmem:s18], [sflag:$0x1] =	stream.indirect.gather [hbm4b:s4+s17], $0x80, s3, s17, $0xb8;
	[tilespmem:$0x1C800] =	vst v63  }
0x42: {  	_ =	swait.ge [sflag:s21], $0x2800  }
0x43: {  	[sflag:s21] =	ssyncset.done $0x0  }
0x44: {  	s11 =	simm.s32 $0x15C80;
	[sflag:s21] =	ssyncadd.s32 $0xFFFFD800  }
0x45: {  	[spmem:s1] =	stream.indirect.scatter.add.f32 [tilespmem:s19], [sflag:$0x3], $0x80, s11, s17, $0xb8;
	[tilespmem:$0x1C800] =	vst v63  }
0x46: {  	_ =	swait.ge [sflag:s14], $0x2800  }
0x47: {  	s31 =	simm.s32 $0x800;
	s30 =	simm.s32 $0x100;
	[sflag:s14] =	ssyncset.done $0x0  }
.LBB2_6:
0x48: {  	s0 =	sadd.s32 $0x14080, s30  }
0x49: {  	[sflag:s14] =	ssyncadd.s32 $0xFFFFD800;
	s3 =	smov.u32 s31;
	s11 =	sadd.s32 $0x400, s31  }
0x4a: {  	[tilespmem:s19], [sflag:$0x2] =	stream.indirect.gather [hbm4b:s4+s17], $0x80, s0, s17, $0xb8;
	[tilespmem:$0x1C800] =	vst v63  }
0x4b: {  	p0 =	sne.s32 s31, $0x5C00;
	_ =	swait.ge [sflag:s20], $0x2800  }
0x4c: {  	[sflag:s20] =	ssyncset.done $0x0  }
0x4d: {  	s0 =	sadd.s32 $0x15C00, s30;
	[sflag:s20] =	ssyncadd.s32 $0xFFFFD800  }
0x4e: {  	[spmem:s1] =	stream.indirect.scatter.add.f32 [tilespmem:s18], [sflag:$0x3], $0x80, s0, s17, $0xb8;
	[tilespmem:$0x1C800] =	vst v63  }
0x4f: {  	_ =	swait.ge [sflag:s14], $0x2800  }
0x50: {  	[sflag:s14] =	ssyncset.done $0x0  }
0x51: {  	s0 =	sadd.s32 $0x14100, s30;
	[sflag:s14] =	ssyncadd.s32 $0xFFFFD800  }
0x52: {  	[tilespmem:s18], [sflag:$0x1] =	stream.indirect.gather [hbm4b:s4+s17], $0x80, s0, s17, $0xb8;
	[tilespmem:$0x1C800] =	vst v63  }
0x53: {  	_ =	swait.ge [sflag:s21], $0x2800  }
.Ltmp1:
0x54: {  	[sflag:s21] =	ssyncset.done $0x0;
	(pc) =	sbr.rel @p0 .LBB2_6-.Ltmp1, $4  }
0x55: {  	s0 =	sadd.s32 $0x15C80, s30;
	[sflag:s21] =	ssyncadd.s32 $0xFFFFD800  }
0x56: {  	[spmem:s1] =	stream.indirect.scatter.add.f32 [tilespmem:s19], [sflag:$0x3], $0x80, s0, s17, $0xb8;
	[tilespmem:$0x1C800] =	vst v63  }
0x57: {  	_ =	swait.ge [sflag:s14], $0x2800  }
0x58: {  	s31 =	smov.u32 s11;
	s30 =	sshra.s32 s3, $0x2;
	[sflag:s14] =	ssyncset.done $0x0  }
0x59: {  	s0 =	sadd.s32 $0x14080, s30;
	[sflag:s14] =	ssyncadd.s32 $0xFFFFD800  }
0x5a: {  	[tilespmem:s19], [sflag:$0x2] =	stream.indirect.gather [hbm4b:s4+s17], $0x80, s0, s17, $0xb8;
	[tilespmem:$0x1C800] =	vst v63  }
0x5b: {  	_ =	swait.ge [sflag:s20], $0x2800  }
0x5c: {  	[sflag:s20] =	ssyncset.done $0x0  }
0x5d: {  	s3 =	sadd.s32 $0x15C00, s30;
	[sflag:s20] =	ssyncadd.s32 $0xFFFFD800  }
0x5e: {  	[spmem:s1] =	stream.indirect.scatter.add.f32 [tilespmem:s18], [sflag:$0x3], $0x80, s3, s17, $0xb8;
	[tilespmem:$0x1C800] =	vst v63  }
0x5f: {  	_ =	swait.ge [sflag:s14], $0x2800  }
0x60: {  	[sflag:s14] =	ssyncset.done $0x0  }
0x61: {  	s11 =	sadd.s32 $0x14100, s30;
	[sflag:s14] =	ssyncadd.s32 $0xFFFFD800  }
0x62: {  	[tilespmem:s18], [sflag:$0x1] =	stream.indirect.gather [hbm4b:s4+s17], $0x80, s11, s17, $0xb8;
	[tilespmem:$0x1C800] =	vst v63  }
0x63: {  	_ =	swait.ge [sflag:s21], $0x2800  }
0x64: {  	[sflag:s21] =	ssyncset.done $0x0  }
0x65: {  	s31 =	sadd.s32 $0x15C80, s30;
	[sflag:s21] =	ssyncadd.s32 $0xFFFFD800  }
0x66: {  	[spmem:s1] =	stream.indirect.scatter.add.f32 [tilespmem:s19], [sflag:$0x3], $0x80, s31, s17, $0xb8;
	[tilespmem:$0x1C800] =	vst v63  }
0x67: {  	_ =	swait.ge [sflag:s14], $0x2800  }
0x68: {  	[sflag:s14] =	ssyncset.done $0x0  }
0x69: {  	[sflag:s14] =	ssyncadd.s32 $0xFFFFD800  }
0x6a: {  	[tilespmem:s19], [sflag:$0x2] =	stream.indirect.gather [hbm4b:s4+s17], $0x80, s22, s17, $0xb8;
	[tilespmem:$0x1C800] =	vst v63  }
0x6b: {  	_ =	swait.ge [sflag:s20], $0x2800  }
0x6c: {  	[sflag:s20] =	ssyncset.done $0x0  }
0x6d: {  	[sflag:s20] =	ssyncadd.s32 $0xFFFFD800  }
0x6e: {  	[spmem:s1] =	stream.indirect.scatter.add.f32 [tilespmem:s18], [sflag:$0x3], $0x80, s23, s17, $0xb8;
	[tilespmem:$0x1C800] =	vst v63  }
0x6f: {  	_ =	swait.ge [sflag:s14], $0x2800  }
0x70: {  	[sflag:s14] =	ssyncset.done $0x0  }
0x71: {  	[sflag:s14] =	ssyncadd.s32 $0xFFFFD800  }
0x72: {  	s29 =	sadd.s32 $0x1, s29;
	_ =	swait.ge [sflag:s21], $0x2800  }
0x73: {  	p0 =	sne.s32 s29, $0x5;
	[sflag:s21] =	ssyncset.done $0x0  }
.Ltmp2:
0x74: {  	[sflag:s21] =	ssyncadd.s32 $0xFFFFD800;
	(pc) =	sbr.rel @p0 .LBB2_3-.Ltmp2, $4  }
0x75: {  	[spmem:s1] =	stream.indirect.scatter.add.f32 [tilespmem:s19], [sflag:$0x3], $0x80, s24, s17, $0xb8;
	[tilespmem:$0x1C800] =	vst v63  }
0x76: {  	_ =	swait.ge [sflag:s14], $0x2800  }
0x77: {  	[sflag:s14] =	ssyncset.done $0x0  }
0x78: {  	[sflag:s14] =	ssyncadd.s32 $0xFFFFD800  }
0x79: {  	[bflag:$0x0] =	sbarrier.arrive $0xFFFF;
	s0 =	sadd.s32 s7, s26;
	s25 =	sadd.s32 $0x1, s25  }
0x7a: {  	[hbm:s0], [sflag:s12] =	dma.local [spmem:s13], $0x2800  }
0x7b: {  	p0 =	sne.s32 s25, $0x10  }
.Ltmp3:
0x7c: {  	_ =	swait.ge [sflag:s14], $0x2800;
	(pc) =	sbr.rel @p0 .LBB2_2-.Ltmp3, $3  }
0x7d: {  	[sflag:s14] =	ssyncset.done $0x0  }
0x7e: {  	[sflag:s14] =	ssyncadd.s32 $0xFFFFD800  }
0x7f: {  	[bflag:$0x0] =	sbarrier.arrive $0xFFFF;
	_ =	sdelay $0x1  }
0x80: {  	s2 =	sadd.s32 $0x1, s2;
	s0 =	rddreg [dreg:$0x3]  }
0x81: {  	p0 =	sne.s32 s2, s0  }
.Ltmp4:
0x82: {  	_ = 	snop;
	(pc) =	sbr.rel @p0 .LBB2_1-.Ltmp4, $1  }
0x83: {  	_ =	sdelay $0x3  }
0x84: {  	_ =	sfence.sel $0x180000  }
0x85: {  	[bflag:$0x0] =	sbarrier.arrive $0xFFFF  }
0x86: {  	_ =	strace $0x90000050  }
0x87: {  	s0 =	stileid.u32;
	[bflag:$0x2] =	sbarrier.arrive $0xFFFF  }
0x88: {  	p0 =	sne.s32 s0, $0x0;
	s0 =	rddreg [dreg:$0x2]  }
0x89: {  	s0 =	sadd.s32 @!p0 $0x100000, s0  }
0x8a: {  	[sflag:s0] =	ssyncadd.tile.s32 @!p0 $0x1;
	_ =	shalt  }
.Lfunc_end2:
_tile_overlayer_lowered:
.L_overlay_start_2:
0x8b: {  	(tag) =	ssettag $0x2  }
0x8c: {  	s0 =	rddreg [dreg:$0x0];
	s2 =	stileid.u32  }
0x8d: {  	s1 =	rddreg [dreg:$0x1];
	p0 =	sne.s32 s2, $0x0  }
0x8e: {  	s3 =	rddreg [dreg:$0x2];
	[bflag:$0x3] =	sbarrier.arrive $0xFFFF;
	s2 =	simm.s32 @!p0 $0x1C03  }
0x8f: {  	[timem:s3], [sflag:s2] =	dma.local @!p0 [hbm:s0], s1  }
0x90: {  	s0 =	simm.s32 @!p0 $0x3  }
0x91: {  	_ =	swait.ge @!p0 [sflag:s0], s1  }
0x92: {  	s1 =	ssub.s32 @!p0 $0x0, s1;
	[sflag:s0] =	ssyncset.done @!p0 $0x0  }
0x93: {  	[sflag:s0] =	ssyncadd.s32 @!p0 s1  }
0x94: {  	[bflag:$0x3] =	sbarrier.arrive $0xFFFF  }
0x95: {  	_ =	shalt  }

// kernel: kernel.26.cloned.1.call-start
scs
__scs_entry_jumppad:
0x0: {  	(pc) =	sbr.rel $0x88, $3  }
0x1: {  	(tag) =	ssettag $0x0;
	lr =	simm.s32 $0x1  }
0x2: {  	[smem:$0x3F99] =	sst lr;
	_ =	strace $0xD0000000  }
0x3: {  	_ = 	snop  }
0x4: {  	_ = 	snop  }
0x5: {  	_ = 	snop  }
0x6: {  	_ = 	snop  }
0x7: {  	_ = 	snop  }
__scs_overlays_trampoline_lowered:
0x8: {  	[smem:$0x3FA8] =	sst s0  }
0x9: {  	[smem:$0x3FA9] =	sst s1  }
0xa: {  	[smem:$0x3FAA] =	sst s2  }
0xb: {  	[smem:$0x3FAB] =	sst s3  }
0xc: {  	[smem:$0x3FAC] =	sst s4  }
0xd: {  	[smem:$0x3FAD] =	sst s5  }
0xe: {  	[smem:$0x3FAE] =	sst s6  }
0xf: {  	[smem:$0x3FAF] =	sst s7  }
0x10: {  	[smem:$0x3FB0] =	sst s8  }
0x11: {  	[smem:$0x3FB1] =	sst s9;
	s0 =	simm.s32 @!p0 $0x0  }
0x12: {  	s1 =	sld [smem:$0x3F97];
	s0 =	simm.s32 @p0 $0x1  }
0x13: {  	[smem:$0x3FB2] =	sst s0;
	s0 =	simm.s32 @!p1 $0x0  }
0x14: {  	s2 =	sld [smem:$0x3F96];
	s0 =	simm.s32 @p1 $0x1  }
0x15: {  	[smem:$0x3FB3] =	sst s0;
	s0 =	simm.s32 @!p2 $0x0  }
0x16: {  	s3 =	sld [smem:$0x3FDB];
	s0 =	simm.s32 @p2 $0x1  }
0x17: {  	s4 =	simm.s32 $0x1BF5;
	[smem:$0x3FB5] =	sst s0  }
0x18: {  	s0 =	sld [smem:$0x3F98];
	_ =	swait.ge [sflag:s4], $0x0  }
0x19: {  	s7 =	sld [smem:$0x3F99]  }
0x1a: {  	s8 =	sadd.s32 $0xFFFFE003, lr  }
0x1b: {  	s9 =	sadd.s32 $0xFFFFFEF7, lr;
	s5 =	simm.s32 $0xFFFFFFFF;
	p2 =	slt.u32 s8, $0xFFFFF086  }
0x1c: {  	p1 =	slt.u32 s9, $0xF7A;
	s5 =	simm.s32 @!p2 $0x0  }
0x1d: {  	s5 =	simm.s32 @p1 $0x1;
	p0 =	seq.s32 s7, s2  }
0x1e: {  	s7 =	smul.u32 @!p0 $0xF7A, s2;
	p2 =	seq.s32 @!p0 s5, $0x0  }
0x1f: {  	s9 =	smul.u32 $0xF7A, s1;
	s8 =	simm.s32 @!p0 $0x1BF5;
	p2 =	por !p2, p0  }
0x20: {  	[sflag:s8] =	ssyncset.s32 @!p0 $0xFFFFF086;
	s6 =	sadd.s32 @!p0 s3, s7;
	s7 =	simm.s32 @!p0 $0x108  }
0x21: {  	s3 =	sadd.s32 s3, s9;
	s6 =	sadd.s32 @!p0 $0x88, s6;
	s7 =	simm.s32 @p2 $0x1082  }
0x22: {  	[simem:s7], [sflag:s8] =	dma.local @!p0 [hbm:s6], $0xF7A  }
0x23: {  	s9 =	sor.u32 $0xD0000000, s2;
	s6 =	simm.s32 $0x108;
	_ =	swait.ge @!p0 [sflag:s8], $0x0  }
0x24: {  	s3 =	sadd.s32 $0x88, s3;
	s6 =	simm.s32 @!p1 $0x1082;
	[sflag:s4] =	ssyncset.s32 $0xFFFFF086  }
0x25: {  	[simem:s6], [sflag:s4] =	dma.local [hbm:s3], $0xF7A  }
0x26: {  	[smem:$0x3F99] =	sst s1;
	(tag) =	ssettag s2;
	_ =	strace s9  }
0x27: {  	s1 =	sld [smem:$0x3FA9]  }
0x28: {  	s2 =	sld [smem:$0x3FAA]  }
0x29: {  	s4 =	sld [smem:$0x3FAC]  }
0x2a: {  	p0 =	seq.s32 s5, $0x0;
	s5 =	sld [smem:$0x3FAD]  }
0x2b: {  	s6 =	sld [smem:$0x3FAE]  }
0x2c: {  	s7 =	sld [smem:$0x3FAF]  }
0x2d: {  	s3 =	simm.s32 $0x108;
	s8 =	sld [smem:$0x3FB0]  }
0x2e: {  	s3 =	simm.s32 @!p0 $0x1082;
	s9 =	sld [smem:$0x3FB1]  }
0x2f: {  	lr =	sadd.s32 s0, s3;
	s0 =	sld [smem:$0x3FA8]  }
0x30: {  	s3 =	sld [smem:$0x3FAB]  }
0x31: {  	[smem:$0x3FB4] =	sst s10  }
0x32: {  	s10 =	sld [smem:$0x3FB2];
	_ =	sdelay $0x3  }
0x33: {  	p0 =	seq.s32 s10, $0x1;
	s10 =	sld [smem:$0x3FB4];
	_ =	sdelay $0x3  }
0x34: {  	[smem:$0x3FB4] =	sst s10  }
0x35: {  	s10 =	sld [smem:$0x3FB3];
	_ =	sdelay $0x3  }
0x36: {  	p1 =	seq.s32 s10, $0x1;
	s10 =	sld [smem:$0x3FB4];
	_ =	sdelay $0x3  }
0x37: {  	[smem:$0x3FB4] =	sst s10  }
0x38: {  	s10 =	sld [smem:$0x3FB5]  }
0x39: {  	_ = 	snop;
	(pc) =	sbr.ind lr, $3  }
0x3a: {  	_ = 	snop  }
0x3b: {  	_ = 	snop  }
0x3c: {  	p2 =	seq.s32 s10, $0x1;
	s10 =	sld [smem:$0x3FB4]  }
0x3d: {  	_ =	shalt  }
0x3e: {  	_ =	shalt  }
0x3f: {  	_ =	shalt  }
0x40: {  	_ =	shalt  }
0x41: {  	_ =	shalt  }
0x42: {  	_ =	shalt  }
0x43: {  	_ =	shalt  }
0x44: {  	_ =	shalt  }
0x45: {  	_ =	shalt  }
0x46: {  	_ =	shalt  }
0x47: {  	_ =	shalt  }
0x48: {  	_ =	shalt  }
0x49: {  	_ =	shalt  }
0x4a: {  	_ =	shalt  }
0x4b: {  	_ =	shalt  }
0x4c: {  	_ =	shalt  }
0x4d: {  	_ =	shalt  }
0x4e: {  	_ =	shalt  }
0x4f: {  	_ =	shalt  }
0x50: {  	_ =	shalt  }
0x51: {  	_ =	shalt  }
0x52: {  	_ =	shalt  }
0x53: {  	_ =	shalt  }
0x54: {  	_ =	shalt  }
0x55: {  	_ =	shalt  }
0x56: {  	_ =	shalt  }
0x57: {  	_ =	shalt  }
0x58: {  	_ =	shalt  }
0x59: {  	_ =	shalt  }
0x5a: {  	_ =	shalt  }
0x5b: {  	_ =	shalt  }
0x5c: {  	_ =	shalt  }
0x5d: {  	_ =	shalt  }
0x5e: {  	_ =	shalt  }
0x5f: {  	_ =	shalt  }
0x60: {  	_ =	shalt  }
0x61: {  	_ =	shalt  }
0x62: {  	_ =	shalt  }
0x63: {  	_ =	shalt  }
0x64: {  	_ =	shalt  }
0x65: {  	_ =	shalt  }
0x66: {  	_ =	shalt  }
0x67: {  	_ =	shalt  }
0x68: {  	_ =	shalt  }
0x69: {  	_ =	shalt  }
0x6a: {  	_ =	shalt  }
0x6b: {  	_ =	shalt  }
0x6c: {  	_ =	shalt  }
0x6d: {  	_ =	shalt  }
0x6e: {  	_ =	shalt  }
0x6f: {  	_ =	shalt  }
0x70: {  	_ =	shalt  }
0x71: {  	_ =	shalt  }
0x72: {  	_ =	shalt  }
0x73: {  	_ =	shalt  }
0x74: {  	_ =	shalt  }
0x75: {  	_ =	shalt  }
0x76: {  	_ =	shalt  }
0x77: {  	_ =	shalt  }
0x78: {  	_ =	shalt  }
0x79: {  	_ =	shalt  }
0x7a: {  	_ =	shalt  }
0x7b: {  	_ =	shalt  }
0x7c: {  	_ =	shalt  }
0x7d: {  	_ =	shalt  }
0x7e: {  	_ =	shalt  }
0x7f: {  	_ =	shalt  }
0x80: {  	_ =	shalt  }
0x81: {  	_ =	shalt  }
0x82: {  	_ =	shalt  }
0x83: {  	_ =	shalt  }
0x84: {  	_ =	shalt  }
0x85: {  	_ =	shalt  }
0x86: {  	_ =	shalt  }
0x87: {  	_ =	shalt  }
.Lfunc_end0:
.L_simem_size_0:
called_computation.4_lowered:
.L_overlay_start_0:
0x88: {  	s2 =	sld [smem:$0x3FD9]  }
0x89: {  	s3 =	sld [smem:$0x3FFE];
	_ =	sdelay $0x1  }
0x8a: {  	s1 =	srdreg.scid  }
0x8b: {  	s0 =	sand.u32 $0x1, s1  }
0x8c: {  	s17 =	sshll.u32 s0, $0xA;
	s2 =	sadd.s32 s3, s2  }
0x8d: {  	s2 =	sadd.s32 s2, s17  }
0x8e: {  	[smem:$0x3FC0] =	sst s2  }
0x8f: {  	_ = 	snop  }
0x90: {  	(tm) =	ssettm $0x1  }
0x91: {  	s18 =	sld [smem:$0x3FFB];
	_ =	sdelay $0x3  }
0x92: {  	_ =	strace s18  }
0x93: {  	s2 =	sld [smem:$0x3FFC];
	_ =	sdelay $0x3  }
0x94: {  	_ =	strace s2  }
0x95: {  	s2 =	sld [smem:$0x3FFD];
	_ =	sdelay $0x3  }
0x96: {  	_ =	strace s2  }
0x97: {  	_ =	strace $0x8FFFFFFF  }
0x98: {  	s19 =	sld [smem:$0x3FDB];
	_ =	sdelay $0x1  }
0x99: {  	s20 =	simm.s32 $_scs_section_size  }
0x9a: {  	s4 =	simm.s32 $_size__tile_overlayer_lowered;
	s5 =	simm.s32 $_tile_overlayer_lowered  }
0x9b: {  	s6 =	simm.s32 $0x1BFF;
	s21 =	sshll.u32 s5, $0x1;
	s3 =	sadd.s32 s20, s19  }
0x9c: {  	s22 =	simm.s32 $0x0;
	s4 =	sshll.u32 s4, $0x1;
	s5 =	sadd.s32 s21, s3  }
0x9d: {  	[timem:s22], [sflag:s6] =	dma.local [hbm:s5], s4  }
0x9e: {  	_ =	swait.ge [sflag:s6], s4  }
0x9f: {  	s4 =	ssub.s32 $0x0, s4;
	[sflag:s6] =	ssyncset.done $0x0  }
0xa0: {  	[sflag:s6] =	ssyncadd.s32 s4;
	_ =	sdelay $0x1  }
0xa1: {  	s23 =	simm.s32 $0x1B8B  }
0xa2: {  	_ =	swait.ge [sflag:s23], $0x1  }
0xa3: {  	[sflag:s23] =	ssyncset.done $0x0  }
0xa4: {  	[sflag:s23] =	ssyncadd.s32 $0xFFFFFFFF  }
0xa5: {  	s4 =	sld [smem:$0x0]  }
0xa6: {  	s5 =	sand.u32 $0xFFFFFFFE, s1  }
0xa7: {  	p0 =	sne.s32 s1, s5  }
0xa8: {  	s5 =	sshll.u32 @p0 s5, $0xE  }
0xa9: {  	s5 =	sadd.s32 @p0 $0x11B8D, s5;
	s6 =	sshll.u32 @p0 s4, $0x11  }
0xaa: {  	s5 =	sor.u32 @p0 s6, s5  }
0xab: {  	[sflag:s5] =	ssyncadd.remote.s32 @p0 $0x1;
	_ =	sdelay $0x1  }
0xac: {  	s5 =	simm.s32 @p0 $0x1B8D  }
0xad: {  	_ =	swait.eq @p0 [sflag:s5], $0x1  }
0xae: {  	[sflag:s5] =	ssyncadd.s32 @p0 $0xFFFFFFFF  }
0xaf: {  	s6 =	sshll.u32 @!p0 s1, $0xE  }
0xb0: {  	s6 =	sor.u32 @!p0 $0x4000, s6;
	s5 =	simm.s32 @!p0 $0x1B8D  }
0xb1: {  	s4 =	sshll.u32 @!p0 s4, $0x11;
	s6 =	sadd.s32 @!p0 $0x11B8D, s6;
	_ =	swait.eq @!p0 [sflag:s5], $0x1  }
0xb2: {  	s4 =	sor.u32 @!p0 s4, s6;
	[sflag:s5] =	ssyncadd.s32 @!p0 $0xFFFFFFFF  }
0xb3: {  	s25 =	simm.s32 $0x1B8E;
	s24 =	sld [smem:$0x3FFE];
	[sflag:s4] =	ssyncadd.remote.s32 @!p0 $0x1  }
0xb4: {  	s26 =	simm.s32 $execute0_lowered;
	[smem:$0x3FD2] =	sst s25  }
0xb5: {  	s5 =	sshll.u32 s26, $0x1;
	_ =	strace $0x80000052;
	[dreg:$0x1] =	wrdreg $0xFFFFFFFF  }
0xb6: {  	s28 =	simm.s32 $_size_execute0_lowered;
	s3 =	sadd.s32 s3, s5;
	[dreg:$0x0] =	wrdreg $0x0  }
0xb7: {  	s5 =	sshll.u32 s28, $0x1;
	[dreg:$0x2] =	wrdreg s3  }
0xb8: {  	[dreg:$0x3] =	wrdreg s5  }
0xb9: {  	[dreg:$0x4] =	wrdreg $0xC0  }
0xba: {  	_ =	task [dreg:s22], $0x5FFFF  }
0xbb: {  	[dreg:$0x1] =	wrdreg $0xFFFFFFFF  }
0xbc: {  	[dreg:$0x0] =	wrdreg $0x60  }
0xbd: {  	[dreg:$0x2] =	wrdreg s24  }
0xbe: {  	[dreg:$0x3] =	wrdreg $0x0  }
0xbf: {  	[dreg:$0x4] =	wrdreg $0xA  }
0xc0: {  	_ =	task.clear_ibuf [dreg:s22], $0x5FFFF;
	_ =	strace $0x90000052  }
0xc1: {  	s29 =	simm.s32 $0xA;
	_ =	strace $0x80000054  }
0xc2: {  	_ =	swait.ge [sflag:s29], $0x1  }
0xc3: {  	[sflag:s29] =	ssyncadd.s32 $0xFFFFFFFF  }
0xc4: {  	_ =	strace $0x90000054  }
0xc5: {  	_ =	sfence  }
0xc6: {  	s30 =	sld [smem:$0x0];
	_ =	sdelay $0x2  }
0xc7: {  	s31 =	sshll.u32 s1, $0xD;
	s1 =	sshrl.u32 s1, $0x2  }
0xc8: {  	s4 =	sand.u32 $0x4000, s31;
	s1 =	sadd.s32 s1, s30  }
0xc9: {  	s0 =	sor.u32 s4, s0;
	s1 =	sshll.u32 s1, $0x11  }
0xca: {  	s0 =	sor.u32 s1, s0  }
0xcb: {  	s0 =	sadd.s32 $0x8F2B, s0  }
0xcc: {  	[sflag:s0] =	ssyncadd.remote.s32 $0x1  }
0xcd: {  	_ =	sfence.sel $0xFFFF  }
0xce: {  	[dreg:$0x0] =	wrdreg $0xFFFFFFFF;
	(pc) =	sbr.abs _section_cstart, $3  }
0xcf: {  	[dreg:$0x1] =	wrdreg $0xFFFFFFFF  }
0xd0: {  	_ =	task.clear_ibuf [dreg:s22], $0x2FFFF;
	_ =	strace $0x9FFFFFFF  }
0xd1: {  	(tm) =	ssettm $0x7FFFFFFF  }
tec
execute0_lowered:
.L_overlay_start_1:
0x0: {  	(tag) =	ssettag $0x1  }
0x1: {  	s7 =	rddreg [dreg:$0x0]  }
0x2: {  	s2 =	rddreg [dreg:$0x1]  }
0x3: {  	s0 =	rddreg [dreg:$0x2];
	s3 =	simm.s32 $0x0;
	s4 =	srdreg.scid  }
0x4: {  	s1 =	stileid.u32;
	s14 =	simm.s32 $0x14000;
	s15 =	simm.s32 $0x15000  }
0x5: {  	s16 =	simm.s32 $0x50;
	s17 =	simm.s32 $0x16000;
	s18 =	simm.s32 $0x18800  }
0x6: {  	s19 =	simm.s32 $0x1;
	s20 =	simm.s32 $0x4;
	s21 =	simm.s32 $0x2  }
0x7: {  	s22 =	simm.s32 $0x15C00;
	[smem:$0x7FF] =	sst s3;
	s8 =	sand.u32 $0x1, s4  }
0x8: {  	s9 =	smul.u32 $0x2800, s1;
	s4 =	sadd.s32 $0x41000, s7;
	s5 =	sadd.s32 $0x2D000, s7  }
0x9: {  	s6 =	sadd.s32 $0x19000, s7;
	s12 =	smul.u32 $0x50000, s1;
	s31 =	sshll.u32 s1, $0x6  }
0xa: {  	s10 =	smul.u32 $0x28000, s8;
	s11 =	ssub.s32 $0x2, s8;
	s8 =	sshll.u32 s8, $0x4  }
0xb: {  	_ =	strace $0x80000053;
	s29 =	sshrl.u32 s11, $0x1;
	s13 =	sor.u32 s1, s8  }
0xc: {  	s30 =	sshrl.u32 s12, $0x2;
	s8 =	sor.u32 $0x1C03, s31;
	s10 =	sadd.s32 s9, s10  }
0xd: {  	s11 =	ssub.s32 s11, s29;
	s12 =	sadd.s32 s30, s2;
	s10 =	sadd.s32 s10, s7  }
0xe: {  	s7 =	sadd.s32 s4, s9;
	s9 =	smul.u32 $0x5000, s13;
	s11 =	smax.u32 s11, $0x1  }
0xf: {  	s12 =	sshrl.u32 s12, $0x3;
	s13 =	simm.s32 $0x3;
	s10 =	sadd.s32 $0x8C000, s10  }
.LBB2_1:
0x10: {  	[spmem:s12], [sflag:s8] =	dma.local [hbm:s7], $0x2800  }
0x11: {  	_ =	swait.ge [sflag:s13], $0x2800  }
0x12: {  	[sflag:s13] =	ssyncset.done $0x0  }
0x13: {  	[sflag:s13] =	ssyncadd.s32 $0xFFFFD800  }
0x14: {  	s23 =	simm.s32 $0x0;
	[bflag:$0x0] =	sbarrier.arrive $0xFFFF  }
.LBB2_2:
0x15: {  	s24 =	sshll.u32 s23, $0xC  }
0x16: {  	s24 =	sadd.s32 s9, s24  }
0x17: {  	s24 =	sshrl.u32 s24, $0x3  }
0x18: {  	s26 =	simm.s32 $0x0;
	s25 =	sadd.s32 s5, s24  }
0x19: {  	[tilespmem:s14], [sflag:$0x3] =	stream.linear.gather [hbm4b:s25+s26], $0xC80, $0x38;
	[tilespmem:$0x1B000] =	vst v63  }
0x1a: {  	_ =	swait.ge [sflag:s13], $0xC80  }
0x1b: {  	[sflag:s13] =	ssyncset.done $0x0  }
0x1c: {  	s24 =	sadd.s32 s6, s24;
	[sflag:s13] =	ssyncadd.s32 $0xFFFFF380  }
0x1d: {  	[tilespmem:s15], [sflag:$0x3] =	stream.linear.gather [hbm4b:s24+s26], $0xC80, $0x38;
	[tilespmem:$0x1B000] =	vst v63  }
0x1e: {  	_ =	swait.ge [sflag:s13], $0xC80  }
0x1f: {  	[sflag:s13] =	ssyncset.done $0x0  }
0x20: {  	[sflag:s13] =	ssyncadd.s32 $0xFFFFF380  }
0x21: {  	[tilespmem:s17], [sflag:$0x1] =	stream.indirect.gather [hbm4b:s4+s16], $0x80, s14, s16, $0xb8;
	[tilespmem:$0x1B000] =	vst v63  }
0x22: {  	s28 =	simm.s32 $0x14080  }
0x23: {  	[tilespmem:s18], [sflag:$0x2] =	stream.indirect.gather [hbm4b:s4+s16], $0x80, s28, s16, $0xb8;
	[tilespmem:$0x1B000] =	vst v63  }
0x24: {  	_ =	swait.ge [sflag:s19], $0x2800  }
0x25: {  	[sflag:s19] =	ssyncset.done $0x0  }
0x26: {  	s29 =	simm.s32 $0x15000;
	[sflag:s19] =	ssyncadd.s32 $0xFFFFD800  }
0x27: {  	[spmem:s2] =	stream.indirect.scatter.add.f32 [tilespmem:s17], [sflag:$0x4], $0x80, s29, s16, $0xb8;
	[tilespmem:$0x1B000] =	vst v63  }
0x28: {  	_ =	swait.ge [sflag:s20], $0x2800  }
0x29: {  	[sflag:s20] =	ssyncset.done $0x0  }
0x2a: {  	s30 =	simm.s32 $0x14100;
	[sflag:s20] =	ssyncadd.s32 $0xFFFFD800  }
0x2b: {  	[tilespmem:s17], [sflag:$0x1] =	stream.indirect.gather [hbm4b:s4+s16], $0x80, s30, s16, $0xb8;
	[tilespmem:$0x1B000] =	vst v63  }
0x2c: {  	_ =	swait.ge [sflag:s21], $0x2800  }
0x2d: {  	[sflag:s21] =	ssyncset.done $0x0  }
0x2e: {  	s31 =	simm.s32 $0x15080;
	[sflag:s21] =	ssyncadd.s32 $0xFFFFD800  }
0x2f: {  	[spmem:s2] =	stream.indirect.scatter.add.f32 [tilespmem:s18], [sflag:$0x3], $0x80, s31, s16, $0xb8;
	[tilespmem:$0x1B000] =	vst v63  }
0x30: {  	_ =	swait.ge [sflag:s13], $0x2800  }
0x31: {  	s25 =	simm.s32 $0x800;
	s24 =	simm.s32 $0x100;
	[sflag:s13] =	ssyncset.done $0x0  }
.LBB2_3:
0x32: {  	s26 =	sadd.s32 $0x14080, s24  }
0x33: {  	[sflag:s13] =	ssyncadd.s32 $0xFFFFD800;
	s28 =	smov.u32 s25;
	s29 =	sadd.s32 $0x400, s25  }
0x34: {  	[tilespmem:s18], [sflag:$0x2] =	stream.indirect.gather [hbm4b:s4+s16], $0x80, s26, s16, $0xb8;
	[tilespmem:$0x1B000] =	vst v63  }
0x35: {  	p0 =	sne.s32 s25, $0x2C00;
	_ =	swait.ge [sflag:s19], $0x2800  }
0x36: {  	[sflag:s19] =	ssyncset.done $0x0  }
0x37: {  	s25 =	sadd.s32 $0x15000, s24;
	[sflag:s19] =	ssyncadd.s32 $0xFFFFD800  }
0x38: {  	[spmem:s2] =	stream.indirect.scatter.add.f32 [tilespmem:s17], [sflag:$0x4], $0x80, s25, s16, $0xb8;
	[tilespmem:$0x1B000] =	vst v63  }
0x39: {  	_ =	swait.ge [sflag:s20], $0x2800  }
0x3a: {  	[sflag:s20] =	ssyncset.done $0x0  }
0x3b: {  	s25 =	sadd.s32 $0x14100, s24;
	[sflag:s20] =	ssyncadd.s32 $0xFFFFD800  }
0x3c: {  	[tilespmem:s17], [sflag:$0x1] =	stream.indirect.gather [hbm4b:s4+s16], $0x80, s25, s16, $0xb8;
	[tilespmem:$0x1B000] =	vst v63  }
0x3d: {  	_ =	swait.ge [sflag:s21], $0x2800  }
.Ltmp0:
0x3e: {  	[sflag:s21] =	ssyncset.done $0x0;
	(pc) =	sbr.rel @p0 .LBB2_3-.Ltmp0, $4  }
0x3f: {  	s24 =	sadd.s32 $0x15080, s24;
	[sflag:s21] =	ssyncadd.s32 $0xFFFFD800  }
0x40: {  	[spmem:s2] =	stream.indirect.scatter.add.f32 [tilespmem:s18], [sflag:$0x3], $0x80, s24, s16, $0xb8;
	[tilespmem:$0x1B000] =	vst v63  }
0x41: {  	_ =	swait.ge [sflag:s13], $0x2800  }
0x42: {  	s25 =	smov.u32 s29;
	s24 =	sshra.s32 s28, $0x2;
	[sflag:s13] =	ssyncset.done $0x0  }
0x43: {  	s25 =	sadd.s32 $0x14080, s24;
	[sflag:s13] =	ssyncadd.s32 $0xFFFFD800  }
0x44: {  	[tilespmem:s18], [sflag:$0x2] =	stream.indirect.gather [hbm4b:s4+s16], $0x80, s25, s16, $0xb8;
	[tilespmem:$0x1B000] =	vst v63  }
0x45: {  	_ =	swait.ge [sflag:s19], $0x2800  }
0x46: {  	[sflag:s19] =	ssyncset.done $0x0  }
0x47: {  	s29 =	sadd.s32 $0x15000, s24;
	[sflag:s19] =	ssyncadd.s32 $0xFFFFD800  }
0x48: {  	[spmem:s2] =	stream.indirect.scatter.add.f32 [tilespmem:s17], [sflag:$0x4], $0x80, s29, s16, $0xb8;
	[tilespmem:$0x1B000] =	vst v63  }
0x49: {  	_ =	swait.ge [sflag:s20], $0x2800  }
0x4a: {  	[sflag:s20] =	ssyncset.done $0x0  }
0x4b: {  	s30 =	sadd.s32 $0x14100, s24;
	[sflag:s20] =	ssyncadd.s32 $0xFFFFD800  }
0x4c: {  	[tilespmem:s17], [sflag:$0x1] =	stream.indirect.gather [hbm4b:s4+s16], $0x80, s30, s16, $0xb8;
	[tilespmem:$0x1B000] =	vst v63  }
0x4d: {  	_ =	swait.ge [sflag:s21], $0x2800  }
0x4e: {  	[sflag:s21] =	ssyncset.done $0x0  }
0x4f: {  	s31 =	sadd.s32 $0x15080, s24;
	[sflag:s21] =	ssyncadd.s32 $0xFFFFD800  }
0x50: {  	[spmem:s2] =	stream.indirect.scatter.add.f32 [tilespmem:s18], [sflag:$0x3], $0x80, s31, s16, $0xb8;
	[tilespmem:$0x1B000] =	vst v63  }
0x51: {  	_ =	swait.ge [sflag:s13], $0x2800  }
0x52: {  	[sflag:s13] =	ssyncset.done $0x0  }
0x53: {  	[sflag:s13] =	ssyncadd.s32 $0xFFFFD800  }
0x54: {  	s23 =	sadd.s32 $0x1, s23;
	_ =	swait.ge [sflag:s19], $0x2800  }
0x55: {  	p0 =	sne.s32 s23, $0x5;
	[sflag:s19] =	ssyncset.done $0x0  }
.Ltmp1:
0x56: {  	[sflag:s19] =	ssyncadd.s32 $0xFFFFD800;
	(pc) =	sbr.rel @p0 .LBB2_2-.Ltmp1, $4  }
0x57: {  	[spmem:s2] =	stream.indirect.scatter.add.f32 [tilespmem:s17], [sflag:$0x4], $0x80, s22, s16, $0xb8;
	[tilespmem:$0x1B000] =	vst v63  }
0x58: {  	_ =	swait.ge [sflag:s20], $0x2800  }
0x59: {  	[sflag:s20] =	ssyncset.done $0x0  }
0x5a: {  	[sflag:s20] =	ssyncadd.s32 $0xFFFFD800  }
0x5b: {  	s3 =	sadd.s32 $0x1, s3  }
0x5c: {  	p0 =	sne.s32 s3, s11  }
.Ltmp2:
0x5d: {  	[bflag:$0x0] =	sbarrier.arrive $0xFFFF;
	(pc) =	sbr.rel @p0 .LBB2_1-.Ltmp2, $4  }
0x5e: {  	[hbm:s10], [sflag:s8] =	dma.local [spmem:s12], $0x2800  }
0x5f: {  	_ =	swait.ge [sflag:s13], $0x2800  }
0x60: {  	[sflag:s13] =	ssyncset.done $0x0  }
0x61: {  	[sflag:s13] =	ssyncadd.s32 $0xFFFFD800  }
0x62: {  	_ =	sfence.sel $0x180000  }
0x63: {  	[bflag:$0x0] =	sbarrier.arrive $0xFFFF  }
0x64: {  	p0 =	sne.s32 s1, $0x0;
	_ =	strace $0x90000053  }
0x65: {  	s0 =	sadd.s32 @!p0 $0x100000, s0;
	[bflag:$0x2] =	sbarrier.arrive $0xFFFF  }
0x66: {  	[sflag:s0] =	ssyncadd.tile.s32 @!p0 $0x1;
	_ =	shalt  }
.Lfunc_end2:
_tile_overlayer_lowered:
.L_overlay_start_2:
0x67: {  	(tag) =	ssettag $0x2  }
0x68: {  	s0 =	rddreg [dreg:$0x0];
	s2 =	stileid.u32  }
0x69: {  	s1 =	rddreg [dreg:$0x1];
	p0 =	sne.s32 s2, $0x0  }
0x6a: {  	s3 =	rddreg [dreg:$0x2];
	[bflag:$0x3] =	sbarrier.arrive $0xFFFF;
	s2 =	simm.s32 @!p0 $0x1C03  }
0x6b: {  	[timem:s3], [sflag:s2] =	dma.local @!p0 [hbm:s0], s1  }
0x6c: {  	s0 =	simm.s32 @!p0 $0x3  }
0x6d: {  	_ =	swait.ge @!p0 [sflag:s0], s1  }
0x6e: {  	s1 =	ssub.s32 @!p0 $0x0, s1;
	[sflag:s0] =	ssyncset.done @!p0 $0x0  }
0x6f: {  	[sflag:s0] =	ssyncadd.s32 @!p0 s1  }
0x70: {  	[bflag:$0x3] =	sbarrier.arrive $0xFFFF  }
0x71: {  	_ =	shalt  }

// kernel: kernel.29.cloned.1.call-start
scs
__scs_entry_jumppad:
0x0: {  	(pc) =	sbr.rel $0x88, $3  }
0x1: {  	(tag) =	ssettag $0x0;
	lr =	simm.s32 $0x1  }
0x2: {  	[smem:$0x3F99] =	sst lr;
	_ =	strace $0xD0000000  }
0x3: {  	_ = 	snop  }
0x4: {  	_ = 	snop  }
0x5: {  	_ = 	snop  }
0x6: {  	_ = 	snop  }
0x7: {  	_ = 	snop  }
__scs_overlays_trampoline_lowered:
0x8: {  	[smem:$0x3FA8] =	sst s0  }
0x9: {  	[smem:$0x3FA9] =	sst s1  }
0xa: {  	[smem:$0x3FAA] =	sst s2  }
0xb: {  	[smem:$0x3FAB] =	sst s3  }
0xc: {  	[smem:$0x3FAC] =	sst s4  }
0xd: {  	[smem:$0x3FAD] =	sst s5  }
0xe: {  	[smem:$0x3FAE] =	sst s6  }
0xf: {  	[smem:$0x3FAF] =	sst s7  }
0x10: {  	[smem:$0x3FB0] =	sst s8  }
0x11: {  	[smem:$0x3FB1] =	sst s9;
	s0 =	simm.s32 @!p0 $0x0  }
0x12: {  	s1 =	sld [smem:$0x3F97];
	s0 =	simm.s32 @p0 $0x1  }
0x13: {  	[smem:$0x3FB2] =	sst s0;
	s0 =	simm.s32 @!p1 $0x0  }
0x14: {  	s2 =	sld [smem:$0x3F96];
	s0 =	simm.s32 @p1 $0x1  }
0x15: {  	[smem:$0x3FB3] =	sst s0;
	s0 =	simm.s32 @!p2 $0x0  }
0x16: {  	s3 =	sld [smem:$0x3FDB];
	s0 =	simm.s32 @p2 $0x1  }
0x17: {  	s4 =	simm.s32 $0x1BF5;
	[smem:$0x3FB5] =	sst s0  }
0x18: {  	s0 =	sld [smem:$0x3F98];
	_ =	swait.ge [sflag:s4], $0x0  }
0x19: {  	s7 =	sld [smem:$0x3F99]  }
0x1a: {  	s8 =	sadd.s32 $0xFFFFE003, lr  }
0x1b: {  	s9 =	sadd.s32 $0xFFFFFEF7, lr;
	s5 =	simm.s32 $0xFFFFFFFF;
	p2 =	slt.u32 s8, $0xFFFFF086  }
0x1c: {  	p1 =	slt.u32 s9, $0xF7A;
	s5 =	simm.s32 @!p2 $0x0  }
0x1d: {  	s5 =	simm.s32 @p1 $0x1;
	p0 =	seq.s32 s7, s2  }
0x1e: {  	s7 =	smul.u32 @!p0 $0xF7A, s2;
	p2 =	seq.s32 @!p0 s5, $0x0  }
0x1f: {  	s9 =	smul.u32 $0xF7A, s1;
	s8 =	simm.s32 @!p0 $0x1BF5;
	p2 =	por !p2, p0  }
0x20: {  	[sflag:s8] =	ssyncset.s32 @!p0 $0xFFFFF086;
	s6 =	sadd.s32 @!p0 s3, s7;
	s7 =	simm.s32 @!p0 $0x108  }
0x21: {  	s3 =	sadd.s32 s3, s9;
	s6 =	sadd.s32 @!p0 $0x88, s6;
	s7 =	simm.s32 @p2 $0x1082  }
0x22: {  	[simem:s7], [sflag:s8] =	dma.local @!p0 [hbm:s6], $0xF7A  }
0x23: {  	s9 =	sor.u32 $0xD0000000, s2;
	s6 =	simm.s32 $0x108;
	_ =	swait.ge @!p0 [sflag:s8], $0x0  }
0x24: {  	s3 =	sadd.s32 $0x88, s3;
	s6 =	simm.s32 @!p1 $0x1082;
	[sflag:s4] =	ssyncset.s32 $0xFFFFF086  }
0x25: {  	[simem:s6], [sflag:s4] =	dma.local [hbm:s3], $0xF7A  }
0x26: {  	[smem:$0x3F99] =	sst s1;
	(tag) =	ssettag s2;
	_ =	strace s9  }
0x27: {  	s1 =	sld [smem:$0x3FA9]  }
0x28: {  	s2 =	sld [smem:$0x3FAA]  }
0x29: {  	s4 =	sld [smem:$0x3FAC]  }
0x2a: {  	p0 =	seq.s32 s5, $0x0;
	s5 =	sld [smem:$0x3FAD]  }
0x2b: {  	s6 =	sld [smem:$0x3FAE]  }
0x2c: {  	s7 =	sld [smem:$0x3FAF]  }
0x2d: {  	s3 =	simm.s32 $0x108;
	s8 =	sld [smem:$0x3FB0]  }
0x2e: {  	s3 =	simm.s32 @!p0 $0x1082;
	s9 =	sld [smem:$0x3FB1]  }
0x2f: {  	lr =	sadd.s32 s0, s3;
	s0 =	sld [smem:$0x3FA8]  }
0x30: {  	s3 =	sld [smem:$0x3FAB]  }
0x31: {  	[smem:$0x3FB4] =	sst s10  }
0x32: {  	s10 =	sld [smem:$0x3FB2];
	_ =	sdelay $0x3  }
0x33: {  	p0 =	seq.s32 s10, $0x1;
	s10 =	sld [smem:$0x3FB4];
	_ =	sdelay $0x3  }
0x34: {  	[smem:$0x3FB4] =	sst s10  }
0x35: {  	s10 =	sld [smem:$0x3FB3];
	_ =	sdelay $0x3  }
0x36: {  	p1 =	seq.s32 s10, $0x1;
	s10 =	sld [smem:$0x3FB4];
	_ =	sdelay $0x3  }
0x37: {  	[smem:$0x3FB4] =	sst s10  }
0x38: {  	s10 =	sld [smem:$0x3FB5]  }
0x39: {  	_ = 	snop;
	(pc) =	sbr.ind lr, $3  }
0x3a: {  	_ = 	snop  }
0x3b: {  	_ = 	snop  }
0x3c: {  	p2 =	seq.s32 s10, $0x1;
	s10 =	sld [smem:$0x3FB4]  }
0x3d: {  	_ =	shalt  }
0x3e: {  	_ =	shalt  }
0x3f: {  	_ =	shalt  }
0x40: {  	_ =	shalt  }
0x41: {  	_ =	shalt  }
0x42: {  	_ =	shalt  }
0x43: {  	_ =	shalt  }
0x44: {  	_ =	shalt  }
0x45: {  	_ =	shalt  }
0x46: {  	_ =	shalt  }
0x47: {  	_ =	shalt  }
0x48: {  	_ =	shalt  }
0x49: {  	_ =	shalt  }
0x4a: {  	_ =	shalt  }
0x4b: {  	_ =	shalt  }
0x4c: {  	_ =	shalt  }
0x4d: {  	_ =	shalt  }
0x4e: {  	_ =	shalt  }
0x4f: {  	_ =	shalt  }
0x50: {  	_ =	shalt  }
0x51: {  	_ =	shalt  }
0x52: {  	_ =	shalt  }
0x53: {  	_ =	shalt  }
0x54: {  	_ =	shalt  }
0x55: {  	_ =	shalt  }
0x56: {  	_ =	shalt  }
0x57: {  	_ =	shalt  }
0x58: {  	_ =	shalt  }
0x59: {  	_ =	shalt  }
0x5a: {  	_ =	shalt  }
0x5b: {  	_ =	shalt  }
0x5c: {  	_ =	shalt  }
0x5d: {  	_ =	shalt  }
0x5e: {  	_ =	shalt  }
0x5f: {  	_ =	shalt  }
0x60: {  	_ =	shalt  }
0x61: {  	_ =	shalt  }
0x62: {  	_ =	shalt  }
0x63: {  	_ =	shalt  }
0x64: {  	_ =	shalt  }
0x65: {  	_ =	shalt  }
0x66: {  	_ =	shalt  }
0x67: {  	_ =	shalt  }
0x68: {  	_ =	shalt  }
0x69: {  	_ =	shalt  }
0x6a: {  	_ =	shalt  }
0x6b: {  	_ =	shalt  }
0x6c: {  	_ =	shalt  }
0x6d: {  	_ =	shalt  }
0x6e: {  	_ =	shalt  }
0x6f: {  	_ =	shalt  }
0x70: {  	_ =	shalt  }
0x71: {  	_ =	shalt  }
0x72: {  	_ =	shalt  }
0x73: {  	_ =	shalt  }
0x74: {  	_ =	shalt  }
0x75: {  	_ =	shalt  }
0x76: {  	_ =	shalt  }
0x77: {  	_ =	shalt  }
0x78: {  	_ =	shalt  }
0x79: {  	_ =	shalt  }
0x7a: {  	_ =	shalt  }
0x7b: {  	_ =	shalt  }
0x7c: {  	_ =	shalt  }
0x7d: {  	_ =	shalt  }
0x7e: {  	_ =	shalt  }
0x7f: {  	_ =	shalt  }
0x80: {  	_ =	shalt  }
0x81: {  	_ =	shalt  }
0x82: {  	_ =	shalt  }
0x83: {  	_ =	shalt  }
0x84: {  	_ =	shalt  }
0x85: {  	_ =	shalt  }
0x86: {  	_ =	shalt  }
0x87: {  	_ =	shalt  }
.Lfunc_end0:
.L_simem_size_0:
called_computation.5_lowered:
.L_overlay_start_0:
0x88: {  	s2 =	sld [smem:$0x3FD9]  }
0x89: {  	s3 =	sld [smem:$0x3FFE];
	_ =	sdelay $0x1  }
0x8a: {  	s1 =	srdreg.scid  }
0x8b: {  	s0 =	sand.u32 $0x1, s1  }
0x8c: {  	s17 =	sshll.u32 s0, $0xA;
	s2 =	sadd.s32 s3, s2  }
0x8d: {  	s2 =	sadd.s32 s2, s17  }
0x8e: {  	[smem:$0x3FC0] =	sst s2  }
0x8f: {  	_ = 	snop  }
0x90: {  	s18 =	sld [smem:$0x3FD0];
	(tm) =	ssettm $0x1  }
0x91: {  	s19 =	sld [smem:$0x3FFB];
	_ =	sdelay $0x3  }
0x92: {  	_ =	strace s19  }
0x93: {  	s2 =	sld [smem:$0x3FFC];
	_ =	sdelay $0x3  }
0x94: {  	_ =	strace s2  }
0x95: {  	s2 =	sld [smem:$0x3FFD];
	_ =	sdelay $0x3  }
0x96: {  	_ =	strace s2  }
0x97: {  	_ =	strace $0x8FFFFFFF  }
0x98: {  	s20 =	sld [smem:$0x3FDB];
	_ =	sdelay $0x1  }
0x99: {  	s4 =	simm.s32 $_scs_section_size  }
0x9a: {  	s5 =	simm.s32 $_size__tile_overlayer_lowered;
	s6 =	simm.s32 $_tile_overlayer_lowered  }
0x9b: {  	s7 =	simm.s32 $0x1BFF;
	s21 =	sshll.u32 s6, $0x1;
	s4 =	sadd.s32 s4, s20  }
0x9c: {  	s22 =	simm.s32 $0x0;
	s5 =	sshll.u32 s5, $0x1;
	s6 =	sadd.s32 s21, s4  }
0x9d: {  	[timem:s22], [sflag:s7] =	dma.local [hbm:s6], s5  }
0x9e: {  	_ =	swait.ge [sflag:s7], s5  }
0x9f: {  	s5 =	ssub.s32 $0x0, s5;
	[sflag:s7] =	ssyncset.done $0x0  }
0xa0: {  	[sflag:s7] =	ssyncadd.s32 s5;
	_ =	sdelay $0x1  }
0xa1: {  	s23 =	simm.s32 $0x1B8B  }
0xa2: {  	_ =	swait.ge [sflag:s23], $0x1  }
0xa3: {  	[sflag:s23] =	ssyncset.done $0x0  }
0xa4: {  	[sflag:s23] =	ssyncadd.s32 $0xFFFFFFFF  }
0xa5: {  	s5 =	sld [smem:$0x0]  }
0xa6: {  	s6 =	sand.u32 $0xFFFFFFFE, s1  }
0xa7: {  	p0 =	sne.s32 s1, s6  }
0xa8: {  	s6 =	sshll.u32 @p0 s6, $0xE  }
0xa9: {  	s6 =	sadd.s32 @p0 $0x11B8D, s6;
	s7 =	sshll.u32 @p0 s5, $0x11  }
0xaa: {  	s6 =	sor.u32 @p0 s7, s6  }
0xab: {  	[sflag:s6] =	ssyncadd.remote.s32 @p0 $0x1;
	_ =	sdelay $0x1  }
0xac: {  	s6 =	simm.s32 @p0 $0x1B8D  }
0xad: {  	_ =	swait.eq @p0 [sflag:s6], $0x1  }
0xae: {  	[sflag:s6] =	ssyncadd.s32 @p0 $0xFFFFFFFF  }
0xaf: {  	s7 =	sshll.u32 @!p0 s1, $0xE  }
0xb0: {  	s7 =	sor.u32 @!p0 $0x4000, s7;
	s6 =	simm.s32 @!p0 $0x1B8D  }
0xb1: {  	s5 =	sshll.u32 @!p0 s5, $0x11;
	s7 =	sadd.s32 @!p0 $0x11B8D, s7;
	_ =	swait.eq @!p0 [sflag:s6], $0x1  }
0xb2: {  	s5 =	sor.u32 @!p0 s5, s7;
	[sflag:s6] =	ssyncadd.s32 @!p0 $0xFFFFFFFF  }
0xb3: {  	s25 =	simm.s32 $0x1B8E;
	s24 =	sld [smem:$0x3FFE];
	[sflag:s5] =	ssyncadd.remote.s32 @!p0 $0x1  }
0xb4: {  	s26 =	simm.s32 $execute0_lowered;
	[smem:$0x3FD2] =	sst s25  }
0xb5: {  	s6 =	sshll.u32 s26, $0x1;
	_ =	strace $0x80000055;
	[dreg:$0x1] =	wrdreg $0xFFFFFFFF  }
0xb6: {  	s28 =	simm.s32 $_size_execute0_lowered;
	s4 =	sadd.s32 s4, s6;
	[dreg:$0x0] =	wrdreg $0x0  }
0xb7: {  	s6 =	sshll.u32 s28, $0x1;
	[dreg:$0x2] =	wrdreg s4  }
0xb8: {  	[dreg:$0x3] =	wrdreg s6  }
0xb9: {  	[dreg:$0x4] =	wrdreg $0xC0  }
0xba: {  	_ =	task [dreg:s22], $0x5FFFF  }
0xbb: {  	[dreg:$0x1] =	wrdreg $0xFFFFFFFF  }
0xbc: {  	[dreg:$0x0] =	wrdreg $0x60  }
0xbd: {  	[dreg:$0x2] =	wrdreg s18  }
0xbe: {  	[dreg:$0x3] =	wrdreg s24  }
0xbf: {  	[dreg:$0x4] =	wrdreg $0x0  }
0xc0: {  	[dreg:$0x5] =	wrdreg $0x9  }
0xc1: {  	_ =	task.clear_ibuf [dreg:s22], $0x6FFFF;
	_ =	strace $0x90000055  }
0xc2: {  	s29 =	simm.s32 $0x9;
	_ =	strace $0x80000057  }
0xc3: {  	_ =	swait.ge [sflag:s29], $0x1  }
0xc4: {  	[sflag:s29] =	ssyncadd.s32 $0xFFFFFFFF  }
0xc5: {  	_ =	strace $0x90000057  }
0xc6: {  	_ =	sfence  }
0xc7: {  	s30 =	sld [smem:$0x0];
	_ =	sdelay $0x2  }
0xc8: {  	s31 =	sshll.u32 s1, $0xD;
	s1 =	sshrl.u32 s1, $0x2  }
0xc9: {  	s4 =	sand.u32 $0x4000, s31;
	s1 =	sadd.s32 s1, s30  }
0xca: {  	s0 =	sor.u32 s4, s0;
	s1 =	sshll.u32 s1, $0x11  }
0xcb: {  	s0 =	sor.u32 s1, s0  }
0xcc: {  	s0 =	sadd.s32 $0x8F2B, s0  }
0xcd: {  	[sflag:s0] =	ssyncadd.remote.s32 $0x1  }
0xce: {  	_ =	sfence.sel $0xFFFF  }
0xcf: {  	[dreg:$0x0] =	wrdreg $0xFFFFFFFF;
	(pc) =	sbr.abs _section_cstart, $3  }
0xd0: {  	[dreg:$0x1] =	wrdreg $0xFFFFFFFF  }
0xd1: {  	_ =	task.clear_ibuf [dreg:s22], $0x2FFFF;
	_ =	strace $0x9FFFFFFF  }
0xd2: {  	(tm) =	ssettm $0x7FFFFFFF  }
0xd3: {  	_ =	shalt  }
tec
execute0_lowered:
.L_overlay_start_1:
0x0: {  	(tag) =	ssettag $0x1  }
0x1: {  	s1 =	rddreg [dreg:$0x0]  }
0x2: {  	s7 =	rddreg [dreg:$0x1]  }
0x3: {  	s3 =	rddreg [dreg:$0x2]  }
0x4: {  	s0 =	rddreg [dreg:$0x3];
	s5 =	srdreg.scid  }
0x5: {  	s2 =	stileid.u32;
	s4 =	simm.s32 $0x0;
	s14 =	simm.s32 $0x14000  }
0x6: {  	s15 =	simm.s32 $0x15000;
	s16 =	simm.s32 $0x50;
	s17 =	simm.s32 $0x16000  }
0x7: {  	s18 =	simm.s32 $0x18800;
	s19 =	simm.s32 $0x1;
	s20 =	simm.s32 $0x4  }
0x8: {  	s21 =	simm.s32 $0x2;
	s22 =	simm.s32 $0x15C00;
	s8 =	sand.u32 $0x1, s5  }
0x9: {  	s9 =	smul.u32 $0x2800, s2;
	[smem:$0x7FF] =	sst s4;
	s5 =	sadd.s32 $0x2D000, s7  }
0xa: {  	s6 =	sadd.s32 $0x19000, s7;
	s12 =	smul.u32 $0x50000, s2;
	s31 =	sshll.u32 s2, $0x6  }
0xb: {  	s10 =	smul.u32 $0x28000, s8;
	s11 =	ssub.s32 $0x2, s8;
	s8 =	sshll.u32 s8, $0x4  }
0xc: {  	_ =	strace $0x80000056;
	s29 =	sshrl.u32 s11, $0x1;
	s13 =	sor.u32 s2, s8  }
0xd: {  	s30 =	sshrl.u32 s12, $0x2;
	s8 =	sor.u32 $0x1C03, s31;
	s10 =	sadd.s32 s9, s10  }
0xe: {  	s11 =	ssub.s32 s11, s29;
	s12 =	sadd.s32 s30, s3;
	s10 =	sadd.s32 s10, s7  }
0xf: {  	s7 =	sadd.s32 s1, s9;
	s9 =	smul.u32 $0x5000, s13;
	s11 =	smax.u32 s11, $0x1  }
0x10: {  	s12 =	sshrl.u32 s12, $0x3;
	s13 =	simm.s32 $0x3;
	s10 =	sadd.s32 $0xDC000, s10  }
.LBB2_1:
0x11: {  	[spmem:s12], [sflag:s8] =	dma.local [hbm:s7], $0x2800  }
0x12: {  	_ =	swait.ge [sflag:s13], $0x2800  }
0x13: {  	[sflag:s13] =	ssyncset.done $0x0  }
0x14: {  	[sflag:s13] =	ssyncadd.s32 $0xFFFFD800  }
0x15: {  	s23 =	simm.s32 $0x0;
	[bflag:$0x0] =	sbarrier.arrive $0xFFFF  }
.LBB2_2:
0x16: {  	s24 =	sshll.u32 s23, $0xC  }
0x17: {  	s24 =	sadd.s32 s9, s24  }
0x18: {  	s24 =	sshrl.u32 s24, $0x3  }
0x19: {  	s26 =	simm.s32 $0x0;
	s25 =	sadd.s32 s5, s24  }
0x1a: {  	[tilespmem:s14], [sflag:$0x3] =	stream.linear.gather [hbm4b:s25+s26], $0xC80, $0x38;
	[tilespmem:$0x1B000] =	vst v63  }
0x1b: {  	_ =	swait.ge [sflag:s13], $0xC80  }
0x1c: {  	[sflag:s13] =	ssyncset.done $0x0  }
0x1d: {  	s24 =	sadd.s32 s6, s24;
	[sflag:s13] =	ssyncadd.s32 $0xFFFFF380  }
0x1e: {  	[tilespmem:s15], [sflag:$0x3] =	stream.linear.gather [hbm4b:s24+s26], $0xC80, $0x38;
	[tilespmem:$0x1B000] =	vst v63  }
0x1f: {  	_ =	swait.ge [sflag:s13], $0xC80  }
0x20: {  	[sflag:s13] =	ssyncset.done $0x0  }
0x21: {  	[sflag:s13] =	ssyncadd.s32 $0xFFFFF380  }
0x22: {  	[tilespmem:s17], [sflag:$0x1] =	stream.indirect.gather [hbm4b:s1+s16], $0x80, s14, s16, $0xb8;
	[tilespmem:$0x1B000] =	vst v63  }
0x23: {  	s28 =	simm.s32 $0x14080  }
0x24: {  	[tilespmem:s18], [sflag:$0x2] =	stream.indirect.gather [hbm4b:s1+s16], $0x80, s28, s16, $0xb8;
	[tilespmem:$0x1B000] =	vst v63  }
0x25: {  	_ =	swait.ge [sflag:s19], $0x2800  }
0x26: {  	[sflag:s19] =	ssyncset.done $0x0  }
0x27: {  	s29 =	simm.s32 $0x15000;
	[sflag:s19] =	ssyncadd.s32 $0xFFFFD800  }
0x28: {  	[spmem:s3] =	stream.indirect.scatter.add.f32 [tilespmem:s17], [sflag:$0x4], $0x80, s29, s16, $0xb8;
	[tilespmem:$0x1B000] =	vst v63  }
0x29: {  	_ =	swait.ge [sflag:s20], $0x2800  }
0x2a: {  	[sflag:s20] =	ssyncset.done $0x0  }
0x2b: {  	s30 =	simm.s32 $0x14100;
	[sflag:s20] =	ssyncadd.s32 $0xFFFFD800  }
0x2c: {  	[tilespmem:s17], [sflag:$0x1] =	stream.indirect.gather [hbm4b:s1+s16], $0x80, s30, s16, $0xb8;
	[tilespmem:$0x1B000] =	vst v63  }
0x2d: {  	_ =	swait.ge [sflag:s21], $0x2800  }
0x2e: {  	[sflag:s21] =	ssyncset.done $0x0  }
0x2f: {  	s31 =	simm.s32 $0x15080;
	[sflag:s21] =	ssyncadd.s32 $0xFFFFD800  }
0x30: {  	[spmem:s3] =	stream.indirect.scatter.add.f32 [tilespmem:s18], [sflag:$0x3], $0x80, s31, s16, $0xb8;
	[tilespmem:$0x1B000] =	vst v63  }
0x31: {  	_ =	swait.ge [sflag:s13], $0x2800  }
0x32: {  	s25 =	simm.s32 $0x800;
	s24 =	simm.s32 $0x100;
	[sflag:s13] =	ssyncset.done $0x0  }
.LBB2_3:
0x33: {  	s26 =	sadd.s32 $0x14080, s24  }
0x34: {  	[sflag:s13] =	ssyncadd.s32 $0xFFFFD800;
	s28 =	smov.u32 s25;
	s29 =	sadd.s32 $0x400, s25  }
0x35: {  	[tilespmem:s18], [sflag:$0x2] =	stream.indirect.gather [hbm4b:s1+s16], $0x80, s26, s16, $0xb8;
	[tilespmem:$0x1B000] =	vst v63  }
0x36: {  	p0 =	sne.s32 s25, $0x2C00;
	_ =	swait.ge [sflag:s19], $0x2800  }
0x37: {  	[sflag:s19] =	ssyncset.done $0x0  }
0x38: {  	s25 =	sadd.s32 $0x15000, s24;
	[sflag:s19] =	ssyncadd.s32 $0xFFFFD800  }
0x39: {  	[spmem:s3] =	stream.indirect.scatter.add.f32 [tilespmem:s17], [sflag:$0x4], $0x80, s25, s16, $0xb8;
	[tilespmem:$0x1B000] =	vst v63  }
0x3a: {  	_ =	swait.ge [sflag:s20], $0x2800  }
0x3b: {  	[sflag:s20] =	ssyncset.done $0x0  }
0x3c: {  	s25 =	sadd.s32 $0x14100, s24;
	[sflag:s20] =	ssyncadd.s32 $0xFFFFD800  }
0x3d: {  	[tilespmem:s17], [sflag:$0x1] =	stream.indirect.gather [hbm4b:s1+s16], $0x80, s25, s16, $0xb8;
	[tilespmem:$0x1B000] =	vst v63  }
0x3e: {  	_ =	swait.ge [sflag:s21], $0x2800  }
.Ltmp0:
0x3f: {  	[sflag:s21] =	ssyncset.done $0x0;
	(pc) =	sbr.rel @p0 .LBB2_3-.Ltmp0, $4  }
0x40: {  	s24 =	sadd.s32 $0x15080, s24;
	[sflag:s21] =	ssyncadd.s32 $0xFFFFD800  }
0x41: {  	[spmem:s3] =	stream.indirect.scatter.add.f32 [tilespmem:s18], [sflag:$0x3], $0x80, s24, s16, $0xb8;
	[tilespmem:$0x1B000] =	vst v63  }
0x42: {  	_ =	swait.ge [sflag:s13], $0x2800  }
0x43: {  	s25 =	smov.u32 s29;
	s24 =	sshra.s32 s28, $0x2;
	[sflag:s13] =	ssyncset.done $0x0  }
0x44: {  	s25 =	sadd.s32 $0x14080, s24;
	[sflag:s13] =	ssyncadd.s32 $0xFFFFD800  }
0x45: {  	[tilespmem:s18], [sflag:$0x2] =	stream.indirect.gather [hbm4b:s1+s16], $0x80, s25, s16, $0xb8;
	[tilespmem:$0x1B000] =	vst v63  }
0x46: {  	_ =	swait.ge [sflag:s19], $0x2800  }
0x47: {  	[sflag:s19] =	ssyncset.done $0x0  }
0x48: {  	s29 =	sadd.s32 $0x15000, s24;
	[sflag:s19] =	ssyncadd.s32 $0xFFFFD800  }
0x49: {  	[spmem:s3] =	stream.indirect.scatter.add.f32 [tilespmem:s17], [sflag:$0x4], $0x80, s29, s16, $0xb8;
	[tilespmem:$0x1B000] =	vst v63  }
0x4a: {  	_ =	swait.ge [sflag:s20], $0x2800  }
0x4b: {  	[sflag:s20] =	ssyncset.done $0x0  }
0x4c: {  	s30 =	sadd.s32 $0x14100, s24;
	[sflag:s20] =	ssyncadd.s32 $0xFFFFD800  }
0x4d: {  	[tilespmem:s17], [sflag:$0x1] =	stream.indirect.gather [hbm4b:s1+s16], $0x80, s30, s16, $0xb8;
	[tilespmem:$0x1B000] =	vst v63  }
0x4e: {  	_ =	swait.ge [sflag:s21], $0x2800  }
0x4f: {  	[sflag:s21] =	ssyncset.done $0x0  }
0x50: {  	s31 =	sadd.s32 $0x15080, s24;
	[sflag:s21] =	ssyncadd.s32 $0xFFFFD800  }
0x51: {  	[spmem:s3] =	stream.indirect.scatter.add.f32 [tilespmem:s18], [sflag:$0x3], $0x80, s31, s16, $0xb8;
	[tilespmem:$0x1B000] =	vst v63  }
0x52: {  	_ =	swait.ge [sflag:s13], $0x2800  }
0x53: {  	[sflag:s13] =	ssyncset.done $0x0  }
0x54: {  	[sflag:s13] =	ssyncadd.s32 $0xFFFFD800  }
0x55: {  	s23 =	sadd.s32 $0x1, s23;
	_ =	swait.ge [sflag:s19], $0x2800  }
0x56: {  	p0 =	sne.s32 s23, $0x5;
	[sflag:s19] =	ssyncset.done $0x0  }
.Ltmp1:
0x57: {  	[sflag:s19] =	ssyncadd.s32 $0xFFFFD800;
	(pc) =	sbr.rel @p0 .LBB2_2-.Ltmp1, $4  }
0x58: {  	[spmem:s3] =	stream.indirect.scatter.add.f32 [tilespmem:s17], [sflag:$0x4], $0x80, s22, s16, $0xb8;
	[tilespmem:$0x1B000] =	vst v63  }
0x59: {  	_ =	swait.ge [sflag:s20], $0x2800  }
0x5a: {  	[sflag:s20] =	ssyncset.done $0x0  }
0x5b: {  	[sflag:s20] =	ssyncadd.s32 $0xFFFFD800  }
0x5c: {  	s4 =	sadd.s32 $0x1, s4  }
0x5d: {  	p0 =	sne.s32 s4, s11  }
.Ltmp2:
0x5e: {  	[bflag:$0x0] =	sbarrier.arrive $0xFFFF;
	(pc) =	sbr.rel @p0 .LBB2_1-.Ltmp2, $4  }
0x5f: {  	[hbm:s10], [sflag:s8] =	dma.local [spmem:s12], $0x2800  }
0x60: {  	_ =	swait.ge [sflag:s13], $0x2800  }
0x61: {  	[sflag:s13] =	ssyncset.done $0x0  }
0x62: {  	[sflag:s13] =	ssyncadd.s32 $0xFFFFD800  }
0x63: {  	_ =	sfence.sel $0x180000  }
0x64: {  	[bflag:$0x0] =	sbarrier.arrive $0xFFFF  }
0x65: {  	p0 =	sne.s32 s2, $0x0;
	_ =	strace $0x90000056  }
0x66: {  	s0 =	sadd.s32 @!p0 $0x100000, s0;
	[bflag:$0x2] =	sbarrier.arrive $0xFFFF  }
0x67: {  	[sflag:s0] =	ssyncadd.tile.s32 @!p0 $0x1;
	_ =	shalt  }
.Lfunc_end2:
_tile_overlayer_lowered:
.L_overlay_start_2:
0x68: {  	(tag) =	ssettag $0x2  }
0x69: {  	s0 =	rddreg [dreg:$0x0];
	s2 =	stileid.u32  }
0x6a: {  	s1 =	rddreg [dreg:$0x1];
	p0 =	sne.s32 s2, $0x0  }
0x6b: {  	s3 =	rddreg [dreg:$0x2];
	[bflag:$0x3] =	sbarrier.arrive $0xFFFF;
	s2 =	simm.s32 @!p0 $0x1C03  }
0x6c: {  	[timem:s3], [sflag:s2] =	dma.local @!p0 [hbm:s0], s1  }
0x6d: {  	s0 =	simm.s32 @!p0 $0x3  }
0x6e: {  	_ =	swait.ge @!p0 [sflag:s0], s1  }
0x6f: {  	s1 =	ssub.s32 @!p0 $0x0, s1;
	[sflag:s0] =	ssyncset.done @!p0 $0x0  }
0x70: {  	[sflag:s0] =	ssyncadd.s32 @!p0 s1  }
0x71: {  	[bflag:$0x3] =	sbarrier.arrive $0xFFFF  }
0x72: {  	_ =	shalt  }

</sc_bundles>
